<compile_context>
chip_gen: v7x
topology: tpu7x:2x2x1
jax: 0.10.2.dev20260603
libtpu: 0.0.44.dev20260713+nightly
codegen_flags: <defaults>
</compile_context>

<pallas_src>
import functools

import numpy as np
import jax
import jax.numpy as jnp
from jax import lax
from jax.experimental import pallas as pl
from jax.experimental.pallas import tpu as pltpu
from jax.experimental.pallas import tpu_sc as plsc

_PL, _PS, _LW = 16, 4, 4
_B, _L = 64, 4096
_P = (_L - _PL) // _PS + 1
_NG = _B * _P
_E0 = 108
_EINTRA = _NG * _E0
_CROSS = _B * (_P - 1)
_ET = _EINTRA + _CROSS
_NN = _NG * _PL

_NW = 32

_CL = 6912
_NCHUNK = _EINTRA // _CL
_FULL_T = _NCHUNK // _NW
_EXTRA = _NCHUNK - _FULL_T * _NW

_BA_CHUNK = 8192
_BA_SLAB = _NN // _NW
_BA_FULL = _BA_SLAB // _BA_CHUNK
_BA_TAIL = _BA_SLAB - _BA_FULL * _BA_CHUNK


def _base_tables():
    edges, dists = [], []
    for i in range(_PL):
        for j in range(_PL):
            d = abs(i - j)
            if 0 < d <= _LW:
                edges.append((i, j))
                dists.append(d - 1)
    e = np.array(edges, np.int32).T
    return e[0], e[1], np.array(dists, np.int32)


_BI, _BJ, _BD = _base_tables()
_U = np.arange(4 * _E0)
_PAT4_NP = np.stack([
    16 * (_U // _E0) + _BI[_U % _E0],
    16 * (_U // _E0) + _BJ[_U % _E0],
]).astype(np.int32)
_DIST4_NP = _BD[_U % _E0].astype(np.int32)

_MESH = plsc.VectorSubcoreMesh(core_axis_name="c", subcore_axis_name="s")


@functools.partial(
    pl.kernel,
    mesh=_MESH,
    out_type=[
        jax.ShapeDtypeStruct((2 * _NN,), jnp.float32),
        jax.ShapeDtypeStruct((2, _ET), jnp.int32),
        jax.ShapeDtypeStruct((_ET,), jnp.float32),
        jax.ShapeDtypeStruct((_NN,), jnp.int32),
    ],
    scratch_types=[
        pltpu.VMEM((2 * _L,), jnp.float32),
        pltpu.VMEM((2 * _L,), jnp.float32),
        pltpu.VMEM((16352,), jnp.float32),
        pltpu.VMEM((16320,), jnp.float32),
        pltpu.VMEM((2, _CL), jnp.int32),
        pltpu.VMEM((_CL,), jnp.float32),
        pltpu.VMEM((_BA_CHUNK,), jnp.int32),
        pltpu.VMEM((2, 2048), jnp.int32),
        pltpu.VMEM((2048,), jnp.float32),
        pltpu.VMEM((16,), jnp.float32),
        pltpu.VMEM((2, 4 * _E0), jnp.int32),
        pltpu.VMEM((4 * _E0,), jnp.int32),
        pltpu.SemaphoreType.DMA,
        pltpu.SemaphoreType.DMA,
        pltpu.SemaphoreType.DMA,
    ],
)
def _sc_build(xt, wpad, pat, dist,
              nf, ei, attr, batch,
              xva, xvb, stga, stgb, ei_stg, at_stg, ba_stg,
              cei_stg, cat_stg, wv, patv, distv,
              at_sem, sema, semb):
    w = lax.axis_index("s") * 2 + lax.axis_index("c")
    iota = lax.iota(jnp.int32, 16)

    pltpu.sync_copy(wpad, wv)
    pltpu.sync_copy(pat, patv)
    pltpu.sync_copy(dist, distv)
    wvec = wv[...]

    for v in range(27):
        dvec = distv[pl.ds(16 * v, 16)]
        at_stg[pl.ds(16 * v, 16)] = wvec.at[dvec].get(
            mode="promise_in_bounds")
    sz = 432
    while sz < _CL:
        n = min(sz, _CL - sz)

        def _dup(i, _, sz=sz):
            at_stg[pl.ds(sz + 16 * i, 16)] = at_stg[pl.ds(16 * i, 16)]
            return 0

        lax.fori_loop(0, n // 16, _dup, 0)
        sz += n

    def _at_dma(t, _):
        cid = w + _NW * t
        pltpu.async_copy(at_stg, attr.at[pl.ds(_CL * cid, _CL)], at_sem)
        return 0

    lax.fori_loop(0, _FULL_T, _at_dma, 0)

    @pl.when(w < _EXTRA)
    def _():
        _at_dma(_FULL_T, 0)

    cw = wvec.at[jnp.full((16,), 4, jnp.int32)].get(
        mode="promise_in_bounds")

    def _cat_fill(v, _):
        cat_stg[pl.ds(16 * v, 16)] = cw
        return 0

    lax.fori_loop(0, 128, _cat_fill, 0)

    cb1 = 2040 * w + 1020
    cb2 = 2040 * w + 2040

    def _cb_fill(v, _):
        m = jnp.full((16,), 2048 * w + 16 * v, jnp.int32) + iota
        step1 = jnp.minimum(jnp.maximum(m - (cb1 - 1), 0), 1)
        step2 = jnp.minimum(jnp.maximum(m - (cb2 - 1), 0), 1)
        s = 16 * m + (32 * w + 15) + 16 * step1 + 16 * step2
        cei_stg[0, pl.ds(16 * v, 16)] = s
        cei_stg[1, pl.ds(16 * v, 16)] = s + 1
        return 0

    lax.fori_loop(0, 128, _cb_fill, 0)

    @pl.when(w < _NW - 1)
    def _():
        pltpu.sync_copy(cei_stg,
                        ei.at[:, pl.ds(_EINTRA + 2048 * w, 2048)])
        pltpu.sync_copy(cat_stg,
                        attr.at[pl.ds(_EINTRA + 2048 * w, 2048)])

    @pl.when(w == _NW - 1)
    def _():
        pltpu.sync_copy(
            cei_stg.at[:, pl.ds(0, _CROSS - 2048 * (_NW - 1))],
            ei.at[:, pl.ds(_EINTRA + 2048 * (_NW - 1),
                           _CROSS - 2048 * (_NW - 1))])
        pltpu.sync_copy(
            cat_stg.at[pl.ds(0, _CROSS - 2048 * (_NW - 1))],
            attr.at[pl.ds(_EINTRA + 2048 * (_NW - 1),
                          _CROSS - 2048 * (_NW - 1))])

    for c in range(_BA_FULL + 1):
        nvec = (_BA_CHUNK if c < _BA_FULL else _BA_TAIL) // 16
        g0 = (_BA_SLAB // 16) * w + (_BA_CHUNK // 16) * c

        def _baf(i, _, g0=g0):
            ba_stg[pl.ds(16 * i, 16)] = jnp.full((16,), g0 + i, jnp.int32)
            return 0

        lax.fori_loop(0, nvec, _baf, 0)
        pltpu.sync_copy(
            ba_stg.at[pl.ds(0, nvec * 16)],
            batch.at[pl.ds(_BA_SLAB * w + _BA_CHUNK * c, nvec * 16)])

    _ROW = 2 * _P * _PL
    _HA, _HB = 16352, 16320

    def _nf_fillA(q, _):
        sa = xva[pl.ds(16 * q, 16)]
        sb = xva[pl.ds(16 * q + 16, 16)]
        sc_ = xvb[pl.ds(16 * q, 16)]
        sd = xvb[pl.ds(16 * q + 16, 16)]
        stga[pl.ds(64 * q, 16)] = sa
        stga[pl.ds(64 * q + 16, 16)] = sb
        stga[pl.ds(64 * q + 32, 16)] = sc_
        stga[pl.ds(64 * q + 48, 16)] = sd
        return 0

    def _nf_fillB(q, _):
        sa = xvb[pl.ds(4080 + 16 * q, 16)]
        sb = xvb[pl.ds(4096 + 16 * q, 16)]
        sc_ = xva[pl.ds(4096 + 16 * q, 16)]
        sd = xva[pl.ds(4112 + 16 * q, 16)]
        stgb[pl.ds(64 * q, 16)] = sa
        stgb[pl.ds(64 * q + 16, 16)] = sb
        stgb[pl.ds(64 * q + 32, 16)] = sc_
        stgb[pl.ds(64 * q + 48, 16)] = sd
        return 0

    handles = []
    for j in range(2):
        b = 2 * w + j
        pltpu.sync_copy(xt.at[pl.ds(2 * _L * b, 2 * _L)], xva)
        pltpu.sync_copy(xt.at[pl.ds(2 * _L * b + 8, 2 * _L - 8)],
                        xvb.at[pl.ds(0, 2 * _L - 8)])
        if j == 1:
            handles[0].wait()
        lax.fori_loop(0, 255, _nf_fillA, 0)
        stga[pl.ds(16320, 16)] = xva[pl.ds(4080, 16)]
        stga[pl.ds(16336, 16)] = xva[pl.ds(4096, 16)]
        ha = pltpu.async_copy(stga, nf.at[pl.ds(_ROW * b, _HA)], sema)
        if j == 1:
            handles[1].wait()
        lax.fori_loop(0, 255, _nf_fillB, 0)
        hb = pltpu.async_copy(stgb, nf.at[pl.ds(_ROW * b + _HA, _HB)], semb)
        handles = [ha, hb]
    ha2, hb2 = handles

    pv = [[patv[r, pl.ds(16 * v, 16)] for v in range(27)] for r in range(2)]

    def _fill(q, g0):
        s = jnp.full((16,), 16 * (g0 + 4 * q), jnp.int32)
        for r in range(2):
            for v in range(27):
                ei_stg[r, pl.ds(432 * q + 16 * v, 16)] = pv[r][v] + s
        return g0

    def _eic(t, _):
        cid = w + _NW * t
        lax.fori_loop(0, 16, _fill, 64 * cid)
        pltpu.sync_copy(ei_stg, ei.at[:, pl.ds(_CL * cid, _CL)])
        return 0

    lax.fori_loop(0, _FULL_T, _eic, 0)

    @pl.when(w < _EXTRA)
    def _():
        _eic(_FULL_T, 0)

    ha2.wait()
    hb2.wait()

    def _at_drain(t, _):
        pltpu.make_async_copy(
            attr.at[pl.ds(0, _CL)], at_stg, at_sem).wait()
        return 0

    lax.fori_loop(0, _FULL_T, _at_drain, 0)

    @pl.when(w < _EXTRA)
    def _():
        _at_drain(_FULL_T, 0)


def kernel(iq_signal, edge_weights, cross_patch_weight):
    wpad = (jnp.zeros((16,), jnp.float32)
            .at[:4].set(edge_weights)
            .at[4].set(cross_patch_weight))
    xt = jnp.transpose(iq_signal, (0, 2, 1)).reshape(-1)
    nf_flat, ei, attr, batch = _sc_build(
        xt, wpad, jnp.asarray(_PAT4_NP), jnp.asarray(_DIST4_NP))
    return nf_flat.reshape(_NN, 2), ei, attr, batch

# --- scband reference (transcript-rebuilt; emitter-appended) ---
"""Pipeline reference for scband-dtsg-90082644066752 (READ-ONLY COPY).

The authoritative reference and input builder live on the scoring server;
editing this copy changes nothing except your own understanding.
"""

import jax, jax.numpy as jnp
import numpy as np

PATCH_LENGTH = 16
PATCH_STRIDE = 4
LOCAL_WINDOW = 4


def _intra_base():
    edges = []
    dists = []
    for i in range(PATCH_LENGTH):
        for j in range(PATCH_LENGTH):
            d = abs(i - j)
            if 0 < d <= LOCAL_WINDOW:
                edges.append([i, j])
                dists.append(d - 1)
    return np.array(edges, dtype=np.int32).T, np.array(dists, dtype=np.int32)


def setup_inputs(seed: int = 0) -> dict:
    key = jax.random.key(seed)
    k1, k2 = jax.random.split(key)
    iq_signal = jax.random.normal(k1, (64, 2, 4096), dtype=jnp.float32)
    edge_weights = jax.random.normal(k2, (LOCAL_WINDOW,), dtype=jnp.float32)
    cross_patch_weight = jnp.array(1.0, dtype=jnp.float32)
    return {"iq_signal": iq_signal, "edge_weights": edge_weights, "cross_patch_weight": cross_patch_weight}


def reference(iq_signal, edge_weights, cross_patch_weight):
    # iq_signal: [B, 2, L] -> transpose(1, 2) -> [B, L, 2]
    x = jnp.transpose(iq_signal, (0, 2, 1))
    B, L, _ = x.shape
    P = (L - PATCH_LENGTH) // PATCH_STRIDE + 1

    # patch extraction (equivalent to F.unfold per channel + stack)
    starts = jnp.arange(P) * PATCH_STRIDE
    idx = starts[:, None] + jnp.arange(PATCH_LENGTH)[None, :]  # [P, patch_length]
    patches = x[:, idx, :]  # [B, P, patch_length, 2]
    node_features = patches.reshape(-1, 2)  # [B*P*patch_length, 2]

    num_graphs = B * P
    base_ei_np, base_dist_np = _intra_base()
    base_ei = jnp.asarray(base_ei_np)      # [2, E0]
    base_dist = jnp.asarray(base_dist_np)  # [E0]

    # intra-patch edges, offset per graph
    offsets = jnp.arange(num_graphs) * PATCH_LENGTH  # [num_graphs]
    intra = base_ei[None, :, :] + offsets[:, None, None]  # [num_graphs, 2, E0]
    intra_edge_index = jnp.transpose(intra, (1, 0, 2)).reshape(2, -1)
    intra_edge_attr = jnp.tile(edge_weights[base_dist], num_graphs)

    # cross-patch edges
    bb = jnp.arange(B)
    pp = jnp.arange(P - 1)
    base_bp = bb[:, None] * P * PATCH_LENGTH + pp[None, :] * PATCH_LENGTH  # [B, P-1]
    cross_src = (base_bp + (PATCH_LENGTH - 1)).reshape(-1)
    cross_dst = (base_bp + PATCH_LENGTH).reshape(-1)
    cross_edge_index = jnp.stack([cross_src, cross_dst], axis=0)
    cross_edge_attr = jnp.broadcast_to(cross_patch_weight, (cross_src.shape[0],))

    all_edge_index = jnp.concatenate([intra_edge_index, cross_edge_index], axis=1)
    all_edge_attr = jnp.concatenate([intra_edge_attr, cross_edge_attr], axis=0)
    batch = jnp.repeat(jnp.arange(num_graphs), PATCH_LENGTH)
    return node_features, all_edge_index, all_edge_attr, batch

if __name__ == "__main__":
    import jax
    _d = setup_inputs()
    print(jax.jit(kernel)(*tuple(_d.values())))

</pallas_src>

<mosaic_0001>
#map = affine_map<(d0, d1) -> (0)>
#map1 = affine_map<(d0, d1) -> (0, 0)>
module attributes {stable_mosaic.version = 14 : i64} {
  func.func @_sc_build(%arg0: i32, %arg1: i32, %arg2: memref<524288xf32, #tpu.memory_space<hbm>>, %arg3: memref<16xf32, #tpu.memory_space<hbm>>, %arg4: memref<2x432xi32, #tpu.memory_space<hbm>>, %arg5: memref<432xi32, #tpu.memory_space<hbm>>, %arg6: memref<2091008xf32, #tpu.memory_space<hbm>>, %arg7: memref<2x7122432xi32, #tpu.memory_space<hbm>>, %arg8: memref<7122432xf32, #tpu.memory_space<hbm>>, %arg9: memref<1045504xi32, #tpu.memory_space<hbm>>, %arg10: memref<8192xf32, #tpu.memory_space<vmem>>, %arg11: memref<8192xf32, #tpu.memory_space<vmem>>, %arg12: memref<16352xf32, #tpu.memory_space<vmem>>, %arg13: memref<16320xf32, #tpu.memory_space<vmem>>, %arg14: memref<2x6912xi32, #tpu.memory_space<vmem>>, %arg15: memref<6912xf32, #tpu.memory_space<vmem>>, %arg16: memref<8192xi32, #tpu.memory_space<vmem>>, %arg17: memref<2x2048xi32, #tpu.memory_space<vmem>>, %arg18: memref<2048xf32, #tpu.memory_space<vmem>>, %arg19: memref<16xf32, #tpu.memory_space<vmem>>, %arg20: memref<2x432xi32, #tpu.memory_space<vmem>>, %arg21: memref<432xi32, #tpu.memory_space<vmem>>, %arg22: memref<!tpu.dma_semaphore, #tpu.memory_space<semaphore_mem>>, %arg23: memref<!tpu.dma_semaphore, #tpu.memory_space<semaphore_mem>>, %arg24: memref<!tpu.dma_semaphore, #tpu.memory_space<semaphore_mem>>) attributes {dimension_semantics = [#tpu.dimension_semantics<core_parallel>, #tpu.dimension_semantics<subcore_parallel>], iteration_bounds = array<i64: 2, 16>, scalar_prefetch = 0 : i64, scratch_operands = 15 : i64, tpu.core_type = #tpu.core_type<sc_vector_subcore>, window_params = [{transform_indices = #map}, {transform_indices = #map}, {transform_indices = #map1}, {transform_indices = #map}, {transform_indices = #map}, {transform_indices = #map1}, {transform_indices = #map}, {transform_indices = #map}]} {
    %mul3A = arith.constant 2 : i32
    %mul3A_0 = arith.muli %arg1, %mul3A : i32
    %add3A = arith.addi %mul3A_0, %arg0 : i32
    %iota3A = tpu.iota {dimensions = array<i32: 0>} : vector<16xi32>
    "tpu.region"() ({
      %run_scoped3A = tpu.sem_alloc : memref<!tpu.dma_semaphore, #tpu.memory_space<semaphore_mem>>
      tpu.enqueue_dma source(%arg3 : memref<16xf32, #tpu.memory_space<hbm>>) target(%arg19 : memref<16xf32, #tpu.memory_space<vmem>>) target_semaphore(%run_scoped3A : memref<!tpu.dma_semaphore, #tpu.memory_space<semaphore_mem>>)
      tpu.wait_dma2 semaphore(%run_scoped3A : memref<!tpu.dma_semaphore, #tpu.memory_space<semaphore_mem>>) src(%arg3 : memref<16xf32, #tpu.memory_space<hbm>>) dst(%arg19 : memref<16xf32, #tpu.memory_space<vmem>>)
      tpu.yield
    }) : () -> ()
    "tpu.region"() ({
      %run_scoped3A = tpu.sem_alloc : memref<!tpu.dma_semaphore, #tpu.memory_space<semaphore_mem>>
      tpu.enqueue_dma source(%arg4 : memref<2x432xi32, #tpu.memory_space<hbm>>) target(%arg20 : memref<2x432xi32, #tpu.memory_space<vmem>>) target_semaphore(%run_scoped3A : memref<!tpu.dma_semaphore, #tpu.memory_space<semaphore_mem>>)
      tpu.wait_dma2 semaphore(%run_scoped3A : memref<!tpu.dma_semaphore, #tpu.memory_space<semaphore_mem>>) src(%arg4 : memref<2x432xi32, #tpu.memory_space<hbm>>) dst(%arg20 : memref<2x432xi32, #tpu.memory_space<vmem>>)
      tpu.yield
    }) : () -> ()
    "tpu.region"() ({
      %run_scoped3A = tpu.sem_alloc : memref<!tpu.dma_semaphore, #tpu.memory_space<semaphore_mem>>
      tpu.enqueue_dma source(%arg5 : memref<432xi32, #tpu.memory_space<hbm>>) target(%arg21 : memref<432xi32, #tpu.memory_space<vmem>>) target_semaphore(%run_scoped3A : memref<!tpu.dma_semaphore, #tpu.memory_space<semaphore_mem>>)
      tpu.wait_dma2 semaphore(%run_scoped3A : memref<!tpu.dma_semaphore, #tpu.memory_space<semaphore_mem>>) src(%arg5 : memref<432xi32, #tpu.memory_space<hbm>>) dst(%arg21 : memref<432xi32, #tpu.memory_space<vmem>>)
      tpu.yield
    }) : () -> ()
    %get3A = arith.constant 0 : index
    %get3A_1 = tpu.vector_load %arg19[%get3A] {strides = array<i32>} : memref<16xf32, #tpu.memory_space<vmem>>, vector<16xf32>,
    %get3A_2 = vector.shape_cast %get3A_1 : vector<16xf32> to vector<16xf32>
    %get3A_3 = arith.constant 0 : index
    %get3A_4 = tpu.vector_load %arg21[%get3A_3] {strides = array<i32>} : memref<432xi32, #tpu.memory_space<vmem>>, vector<16xi32>,
    %get3A_5 = vector.shape_cast %get3A_4 : vector<16xi32> to vector<16xi32>
    %lt3A = arith.constant 0 : i32
    %lt3A_6 = vector.broadcast %lt3A : i32 to vector<16xi32>
    %lt3A_7 = arith.cmpi slt, %get3A_5, %lt3A_6 : vector<16xi32>
    %add3A_8 = arith.constant 16 : i32
    %add3A_9 = vector.broadcast %add3A_8 : i32 to vector<16xi32>
    %add3A_10 = arith.addi %get3A_5, %add3A_9 : vector<16xi32>
    %select_n3A = arith.select %lt3A_7, %add3A_10, %get3A_5 : vector<16xi1>, vector<16xi32>
    %broadcast_in_dim3A = vector.shape_cast %select_n3A : vector<16xi32> to vector<16x1xi32>
    %gather3A = vector.shape_cast %broadcast_in_dim3A : vector<16x1xi32> to vector<16xi32>
    %gather3A_11 = tpu.dynamic_gather %get3A_2[%gather3A] in [0] : vector<16xf32>, vector<16xi32> -> vector<16xf32>
    %swap3A = arith.constant 0 : index
    %swap3A_12 = tpu.vector_load %arg15[%swap3A] {strides = array<i32>} : memref<6912xf32, #tpu.memory_space<vmem>>, vector<16xf32>,
    %swap3A_13 = vector.shape_cast %swap3A_12 : vector<16xf32> to vector<16xf32>
    %swap3A_14 = vector.shape_cast %gather3A_11 : vector<16xf32> to vector<16xf32>
    tpu.vector_store %arg15[%swap3A], %swap3A_14 {strides = array<i32>} : memref<6912xf32, #tpu.memory_space<vmem>>, vector<16xf32>,
    %get3A_15 = arith.constant 16 : index
    %get3A_16 = tpu.vector_load %arg21[%get3A_15] {strides = array<i32>} : memref<432xi32, #tpu.memory_space<vmem>>, vector<16xi32>,
    %get3A_17 = vector.shape_cast %get3A_16 : vector<16xi32> to vector<16xi32>
    %lt3A_18 = arith.constant 0 : i32
    %lt3A_19 = vector.broadcast %lt3A_18 : i32 to vector<16xi32>
    %lt3A_20 = arith.cmpi slt, %get3A_17, %lt3A_19 : vector<16xi32>
    %add3A_21 = arith.constant 16 : i32
    %add3A_22 = vector.broadcast %add3A_21 : i32 to vector<16xi32>
    %add3A_23 = arith.addi %get3A_17, %add3A_22 : vector<16xi32>
    %select_n3A_24 = arith.select %lt3A_20, %add3A_23, %get3A_17 : vector<16xi1>, vector<16xi32>
    %broadcast_in_dim3A_25 = vector.shape_cast %select_n3A_24 : vector<16xi32> to vector<16x1xi32>
    %gather3A_26 = vector.shape_cast %broadcast_in_dim3A_25 : vector<16x1xi32> to vector<16xi32>
    %gather3A_27 = tpu.dynamic_gather %get3A_2[%gather3A_26] in [0] : vector<16xf32>, vector<16xi32> -> vector<16xf32>
    %swap3A_28 = arith.constant 16 : index
    %swap3A_29 = tpu.vector_load %arg15[%swap3A_28] {strides = array<i32>} : memref<6912xf32, #tpu.memory_space<vmem>>, vector<16xf32>,
    %swap3A_30 = vector.shape_cast %swap3A_29 : vector<16xf32> to vector<16xf32>
    %swap3A_31 = vector.shape_cast %gather3A_27 : vector<16xf32> to vector<16xf32>
    tpu.vector_store %arg15[%swap3A_28], %swap3A_31 {strides = array<i32>} : memref<6912xf32, #tpu.memory_space<vmem>>, vector<16xf32>,
    %get3A_32 = arith.constant 32 : index
    %get3A_33 = tpu.vector_load %arg21[%get3A_32] {strides = array<i32>} : memref<432xi32, #tpu.memory_space<vmem>>, vector<16xi32>,
    %get3A_34 = vector.shape_cast %get3A_33 : vector<16xi32> to vector<16xi32>
    %lt3A_35 = arith.constant 0 : i32
    %lt3A_36 = vector.broadcast %lt3A_35 : i32 to vector<16xi32>
    %lt3A_37 = arith.cmpi slt, %get3A_34, %lt3A_36 : vector<16xi32>
    %add3A_38 = arith.constant 16 : i32
    %add3A_39 = vector.broadcast %add3A_38 : i32 to vector<16xi32>
    %add3A_40 = arith.addi %get3A_34, %add3A_39 : vector<16xi32>
    %select_n3A_41 = arith.select %lt3A_37, %add3A_40, %get3A_34 : vector<16xi1>, vector<16xi32>
    %broadcast_in_dim3A_42 = vector.shape_cast %select_n3A_41 : vector<16xi32> to vector<16x1xi32>
    %gather3A_43 = vector.shape_cast %broadcast_in_dim3A_42 : vector<16x1xi32> to vector<16xi32>
    %gather3A_44 = tpu.dynamic_gather %get3A_2[%gather3A_43] in [0] : vector<16xf32>, vector<16xi32> -> vector<16xf32>
    %swap3A_45 = arith.constant 32 : index
    %swap3A_46 = tpu.vector_load %arg15[%swap3A_45] {strides = array<i32>} : memref<6912xf32, #tpu.memory_space<vmem>>, vector<16xf32>,
    %swap3A_47 = vector.shape_cast %swap3A_46 : vector<16xf32> to vector<16xf32>
    %swap3A_48 = vector.shape_cast %gather3A_44 : vector<16xf32> to vector<16xf32>
    tpu.vector_store %arg15[%swap3A_45], %swap3A_48 {strides = array<i32>} : memref<6912xf32, #tpu.memory_space<vmem>>, vector<16xf32>,
    %get3A_49 = arith.constant 48 : index
    %get3A_50 = tpu.vector_load %arg21[%get3A_49] {strides = array<i32>} : memref<432xi32, #tpu.memory_space<vmem>>, vector<16xi32>,
    %get3A_51 = vector.shape_cast %get3A_50 : vector<16xi32> to vector<16xi32>
    %lt3A_52 = arith.constant 0 : i32
    %lt3A_53 = vector.broadcast %lt3A_52 : i32 to vector<16xi32>
    %lt3A_54 = arith.cmpi slt, %get3A_51, %lt3A_53 : vector<16xi32>
    %add3A_55 = arith.constant 16 : i32
    %add3A_56 = vector.broadcast %add3A_55 : i32 to vector<16xi32>
    %add3A_57 = arith.addi %get3A_51, %add3A_56 : vector<16xi32>
    %select_n3A_58 = arith.select %lt3A_54, %add3A_57, %get3A_51 : vector<16xi1>, vector<16xi32>
    %broadcast_in_dim3A_59 = vector.shape_cast %select_n3A_58 : vector<16xi32> to vector<16x1xi32>
    %gather3A_60 = vector.shape_cast %broadcast_in_dim3A_59 : vector<16x1xi32> to vector<16xi32>
    %gather3A_61 = tpu.dynamic_gather %get3A_2[%gather3A_60] in [0] : vector<16xf32>, vector<16xi32> -> vector<16xf32>
    %swap3A_62 = arith.constant 48 : index
    %swap3A_63 = tpu.vector_load %arg15[%swap3A_62] {strides = array<i32>} : memref<6912xf32, #tpu.memory_space<vmem>>, vector<16xf32>,
    %swap3A_64 = vector.shape_cast %swap3A_63 : vector<16xf32> to vector<16xf32>
    %swap3A_65 = vector.shape_cast %gather3A_61 : vector<16xf32> to vector<16xf32>
    tpu.vector_store %arg15[%swap3A_62], %swap3A_65 {strides = array<i32>} : memref<6912xf32, #tpu.memory_space<vmem>>, vector<16xf32>,
    %get3A_66 = arith.constant 64 : index
    %get3A_67 = tpu.vector_load %arg21[%get3A_66] {strides = array<i32>} : memref<432xi32, #tpu.memory_space<vmem>>, vector<16xi32>,
    %get3A_68 = vector.shape_cast %get3A_67 : vector<16xi32> to vector<16xi32>
    %lt3A_69 = arith.constant 0 : i32
    %lt3A_70 = vector.broadcast %lt3A_69 : i32 to vector<16xi32>
    %lt3A_71 = arith.cmpi slt, %get3A_68, %lt3A_70 : vector<16xi32>
    %add3A_72 = arith.constant 16 : i32
    %add3A_73 = vector.broadcast %add3A_72 : i32 to vector<16xi32>
    %add3A_74 = arith.addi %get3A_68, %add3A_73 : vector<16xi32>
    %select_n3A_75 = arith.select %lt3A_71, %add3A_74, %get3A_68 : vector<16xi1>, vector<16xi32>
    %broadcast_in_dim3A_76 = vector.shape_cast %select_n3A_75 : vector<16xi32> to vector<16x1xi32>
    %gather3A_77 = vector.shape_cast %broadcast_in_dim3A_76 : vector<16x1xi32> to vector<16xi32>
    %gather3A_78 = tpu.dynamic_gather %get3A_2[%gather3A_77] in [0] : vector<16xf32>, vector<16xi32> -> vector<16xf32>
    %swap3A_79 = arith.constant 64 : index
    %swap3A_80 = tpu.vector_load %arg15[%swap3A_79] {strides = array<i32>} : memref<6912xf32, #tpu.memory_space<vmem>>, vector<16xf32>,
    %swap3A_81 = vector.shape_cast %swap3A_80 : vector<16xf32> to vector<16xf32>
    %swap3A_82 = vector.shape_cast %gather3A_78 : vector<16xf32> to vector<16xf32>
    tpu.vector_store %arg15[%swap3A_79], %swap3A_82 {strides = array<i32>} : memref<6912xf32, #tpu.memory_space<vmem>>, vector<16xf32>,
    %get3A_83 = arith.constant 80 : index
    %get3A_84 = tpu.vector_load %arg21[%get3A_83] {strides = array<i32>} : memref<432xi32, #tpu.memory_space<vmem>>, vector<16xi32>,
    %get3A_85 = vector.shape_cast %get3A_84 : vector<16xi32> to vector<16xi32>
    %lt3A_86 = arith.constant 0 : i32
    %lt3A_87 = vector.broadcast %lt3A_86 : i32 to vector<16xi32>
    %lt3A_88 = arith.cmpi slt, %get3A_85, %lt3A_87 : vector<16xi32>
    %add3A_89 = arith.constant 16 : i32
    %add3A_90 = vector.broadcast %add3A_89 : i32 to vector<16xi32>
    %add3A_91 = arith.addi %get3A_85, %add3A_90 : vector<16xi32>
    %select_n3A_92 = arith.select %lt3A_88, %add3A_91, %get3A_85 : vector<16xi1>, vector<16xi32>
    %broadcast_in_dim3A_93 = vector.shape_cast %select_n3A_92 : vector<16xi32> to vector<16x1xi32>
    %gather3A_94 = vector.shape_cast %broadcast_in_dim3A_93 : vector<16x1xi32> to vector<16xi32>
    %gather3A_95 = tpu.dynamic_gather %get3A_2[%gather3A_94] in [0] : vector<16xf32>, vector<16xi32> -> vector<16xf32>
    %swap3A_96 = arith.constant 80 : index
    %swap3A_97 = tpu.vector_load %arg15[%swap3A_96] {strides = array<i32>} : memref<6912xf32, #tpu.memory_space<vmem>>, vector<16xf32>,
    %swap3A_98 = vector.shape_cast %swap3A_97 : vector<16xf32> to vector<16xf32>
    %swap3A_99 = vector.shape_cast %gather3A_95 : vector<16xf32> to vector<16xf32>
    tpu.vector_store %arg15[%swap3A_96], %swap3A_99 {strides = array<i32>} : memref<6912xf32, #tpu.memory_space<vmem>>, vector<16xf32>,
    %get3A_100 = arith.constant 96 : index
    %get3A_101 = tpu.vector_load %arg21[%get3A_100] {strides = array<i32>} : memref<432xi32, #tpu.memory_space<vmem>>, vector<16xi32>,
    %get3A_102 = vector.shape_cast %get3A_101 : vector<16xi32> to vector<16xi32>
    %lt3A_103 = arith.constant 0 : i32
    %lt3A_104 = vector.broadcast %lt3A_103 : i32 to vector<16xi32>
    %lt3A_105 = arith.cmpi slt, %get3A_102, %lt3A_104 : vector<16xi32>
    %add3A_106 = arith.constant 16 : i32
    %add3A_107 = vector.broadcast %add3A_106 : i32 to vector<16xi32>
    %add3A_108 = arith.addi %get3A_102, %add3A_107 : vector<16xi32>
    %select_n3A_109 = arith.select %lt3A_105, %add3A_108, %get3A_102 : vector<16xi1>, vector<16xi32>
    %broadcast_in_dim3A_110 = vector.shape_cast %select_n3A_109 : vector<16xi32> to vector<16x1xi32>
    %gather3A_111 = vector.shape_cast %broadcast_in_dim3A_110 : vector<16x1xi32> to vector<16xi32>
    %gather3A_112 = tpu.dynamic_gather %get3A_2[%gather3A_111] in [0] : vector<16xf32>, vector<16xi32> -> vector<16xf32>
    %swap3A_113 = arith.constant 96 : index
    %swap3A_114 = tpu.vector_load %arg15[%swap3A_113] {strides = array<i32>} : memref<6912xf32, #tpu.memory_space<vmem>>, vector<16xf32>,
    %swap3A_115 = vector.shape_cast %swap3A_114 : vector<16xf32> to vector<16xf32>
    %swap3A_116 = vector.shape_cast %gather3A_112 : vector<16xf32> to vector<16xf32>
    tpu.vector_store %arg15[%swap3A_113], %swap3A_116 {strides = array<i32>} : memref<6912xf32, #tpu.memory_space<vmem>>, vector<16xf32>,
    %get3A_117 = arith.constant 112 : index
    %get3A_118 = tpu.vector_load %arg21[%get3A_117] {strides = array<i32>} : memref<432xi32, #tpu.memory_space<vmem>>, vector<16xi32>,
    %get3A_119 = vector.shape_cast %get3A_118 : vector<16xi32> to vector<16xi32>
    %lt3A_120 = arith.constant 0 : i32
    %lt3A_121 = vector.broadcast %lt3A_120 : i32 to vector<16xi32>
    %lt3A_122 = arith.cmpi slt, %get3A_119, %lt3A_121 : vector<16xi32>
    %add3A_123 = arith.constant 16 : i32
    %add3A_124 = vector.broadcast %add3A_123 : i32 to vector<16xi32>
    %add3A_125 = arith.addi %get3A_119, %add3A_124 : vector<16xi32>
    %select_n3A_126 = arith.select %lt3A_122, %add3A_125, %get3A_119 : vector<16xi1>, vector<16xi32>
    %broadcast_in_dim3A_127 = vector.shape_cast %select_n3A_126 : vector<16xi32> to vector<16x1xi32>
    %gather3A_128 = vector.shape_cast %broadcast_in_dim3A_127 : vector<16x1xi32> to vector<16xi32>
    %gather3A_129 = tpu.dynamic_gather %get3A_2[%gather3A_128] in [0] : vector<16xf32>, vector<16xi32> -> vector<16xf32>
    %swap3A_130 = arith.constant 112 : index
    %swap3A_131 = tpu.vector_load %arg15[%swap3A_130] {strides = array<i32>} : memref<6912xf32, #tpu.memory_space<vmem>>, vector<16xf32>,
    %swap3A_132 = vector.shape_cast %swap3A_131 : vector<16xf32> to vector<16xf32>
    %swap3A_133 = vector.shape_cast %gather3A_129 : vector<16xf32> to vector<16xf32>
    tpu.vector_store %arg15[%swap3A_130], %swap3A_133 {strides = array<i32>} : memref<6912xf32, #tpu.memory_space<vmem>>, vector<16xf32>,
    %get3A_134 = arith.constant 128 : index
    %get3A_135 = tpu.vector_load %arg21[%get3A_134] {strides = array<i32>} : memref<432xi32, #tpu.memory_space<vmem>>, vector<16xi32>,
    %get3A_136 = vector.shape_cast %get3A_135 : vector<16xi32> to vector<16xi32>
    %lt3A_137 = arith.constant 0 : i32
    %lt3A_138 = vector.broadcast %lt3A_137 : i32 to vector<16xi32>
    %lt3A_139 = arith.cmpi slt, %get3A_136, %lt3A_138 : vector<16xi32>
    %add3A_140 = arith.constant 16 : i32
    %add3A_141 = vector.broadcast %add3A_140 : i32 to vector<16xi32>
    %add3A_142 = arith.addi %get3A_136, %add3A_141 : vector<16xi32>
    %select_n3A_143 = arith.select %lt3A_139, %add3A_142, %get3A_136 : vector<16xi1>, vector<16xi32>
    %broadcast_in_dim3A_144 = vector.shape_cast %select_n3A_143 : vector<16xi32> to vector<16x1xi32>
    %gather3A_145 = vector.shape_cast %broadcast_in_dim3A_144 : vector<16x1xi32> to vector<16xi32>
    %gather3A_146 = tpu.dynamic_gather %get3A_2[%gather3A_145] in [0] : vector<16xf32>, vector<16xi32> -> vector<16xf32>
    %swap3A_147 = arith.constant 128 : index
    %swap3A_148 = tpu.vector_load %arg15[%swap3A_147] {strides = array<i32>} : memref<6912xf32, #tpu.memory_space<vmem>>, vector<16xf32>,
    %swap3A_149 = vector.shape_cast %swap3A_148 : vector<16xf32> to vector<16xf32>
    %swap3A_150 = vector.shape_cast %gather3A_146 : vector<16xf32> to vector<16xf32>
    tpu.vector_store %arg15[%swap3A_147], %swap3A_150 {strides = array<i32>} : memref<6912xf32, #tpu.memory_space<vmem>>, vector<16xf32>,
    %get3A_151 = arith.constant 144 : index
    %get3A_152 = tpu.vector_load %arg21[%get3A_151] {strides = array<i32>} : memref<432xi32, #tpu.memory_space<vmem>>, vector<16xi32>,
    %get3A_153 = vector.shape_cast %get3A_152 : vector<16xi32> to vector<16xi32>
    %lt3A_154 = arith.constant 0 : i32
    %lt3A_155 = vector.broadcast %lt3A_154 : i32 to vector<16xi32>
    %lt3A_156 = arith.cmpi slt, %get3A_153, %lt3A_155 : vector<16xi32>
    %add3A_157 = arith.constant 16 : i32
    %add3A_158 = vector.broadcast %add3A_157 : i32 to vector<16xi32>
    %add3A_159 = arith.addi %get3A_153, %add3A_158 : vector<16xi32>
    %select_n3A_160 = arith.select %lt3A_156, %add3A_159, %get3A_153 : vector<16xi1>, vector<16xi32>
    %broadcast_in_dim3A_161 = vector.shape_cast %select_n3A_160 : vector<16xi32> to vector<16x1xi32>
    %gather3A_162 = vector.shape_cast %broadcast_in_dim3A_161 : vector<16x1xi32> to vector<16xi32>
    %gather3A_163 = tpu.dynamic_gather %get3A_2[%gather3A_162] in [0] : vector<16xf32>, vector<16xi32> -> vector<16xf32>
    %swap3A_164 = arith.constant 144 : index
    %swap3A_165 = tpu.vector_load %arg15[%swap3A_164] {strides = array<i32>} : memref<6912xf32, #tpu.memory_space<vmem>>, vector<16xf32>,
    %swap3A_166 = vector.shape_cast %swap3A_165 : vector<16xf32> to vector<16xf32>
    %swap3A_167 = vector.shape_cast %gather3A_163 : vector<16xf32> to vector<16xf32>
    tpu.vector_store %arg15[%swap3A_164], %swap3A_167 {strides = array<i32>} : memref<6912xf32, #tpu.memory_space<vmem>>, vector<16xf32>,
    %get3A_168 = arith.constant 160 : index
    %get3A_169 = tpu.vector_load %arg21[%get3A_168] {strides = array<i32>} : memref<432xi32, #tpu.memory_space<vmem>>, vector<16xi32>,
    %get3A_170 = vector.shape_cast %get3A_169 : vector<16xi32> to vector<16xi32>
    %lt3A_171 = arith.constant 0 : i32
    %lt3A_172 = vector.broadcast %lt3A_171 : i32 to vector<16xi32>
    %lt3A_173 = arith.cmpi slt, %get3A_170, %lt3A_172 : vector<16xi32>
    %add3A_174 = arith.constant 16 : i32
    %add3A_175 = vector.broadcast %add3A_174 : i32 to vector<16xi32>
    %add3A_176 = arith.addi %get3A_170, %add3A_175 : vector<16xi32>
    %select_n3A_177 = arith.select %lt3A_173, %add3A_176, %get3A_170 : vector<16xi1>, vector<16xi32>
    %broadcast_in_dim3A_178 = vector.shape_cast %select_n3A_177 : vector<16xi32> to vector<16x1xi32>
    %gather3A_179 = vector.shape_cast %broadcast_in_dim3A_178 : vector<16x1xi32> to vector<16xi32>
    %gather3A_180 = tpu.dynamic_gather %get3A_2[%gather3A_179] in [0] : vector<16xf32>, vector<16xi32> -> vector<16xf32>
    %swap3A_181 = arith.constant 160 : index
    %swap3A_182 = tpu.vector_load %arg15[%swap3A_181] {strides = array<i32>} : memref<6912xf32, #tpu.memory_space<vmem>>, vector<16xf32>,
    %swap3A_183 = vector.shape_cast %swap3A_182 : vector<16xf32> to vector<16xf32>
    %swap3A_184 = vector.shape_cast %gather3A_180 : vector<16xf32> to vector<16xf32>
    tpu.vector_store %arg15[%swap3A_181], %swap3A_184 {strides = array<i32>} : memref<6912xf32, #tpu.memory_space<vmem>>, vector<16xf32>,
    %get3A_185 = arith.constant 176 : index
    %get3A_186 = tpu.vector_load %arg21[%get3A_185] {strides = array<i32>} : memref<432xi32, #tpu.memory_space<vmem>>, vector<16xi32>,
    %get3A_187 = vector.shape_cast %get3A_186 : vector<16xi32> to vector<16xi32>
    %lt3A_188 = arith.constant 0 : i32
    %lt3A_189 = vector.broadcast %lt3A_188 : i32 to vector<16xi32>
    %lt3A_190 = arith.cmpi slt, %get3A_187, %lt3A_189 : vector<16xi32>
    %add3A_191 = arith.constant 16 : i32
    %add3A_192 = vector.broadcast %add3A_191 : i32 to vector<16xi32>
    %add3A_193 = arith.addi %get3A_187, %add3A_192 : vector<16xi32>
    %select_n3A_194 = arith.select %lt3A_190, %add3A_193, %get3A_187 : vector<16xi1>, vector<16xi32>
    %broadcast_in_dim3A_195 = vector.shape_cast %select_n3A_194 : vector<16xi32> to vector<16x1xi32>
    %gather3A_196 = vector.shape_cast %broadcast_in_dim3A_195 : vector<16x1xi32> to vector<16xi32>
    %gather3A_197 = tpu.dynamic_gather %get3A_2[%gather3A_196] in [0] : vector<16xf32>, vector<16xi32> -> vector<16xf32>
    %swap3A_198 = arith.constant 176 : index
    %swap3A_199 = tpu.vector_load %arg15[%swap3A_198] {strides = array<i32>} : memref<6912xf32, #tpu.memory_space<vmem>>, vector<16xf32>,
    %swap3A_200 = vector.shape_cast %swap3A_199 : vector<16xf32> to vector<16xf32>
    %swap3A_201 = vector.shape_cast %gather3A_197 : vector<16xf32> to vector<16xf32>
    tpu.vector_store %arg15[%swap3A_198], %swap3A_201 {strides = array<i32>} : memref<6912xf32, #tpu.memory_space<vmem>>, vector<16xf32>,
    %get3A_202 = arith.constant 192 : index
    %get3A_203 = tpu.vector_load %arg21[%get3A_202] {strides = array<i32>} : memref<432xi32, #tpu.memory_space<vmem>>, vector<16xi32>,
    %get3A_204 = vector.shape_cast %get3A_203 : vector<16xi32> to vector<16xi32>
    %lt3A_205 = arith.constant 0 : i32
    %lt3A_206 = vector.broadcast %lt3A_205 : i32 to vector<16xi32>
    %lt3A_207 = arith.cmpi slt, %get3A_204, %lt3A_206 : vector<16xi32>
    %add3A_208 = arith.constant 16 : i32
    %add3A_209 = vector.broadcast %add3A_208 : i32 to vector<16xi32>
    %add3A_210 = arith.addi %get3A_204, %add3A_209 : vector<16xi32>
    %select_n3A_211 = arith.select %lt3A_207, %add3A_210, %get3A_204 : vector<16xi1>, vector<16xi32>
    %broadcast_in_dim3A_212 = vector.shape_cast %select_n3A_211 : vector<16xi32> to vector<16x1xi32>
    %gather3A_213 = vector.shape_cast %broadcast_in_dim3A_212 : vector<16x1xi32> to vector<16xi32>
    %gather3A_214 = tpu.dynamic_gather %get3A_2[%gather3A_213] in [0] : vector<16xf32>, vector<16xi32> -> vector<16xf32>
    %swap3A_215 = arith.constant 192 : index
    %swap3A_216 = tpu.vector_load %arg15[%swap3A_215] {strides = array<i32>} : memref<6912xf32, #tpu.memory_space<vmem>>, vector<16xf32>,
    %swap3A_217 = vector.shape_cast %swap3A_216 : vector<16xf32> to vector<16xf32>
    %swap3A_218 = vector.shape_cast %gather3A_214 : vector<16xf32> to vector<16xf32>
    tpu.vector_store %arg15[%swap3A_215], %swap3A_218 {strides = array<i32>} : memref<6912xf32, #tpu.memory_space<vmem>>, vector<16xf32>,
    %get3A_219 = arith.constant 208 : index
    %get3A_220 = tpu.vector_load %arg21[%get3A_219] {strides = array<i32>} : memref<432xi32, #tpu.memory_space<vmem>>, vector<16xi32>,
    %get3A_221 = vector.shape_cast %get3A_220 : vector<16xi32> to vector<16xi32>
    %lt3A_222 = arith.constant 0 : i32
    %lt3A_223 = vector.broadcast %lt3A_222 : i32 to vector<16xi32>
    %lt3A_224 = arith.cmpi slt, %get3A_221, %lt3A_223 : vector<16xi32>
    %add3A_225 = arith.constant 16 : i32
    %add3A_226 = vector.broadcast %add3A_225 : i32 to vector<16xi32>
    %add3A_227 = arith.addi %get3A_221, %add3A_226 : vector<16xi32>
    %select_n3A_228 = arith.select %lt3A_224, %add3A_227, %get3A_221 : vector<16xi1>, vector<16xi32>
    %broadcast_in_dim3A_229 = vector.shape_cast %select_n3A_228 : vector<16xi32> to vector<16x1xi32>
    %gather3A_230 = vector.shape_cast %broadcast_in_dim3A_229 : vector<16x1xi32> to vector<16xi32>
    %gather3A_231 = tpu.dynamic_gather %get3A_2[%gather3A_230] in [0] : vector<16xf32>, vector<16xi32> -> vector<16xf32>
    %swap3A_232 = arith.constant 208 : index
    %swap3A_233 = tpu.vector_load %arg15[%swap3A_232] {strides = array<i32>} : memref<6912xf32, #tpu.memory_space<vmem>>, vector<16xf32>,
    %swap3A_234 = vector.shape_cast %swap3A_233 : vector<16xf32> to vector<16xf32>
    %swap3A_235 = vector.shape_cast %gather3A_231 : vector<16xf32> to vector<16xf32>
    tpu.vector_store %arg15[%swap3A_232], %swap3A_235 {strides = array<i32>} : memref<6912xf32, #tpu.memory_space<vmem>>, vector<16xf32>,
    %get3A_236 = arith.constant 224 : index
    %get3A_237 = tpu.vector_load %arg21[%get3A_236] {strides = array<i32>} : memref<432xi32, #tpu.memory_space<vmem>>, vector<16xi32>,
    %get3A_238 = vector.shape_cast %get3A_237 : vector<16xi32> to vector<16xi32>
    %lt3A_239 = arith.constant 0 : i32
    %lt3A_240 = vector.broadcast %lt3A_239 : i32 to vector<16xi32>
    %lt3A_241 = arith.cmpi slt, %get3A_238, %lt3A_240 : vector<16xi32>
    %add3A_242 = arith.constant 16 : i32
    %add3A_243 = vector.broadcast %add3A_242 : i32 to vector<16xi32>
    %add3A_244 = arith.addi %get3A_238, %add3A_243 : vector<16xi32>
    %select_n3A_245 = arith.select %lt3A_241, %add3A_244, %get3A_238 : vector<16xi1>, vector<16xi32>
    %broadcast_in_dim3A_246 = vector.shape_cast %select_n3A_245 : vector<16xi32> to vector<16x1xi32>
    %gather3A_247 = vector.shape_cast %broadcast_in_dim3A_246 : vector<16x1xi32> to vector<16xi32>
    %gather3A_248 = tpu.dynamic_gather %get3A_2[%gather3A_247] in [0] : vector<16xf32>, vector<16xi32> -> vector<16xf32>
    %swap3A_249 = arith.constant 224 : index
    %swap3A_250 = tpu.vector_load %arg15[%swap3A_249] {strides = array<i32>} : memref<6912xf32, #tpu.memory_space<vmem>>, vector<16xf32>,
    %swap3A_251 = vector.shape_cast %swap3A_250 : vector<16xf32> to vector<16xf32>
    %swap3A_252 = vector.shape_cast %gather3A_248 : vector<16xf32> to vector<16xf32>
    tpu.vector_store %arg15[%swap3A_249], %swap3A_252 {strides = array<i32>} : memref<6912xf32, #tpu.memory_space<vmem>>, vector<16xf32>,
    %get3A_253 = arith.constant 240 : index
    %get3A_254 = tpu.vector_load %arg21[%get3A_253] {strides = array<i32>} : memref<432xi32, #tpu.memory_space<vmem>>, vector<16xi32>,
    %get3A_255 = vector.shape_cast %get3A_254 : vector<16xi32> to vector<16xi32>
    %lt3A_256 = arith.constant 0 : i32
    %lt3A_257 = vector.broadcast %lt3A_256 : i32 to vector<16xi32>
    %lt3A_258 = arith.cmpi slt, %get3A_255, %lt3A_257 : vector<16xi32>
    %add3A_259 = arith.constant 16 : i32
    %add3A_260 = vector.broadcast %add3A_259 : i32 to vector<16xi32>
    %add3A_261 = arith.addi %get3A_255, %add3A_260 : vector<16xi32>
    %select_n3A_262 = arith.select %lt3A_258, %add3A_261, %get3A_255 : vector<16xi1>, vector<16xi32>
    %broadcast_in_dim3A_263 = vector.shape_cast %select_n3A_262 : vector<16xi32> to vector<16x1xi32>
    %gather3A_264 = vector.shape_cast %broadcast_in_dim3A_263 : vector<16x1xi32> to vector<16xi32>
    %gather3A_265 = tpu.dynamic_gather %get3A_2[%gather3A_264] in [0] : vector<16xf32>, vector<16xi32> -> vector<16xf32>
    %swap3A_266 = arith.constant 240 : index
    %swap3A_267 = tpu.vector_load %arg15[%swap3A_266] {strides = array<i32>} : memref<6912xf32, #tpu.memory_space<vmem>>, vector<16xf32>,
    %swap3A_268 = vector.shape_cast %swap3A_267 : vector<16xf32> to vector<16xf32>
    %swap3A_269 = vector.shape_cast %gather3A_265 : vector<16xf32> to vector<16xf32>
    tpu.vector_store %arg15[%swap3A_266], %swap3A_269 {strides = array<i32>} : memref<6912xf32, #tpu.memory_space<vmem>>, vector<16xf32>,
    %get3A_270 = arith.constant 256 : index
    %get3A_271 = tpu.vector_load %arg21[%get3A_270] {strides = array<i32>} : memref<432xi32, #tpu.memory_space<vmem>>, vector<16xi32>,
    %get3A_272 = vector.shape_cast %get3A_271 : vector<16xi32> to vector<16xi32>
    %lt3A_273 = arith.constant 0 : i32
    %lt3A_274 = vector.broadcast %lt3A_273 : i32 to vector<16xi32>
    %lt3A_275 = arith.cmpi slt, %get3A_272, %lt3A_274 : vector<16xi32>
    %add3A_276 = arith.constant 16 : i32
    %add3A_277 = vector.broadcast %add3A_276 : i32 to vector<16xi32>
    %add3A_278 = arith.addi %get3A_272, %add3A_277 : vector<16xi32>
    %select_n3A_279 = arith.select %lt3A_275, %add3A_278, %get3A_272 : vector<16xi1>, vector<16xi32>
    %broadcast_in_dim3A_280 = vector.shape_cast %select_n3A_279 : vector<16xi32> to vector<16x1xi32>
    %gather3A_281 = vector.shape_cast %broadcast_in_dim3A_280 : vector<16x1xi32> to vector<16xi32>
    %gather3A_282 = tpu.dynamic_gather %get3A_2[%gather3A_281] in [0] : vector<16xf32>, vector<16xi32> -> vector<16xf32>
    %swap3A_283 = arith.constant 256 : index
    %swap3A_284 = tpu.vector_load %arg15[%swap3A_283] {strides = array<i32>} : memref<6912xf32, #tpu.memory_space<vmem>>, vector<16xf32>,
    %swap3A_285 = vector.shape_cast %swap3A_284 : vector<16xf32> to vector<16xf32>
    %swap3A_286 = vector.shape_cast %gather3A_282 : vector<16xf32> to vector<16xf32>
    tpu.vector_store %arg15[%swap3A_283], %swap3A_286 {strides = array<i32>} : memref<6912xf32, #tpu.memory_space<vmem>>, vector<16xf32>,
    %get3A_287 = arith.constant 272 : index
    %get3A_288 = tpu.vector_load %arg21[%get3A_287] {strides = array<i32>} : memref<432xi32, #tpu.memory_space<vmem>>, vector<16xi32>,
    %get3A_289 = vector.shape_cast %get3A_288 : vector<16xi32> to vector<16xi32>
    %lt3A_290 = arith.constant 0 : i32
    %lt3A_291 = vector.broadcast %lt3A_290 : i32 to vector<16xi32>
    %lt3A_292 = arith.cmpi slt, %get3A_289, %lt3A_291 : vector<16xi32>
    %add3A_293 = arith.constant 16 : i32
    %add3A_294 = vector.broadcast %add3A_293 : i32 to vector<16xi32>
    %add3A_295 = arith.addi %get3A_289, %add3A_294 : vector<16xi32>
    %select_n3A_296 = arith.select %lt3A_292, %add3A_295, %get3A_289 : vector<16xi1>, vector<16xi32>
    %broadcast_in_dim3A_297 = vector.shape_cast %select_n3A_296 : vector<16xi32> to vector<16x1xi32>
    %gather3A_298 = vector.shape_cast %broadcast_in_dim3A_297 : vector<16x1xi32> to vector<16xi32>
    %gather3A_299 = tpu.dynamic_gather %get3A_2[%gather3A_298] in [0] : vector<16xf32>, vector<16xi32> -> vector<16xf32>
    %swap3A_300 = arith.constant 272 : index
    %swap3A_301 = tpu.vector_load %arg15[%swap3A_300] {strides = array<i32>} : memref<6912xf32, #tpu.memory_space<vmem>>, vector<16xf32>,
    %swap3A_302 = vector.shape_cast %swap3A_301 : vector<16xf32> to vector<16xf32>
    %swap3A_303 = vector.shape_cast %gather3A_299 : vector<16xf32> to vector<16xf32>
    tpu.vector_store %arg15[%swap3A_300], %swap3A_303 {strides = array<i32>} : memref<6912xf32, #tpu.memory_space<vmem>>, vector<16xf32>,
    %get3A_304 = arith.constant 288 : index
    %get3A_305 = tpu.vector_load %arg21[%get3A_304] {strides = array<i32>} : memref<432xi32, #tpu.memory_space<vmem>>, vector<16xi32>,
    %get3A_306 = vector.shape_cast %get3A_305 : vector<16xi32> to vector<16xi32>
    %lt3A_307 = arith.constant 0 : i32
    %lt3A_308 = vector.broadcast %lt3A_307 : i32 to vector<16xi32>
    %lt3A_309 = arith.cmpi slt, %get3A_306, %lt3A_308 : vector<16xi32>
    %add3A_310 = arith.constant 16 : i32
    %add3A_311 = vector.broadcast %add3A_310 : i32 to vector<16xi32>
    %add3A_312 = arith.addi %get3A_306, %add3A_311 : vector<16xi32>
    %select_n3A_313 = arith.select %lt3A_309, %add3A_312, %get3A_306 : vector<16xi1>, vector<16xi32>
    %broadcast_in_dim3A_314 = vector.shape_cast %select_n3A_313 : vector<16xi32> to vector<16x1xi32>
    %gather3A_315 = vector.shape_cast %broadcast_in_dim3A_314 : vector<16x1xi32> to vector<16xi32>
    %gather3A_316 = tpu.dynamic_gather %get3A_2[%gather3A_315] in [0] : vector<16xf32>, vector<16xi32> -> vector<16xf32>
    %swap3A_317 = arith.constant 288 : index
    %swap3A_318 = tpu.vector_load %arg15[%swap3A_317] {strides = array<i32>} : memref<6912xf32, #tpu.memory_space<vmem>>, vector<16xf32>,
    %swap3A_319 = vector.shape_cast %swap3A_318 : vector<16xf32> to vector<16xf32>
    %swap3A_320 = vector.shape_cast %gather3A_316 : vector<16xf32> to vector<16xf32>
    tpu.vector_store %arg15[%swap3A_317], %swap3A_320 {strides = array<i32>} : memref<6912xf32, #tpu.memory_space<vmem>>, vector<16xf32>,
    %get3A_321 = arith.constant 304 : index
    %get3A_322 = tpu.vector_load %arg21[%get3A_321] {strides = array<i32>} : memref<432xi32, #tpu.memory_space<vmem>>, vector<16xi32>,
    %get3A_323 = vector.shape_cast %get3A_322 : vector<16xi32> to vector<16xi32>
    %lt3A_324 = arith.constant 0 : i32
    %lt3A_325 = vector.broadcast %lt3A_324 : i32 to vector<16xi32>
    %lt3A_326 = arith.cmpi slt, %get3A_323, %lt3A_325 : vector<16xi32>
    %add3A_327 = arith.constant 16 : i32
    %add3A_328 = vector.broadcast %add3A_327 : i32 to vector<16xi32>
    %add3A_329 = arith.addi %get3A_323, %add3A_328 : vector<16xi32>
    %select_n3A_330 = arith.select %lt3A_326, %add3A_329, %get3A_323 : vector<16xi1>, vector<16xi32>
    %broadcast_in_dim3A_331 = vector.shape_cast %select_n3A_330 : vector<16xi32> to vector<16x1xi32>
    %gather3A_332 = vector.shape_cast %broadcast_in_dim3A_331 : vector<16x1xi32> to vector<16xi32>
    %gather3A_333 = tpu.dynamic_gather %get3A_2[%gather3A_332] in [0] : vector<16xf32>, vector<16xi32> -> vector<16xf32>
    %swap3A_334 = arith.constant 304 : index
    %swap3A_335 = tpu.vector_load %arg15[%swap3A_334] {strides = array<i32>} : memref<6912xf32, #tpu.memory_space<vmem>>, vector<16xf32>,
    %swap3A_336 = vector.shape_cast %swap3A_335 : vector<16xf32> to vector<16xf32>
    %swap3A_337 = vector.shape_cast %gather3A_333 : vector<16xf32> to vector<16xf32>
    tpu.vector_store %arg15[%swap3A_334], %swap3A_337 {strides = array<i32>} : memref<6912xf32, #tpu.memory_space<vmem>>, vector<16xf32>,
    %get3A_338 = arith.constant 320 : index
    %get3A_339 = tpu.vector_load %arg21[%get3A_338] {strides = array<i32>} : memref<432xi32, #tpu.memory_space<vmem>>, vector<16xi32>,
    %get3A_340 = vector.shape_cast %get3A_339 : vector<16xi32> to vector<16xi32>
    %lt3A_341 = arith.constant 0 : i32
    %lt3A_342 = vector.broadcast %lt3A_341 : i32 to vector<16xi32>
    %lt3A_343 = arith.cmpi slt, %get3A_340, %lt3A_342 : vector<16xi32>
    %add3A_344 = arith.constant 16 : i32
    %add3A_345 = vector.broadcast %add3A_344 : i32 to vector<16xi32>
    %add3A_346 = arith.addi %get3A_340, %add3A_345 : vector<16xi32>
    %select_n3A_347 = arith.select %lt3A_343, %add3A_346, %get3A_340 : vector<16xi1>, vector<16xi32>
    %broadcast_in_dim3A_348 = vector.shape_cast %select_n3A_347 : vector<16xi32> to vector<16x1xi32>
    %gather3A_349 = vector.shape_cast %broadcast_in_dim3A_348 : vector<16x1xi32> to vector<16xi32>
    %gather3A_350 = tpu.dynamic_gather %get3A_2[%gather3A_349] in [0] : vector<16xf32>, vector<16xi32> -> vector<16xf32>
    %swap3A_351 = arith.constant 320 : index
    %swap3A_352 = tpu.vector_load %arg15[%swap3A_351] {strides = array<i32>} : memref<6912xf32, #tpu.memory_space<vmem>>, vector<16xf32>,
    %swap3A_353 = vector.shape_cast %swap3A_352 : vector<16xf32> to vector<16xf32>
    %swap3A_354 = vector.shape_cast %gather3A_350 : vector<16xf32> to vector<16xf32>
    tpu.vector_store %arg15[%swap3A_351], %swap3A_354 {strides = array<i32>} : memref<6912xf32, #tpu.memory_space<vmem>>, vector<16xf32>,
    %get3A_355 = arith.constant 336 : index
    %get3A_356 = tpu.vector_load %arg21[%get3A_355] {strides = array<i32>} : memref<432xi32, #tpu.memory_space<vmem>>, vector<16xi32>,
    %get3A_357 = vector.shape_cast %get3A_356 : vector<16xi32> to vector<16xi32>
    %lt3A_358 = arith.constant 0 : i32
    %lt3A_359 = vector.broadcast %lt3A_358 : i32 to vector<16xi32>
    %lt3A_360 = arith.cmpi slt, %get3A_357, %lt3A_359 : vector<16xi32>
    %add3A_361 = arith.constant 16 : i32
    %add3A_362 = vector.broadcast %add3A_361 : i32 to vector<16xi32>
    %add3A_363 = arith.addi %get3A_357, %add3A_362 : vector<16xi32>
    %select_n3A_364 = arith.select %lt3A_360, %add3A_363, %get3A_357 : vector<16xi1>, vector<16xi32>
    %broadcast_in_dim3A_365 = vector.shape_cast %select_n3A_364 : vector<16xi32> to vector<16x1xi32>
    %gather3A_366 = vector.shape_cast %broadcast_in_dim3A_365 : vector<16x1xi32> to vector<16xi32>
    %gather3A_367 = tpu.dynamic_gather %get3A_2[%gather3A_366] in [0] : vector<16xf32>, vector<16xi32> -> vector<16xf32>
    %swap3A_368 = arith.constant 336 : index
    %swap3A_369 = tpu.vector_load %arg15[%swap3A_368] {strides = array<i32>} : memref<6912xf32, #tpu.memory_space<vmem>>, vector<16xf32>,
    %swap3A_370 = vector.shape_cast %swap3A_369 : vector<16xf32> to vector<16xf32>
    %swap3A_371 = vector.shape_cast %gather3A_367 : vector<16xf32> to vector<16xf32>
    tpu.vector_store %arg15[%swap3A_368], %swap3A_371 {strides = array<i32>} : memref<6912xf32, #tpu.memory_space<vmem>>, vector<16xf32>,
    %get3A_372 = arith.constant 352 : index
    %get3A_373 = tpu.vector_load %arg21[%get3A_372] {strides = array<i32>} : memref<432xi32, #tpu.memory_space<vmem>>, vector<16xi32>,
    %get3A_374 = vector.shape_cast %get3A_373 : vector<16xi32> to vector<16xi32>
    %lt3A_375 = arith.constant 0 : i32
    %lt3A_376 = vector.broadcast %lt3A_375 : i32 to vector<16xi32>
    %lt3A_377 = arith.cmpi slt, %get3A_374, %lt3A_376 : vector<16xi32>
    %add3A_378 = arith.constant 16 : i32
    %add3A_379 = vector.broadcast %add3A_378 : i32 to vector<16xi32>
    %add3A_380 = arith.addi %get3A_374, %add3A_379 : vector<16xi32>
    %select_n3A_381 = arith.select %lt3A_377, %add3A_380, %get3A_374 : vector<16xi1>, vector<16xi32>
    %broadcast_in_dim3A_382 = vector.shape_cast %select_n3A_381 : vector<16xi32> to vector<16x1xi32>
    %gather3A_383 = vector.shape_cast %broadcast_in_dim3A_382 : vector<16x1xi32> to vector<16xi32>
    %gather3A_384 = tpu.dynamic_gather %get3A_2[%gather3A_383] in [0] : vector<16xf32>, vector<16xi32> -> vector<16xf32>
    %swap3A_385 = arith.constant 352 : index
    %swap3A_386 = tpu.vector_load %arg15[%swap3A_385] {strides = array<i32>} : memref<6912xf32, #tpu.memory_space<vmem>>, vector<16xf32>,
    %swap3A_387 = vector.shape_cast %swap3A_386 : vector<16xf32> to vector<16xf32>
    %swap3A_388 = vector.shape_cast %gather3A_384 : vector<16xf32> to vector<16xf32>
    tpu.vector_store %arg15[%swap3A_385], %swap3A_388 {strides = array<i32>} : memref<6912xf32, #tpu.memory_space<vmem>>, vector<16xf32>,
    %get3A_389 = arith.constant 368 : index
    %get3A_390 = tpu.vector_load %arg21[%get3A_389] {strides = array<i32>} : memref<432xi32, #tpu.memory_space<vmem>>, vector<16xi32>,
    %get3A_391 = vector.shape_cast %get3A_390 : vector<16xi32> to vector<16xi32>
    %lt3A_392 = arith.constant 0 : i32
    %lt3A_393 = vector.broadcast %lt3A_392 : i32 to vector<16xi32>
    %lt3A_394 = arith.cmpi slt, %get3A_391, %lt3A_393 : vector<16xi32>
    %add3A_395 = arith.constant 16 : i32
    %add3A_396 = vector.broadcast %add3A_395 : i32 to vector<16xi32>
    %add3A_397 = arith.addi %get3A_391, %add3A_396 : vector<16xi32>
    %select_n3A_398 = arith.select %lt3A_394, %add3A_397, %get3A_391 : vector<16xi1>, vector<16xi32>
    %broadcast_in_dim3A_399 = vector.shape_cast %select_n3A_398 : vector<16xi32> to vector<16x1xi32>
    %gather3A_400 = vector.shape_cast %broadcast_in_dim3A_399 : vector<16x1xi32> to vector<16xi32>
    %gather3A_401 = tpu.dynamic_gather %get3A_2[%gather3A_400] in [0] : vector<16xf32>, vector<16xi32> -> vector<16xf32>
    %swap3A_402 = arith.constant 368 : index
    %swap3A_403 = tpu.vector_load %arg15[%swap3A_402] {strides = array<i32>} : memref<6912xf32, #tpu.memory_space<vmem>>, vector<16xf32>,
    %swap3A_404 = vector.shape_cast %swap3A_403 : vector<16xf32> to vector<16xf32>
    %swap3A_405 = vector.shape_cast %gather3A_401 : vector<16xf32> to vector<16xf32>
    tpu.vector_store %arg15[%swap3A_402], %swap3A_405 {strides = array<i32>} : memref<6912xf32, #tpu.memory_space<vmem>>, vector<16xf32>,
    %get3A_406 = arith.constant 384 : index
    %get3A_407 = tpu.vector_load %arg21[%get3A_406] {strides = array<i32>} : memref<432xi32, #tpu.memory_space<vmem>>, vector<16xi32>,
    %get3A_408 = vector.shape_cast %get3A_407 : vector<16xi32> to vector<16xi32>
    %lt3A_409 = arith.constant 0 : i32
    %lt3A_410 = vector.broadcast %lt3A_409 : i32 to vector<16xi32>
    %lt3A_411 = arith.cmpi slt, %get3A_408, %lt3A_410 : vector<16xi32>
    %add3A_412 = arith.constant 16 : i32
    %add3A_413 = vector.broadcast %add3A_412 : i32 to vector<16xi32>
    %add3A_414 = arith.addi %get3A_408, %add3A_413 : vector<16xi32>
    %select_n3A_415 = arith.select %lt3A_411, %add3A_414, %get3A_408 : vector<16xi1>, vector<16xi32>
    %broadcast_in_dim3A_416 = vector.shape_cast %select_n3A_415 : vector<16xi32> to vector<16x1xi32>
    %gather3A_417 = vector.shape_cast %broadcast_in_dim3A_416 : vector<16x1xi32> to vector<16xi32>
    %gather3A_418 = tpu.dynamic_gather %get3A_2[%gather3A_417] in [0] : vector<16xf32>, vector<16xi32> -> vector<16xf32>
    %swap3A_419 = arith.constant 384 : index
    %swap3A_420 = tpu.vector_load %arg15[%swap3A_419] {strides = array<i32>} : memref<6912xf32, #tpu.memory_space<vmem>>, vector<16xf32>,
    %swap3A_421 = vector.shape_cast %swap3A_420 : vector<16xf32> to vector<16xf32>
    %swap3A_422 = vector.shape_cast %gather3A_418 : vector<16xf32> to vector<16xf32>
    tpu.vector_store %arg15[%swap3A_419], %swap3A_422 {strides = array<i32>} : memref<6912xf32, #tpu.memory_space<vmem>>, vector<16xf32>,
    %get3A_423 = arith.constant 400 : index
    %get3A_424 = tpu.vector_load %arg21[%get3A_423] {strides = array<i32>} : memref<432xi32, #tpu.memory_space<vmem>>, vector<16xi32>,
    %get3A_425 = vector.shape_cast %get3A_424 : vector<16xi32> to vector<16xi32>
    %lt3A_426 = arith.constant 0 : i32
    %lt3A_427 = vector.broadcast %lt3A_426 : i32 to vector<16xi32>
    %lt3A_428 = arith.cmpi slt, %get3A_425, %lt3A_427 : vector<16xi32>
    %add3A_429 = arith.constant 16 : i32
    %add3A_430 = vector.broadcast %add3A_429 : i32 to vector<16xi32>
    %add3A_431 = arith.addi %get3A_425, %add3A_430 : vector<16xi32>
    %select_n3A_432 = arith.select %lt3A_428, %add3A_431, %get3A_425 : vector<16xi1>, vector<16xi32>
    %broadcast_in_dim3A_433 = vector.shape_cast %select_n3A_432 : vector<16xi32> to vector<16x1xi32>
    %gather3A_434 = vector.shape_cast %broadcast_in_dim3A_433 : vector<16x1xi32> to vector<16xi32>
    %gather3A_435 = tpu.dynamic_gather %get3A_2[%gather3A_434] in [0] : vector<16xf32>, vector<16xi32> -> vector<16xf32>
    %swap3A_436 = arith.constant 400 : index
    %swap3A_437 = tpu.vector_load %arg15[%swap3A_436] {strides = array<i32>} : memref<6912xf32, #tpu.memory_space<vmem>>, vector<16xf32>,
    %swap3A_438 = vector.shape_cast %swap3A_437 : vector<16xf32> to vector<16xf32>
    %swap3A_439 = vector.shape_cast %gather3A_435 : vector<16xf32> to vector<16xf32>
    tpu.vector_store %arg15[%swap3A_436], %swap3A_439 {strides = array<i32>} : memref<6912xf32, #tpu.memory_space<vmem>>, vector<16xf32>,
    %get3A_440 = arith.constant 416 : index
    %get3A_441 = tpu.vector_load %arg21[%get3A_440] {strides = array<i32>} : memref<432xi32, #tpu.memory_space<vmem>>, vector<16xi32>,
    %get3A_442 = vector.shape_cast %get3A_441 : vector<16xi32> to vector<16xi32>
    %lt3A_443 = arith.constant 0 : i32
    %lt3A_444 = vector.broadcast %lt3A_443 : i32 to vector<16xi32>
    %lt3A_445 = arith.cmpi slt, %get3A_442, %lt3A_444 : vector<16xi32>
    %add3A_446 = arith.constant 16 : i32
    %add3A_447 = vector.broadcast %add3A_446 : i32 to vector<16xi32>
    %add3A_448 = arith.addi %get3A_442, %add3A_447 : vector<16xi32>
    %select_n3A_449 = arith.select %lt3A_445, %add3A_448, %get3A_442 : vector<16xi1>, vector<16xi32>
    %broadcast_in_dim3A_450 = vector.shape_cast %select_n3A_449 : vector<16xi32> to vector<16x1xi32>
    %gather3A_451 = vector.shape_cast %broadcast_in_dim3A_450 : vector<16x1xi32> to vector<16xi32>
    %gather3A_452 = tpu.dynamic_gather %get3A_2[%gather3A_451] in [0] : vector<16xf32>, vector<16xi32> -> vector<16xf32>
    %swap3A_453 = arith.constant 416 : index
    %swap3A_454 = tpu.vector_load %arg15[%swap3A_453] {strides = array<i32>} : memref<6912xf32, #tpu.memory_space<vmem>>, vector<16xf32>,
    %swap3A_455 = vector.shape_cast %swap3A_454 : vector<16xf32> to vector<16xf32>
    %swap3A_456 = vector.shape_cast %gather3A_452 : vector<16xf32> to vector<16xf32>
    tpu.vector_store %arg15[%swap3A_453], %swap3A_456 {strides = array<i32>} : memref<6912xf32, #tpu.memory_space<vmem>>, vector<16xf32>,
    %scan3A = arith.constant 0 : i32
    %scan3A_457 = arith.constant 0 : i32
    %scan3A_458 = arith.constant 27 : i32
    %scan3A_459 = arith.addi %scan3A_457, %scan3A_458 : i32
    %scan3A_460 = arith.constant 1 : i32
    %scan3A_461 = scf.for %scan3A_993 = %scan3A_457 to %scan3A_459 step %scan3A_460 iter_args(%scan3A_994 = %scan3A) -> (i32)  : i32 {
      %mul3A_995 = arith.constant 16 : i32
      %mul3A_996 = arith.muli %mul3A_995, %scan3A_993 : i32
      %get3A_997 = arith.index_cast %mul3A_996 : i32 to index
      %get3A_998 = tpu.vector_load %arg15[%get3A_997] {strides = array<i32>} : memref<6912xf32, #tpu.memory_space<vmem>>, vector<16xf32>,
      %get3A_999 = vector.shape_cast %get3A_998 : vector<16xf32> to vector<16xf32>
      %mul3A_1000 = arith.constant 16 : i32
      %mul3A_1001 = arith.muli %mul3A_1000, %scan3A_993 : i32
      %add3A_1002 = arith.constant 432 : i32
      %add3A_1003 = arith.addi %add3A_1002, %mul3A_1001 : i32
      %swap3A_1004 = arith.index_cast %add3A_1003 : i32 to index
      %swap3A_1005 = tpu.vector_load %arg15[%swap3A_1004] {strides = array<i32>} : memref<6912xf32, #tpu.memory_space<vmem>>, vector<16xf32>,
      %swap3A_1006 = vector.shape_cast %swap3A_1005 : vector<16xf32> to vector<16xf32>
      %swap3A_1007 = vector.shape_cast %get3A_999 : vector<16xf32> to vector<16xf32>
      tpu.vector_store %arg15[%swap3A_1004], %swap3A_1007 {strides = array<i32>} : memref<6912xf32, #tpu.memory_space<vmem>>, vector<16xf32>,
      %scan3A_1008 = arith.constant 0 : i32
      scf.yield %scan3A_1008 : i32
    }
    %scan3A_462 = arith.constant 27 : i32
    %scan3A_463 = arith.constant 0 : i32
    %scan3A_464 = arith.constant 0 : i32
    %scan3A_465 = arith.constant 54 : i32
    %scan3A_466 = arith.addi %scan3A_464, %scan3A_465 : i32
    %scan3A_467 = arith.constant 1 : i32
    %scan3A_468 = scf.for %scan3A_993 = %scan3A_464 to %scan3A_466 step %scan3A_467 iter_args(%scan3A_994 = %scan3A_463) -> (i32)  : i32 {
      %mul3A_995 = arith.constant 16 : i32
      %mul3A_996 = arith.muli %mul3A_995, %scan3A_993 : i32
      %get3A_997 = arith.index_cast %mul3A_996 : i32 to index
      %get3A_998 = tpu.vector_load %arg15[%get3A_997] {strides = array<i32>} : memref<6912xf32, #tpu.memory_space<vmem>>, vector<16xf32>,
      %get3A_999 = vector.shape_cast %get3A_998 : vector<16xf32> to vector<16xf32>
      %mul3A_1000 = arith.constant 16 : i32
      %mul3A_1001 = arith.muli %mul3A_1000, %scan3A_993 : i32
      %add3A_1002 = arith.constant 864 : i32
      %add3A_1003 = arith.addi %add3A_1002, %mul3A_1001 : i32
      %swap3A_1004 = arith.index_cast %add3A_1003 : i32 to index
      %swap3A_1005 = tpu.vector_load %arg15[%swap3A_1004] {strides = array<i32>} : memref<6912xf32, #tpu.memory_space<vmem>>, vector<16xf32>,
      %swap3A_1006 = vector.shape_cast %swap3A_1005 : vector<16xf32> to vector<16xf32>
      %swap3A_1007 = vector.shape_cast %get3A_999 : vector<16xf32> to vector<16xf32>
      tpu.vector_store %arg15[%swap3A_1004], %swap3A_1007 {strides = array<i32>} : memref<6912xf32, #tpu.memory_space<vmem>>, vector<16xf32>,
      %scan3A_1008 = arith.constant 0 : i32
      scf.yield %scan3A_1008 : i32
    }
    %scan3A_469 = arith.constant 54 : i32
    %scan3A_470 = arith.constant 0 : i32
    %scan3A_471 = arith.constant 0 : i32
    %scan3A_472 = arith.constant 108 : i32
    %scan3A_473 = arith.addi %scan3A_471, %scan3A_472 : i32
    %scan3A_474 = arith.constant 1 : i32
    %scan3A_475 = scf.for %scan3A_993 = %scan3A_471 to %scan3A_473 step %scan3A_474 iter_args(%scan3A_994 = %scan3A_470) -> (i32)  : i32 {
      %mul3A_995 = arith.constant 16 : i32
      %mul3A_996 = arith.muli %mul3A_995, %scan3A_993 : i32
      %get3A_997 = arith.index_cast %mul3A_996 : i32 to index
      %get3A_998 = tpu.vector_load %arg15[%get3A_997] {strides = array<i32>} : memref<6912xf32, #tpu.memory_space<vmem>>, vector<16xf32>,
      %get3A_999 = vector.shape_cast %get3A_998 : vector<16xf32> to vector<16xf32>
      %mul3A_1000 = arith.constant 16 : i32
      %mul3A_1001 = arith.muli %mul3A_1000, %scan3A_993 : i32
      %add3A_1002 = arith.constant 1728 : i32
      %add3A_1003 = arith.addi %add3A_1002, %mul3A_1001 : i32
      %swap3A_1004 = arith.index_cast %add3A_1003 : i32 to index
      %swap3A_1005 = tpu.vector_load %arg15[%swap3A_1004] {strides = array<i32>} : memref<6912xf32, #tpu.memory_space<vmem>>, vector<16xf32>,
      %swap3A_1006 = vector.shape_cast %swap3A_1005 : vector<16xf32> to vector<16xf32>
      %swap3A_1007 = vector.shape_cast %get3A_999 : vector<16xf32> to vector<16xf32>
      tpu.vector_store %arg15[%swap3A_1004], %swap3A_1007 {strides = array<i32>} : memref<6912xf32, #tpu.memory_space<vmem>>, vector<16xf32>,
      %scan3A_1008 = arith.constant 0 : i32
      scf.yield %scan3A_1008 : i32
    }
    %scan3A_476 = arith.constant 108 : i32
    %scan3A_477 = arith.constant 0 : i32
    %scan3A_478 = arith.constant 0 : i32
    %scan3A_479 = arith.constant 216 : i32
    %scan3A_480 = arith.addi %scan3A_478, %scan3A_479 : i32
    %scan3A_481 = arith.constant 1 : i32
    %scan3A_482 = scf.for %scan3A_993 = %scan3A_478 to %scan3A_480 step %scan3A_481 iter_args(%scan3A_994 = %scan3A_477) -> (i32)  : i32 {
      %mul3A_995 = arith.constant 16 : i32
      %mul3A_996 = arith.muli %mul3A_995, %scan3A_993 : i32
      %get3A_997 = arith.index_cast %mul3A_996 : i32 to index
      %get3A_998 = tpu.vector_load %arg15[%get3A_997] {strides = array<i32>} : memref<6912xf32, #tpu.memory_space<vmem>>, vector<16xf32>,
      %get3A_999 = vector.shape_cast %get3A_998 : vector<16xf32> to vector<16xf32>
      %mul3A_1000 = arith.constant 16 : i32
      %mul3A_1001 = arith.muli %mul3A_1000, %scan3A_993 : i32
      %add3A_1002 = arith.constant 3456 : i32
      %add3A_1003 = arith.addi %add3A_1002, %mul3A_1001 : i32
      %swap3A_1004 = arith.index_cast %add3A_1003 : i32 to index
      %swap3A_1005 = tpu.vector_load %arg15[%swap3A_1004] {strides = array<i32>} : memref<6912xf32, #tpu.memory_space<vmem>>, vector<16xf32>,
      %swap3A_1006 = vector.shape_cast %swap3A_1005 : vector<16xf32> to vector<16xf32>
      %swap3A_1007 = vector.shape_cast %get3A_999 : vector<16xf32> to vector<16xf32>
      tpu.vector_store %arg15[%swap3A_1004], %swap3A_1007 {strides = array<i32>} : memref<6912xf32, #tpu.memory_space<vmem>>, vector<16xf32>,
      %scan3A_1008 = arith.constant 0 : i32
      scf.yield %scan3A_1008 : i32
    }
    %scan3A_483 = arith.constant 216 : i32
    %scan3A_484 = arith.constant 0 : i32
    %scan3A_485 = arith.constant 0 : i32
    %scan3A_486 = arith.constant 31 : i32
    %scan3A_487 = arith.addi %scan3A_485, %scan3A_486 : i32
    %scan3A_488 = arith.constant 1 : i32
    %scan3A_489 = scf.for %scan3A_993 = %scan3A_485 to %scan3A_487 step %scan3A_488 iter_args(%scan3A_994 = %scan3A_484) -> (i32)  : i32 {
      %mul3A_995 = arith.constant 32 : i32
      %mul3A_996 = arith.muli %mul3A_995, %scan3A_993 : i32
      %add3A_997 = arith.addi %add3A, %mul3A_996 : i32
      %mul3A_998 = arith.constant 6912 : i32
      %mul3A_999 = arith.muli %mul3A_998, %add3A_997 : i32
      %dma_start3A_1000 = tpu.memref_slice %arg8[%mul3A_999] : memref<7122432xf32, #tpu.memory_space<hbm>> -> memref<6912xf32, #tpu.memory_space<hbm>>
      %dma_start3A_1001 = tpu.memref_slice %arg8[%mul3A_999] : memref<7122432xf32, #tpu.memory_space<hbm>> -> memref<6912xf32, #tpu.memory_space<hbm>>
      tpu.enqueue_dma source(%arg15 : memref<6912xf32, #tpu.memory_space<vmem>>) target(%dma_start3A_1001 : memref<6912xf32, #tpu.memory_space<hbm>>) target_semaphore(%arg22 : memref<!tpu.dma_semaphore, #tpu.memory_space<semaphore_mem>>)
      %scan3A_1002 = arith.constant 0 : i32
      scf.yield %scan3A_1002 : i32
    }
    %scan3A_490 = arith.constant 31 : i32
    %lt3A_491 = arith.constant 29 : i32
    %lt3A_492 = arith.cmpi slt, %add3A, %lt3A_491 : i32
    %convert_element_type3A = arith.extui %lt3A_492 : i1 to i32
    %cond3A = arith.constant 0 : i32
    %cond3A_493 = arith.cmpi ne, %convert_element_type3A, %cond3A : i32
    scf.if %cond3A_493 {
      %add3A_993 = arith.constant 992 : i32
      %add3A_994 = arith.addi %add3A, %add3A_993 : i32
      %mul3A_995 = arith.constant 6912 : i32
      %mul3A_996 = arith.muli %mul3A_995, %add3A_994 : i32
      %dma_start3A_997 = tpu.memref_slice %arg8[%mul3A_996] : memref<7122432xf32, #tpu.memory_space<hbm>> -> memref<6912xf32, #tpu.memory_space<hbm>>
      %dma_start3A_998 = tpu.memref_slice %arg8[%mul3A_996] : memref<7122432xf32, #tpu.memory_space<hbm>> -> memref<6912xf32, #tpu.memory_space<hbm>>
      tpu.enqueue_dma source(%arg15 : memref<6912xf32, #tpu.memory_space<vmem>>) target(%dma_start3A_998 : memref<6912xf32, #tpu.memory_space<hbm>>) target_semaphore(%arg22 : memref<!tpu.dma_semaphore, #tpu.memory_space<semaphore_mem>>)
    } else {
    }
    %broadcast_in_dim3A_494 = arith.constant 4 : i32
    %broadcast_in_dim3A_495 = vector.broadcast %broadcast_in_dim3A_494 : i32 to vector<16xi32>
    %lt3A_496 = arith.constant 0 : i32
    %lt3A_497 = vector.broadcast %lt3A_496 : i32 to vector<16xi32>
    %lt3A_498 = arith.cmpi slt, %broadcast_in_dim3A_495, %lt3A_497 : vector<16xi32>
    %add3A_499 = arith.constant 16 : i32
    %add3A_500 = vector.broadcast %add3A_499 : i32 to vector<16xi32>
    %add3A_501 = arith.addi %broadcast_in_dim3A_495, %add3A_500 : vector<16xi32>
    %select_n3A_502 = arith.select %lt3A_498, %add3A_501, %broadcast_in_dim3A_495 : vector<16xi1>, vector<16xi32>
    %broadcast_in_dim3A_503 = vector.shape_cast %select_n3A_502 : vector<16xi32> to vector<16x1xi32>
    %gather3A_504 = vector.shape_cast %broadcast_in_dim3A_503 : vector<16x1xi32> to vector<16xi32>
    %gather3A_505 = tpu.dynamic_gather %get3A_2[%gather3A_504] in [0] : vector<16xf32>, vector<16xi32> -> vector<16xf32>
    %scan3A_506 = arith.constant 0 : i32
    %scan3A_507 = arith.constant 0 : i32
    %scan3A_508 = arith.constant 128 : i32
    %scan3A_509 = arith.addi %scan3A_507, %scan3A_508 : i32
    %scan3A_510 = arith.constant 1 : i32
    %scan3A_511 = scf.for %scan3A_993 = %scan3A_507 to %scan3A_509 step %scan3A_510 iter_args(%scan3A_994 = %scan3A_506) -> (i32)  : i32 {
      %mul3A_995 = arith.constant 16 : i32
      %mul3A_996 = arith.muli %mul3A_995, %scan3A_993 : i32
      %swap3A_997 = arith.index_cast %mul3A_996 : i32 to index
      %swap3A_998 = tpu.vector_load %arg18[%swap3A_997] {strides = array<i32>} : memref<2048xf32, #tpu.memory_space<vmem>>, vector<16xf32>,
      %swap3A_999 = vector.shape_cast %swap3A_998 : vector<16xf32> to vector<16xf32>
      %swap3A_1000 = vector.shape_cast %gather3A_505 : vector<16xf32> to vector<16xf32>
      tpu.vector_store %arg18[%swap3A_997], %swap3A_1000 {strides = array<i32>} : memref<2048xf32, #tpu.memory_space<vmem>>, vector<16xf32>,
      %scan3A_1001 = arith.constant 0 : i32
      scf.yield %scan3A_1001 : i32
    }
    %scan3A_512 = arith.constant 128 : i32
    %mul3A_513 = arith.constant 2040 : i32
    %mul3A_514 = arith.muli %mul3A_513, %add3A : i32
    %add3A_515 = arith.constant 1020 : i32
    %add3A_516 = arith.addi %mul3A_514, %add3A_515 : i32
    %mul3A_517 = arith.constant 2040 : i32
    %mul3A_518 = arith.muli %mul3A_517, %add3A : i32
    %add3A_519 = arith.constant 2040 : i32
    %add3A_520 = arith.addi %mul3A_518, %add3A_519 : i32
    %scan3A_521 = arith.constant 0 : i32
    %scan3A_522 = arith.constant 0 : i32
    %scan3A_523 = arith.constant 128 : i32
    %scan3A_524 = arith.addi %scan3A_522, %scan3A_523 : i32
    %scan3A_525 = arith.constant 1 : i32
    %scan3A_526 = scf.for %scan3A_993 = %scan3A_522 to %scan3A_524 step %scan3A_525 iter_args(%scan3A_994 = %scan3A_521) -> (i32)  : i32 {
      %mul3A_995 = arith.constant 2048 : i32
      %mul3A_996 = arith.muli %mul3A_995, %add3A : i32
      %mul3A_997 = arith.constant 16 : i32
      %mul3A_998 = arith.muli %mul3A_997, %scan3A_993 : i32
      %add3A_999 = arith.addi %mul3A_996, %mul3A_998 : i32
      %broadcast_in_dim3A_1000 = vector.broadcast %add3A_999 : i32 to vector<16xi32>
      %add3A_1001 = arith.addi %broadcast_in_dim3A_1000, %iota3A : vector<16xi32>
      %sub3A = arith.constant 1 : i32
      %sub3A_1002 = arith.subi %add3A_516, %sub3A : i32
      %sub3A_1003 = vector.broadcast %sub3A_1002 : i32 to vector<16xi32>
      %sub3A_1004 = arith.subi %add3A_1001, %sub3A_1003 : vector<16xi32>
      %max3A = arith.constant 0 : i32
      %max3A_1005 = vector.broadcast %max3A : i32 to vector<16xi32>
      %max3A_1006 = arith.maxsi %sub3A_1004, %max3A_1005 : vector<16xi32>
      %min3A = arith.constant 1 : i32
      %min3A_1007 = vector.broadcast %min3A : i32 to vector<16xi32>
      %min3A_1008 = arith.minsi %max3A_1006, %min3A_1007 : vector<16xi32>
      %sub3A_1009 = arith.constant 1 : i32
      %sub3A_1010 = arith.subi %add3A_520, %sub3A_1009 : i32
      %sub3A_1011 = vector.broadcast %sub3A_1010 : i32 to vector<16xi32>
      %sub3A_1012 = arith.subi %add3A_1001, %sub3A_1011 : vector<16xi32>
      %max3A_1013 = arith.constant 0 : i32
      %max3A_1014 = vector.broadcast %max3A_1013 : i32 to vector<16xi32>
      %max3A_1015 = arith.maxsi %sub3A_1012, %max3A_1014 : vector<16xi32>
      %min3A_1016 = arith.constant 1 : i32
      %min3A_1017 = vector.broadcast %min3A_1016 : i32 to vector<16xi32>
      %min3A_1018 = arith.minsi %max3A_1015, %min3A_1017 : vector<16xi32>
      %mul3A_1019 = arith.constant 16 : i32
      %mul3A_1020 = vector.broadcast %mul3A_1019 : i32 to vector<16xi32>
      %mul3A_1021 = arith.muli %mul3A_1020, %add3A_1001 : vector<16xi32>
      %mul3A_1022 = arith.constant 32 : i32
      %mul3A_1023 = arith.muli %mul3A_1022, %add3A : i32
      %add3A_1024 = arith.constant 15 : i32
      %add3A_1025 = arith.addi %mul3A_1023, %add3A_1024 : i32
      %add3A_1026 = vector.broadcast %add3A_1025 : i32 to vector<16xi32>
      %add3A_1027 = arith.addi %mul3A_1021, %add3A_1026 : vector<16xi32>
      %mul3A_1028 = arith.constant 16 : i32
      %mul3A_1029 = vector.broadcast %mul3A_1028 : i32 to vector<16xi32>
      %mul3A_1030 = arith.muli %mul3A_1029, %min3A_1008 : vector<16xi32>
      %add3A_1031 = arith.addi %add3A_1027, %mul3A_1030 : vector<16xi32>
      %mul3A_1032 = arith.constant 16 : i32
      %mul3A_1033 = vector.broadcast %mul3A_1032 : i32 to vector<16xi32>
      %mul3A_1034 = arith.muli %mul3A_1033, %min3A_1018 : vector<16xi32>
      %add3A_1035 = arith.addi %add3A_1031, %mul3A_1034 : vector<16xi32>
      %mul3A_1036 = arith.constant 16 : i32
      %mul3A_1037 = arith.muli %mul3A_1036, %scan3A_993 : i32
      %swap3A_1038 = arith.constant 0 : i32
      %swap3A_1039 = arith.index_cast %swap3A_1038 : i32 to index
      %swap3A_1040 = arith.index_cast %mul3A_1037 : i32 to index
      %swap3A_1041 = tpu.vector_load %arg17[%swap3A_1039, %swap3A_1040] {strides = array<i32>} : memref<2x2048xi32, #tpu.memory_space<vmem>>, vector<1x16xi32>,
      %swap3A_1042 = vector.shape_cast %swap3A_1041 : vector<1x16xi32> to vector<16xi32>
      %swap3A_1043 = vector.shape_cast %add3A_1035 : vector<16xi32> to vector<1x16xi32>
      tpu.vector_store %arg17[%swap3A_1039, %swap3A_1040], %swap3A_1043 {strides = array<i32>} : memref<2x2048xi32, #tpu.memory_space<vmem>>, vector<1x16xi32>,
      %add3A_1044 = arith.constant 1 : i32
      %add3A_1045 = vector.broadcast %add3A_1044 : i32 to vector<16xi32>
      %add3A_1046 = arith.addi %add3A_1035, %add3A_1045 : vector<16xi32>
      %mul3A_1047 = arith.constant 16 : i32
      %mul3A_1048 = arith.muli %mul3A_1047, %scan3A_993 : i32
      %swap3A_1049 = arith.constant 1 : i32
      %swap3A_1050 = arith.index_cast %swap3A_1049 : i32 to index
      %swap3A_1051 = arith.index_cast %mul3A_1048 : i32 to index
      %swap3A_1052 = tpu.vector_load %arg17[%swap3A_1050, %swap3A_1051] {strides = array<i32>} : memref<2x2048xi32, #tpu.memory_space<vmem>>, vector<1x16xi32>,
      %swap3A_1053 = vector.shape_cast %swap3A_1052 : vector<1x16xi32> to vector<16xi32>
      %swap3A_1054 = vector.shape_cast %add3A_1046 : vector<16xi32> to vector<1x16xi32>
      tpu.vector_store %arg17[%swap3A_1050, %swap3A_1051], %swap3A_1054 {strides = array<i32>} : memref<2x2048xi32, #tpu.memory_space<vmem>>, vector<1x16xi32>,
      %scan3A_1055 = arith.constant 0 : i32
      scf.yield %scan3A_1055 : i32
    }
    %scan3A_527 = arith.constant 128 : i32
    %lt3A_528 = arith.constant 31 : i32
    %lt3A_529 = arith.cmpi slt, %add3A, %lt3A_528 : i32
    %convert_element_type3A_530 = arith.extui %lt3A_529 : i1 to i32
    %cond3A_531 = arith.constant 0 : i32
    %cond3A_532 = arith.cmpi ne, %convert_element_type3A_530, %cond3A_531 : i32
    scf.if %cond3A_532 {
      %mul3A_993 = arith.constant 2048 : i32
      %mul3A_994 = arith.muli %mul3A_993, %add3A : i32
      %add3A_995 = arith.constant 7057152 : i32
      %add3A_996 = arith.addi %add3A_995, %mul3A_994 : i32
      "tpu.region"() ({
        %run_scoped3A = tpu.sem_alloc : memref<!tpu.dma_semaphore, #tpu.memory_space<semaphore_mem>>
        %dma_start3A_1001 = arith.constant 0 : i32
        %dma_start3A_1002 = tpu.memref_slice %arg7[%dma_start3A_1001, %add3A_996] : memref<2x7122432xi32, #tpu.memory_space<hbm>> -> memref<2x2048xi32, #tpu.memory_space<hbm>>
        %dma_start3A_1003 = arith.constant 0 : i32
        %dma_start3A_1004 = tpu.memref_slice %arg7[%dma_start3A_1003, %add3A_996] : memref<2x7122432xi32, #tpu.memory_space<hbm>> -> memref<2x2048xi32, #tpu.memory_space<hbm>>
        tpu.enqueue_dma source(%arg17 : memref<2x2048xi32, #tpu.memory_space<vmem>>) target(%dma_start3A_1004 : memref<2x2048xi32, #tpu.memory_space<hbm>>) target_semaphore(%run_scoped3A : memref<!tpu.dma_semaphore, #tpu.memory_space<semaphore_mem>>)
        %dma_wait3A_1005 = arith.constant 0 : i32
        %dma_wait3A_1006 = tpu.memref_slice %arg7[%dma_wait3A_1005, %add3A_996] : memref<2x7122432xi32, #tpu.memory_space<hbm>> -> memref<2x2048xi32, #tpu.memory_space<hbm>>
        %dma_wait3A_1007 = arith.constant 0 : i32
        %dma_wait3A_1008 = tpu.memref_slice %arg7[%dma_wait3A_1007, %add3A_996] : memref<2x7122432xi32, #tpu.memory_space<hbm>> -> memref<2x2048xi32, #tpu.memory_space<hbm>>
        tpu.wait_dma2 semaphore(%run_scoped3A : memref<!tpu.dma_semaphore, #tpu.memory_space<semaphore_mem>>) src(%arg17 : memref<2x2048xi32, #tpu.memory_space<vmem>>) dst(%dma_wait3A_1008 : memref<2x2048xi32, #tpu.memory_space<hbm>>)
        tpu.yield
      }) : () -> ()
      %mul3A_997 = arith.constant 2048 : i32
      %mul3A_998 = arith.muli %mul3A_997, %add3A : i32
      %add3A_999 = arith.constant 7057152 : i32
      %add3A_1000 = arith.addi %add3A_999, %mul3A_998 : i32
      "tpu.region"() ({
        %run_scoped3A = tpu.sem_alloc : memref<!tpu.dma_semaphore, #tpu.memory_space<semaphore_mem>>
        %dma_start3A_1001 = tpu.memref_slice %arg8[%add3A_1000] : memref<7122432xf32, #tpu.memory_space<hbm>> -> memref<2048xf32, #tpu.memory_space<hbm>>
        %dma_start3A_1002 = tpu.memref_slice %arg8[%add3A_1000] : memref<7122432xf32, #tpu.memory_space<hbm>> -> memref<2048xf32, #tpu.memory_space<hbm>>
        tpu.enqueue_dma source(%arg18 : memref<2048xf32, #tpu.memory_space<vmem>>) target(%dma_start3A_1002 : memref<2048xf32, #tpu.memory_space<hbm>>) target_semaphore(%run_scoped3A : memref<!tpu.dma_semaphore, #tpu.memory_space<semaphore_mem>>)
        %dma_wait3A_1003 = tpu.memref_slice %arg8[%add3A_1000] : memref<7122432xf32, #tpu.memory_space<hbm>> -> memref<2048xf32, #tpu.memory_space<hbm>>
        %dma_wait3A_1004 = tpu.memref_slice %arg8[%add3A_1000] : memref<7122432xf32, #tpu.memory_space<hbm>> -> memref<2048xf32, #tpu.memory_space<hbm>>
        tpu.wait_dma2 semaphore(%run_scoped3A : memref<!tpu.dma_semaphore, #tpu.memory_space<semaphore_mem>>) src(%arg18 : memref<2048xf32, #tpu.memory_space<vmem>>) dst(%dma_wait3A_1004 : memref<2048xf32, #tpu.memory_space<hbm>>)
        tpu.yield
      }) : () -> ()
    } else {
    }
    %eq3A = arith.constant 31 : i32
    %eq3A_533 = arith.cmpi eq, %add3A, %eq3A : i32
    %convert_element_type3A_534 = arith.extui %eq3A_533 : i1 to i32
    %cond3A_535 = arith.constant 0 : i32
    %cond3A_536 = arith.cmpi ne, %convert_element_type3A_534, %cond3A_535 : i32
    scf.if %cond3A_536 {
      "tpu.region"() ({
        %run_scoped3A = tpu.sem_alloc : memref<!tpu.dma_semaphore, #tpu.memory_space<semaphore_mem>>
        %dma_start3A_993 = arith.constant 0 : i32
        %dma_start3A_994 = arith.constant 0 : i32
        %dma_start3A_995 = tpu.memref_slice %arg17[%dma_start3A_993, %dma_start3A_994] : memref<2x2048xi32, #tpu.memory_space<vmem>> -> memref<2x1792xi32, #tpu.memory_space<vmem>>
        %dma_start3A_996 = arith.constant 0 : i32
        %dma_start3A_997 = arith.constant 7120640 : i32
        %dma_start3A_998 = tpu.memref_slice %arg7[%dma_start3A_996, %dma_start3A_997] : memref<2x7122432xi32, #tpu.memory_space<hbm>> -> memref<2x1792xi32, #tpu.memory_space<hbm>>
        %dma_start3A_999 = arith.constant 0 : i32
        %dma_start3A_1000 = arith.constant 7120640 : i32
        %dma_start3A_1001 = tpu.memref_slice %arg7[%dma_start3A_999, %dma_start3A_1000] : memref<2x7122432xi32, #tpu.memory_space<hbm>> -> memref<2x1792xi32, #tpu.memory_space<hbm>>
        %dma_start3A_1002 = arith.constant 0 : i32
        %dma_start3A_1003 = arith.constant 0 : i32
        %dma_start3A_1004 = tpu.memref_slice %arg17[%dma_start3A_1002, %dma_start3A_1003] : memref<2x2048xi32, #tpu.memory_space<vmem>> -> memref<2x1792xi32, #tpu.memory_space<vmem>>
        tpu.enqueue_dma source(%dma_start3A_1004 : memref<2x1792xi32, #tpu.memory_space<vmem>>) target(%dma_start3A_1001 : memref<2x1792xi32, #tpu.memory_space<hbm>>) target_semaphore(%run_scoped3A : memref<!tpu.dma_semaphore, #tpu.memory_space<semaphore_mem>>)
        %dma_wait3A_1005 = arith.constant 0 : i32
        %dma_wait3A_1006 = arith.constant 0 : i32
        %dma_wait3A_1007 = tpu.memref_slice %arg17[%dma_wait3A_1005, %dma_wait3A_1006] : memref<2x2048xi32, #tpu.memory_space<vmem>> -> memref<2x1792xi32, #tpu.memory_space<vmem>>
        %dma_wait3A_1008 = arith.constant 0 : i32
        %dma_wait3A_1009 = arith.constant 7120640 : i32
        %dma_wait3A_1010 = tpu.memref_slice %arg7[%dma_wait3A_1008, %dma_wait3A_1009] : memref<2x7122432xi32, #tpu.memory_space<hbm>> -> memref<2x1792xi32, #tpu.memory_space<hbm>>
        %dma_wait3A_1011 = arith.constant 0 : i32
        %dma_wait3A_1012 = arith.constant 7120640 : i32
        %dma_wait3A_1013 = tpu.memref_slice %arg7[%dma_wait3A_1011, %dma_wait3A_1012] : memref<2x7122432xi32, #tpu.memory_space<hbm>> -> memref<2x1792xi32, #tpu.memory_space<hbm>>
        %dma_wait3A_1014 = arith.constant 0 : i32
        %dma_wait3A_1015 = arith.constant 0 : i32
        %dma_wait3A_1016 = tpu.memref_slice %arg17[%dma_wait3A_1014, %dma_wait3A_1015] : memref<2x2048xi32, #tpu.memory_space<vmem>> -> memref<2x1792xi32, #tpu.memory_space<vmem>>
        tpu.wait_dma2 semaphore(%run_scoped3A : memref<!tpu.dma_semaphore, #tpu.memory_space<semaphore_mem>>) src(%dma_wait3A_1016 : memref<2x1792xi32, #tpu.memory_space<vmem>>) dst(%dma_wait3A_1013 : memref<2x1792xi32, #tpu.memory_space<hbm>>)
        tpu.yield
      }) : () -> ()
      "tpu.region"() ({
        %run_scoped3A = tpu.sem_alloc : memref<!tpu.dma_semaphore, #tpu.memory_space<semaphore_mem>>
        %dma_start3A_993 = arith.constant 0 : i32
        %dma_start3A_994 = tpu.memref_slice %arg18[%dma_start3A_993] : memref<2048xf32, #tpu.memory_space<vmem>> -> memref<1792xf32, #tpu.memory_space<vmem>>
        %dma_start3A_995 = arith.constant 7120640 : i32
        %dma_start3A_996 = tpu.memref_slice %arg8[%dma_start3A_995] : memref<7122432xf32, #tpu.memory_space<hbm>> -> memref<1792xf32, #tpu.memory_space<hbm>>
        %dma_start3A_997 = arith.constant 7120640 : i32
        %dma_start3A_998 = tpu.memref_slice %arg8[%dma_start3A_997] : memref<7122432xf32, #tpu.memory_space<hbm>> -> memref<1792xf32, #tpu.memory_space<hbm>>
        %dma_start3A_999 = arith.constant 0 : i32
        %dma_start3A_1000 = tpu.memref_slice %arg18[%dma_start3A_999] : memref<2048xf32, #tpu.memory_space<vmem>> -> memref<1792xf32, #tpu.memory_space<vmem>>
        tpu.enqueue_dma source(%dma_start3A_1000 : memref<1792xf32, #tpu.memory_space<vmem>>) target(%dma_start3A_998 : memref<1792xf32, #tpu.memory_space<hbm>>) target_semaphore(%run_scoped3A : memref<!tpu.dma_semaphore, #tpu.memory_space<semaphore_mem>>)
        %dma_wait3A_1001 = arith.constant 0 : i32
        %dma_wait3A_1002 = tpu.memref_slice %arg18[%dma_wait3A_1001] : memref<2048xf32, #tpu.memory_space<vmem>> -> memref<1792xf32, #tpu.memory_space<vmem>>
        %dma_wait3A_1003 = arith.constant 7120640 : i32
        %dma_wait3A_1004 = tpu.memref_slice %arg8[%dma_wait3A_1003] : memref<7122432xf32, #tpu.memory_space<hbm>> -> memref<1792xf32, #tpu.memory_space<hbm>>
        %dma_wait3A_1005 = arith.constant 7120640 : i32
        %dma_wait3A_1006 = tpu.memref_slice %arg8[%dma_wait3A_1005] : memref<7122432xf32, #tpu.memory_space<hbm>> -> memref<1792xf32, #tpu.memory_space<hbm>>
        %dma_wait3A_1007 = arith.constant 0 : i32
        %dma_wait3A_1008 = tpu.memref_slice %arg18[%dma_wait3A_1007] : memref<2048xf32, #tpu.memory_space<vmem>> -> memref<1792xf32, #tpu.memory_space<vmem>>
        tpu.wait_dma2 semaphore(%run_scoped3A : memref<!tpu.dma_semaphore, #tpu.memory_space<semaphore_mem>>) src(%dma_wait3A_1008 : memref<1792xf32, #tpu.memory_space<vmem>>) dst(%dma_wait3A_1006 : memref<1792xf32, #tpu.memory_space<hbm>>)
        tpu.yield
      }) : () -> ()
    } else {
    }
    %mul3A_537 = arith.constant 2042 : i32
    %mul3A_538 = arith.muli %mul3A_537, %add3A : i32
    %add3A_539 = arith.constant 0 : i32
    %add3A_540 = arith.addi %mul3A_538, %add3A_539 : i32
    %scan3A_541 = arith.constant 0 : i32
    %scan3A_542 = arith.constant 0 : i32
    %scan3A_543 = arith.constant 512 : i32
    %scan3A_544 = arith.addi %scan3A_542, %scan3A_543 : i32
    %scan3A_545 = arith.constant 1 : i32
    %scan3A_546 = scf.for %scan3A_993 = %scan3A_542 to %scan3A_544 step %scan3A_545 iter_args(%scan3A_994 = %scan3A_541) -> (i32)  : i32 {
      %add3A_995 = arith.addi %add3A_540, %scan3A_993 : i32
      %broadcast_in_dim3A_996 = vector.broadcast %add3A_995 : i32 to vector<16xi32>
      %mul3A_997 = arith.constant 16 : i32
      %mul3A_998 = arith.muli %mul3A_997, %scan3A_993 : i32
      %swap3A_999 = arith.index_cast %mul3A_998 : i32 to index
      %swap3A_1000 = tpu.vector_load %arg16[%swap3A_999] {strides = array<i32>} : memref<8192xi32, #tpu.memory_space<vmem>>, vector<16xi32>,
      %swap3A_1001 = vector.shape_cast %swap3A_1000 : vector<16xi32> to vector<16xi32>
      %swap3A_1002 = vector.shape_cast %broadcast_in_dim3A_996 : vector<16xi32> to vector<16xi32>
      tpu.vector_store %arg16[%swap3A_999], %swap3A_1002 {strides = array<i32>} : memref<8192xi32, #tpu.memory_space<vmem>>, vector<16xi32>,
      %scan3A_1003 = arith.constant 0 : i32
      scf.yield %scan3A_1003 : i32
    }
    %scan3A_547 = arith.constant 512 : i32
    %mul3A_548 = arith.constant 32672 : i32
    %mul3A_549 = arith.muli %mul3A_548, %add3A : i32
    %add3A_550 = arith.constant 0 : i32
    %add3A_551 = arith.addi %mul3A_549, %add3A_550 : i32
    "tpu.region"() ({
      %run_scoped3A = tpu.sem_alloc : memref<!tpu.dma_semaphore, #tpu.memory_space<semaphore_mem>>
      %dma_start3A_993 = arith.constant 0 : i32
      %dma_start3A_994 = tpu.memref_slice %arg16[%dma_start3A_993] : memref<8192xi32, #tpu.memory_space<vmem>> -> memref<8192xi32, #tpu.memory_space<vmem>>
      %dma_start3A_995 = tpu.memref_slice %arg9[%add3A_551] : memref<1045504xi32, #tpu.memory_space<hbm>> -> memref<8192xi32, #tpu.memory_space<hbm>>
      %dma_start3A_996 = tpu.memref_slice %arg9[%add3A_551] : memref<1045504xi32, #tpu.memory_space<hbm>> -> memref<8192xi32, #tpu.memory_space<hbm>>
      %dma_start3A_997 = arith.constant 0 : i32
      %dma_start3A_998 = tpu.memref_slice %arg16[%dma_start3A_997] : memref<8192xi32, #tpu.memory_space<vmem>> -> memref<8192xi32, #tpu.memory_space<vmem>>
      tpu.enqueue_dma source(%dma_start3A_998 : memref<8192xi32, #tpu.memory_space<vmem>>) target(%dma_start3A_996 : memref<8192xi32, #tpu.memory_space<hbm>>) target_semaphore(%run_scoped3A : memref<!tpu.dma_semaphore, #tpu.memory_space<semaphore_mem>>)
      %dma_wait3A_999 = arith.constant 0 : i32
      %dma_wait3A_1000 = tpu.memref_slice %arg16[%dma_wait3A_999] : memref<8192xi32, #tpu.memory_space<vmem>> -> memref<8192xi32, #tpu.memory_space<vmem>>
      %dma_wait3A_1001 = tpu.memref_slice %arg9[%add3A_551] : memref<1045504xi32, #tpu.memory_space<hbm>> -> memref<8192xi32, #tpu.memory_space<hbm>>
      %dma_wait3A_1002 = tpu.memref_slice %arg9[%add3A_551] : memref<1045504xi32, #tpu.memory_space<hbm>> -> memref<8192xi32, #tpu.memory_space<hbm>>
      %dma_wait3A_1003 = arith.constant 0 : i32
      %dma_wait3A_1004 = tpu.memref_slice %arg16[%dma_wait3A_1003] : memref<8192xi32, #tpu.memory_space<vmem>> -> memref<8192xi32, #tpu.memory_space<vmem>>
      tpu.wait_dma2 semaphore(%run_scoped3A : memref<!tpu.dma_semaphore, #tpu.memory_space<semaphore_mem>>) src(%dma_wait3A_1004 : memref<8192xi32, #tpu.memory_space<vmem>>) dst(%dma_wait3A_1002 : memref<8192xi32, #tpu.memory_space<hbm>>)
      tpu.yield
    }) : () -> ()
    %mul3A_552 = arith.constant 2042 : i32
    %mul3A_553 = arith.muli %mul3A_552, %add3A : i32
    %add3A_554 = arith.constant 512 : i32
    %add3A_555 = arith.addi %mul3A_553, %add3A_554 : i32
    %scan3A_556 = arith.constant 0 : i32
    %scan3A_557 = arith.constant 0 : i32
    %scan3A_558 = arith.constant 512 : i32
    %scan3A_559 = arith.addi %scan3A_557, %scan3A_558 : i32
    %scan3A_560 = arith.constant 1 : i32
    %scan3A_561 = scf.for %scan3A_993 = %scan3A_557 to %scan3A_559 step %scan3A_560 iter_args(%scan3A_994 = %scan3A_556) -> (i32)  : i32 {
      %add3A_995 = arith.addi %add3A_555, %scan3A_993 : i32
      %broadcast_in_dim3A_996 = vector.broadcast %add3A_995 : i32 to vector<16xi32>
      %mul3A_997 = arith.constant 16 : i32
      %mul3A_998 = arith.muli %mul3A_997, %scan3A_993 : i32
      %swap3A_999 = arith.index_cast %mul3A_998 : i32 to index
      %swap3A_1000 = tpu.vector_load %arg16[%swap3A_999] {strides = array<i32>} : memref<8192xi32, #tpu.memory_space<vmem>>, vector<16xi32>,
      %swap3A_1001 = vector.shape_cast %swap3A_1000 : vector<16xi32> to vector<16xi32>
      %swap3A_1002 = vector.shape_cast %broadcast_in_dim3A_996 : vector<16xi32> to vector<16xi32>
      tpu.vector_store %arg16[%swap3A_999], %swap3A_1002 {strides = array<i32>} : memref<8192xi32, #tpu.memory_space<vmem>>, vector<16xi32>,
      %scan3A_1003 = arith.constant 0 : i32
      scf.yield %scan3A_1003 : i32
    }
    %scan3A_562 = arith.constant 512 : i32
    %mul3A_563 = arith.constant 32672 : i32
    %mul3A_564 = arith.muli %mul3A_563, %add3A : i32
    %add3A_565 = arith.constant 8192 : i32
    %add3A_566 = arith.addi %mul3A_564, %add3A_565 : i32
    "tpu.region"() ({
      %run_scoped3A = tpu.sem_alloc : memref<!tpu.dma_semaphore, #tpu.memory_space<semaphore_mem>>
      %dma_start3A_993 = arith.constant 0 : i32
      %dma_start3A_994 = tpu.memref_slice %arg16[%dma_start3A_993] : memref<8192xi32, #tpu.memory_space<vmem>> -> memref<8192xi32, #tpu.memory_space<vmem>>
      %dma_start3A_995 = tpu.memref_slice %arg9[%add3A_566] : memref<1045504xi32, #tpu.memory_space<hbm>> -> memref<8192xi32, #tpu.memory_space<hbm>>
      %dma_start3A_996 = tpu.memref_slice %arg9[%add3A_566] : memref<1045504xi32, #tpu.memory_space<hbm>> -> memref<8192xi32, #tpu.memory_space<hbm>>
      %dma_start3A_997 = arith.constant 0 : i32
      %dma_start3A_998 = tpu.memref_slice %arg16[%dma_start3A_997] : memref<8192xi32, #tpu.memory_space<vmem>> -> memref<8192xi32, #tpu.memory_space<vmem>>
      tpu.enqueue_dma source(%dma_start3A_998 : memref<8192xi32, #tpu.memory_space<vmem>>) target(%dma_start3A_996 : memref<8192xi32, #tpu.memory_space<hbm>>) target_semaphore(%run_scoped3A : memref<!tpu.dma_semaphore, #tpu.memory_space<semaphore_mem>>)
      %dma_wait3A_999 = arith.constant 0 : i32
      %dma_wait3A_1000 = tpu.memref_slice %arg16[%dma_wait3A_999] : memref<8192xi32, #tpu.memory_space<vmem>> -> memref<8192xi32, #tpu.memory_space<vmem>>
      %dma_wait3A_1001 = tpu.memref_slice %arg9[%add3A_566] : memref<1045504xi32, #tpu.memory_space<hbm>> -> memref<8192xi32, #tpu.memory_space<hbm>>
      %dma_wait3A_1002 = tpu.memref_slice %arg9[%add3A_566] : memref<1045504xi32, #tpu.memory_space<hbm>> -> memref<8192xi32, #tpu.memory_space<hbm>>
      %dma_wait3A_1003 = arith.constant 0 : i32
      %dma_wait3A_1004 = tpu.memref_slice %arg16[%dma_wait3A_1003] : memref<8192xi32, #tpu.memory_space<vmem>> -> memref<8192xi32, #tpu.memory_space<vmem>>
      tpu.wait_dma2 semaphore(%run_scoped3A : memref<!tpu.dma_semaphore, #tpu.memory_space<semaphore_mem>>) src(%dma_wait3A_1004 : memref<8192xi32, #tpu.memory_space<vmem>>) dst(%dma_wait3A_1002 : memref<8192xi32, #tpu.memory_space<hbm>>)
      tpu.yield
    }) : () -> ()
    %mul3A_567 = arith.constant 2042 : i32
    %mul3A_568 = arith.muli %mul3A_567, %add3A : i32
    %add3A_569 = arith.constant 1024 : i32
    %add3A_570 = arith.addi %mul3A_568, %add3A_569 : i32
    %scan3A_571 = arith.constant 0 : i32
    %scan3A_572 = arith.constant 0 : i32
    %scan3A_573 = arith.constant 512 : i32
    %scan3A_574 = arith.addi %scan3A_572, %scan3A_573 : i32
    %scan3A_575 = arith.constant 1 : i32
    %scan3A_576 = scf.for %scan3A_993 = %scan3A_572 to %scan3A_574 step %scan3A_575 iter_args(%scan3A_994 = %scan3A_571) -> (i32)  : i32 {
      %add3A_995 = arith.addi %add3A_570, %scan3A_993 : i32
      %broadcast_in_dim3A_996 = vector.broadcast %add3A_995 : i32 to vector<16xi32>
      %mul3A_997 = arith.constant 16 : i32
      %mul3A_998 = arith.muli %mul3A_997, %scan3A_993 : i32
      %swap3A_999 = arith.index_cast %mul3A_998 : i32 to index
      %swap3A_1000 = tpu.vector_load %arg16[%swap3A_999] {strides = array<i32>} : memref<8192xi32, #tpu.memory_space<vmem>>, vector<16xi32>,
      %swap3A_1001 = vector.shape_cast %swap3A_1000 : vector<16xi32> to vector<16xi32>
      %swap3A_1002 = vector.shape_cast %broadcast_in_dim3A_996 : vector<16xi32> to vector<16xi32>
      tpu.vector_store %arg16[%swap3A_999], %swap3A_1002 {strides = array<i32>} : memref<8192xi32, #tpu.memory_space<vmem>>, vector<16xi32>,
      %scan3A_1003 = arith.constant 0 : i32
      scf.yield %scan3A_1003 : i32
    }
    %scan3A_577 = arith.constant 512 : i32
    %mul3A_578 = arith.constant 32672 : i32
    %mul3A_579 = arith.muli %mul3A_578, %add3A : i32
    %add3A_580 = arith.constant 16384 : i32
    %add3A_581 = arith.addi %mul3A_579, %add3A_580 : i32
    "tpu.region"() ({
      %run_scoped3A = tpu.sem_alloc : memref<!tpu.dma_semaphore, #tpu.memory_space<semaphore_mem>>
      %dma_start3A_993 = arith.constant 0 : i32
      %dma_start3A_994 = tpu.memref_slice %arg16[%dma_start3A_993] : memref<8192xi32, #tpu.memory_space<vmem>> -> memref<8192xi32, #tpu.memory_space<vmem>>
      %dma_start3A_995 = tpu.memref_slice %arg9[%add3A_581] : memref<1045504xi32, #tpu.memory_space<hbm>> -> memref<8192xi32, #tpu.memory_space<hbm>>
      %dma_start3A_996 = tpu.memref_slice %arg9[%add3A_581] : memref<1045504xi32, #tpu.memory_space<hbm>> -> memref<8192xi32, #tpu.memory_space<hbm>>
      %dma_start3A_997 = arith.constant 0 : i32
      %dma_start3A_998 = tpu.memref_slice %arg16[%dma_start3A_997] : memref<8192xi32, #tpu.memory_space<vmem>> -> memref<8192xi32, #tpu.memory_space<vmem>>
      tpu.enqueue_dma source(%dma_start3A_998 : memref<8192xi32, #tpu.memory_space<vmem>>) target(%dma_start3A_996 : memref<8192xi32, #tpu.memory_space<hbm>>) target_semaphore(%run_scoped3A : memref<!tpu.dma_semaphore, #tpu.memory_space<semaphore_mem>>)
      %dma_wait3A_999 = arith.constant 0 : i32
      %dma_wait3A_1000 = tpu.memref_slice %arg16[%dma_wait3A_999] : memref<8192xi32, #tpu.memory_space<vmem>> -> memref<8192xi32, #tpu.memory_space<vmem>>
      %dma_wait3A_1001 = tpu.memref_slice %arg9[%add3A_581] : memref<1045504xi32, #tpu.memory_space<hbm>> -> memref<8192xi32, #tpu.memory_space<hbm>>
      %dma_wait3A_1002 = tpu.memref_slice %arg9[%add3A_581] : memref<1045504xi32, #tpu.memory_space<hbm>> -> memref<8192xi32, #tpu.memory_space<hbm>>
      %dma_wait3A_1003 = arith.constant 0 : i32
      %dma_wait3A_1004 = tpu.memref_slice %arg16[%dma_wait3A_1003] : memref<8192xi32, #tpu.memory_space<vmem>> -> memref<8192xi32, #tpu.memory_space<vmem>>
      tpu.wait_dma2 semaphore(%run_scoped3A : memref<!tpu.dma_semaphore, #tpu.memory_space<semaphore_mem>>) src(%dma_wait3A_1004 : memref<8192xi32, #tpu.memory_space<vmem>>) dst(%dma_wait3A_1002 : memref<8192xi32, #tpu.memory_space<hbm>>)
      tpu.yield
    }) : () -> ()
    %mul3A_582 = arith.constant 2042 : i32
    %mul3A_583 = arith.muli %mul3A_582, %add3A : i32
    %add3A_584 = arith.constant 1536 : i32
    %add3A_585 = arith.addi %mul3A_583, %add3A_584 : i32
    %scan3A_586 = arith.constant 0 : i32
    %scan3A_587 = arith.constant 0 : i32
    %scan3A_588 = arith.constant 506 : i32
    %scan3A_589 = arith.addi %scan3A_587, %scan3A_588 : i32
    %scan3A_590 = arith.constant 1 : i32
    %scan3A_591 = scf.for %scan3A_993 = %scan3A_587 to %scan3A_589 step %scan3A_590 iter_args(%scan3A_994 = %scan3A_586) -> (i32)  : i32 {
      %add3A_995 = arith.addi %add3A_585, %scan3A_993 : i32
      %broadcast_in_dim3A_996 = vector.broadcast %add3A_995 : i32 to vector<16xi32>
      %mul3A_997 = arith.constant 16 : i32
      %mul3A_998 = arith.muli %mul3A_997, %scan3A_993 : i32
      %swap3A_999 = arith.index_cast %mul3A_998 : i32 to index
      %swap3A_1000 = tpu.vector_load %arg16[%swap3A_999] {strides = array<i32>} : memref<8192xi32, #tpu.memory_space<vmem>>, vector<16xi32>,
      %swap3A_1001 = vector.shape_cast %swap3A_1000 : vector<16xi32> to vector<16xi32>
      %swap3A_1002 = vector.shape_cast %broadcast_in_dim3A_996 : vector<16xi32> to vector<16xi32>
      tpu.vector_store %arg16[%swap3A_999], %swap3A_1002 {strides = array<i32>} : memref<8192xi32, #tpu.memory_space<vmem>>, vector<16xi32>,
      %scan3A_1003 = arith.constant 0 : i32
      scf.yield %scan3A_1003 : i32
    }
    %scan3A_592 = arith.constant 506 : i32
    %mul3A_593 = arith.constant 32672 : i32
    %mul3A_594 = arith.muli %mul3A_593, %add3A : i32
    %add3A_595 = arith.constant 24576 : i32
    %add3A_596 = arith.addi %mul3A_594, %add3A_595 : i32
    "tpu.region"() ({
      %run_scoped3A = tpu.sem_alloc : memref<!tpu.dma_semaphore, #tpu.memory_space<semaphore_mem>>
      %dma_start3A_993 = arith.constant 0 : i32
      %dma_start3A_994 = tpu.memref_slice %arg16[%dma_start3A_993] : memref<8192xi32, #tpu.memory_space<vmem>> -> memref<8096xi32, #tpu.memory_space<vmem>>
      %dma_start3A_995 = tpu.memref_slice %arg9[%add3A_596] : memref<1045504xi32, #tpu.memory_space<hbm>> -> memref<8096xi32, #tpu.memory_space<hbm>>
      %dma_start3A_996 = tpu.memref_slice %arg9[%add3A_596] : memref<1045504xi32, #tpu.memory_space<hbm>> -> memref<8096xi32, #tpu.memory_space<hbm>>
      %dma_start3A_997 = arith.constant 0 : i32
      %dma_start3A_998 = tpu.memref_slice %arg16[%dma_start3A_997] : memref<8192xi32, #tpu.memory_space<vmem>> -> memref<8096xi32, #tpu.memory_space<vmem>>
      tpu.enqueue_dma source(%dma_start3A_998 : memref<8096xi32, #tpu.memory_space<vmem>>) target(%dma_start3A_996 : memref<8096xi32, #tpu.memory_space<hbm>>) target_semaphore(%run_scoped3A : memref<!tpu.dma_semaphore, #tpu.memory_space<semaphore_mem>>)
      %dma_wait3A_999 = arith.constant 0 : i32
      %dma_wait3A_1000 = tpu.memref_slice %arg16[%dma_wait3A_999] : memref<8192xi32, #tpu.memory_space<vmem>> -> memref<8096xi32, #tpu.memory_space<vmem>>
      %dma_wait3A_1001 = tpu.memref_slice %arg9[%add3A_596] : memref<1045504xi32, #tpu.memory_space<hbm>> -> memref<8096xi32, #tpu.memory_space<hbm>>
      %dma_wait3A_1002 = tpu.memref_slice %arg9[%add3A_596] : memref<1045504xi32, #tpu.memory_space<hbm>> -> memref<8096xi32, #tpu.memory_space<hbm>>
      %dma_wait3A_1003 = arith.constant 0 : i32
      %dma_wait3A_1004 = tpu.memref_slice %arg16[%dma_wait3A_1003] : memref<8192xi32, #tpu.memory_space<vmem>> -> memref<8096xi32, #tpu.memory_space<vmem>>
      tpu.wait_dma2 semaphore(%run_scoped3A : memref<!tpu.dma_semaphore, #tpu.memory_space<semaphore_mem>>) src(%dma_wait3A_1004 : memref<8096xi32, #tpu.memory_space<vmem>>) dst(%dma_wait3A_1002 : memref<8096xi32, #tpu.memory_space<hbm>>)
      tpu.yield
    }) : () -> ()
    %mul3A_597 = arith.constant 2 : i32
    %mul3A_598 = arith.muli %mul3A_597, %add3A : i32
    %add3A_599 = arith.constant 0 : i32
    %add3A_600 = arith.addi %mul3A_598, %add3A_599 : i32
    %mul3A_601 = arith.constant 8192 : i32
    %mul3A_602 = arith.muli %mul3A_601, %add3A_600 : i32
    "tpu.region"() ({
      %run_scoped3A = tpu.sem_alloc : memref<!tpu.dma_semaphore, #tpu.memory_space<semaphore_mem>>
      %dma_start3A_993 = tpu.memref_slice %arg2[%mul3A_602] : memref<524288xf32, #tpu.memory_space<hbm>> -> memref<8192xf32, #tpu.memory_space<hbm>>
      %dma_start3A_994 = tpu.memref_slice %arg2[%mul3A_602] : memref<524288xf32, #tpu.memory_space<hbm>> -> memref<8192xf32, #tpu.memory_space<hbm>>
      tpu.enqueue_dma source(%dma_start3A_994 : memref<8192xf32, #tpu.memory_space<hbm>>) target(%arg10 : memref<8192xf32, #tpu.memory_space<vmem>>) target_semaphore(%run_scoped3A : memref<!tpu.dma_semaphore, #tpu.memory_space<semaphore_mem>>)
      %dma_wait3A_995 = tpu.memref_slice %arg2[%mul3A_602] : memref<524288xf32, #tpu.memory_space<hbm>> -> memref<8192xf32, #tpu.memory_space<hbm>>
      %dma_wait3A_996 = tpu.memref_slice %arg2[%mul3A_602] : memref<524288xf32, #tpu.memory_space<hbm>> -> memref<8192xf32, #tpu.memory_space<hbm>>
      tpu.wait_dma2 semaphore(%run_scoped3A : memref<!tpu.dma_semaphore, #tpu.memory_space<semaphore_mem>>) src(%dma_wait3A_996 : memref<8192xf32, #tpu.memory_space<hbm>>) dst(%arg10 : memref<8192xf32, #tpu.memory_space<vmem>>)
      tpu.yield
    }) : () -> ()
    %mul3A_603 = arith.constant 8192 : i32
    %mul3A_604 = arith.muli %mul3A_603, %add3A_600 : i32
    %add3A_605 = arith.constant 8 : i32
    %add3A_606 = arith.addi %mul3A_604, %add3A_605 : i32
    "tpu.region"() ({
      %run_scoped3A = tpu.sem_alloc : memref<!tpu.dma_semaphore, #tpu.memory_space<semaphore_mem>>
      %dma_start3A_993 = arith.constant 0 : i32
      %dma_start3A_994 = tpu.memref_slice %arg11[%dma_start3A_993] : memref<8192xf32, #tpu.memory_space<vmem>> -> memref<8184xf32, #tpu.memory_space<vmem>>
      %dma_start3A_995 = tpu.memref_slice %arg2[%add3A_606] : memref<524288xf32, #tpu.memory_space<hbm>> -> memref<8184xf32, #tpu.memory_space<hbm>>
      %dma_start3A_996 = arith.constant 0 : i32
      %dma_start3A_997 = tpu.memref_slice %arg11[%dma_start3A_996] : memref<8192xf32, #tpu.memory_space<vmem>> -> memref<8184xf32, #tpu.memory_space<vmem>>
      %dma_start3A_998 = tpu.memref_slice %arg2[%add3A_606] : memref<524288xf32, #tpu.memory_space<hbm>> -> memref<8184xf32, #tpu.memory_space<hbm>>
      tpu.enqueue_dma source(%dma_start3A_998 : memref<8184xf32, #tpu.memory_space<hbm>>) target(%dma_start3A_997 : memref<8184xf32, #tpu.memory_space<vmem>>) target_semaphore(%run_scoped3A : memref<!tpu.dma_semaphore, #tpu.memory_space<semaphore_mem>>)
      %dma_wait3A_999 = arith.constant 0 : i32
      %dma_wait3A_1000 = tpu.memref_slice %arg11[%dma_wait3A_999] : memref<8192xf32, #tpu.memory_space<vmem>> -> memref<8184xf32, #tpu.memory_space<vmem>>
      %dma_wait3A_1001 = tpu.memref_slice %arg2[%add3A_606] : memref<524288xf32, #tpu.memory_space<hbm>> -> memref<8184xf32, #tpu.memory_space<hbm>>
      %dma_wait3A_1002 = arith.constant 0 : i32
      %dma_wait3A_1003 = tpu.memref_slice %arg11[%dma_wait3A_1002] : memref<8192xf32, #tpu.memory_space<vmem>> -> memref<8184xf32, #tpu.memory_space<vmem>>
      %dma_wait3A_1004 = tpu.memref_slice %arg2[%add3A_606] : memref<524288xf32, #tpu.memory_space<hbm>> -> memref<8184xf32, #tpu.memory_space<hbm>>
      tpu.wait_dma2 semaphore(%run_scoped3A : memref<!tpu.dma_semaphore, #tpu.memory_space<semaphore_mem>>) src(%dma_wait3A_1004 : memref<8184xf32, #tpu.memory_space<hbm>>) dst(%dma_wait3A_1003 : memref<8184xf32, #tpu.memory_space<vmem>>)
      tpu.yield
    }) : () -> ()
    %scan3A_607 = arith.constant 0 : i32
    %scan3A_608 = arith.constant 0 : i32
    %scan3A_609 = arith.constant 255 : i32
    %scan3A_610 = arith.addi %scan3A_608, %scan3A_609 : i32
    %scan3A_611 = arith.constant 1 : i32
    %scan3A_612 = scf.for %scan3A_993 = %scan3A_608 to %scan3A_610 step %scan3A_611 iter_args(%scan3A_994 = %scan3A_607) -> (i32)  : i32 {
      %mul3A_995 = arith.constant 16 : i32
      %mul3A_996 = arith.muli %mul3A_995, %scan3A_993 : i32
      %get3A_997 = arith.index_cast %mul3A_996 : i32 to index
      %get3A_998 = tpu.vector_load %arg10[%get3A_997] {strides = array<i32>} : memref<8192xf32, #tpu.memory_space<vmem>>, vector<16xf32>,
      %get3A_999 = vector.shape_cast %get3A_998 : vector<16xf32> to vector<16xf32>
      %mul3A_1000 = arith.constant 16 : i32
      %mul3A_1001 = arith.muli %mul3A_1000, %scan3A_993 : i32
      %add3A_1002 = arith.constant 16 : i32
      %add3A_1003 = arith.addi %mul3A_1001, %add3A_1002 : i32
      %get3A_1004 = arith.index_cast %add3A_1003 : i32 to index
      %get3A_1005 = tpu.vector_load %arg10[%get3A_1004] {strides = array<i32>} : memref<8192xf32, #tpu.memory_space<vmem>>, vector<16xf32>,
      %get3A_1006 = vector.shape_cast %get3A_1005 : vector<16xf32> to vector<16xf32>
      %mul3A_1007 = arith.constant 16 : i32
      %mul3A_1008 = arith.muli %mul3A_1007, %scan3A_993 : i32
      %get3A_1009 = arith.index_cast %mul3A_1008 : i32 to index
      %get3A_1010 = tpu.vector_load %arg11[%get3A_1009] {strides = array<i32>} : memref<8192xf32, #tpu.memory_space<vmem>>, vector<16xf32>,
      %get3A_1011 = vector.shape_cast %get3A_1010 : vector<16xf32> to vector<16xf32>
      %mul3A_1012 = arith.constant 16 : i32
      %mul3A_1013 = arith.muli %mul3A_1012, %scan3A_993 : i32
      %add3A_1014 = arith.constant 16 : i32
      %add3A_1015 = arith.addi %mul3A_1013, %add3A_1014 : i32
      %get3A_1016 = arith.index_cast %add3A_1015 : i32 to index
      %get3A_1017 = tpu.vector_load %arg11[%get3A_1016] {strides = array<i32>} : memref<8192xf32, #tpu.memory_space<vmem>>, vector<16xf32>,
      %get3A_1018 = vector.shape_cast %get3A_1017 : vector<16xf32> to vector<16xf32>
      %mul3A_1019 = arith.constant 64 : i32
      %mul3A_1020 = arith.muli %mul3A_1019, %scan3A_993 : i32
      %swap3A_1021 = arith.index_cast %mul3A_1020 : i32 to index
      %swap3A_1022 = tpu.vector_load %arg12[%swap3A_1021] {strides = array<i32>} : memref<16352xf32, #tpu.memory_space<vmem>>, vector<16xf32>,
      %swap3A_1023 = vector.shape_cast %swap3A_1022 : vector<16xf32> to vector<16xf32>
      %swap3A_1024 = vector.shape_cast %get3A_999 : vector<16xf32> to vector<16xf32>
      tpu.vector_store %arg12[%swap3A_1021], %swap3A_1024 {strides = array<i32>} : memref<16352xf32, #tpu.memory_space<vmem>>, vector<16xf32>,
      %mul3A_1025 = arith.constant 64 : i32
      %mul3A_1026 = arith.muli %mul3A_1025, %scan3A_993 : i32
      %add3A_1027 = arith.constant 16 : i32
      %add3A_1028 = arith.addi %mul3A_1026, %add3A_1027 : i32
      %swap3A_1029 = arith.index_cast %add3A_1028 : i32 to index
      %swap3A_1030 = tpu.vector_load %arg12[%swap3A_1029] {strides = array<i32>} : memref<16352xf32, #tpu.memory_space<vmem>>, vector<16xf32>,
      %swap3A_1031 = vector.shape_cast %swap3A_1030 : vector<16xf32> to vector<16xf32>
      %swap3A_1032 = vector.shape_cast %get3A_1006 : vector<16xf32> to vector<16xf32>
      tpu.vector_store %arg12[%swap3A_1029], %swap3A_1032 {strides = array<i32>} : memref<16352xf32, #tpu.memory_space<vmem>>, vector<16xf32>,
      %mul3A_1033 = arith.constant 64 : i32
      %mul3A_1034 = arith.muli %mul3A_1033, %scan3A_993 : i32
      %add3A_1035 = arith.constant 32 : i32
      %add3A_1036 = arith.addi %mul3A_1034, %add3A_1035 : i32
      %swap3A_1037 = arith.index_cast %add3A_1036 : i32 to index
      %swap3A_1038 = tpu.vector_load %arg12[%swap3A_1037] {strides = array<i32>} : memref<16352xf32, #tpu.memory_space<vmem>>, vector<16xf32>,
      %swap3A_1039 = vector.shape_cast %swap3A_1038 : vector<16xf32> to vector<16xf32>
      %swap3A_1040 = vector.shape_cast %get3A_1011 : vector<16xf32> to vector<16xf32>
      tpu.vector_store %arg12[%swap3A_1037], %swap3A_1040 {strides = array<i32>} : memref<16352xf32, #tpu.memory_space<vmem>>, vector<16xf32>,
      %mul3A_1041 = arith.constant 64 : i32
      %mul3A_1042 = arith.muli %mul3A_1041, %scan3A_993 : i32
      %add3A_1043 = arith.constant 48 : i32
      %add3A_1044 = arith.addi %mul3A_1042, %add3A_1043 : i32
      %swap3A_1045 = arith.index_cast %add3A_1044 : i32 to index
      %swap3A_1046 = tpu.vector_load %arg12[%swap3A_1045] {strides = array<i32>} : memref<16352xf32, #tpu.memory_space<vmem>>, vector<16xf32>,
      %swap3A_1047 = vector.shape_cast %swap3A_1046 : vector<16xf32> to vector<16xf32>
      %swap3A_1048 = vector.shape_cast %get3A_1018 : vector<16xf32> to vector<16xf32>
      tpu.vector_store %arg12[%swap3A_1045], %swap3A_1048 {strides = array<i32>} : memref<16352xf32, #tpu.memory_space<vmem>>, vector<16xf32>,
      %scan3A_1049 = arith.constant 0 : i32
      scf.yield %scan3A_1049 : i32
    }
    %scan3A_613 = arith.constant 255 : i32
    %get3A_614 = arith.constant 4080 : index
    %get3A_615 = tpu.vector_load %arg10[%get3A_614] {strides = array<i32>} : memref<8192xf32, #tpu.memory_space<vmem>>, vector<16xf32>,
    %get3A_616 = vector.shape_cast %get3A_615 : vector<16xf32> to vector<16xf32>
    %swap3A_617 = arith.constant 16320 : index
    %swap3A_618 = tpu.vector_load %arg12[%swap3A_617] {strides = array<i32>} : memref<16352xf32, #tpu.memory_space<vmem>>, vector<16xf32>,
    %swap3A_619 = vector.shape_cast %swap3A_618 : vector<16xf32> to vector<16xf32>
    %swap3A_620 = vector.shape_cast %get3A_616 : vector<16xf32> to vector<16xf32>
    tpu.vector_store %arg12[%swap3A_617], %swap3A_620 {strides = array<i32>} : memref<16352xf32, #tpu.memory_space<vmem>>, vector<16xf32>,
    %get3A_621 = arith.constant 4096 : index
    %get3A_622 = tpu.vector_load %arg10[%get3A_621] {strides = array<i32>} : memref<8192xf32, #tpu.memory_space<vmem>>, vector<16xf32>,
    %get3A_623 = vector.shape_cast %get3A_622 : vector<16xf32> to vector<16xf32>
    %swap3A_624 = arith.constant 16336 : index
    %swap3A_625 = tpu.vector_load %arg12[%swap3A_624] {strides = array<i32>} : memref<16352xf32, #tpu.memory_space<vmem>>, vector<16xf32>,
    %swap3A_626 = vector.shape_cast %swap3A_625 : vector<16xf32> to vector<16xf32>
    %swap3A_627 = vector.shape_cast %get3A_623 : vector<16xf32> to vector<16xf32>
    tpu.vector_store %arg12[%swap3A_624], %swap3A_627 {strides = array<i32>} : memref<16352xf32, #tpu.memory_space<vmem>>, vector<16xf32>,
    %mul3A_628 = arith.constant 32672 : i32
    %mul3A_629 = arith.muli %mul3A_628, %add3A_600 : i32
    %dma_start3A = tpu.memref_slice %arg6[%mul3A_629] : memref<2091008xf32, #tpu.memory_space<hbm>> -> memref<16352xf32, #tpu.memory_space<hbm>>
    %dma_start3A_630 = tpu.memref_slice %arg6[%mul3A_629] : memref<2091008xf32, #tpu.memory_space<hbm>> -> memref<16352xf32, #tpu.memory_space<hbm>>
    tpu.enqueue_dma source(%arg12 : memref<16352xf32, #tpu.memory_space<vmem>>) target(%dma_start3A_630 : memref<16352xf32, #tpu.memory_space<hbm>>) target_semaphore(%arg23 : memref<!tpu.dma_semaphore, #tpu.memory_space<semaphore_mem>>)
    %scan3A_631 = arith.constant 0 : i32
    %scan3A_632 = arith.constant 0 : i32
    %scan3A_633 = arith.constant 255 : i32
    %scan3A_634 = arith.addi %scan3A_632, %scan3A_633 : i32
    %scan3A_635 = arith.constant 1 : i32
    %scan3A_636 = scf.for %scan3A_993 = %scan3A_632 to %scan3A_634 step %scan3A_635 iter_args(%scan3A_994 = %scan3A_631) -> (i32)  : i32 {
      %mul3A_995 = arith.constant 16 : i32
      %mul3A_996 = arith.muli %mul3A_995, %scan3A_993 : i32
      %add3A_997 = arith.constant 4080 : i32
      %add3A_998 = arith.addi %add3A_997, %mul3A_996 : i32
      %get3A_999 = arith.index_cast %add3A_998 : i32 to index
      %get3A_1000 = tpu.vector_load %arg11[%get3A_999] {strides = array<i32>} : memref<8192xf32, #tpu.memory_space<vmem>>, vector<16xf32>,
      %get3A_1001 = vector.shape_cast %get3A_1000 : vector<16xf32> to vector<16xf32>
      %mul3A_1002 = arith.constant 16 : i32
      %mul3A_1003 = arith.muli %mul3A_1002, %scan3A_993 : i32
      %add3A_1004 = arith.constant 4096 : i32
      %add3A_1005 = arith.addi %add3A_1004, %mul3A_1003 : i32
      %get3A_1006 = arith.index_cast %add3A_1005 : i32 to index
      %get3A_1007 = tpu.vector_load %arg11[%get3A_1006] {strides = array<i32>} : memref<8192xf32, #tpu.memory_space<vmem>>, vector<16xf32>,
      %get3A_1008 = vector.shape_cast %get3A_1007 : vector<16xf32> to vector<16xf32>
      %mul3A_1009 = arith.constant 16 : i32
      %mul3A_1010 = arith.muli %mul3A_1009, %scan3A_993 : i32
      %add3A_1011 = arith.constant 4096 : i32
      %add3A_1012 = arith.addi %add3A_1011, %mul3A_1010 : i32
      %get3A_1013 = arith.index_cast %add3A_1012 : i32 to index
      %get3A_1014 = tpu.vector_load %arg10[%get3A_1013] {strides = array<i32>} : memref<8192xf32, #tpu.memory_space<vmem>>, vector<16xf32>,
      %get3A_1015 = vector.shape_cast %get3A_1014 : vector<16xf32> to vector<16xf32>
      %mul3A_1016 = arith.constant 16 : i32
      %mul3A_1017 = arith.muli %mul3A_1016, %scan3A_993 : i32
      %add3A_1018 = arith.constant 4112 : i32
      %add3A_1019 = arith.addi %add3A_1018, %mul3A_1017 : i32
      %get3A_1020 = arith.index_cast %add3A_1019 : i32 to index
      %get3A_1021 = tpu.vector_load %arg10[%get3A_1020] {strides = array<i32>} : memref<8192xf32, #tpu.memory_space<vmem>>, vector<16xf32>,
      %get3A_1022 = vector.shape_cast %get3A_1021 : vector<16xf32> to vector<16xf32>
      %mul3A_1023 = arith.constant 64 : i32
      %mul3A_1024 = arith.muli %mul3A_1023, %scan3A_993 : i32
      %swap3A_1025 = arith.index_cast %mul3A_1024 : i32 to index
      %swap3A_1026 = tpu.vector_load %arg13[%swap3A_1025] {strides = array<i32>} : memref<16320xf32, #tpu.memory_space<vmem>>, vector<16xf32>,
      %swap3A_1027 = vector.shape_cast %swap3A_1026 : vector<16xf32> to vector<16xf32>
      %swap3A_1028 = vector.shape_cast %get3A_1001 : vector<16xf32> to vector<16xf32>
      tpu.vector_store %arg13[%swap3A_1025], %swap3A_1028 {strides = array<i32>} : memref<16320xf32, #tpu.memory_space<vmem>>, vector<16xf32>,
      %mul3A_1029 = arith.constant 64 : i32
      %mul3A_1030 = arith.muli %mul3A_1029, %scan3A_993 : i32
      %add3A_1031 = arith.constant 16 : i32
      %add3A_1032 = arith.addi %mul3A_1030, %add3A_1031 : i32
      %swap3A_1033 = arith.index_cast %add3A_1032 : i32 to index
      %swap3A_1034 = tpu.vector_load %arg13[%swap3A_1033] {strides = array<i32>} : memref<16320xf32, #tpu.memory_space<vmem>>, vector<16xf32>,
      %swap3A_1035 = vector.shape_cast %swap3A_1034 : vector<16xf32> to vector<16xf32>
      %swap3A_1036 = vector.shape_cast %get3A_1008 : vector<16xf32> to vector<16xf32>
      tpu.vector_store %arg13[%swap3A_1033], %swap3A_1036 {strides = array<i32>} : memref<16320xf32, #tpu.memory_space<vmem>>, vector<16xf32>,
      %mul3A_1037 = arith.constant 64 : i32
      %mul3A_1038 = arith.muli %mul3A_1037, %scan3A_993 : i32
      %add3A_1039 = arith.constant 32 : i32
      %add3A_1040 = arith.addi %mul3A_1038, %add3A_1039 : i32
      %swap3A_1041 = arith.index_cast %add3A_1040 : i32 to index
      %swap3A_1042 = tpu.vector_load %arg13[%swap3A_1041] {strides = array<i32>} : memref<16320xf32, #tpu.memory_space<vmem>>, vector<16xf32>,
      %swap3A_1043 = vector.shape_cast %swap3A_1042 : vector<16xf32> to vector<16xf32>
      %swap3A_1044 = vector.shape_cast %get3A_1015 : vector<16xf32> to vector<16xf32>
      tpu.vector_store %arg13[%swap3A_1041], %swap3A_1044 {strides = array<i32>} : memref<16320xf32, #tpu.memory_space<vmem>>, vector<16xf32>,
      %mul3A_1045 = arith.constant 64 : i32
      %mul3A_1046 = arith.muli %mul3A_1045, %scan3A_993 : i32
      %add3A_1047 = arith.constant 48 : i32
      %add3A_1048 = arith.addi %mul3A_1046, %add3A_1047 : i32
      %swap3A_1049 = arith.index_cast %add3A_1048 : i32 to index
      %swap3A_1050 = tpu.vector_load %arg13[%swap3A_1049] {strides = array<i32>} : memref<16320xf32, #tpu.memory_space<vmem>>, vector<16xf32>,
      %swap3A_1051 = vector.shape_cast %swap3A_1050 : vector<16xf32> to vector<16xf32>
      %swap3A_1052 = vector.shape_cast %get3A_1022 : vector<16xf32> to vector<16xf32>
      tpu.vector_store %arg13[%swap3A_1049], %swap3A_1052 {strides = array<i32>} : memref<16320xf32, #tpu.memory_space<vmem>>, vector<16xf32>,
      %scan3A_1053 = arith.constant 0 : i32
      scf.yield %scan3A_1053 : i32
    }
    %scan3A_637 = arith.constant 255 : i32
    %mul3A_638 = arith.constant 32672 : i32
    %mul3A_639 = arith.muli %mul3A_638, %add3A_600 : i32
    %add3A_640 = arith.constant 16352 : i32
    %add3A_641 = arith.addi %mul3A_639, %add3A_640 : i32
    %dma_start3A_642 = tpu.memref_slice %arg6[%add3A_641] : memref<2091008xf32, #tpu.memory_space<hbm>> -> memref<16320xf32, #tpu.memory_space<hbm>>
    %dma_start3A_643 = tpu.memref_slice %arg6[%add3A_641] : memref<2091008xf32, #tpu.memory_space<hbm>> -> memref<16320xf32, #tpu.memory_space<hbm>>
    tpu.enqueue_dma source(%arg13 : memref<16320xf32, #tpu.memory_space<vmem>>) target(%dma_start3A_643 : memref<16320xf32, #tpu.memory_space<hbm>>) target_semaphore(%arg24 : memref<!tpu.dma_semaphore, #tpu.memory_space<semaphore_mem>>)
    %mul3A_644 = arith.constant 2 : i32
    %mul3A_645 = arith.muli %mul3A_644, %add3A : i32
    %add3A_646 = arith.constant 1 : i32
    %add3A_647 = arith.addi %mul3A_645, %add3A_646 : i32
    %mul3A_648 = arith.constant 8192 : i32
    %mul3A_649 = arith.muli %mul3A_648, %add3A_647 : i32
    "tpu.region"() ({
      %run_scoped3A = tpu.sem_alloc : memref<!tpu.dma_semaphore, #tpu.memory_space<semaphore_mem>>
      %dma_start3A_993 = tpu.memref_slice %arg2[%mul3A_649] : memref<524288xf32, #tpu.memory_space<hbm>> -> memref<8192xf32, #tpu.memory_space<hbm>>
      %dma_start3A_994 = tpu.memref_slice %arg2[%mul3A_649] : memref<524288xf32, #tpu.memory_space<hbm>> -> memref<8192xf32, #tpu.memory_space<hbm>>
      tpu.enqueue_dma source(%dma_start3A_994 : memref<8192xf32, #tpu.memory_space<hbm>>) target(%arg10 : memref<8192xf32, #tpu.memory_space<vmem>>) target_semaphore(%run_scoped3A : memref<!tpu.dma_semaphore, #tpu.memory_space<semaphore_mem>>)
      %dma_wait3A_995 = tpu.memref_slice %arg2[%mul3A_649] : memref<524288xf32, #tpu.memory_space<hbm>> -> memref<8192xf32, #tpu.memory_space<hbm>>
      %dma_wait3A_996 = tpu.memref_slice %arg2[%mul3A_649] : memref<524288xf32, #tpu.memory_space<hbm>> -> memref<8192xf32, #tpu.memory_space<hbm>>
      tpu.wait_dma2 semaphore(%run_scoped3A : memref<!tpu.dma_semaphore, #tpu.memory_space<semaphore_mem>>) src(%dma_wait3A_996 : memref<8192xf32, #tpu.memory_space<hbm>>) dst(%arg10 : memref<8192xf32, #tpu.memory_space<vmem>>)
      tpu.yield
    }) : () -> ()
    %mul3A_650 = arith.constant 8192 : i32
    %mul3A_651 = arith.muli %mul3A_650, %add3A_647 : i32
    %add3A_652 = arith.constant 8 : i32
    %add3A_653 = arith.addi %mul3A_651, %add3A_652 : i32
    "tpu.region"() ({
      %run_scoped3A = tpu.sem_alloc : memref<!tpu.dma_semaphore, #tpu.memory_space<semaphore_mem>>
      %dma_start3A_993 = arith.constant 0 : i32
      %dma_start3A_994 = tpu.memref_slice %arg11[%dma_start3A_993] : memref<8192xf32, #tpu.memory_space<vmem>> -> memref<8184xf32, #tpu.memory_space<vmem>>
      %dma_start3A_995 = tpu.memref_slice %arg2[%add3A_653] : memref<524288xf32, #tpu.memory_space<hbm>> -> memref<8184xf32, #tpu.memory_space<hbm>>
      %dma_start3A_996 = arith.constant 0 : i32
      %dma_start3A_997 = tpu.memref_slice %arg11[%dma_start3A_996] : memref<8192xf32, #tpu.memory_space<vmem>> -> memref<8184xf32, #tpu.memory_space<vmem>>
      %dma_start3A_998 = tpu.memref_slice %arg2[%add3A_653] : memref<524288xf32, #tpu.memory_space<hbm>> -> memref<8184xf32, #tpu.memory_space<hbm>>
      tpu.enqueue_dma source(%dma_start3A_998 : memref<8184xf32, #tpu.memory_space<hbm>>) target(%dma_start3A_997 : memref<8184xf32, #tpu.memory_space<vmem>>) target_semaphore(%run_scoped3A : memref<!tpu.dma_semaphore, #tpu.memory_space<semaphore_mem>>)
      %dma_wait3A_999 = arith.constant 0 : i32
      %dma_wait3A_1000 = tpu.memref_slice %arg11[%dma_wait3A_999] : memref<8192xf32, #tpu.memory_space<vmem>> -> memref<8184xf32, #tpu.memory_space<vmem>>
      %dma_wait3A_1001 = tpu.memref_slice %arg2[%add3A_653] : memref<524288xf32, #tpu.memory_space<hbm>> -> memref<8184xf32, #tpu.memory_space<hbm>>
      %dma_wait3A_1002 = arith.constant 0 : i32
      %dma_wait3A_1003 = tpu.memref_slice %arg11[%dma_wait3A_1002] : memref<8192xf32, #tpu.memory_space<vmem>> -> memref<8184xf32, #tpu.memory_space<vmem>>
      %dma_wait3A_1004 = tpu.memref_slice %arg2[%add3A_653] : memref<524288xf32, #tpu.memory_space<hbm>> -> memref<8184xf32, #tpu.memory_space<hbm>>
      tpu.wait_dma2 semaphore(%run_scoped3A : memref<!tpu.dma_semaphore, #tpu.memory_space<semaphore_mem>>) src(%dma_wait3A_1004 : memref<8184xf32, #tpu.memory_space<hbm>>) dst(%dma_wait3A_1003 : memref<8184xf32, #tpu.memory_space<vmem>>)
      tpu.yield
    }) : () -> ()
    %dma_wait3A = tpu.memref_slice %arg6[%mul3A_629] : memref<2091008xf32, #tpu.memory_space<hbm>> -> memref<16352xf32, #tpu.memory_space<hbm>>
    %dma_wait3A_654 = tpu.memref_slice %arg6[%mul3A_629] : memref<2091008xf32, #tpu.memory_space<hbm>> -> memref<16352xf32, #tpu.memory_space<hbm>>
    tpu.wait_dma2 semaphore(%arg23 : memref<!tpu.dma_semaphore, #tpu.memory_space<semaphore_mem>>) src(%arg12 : memref<16352xf32, #tpu.memory_space<vmem>>) dst(%dma_wait3A_654 : memref<16352xf32, #tpu.memory_space<hbm>>)
    %scan3A_655 = arith.constant 0 : i32
    %scan3A_656 = arith.constant 0 : i32
    %scan3A_657 = arith.constant 255 : i32
    %scan3A_658 = arith.addi %scan3A_656, %scan3A_657 : i32
    %scan3A_659 = arith.constant 1 : i32
    %scan3A_660 = scf.for %scan3A_993 = %scan3A_656 to %scan3A_658 step %scan3A_659 iter_args(%scan3A_994 = %scan3A_655) -> (i32)  : i32 {
      %mul3A_995 = arith.constant 16 : i32
      %mul3A_996 = arith.muli %mul3A_995, %scan3A_993 : i32
      %get3A_997 = arith.index_cast %mul3A_996 : i32 to index
      %get3A_998 = tpu.vector_load %arg10[%get3A_997] {strides = array<i32>} : memref<8192xf32, #tpu.memory_space<vmem>>, vector<16xf32>,
      %get3A_999 = vector.shape_cast %get3A_998 : vector<16xf32> to vector<16xf32>
      %mul3A_1000 = arith.constant 16 : i32
      %mul3A_1001 = arith.muli %mul3A_1000, %scan3A_993 : i32
      %add3A_1002 = arith.constant 16 : i32
      %add3A_1003 = arith.addi %mul3A_1001, %add3A_1002 : i32
      %get3A_1004 = arith.index_cast %add3A_1003 : i32 to index
      %get3A_1005 = tpu.vector_load %arg10[%get3A_1004] {strides = array<i32>} : memref<8192xf32, #tpu.memory_space<vmem>>, vector<16xf32>,
      %get3A_1006 = vector.shape_cast %get3A_1005 : vector<16xf32> to vector<16xf32>
      %mul3A_1007 = arith.constant 16 : i32
      %mul3A_1008 = arith.muli %mul3A_1007, %scan3A_993 : i32
      %get3A_1009 = arith.index_cast %mul3A_1008 : i32 to index
      %get3A_1010 = tpu.vector_load %arg11[%get3A_1009] {strides = array<i32>} : memref<8192xf32, #tpu.memory_space<vmem>>, vector<16xf32>,
      %get3A_1011 = vector.shape_cast %get3A_1010 : vector<16xf32> to vector<16xf32>
      %mul3A_1012 = arith.constant 16 : i32
      %mul3A_1013 = arith.muli %mul3A_1012, %scan3A_993 : i32
      %add3A_1014 = arith.constant 16 : i32
      %add3A_1015 = arith.addi %mul3A_1013, %add3A_1014 : i32
      %get3A_1016 = arith.index_cast %add3A_1015 : i32 to index
      %get3A_1017 = tpu.vector_load %arg11[%get3A_1016] {strides = array<i32>} : memref<8192xf32, #tpu.memory_space<vmem>>, vector<16xf32>,
      %get3A_1018 = vector.shape_cast %get3A_1017 : vector<16xf32> to vector<16xf32>
      %mul3A_1019 = arith.constant 64 : i32
      %mul3A_1020 = arith.muli %mul3A_1019, %scan3A_993 : i32
      %swap3A_1021 = arith.index_cast %mul3A_1020 : i32 to index
      %swap3A_1022 = tpu.vector_load %arg12[%swap3A_1021] {strides = array<i32>} : memref<16352xf32, #tpu.memory_space<vmem>>, vector<16xf32>,
      %swap3A_1023 = vector.shape_cast %swap3A_1022 : vector<16xf32> to vector<16xf32>
      %swap3A_1024 = vector.shape_cast %get3A_999 : vector<16xf32> to vector<16xf32>
      tpu.vector_store %arg12[%swap3A_1021], %swap3A_1024 {strides = array<i32>} : memref<16352xf32, #tpu.memory_space<vmem>>, vector<16xf32>,
      %mul3A_1025 = arith.constant 64 : i32
      %mul3A_1026 = arith.muli %mul3A_1025, %scan3A_993 : i32
      %add3A_1027 = arith.constant 16 : i32
      %add3A_1028 = arith.addi %mul3A_1026, %add3A_1027 : i32
      %swap3A_1029 = arith.index_cast %add3A_1028 : i32 to index
      %swap3A_1030 = tpu.vector_load %arg12[%swap3A_1029] {strides = array<i32>} : memref<16352xf32, #tpu.memory_space<vmem>>, vector<16xf32>,
      %swap3A_1031 = vector.shape_cast %swap3A_1030 : vector<16xf32> to vector<16xf32>
      %swap3A_1032 = vector.shape_cast %get3A_1006 : vector<16xf32> to vector<16xf32>
      tpu.vector_store %arg12[%swap3A_1029], %swap3A_1032 {strides = array<i32>} : memref<16352xf32, #tpu.memory_space<vmem>>, vector<16xf32>,
      %mul3A_1033 = arith.constant 64 : i32
      %mul3A_1034 = arith.muli %mul3A_1033, %scan3A_993 : i32
      %add3A_1035 = arith.constant 32 : i32
      %add3A_1036 = arith.addi %mul3A_1034, %add3A_1035 : i32
      %swap3A_1037 = arith.index_cast %add3A_1036 : i32 to index
      %swap3A_1038 = tpu.vector_load %arg12[%swap3A_1037] {strides = array<i32>} : memref<16352xf32, #tpu.memory_space<vmem>>, vector<16xf32>,
      %swap3A_1039 = vector.shape_cast %swap3A_1038 : vector<16xf32> to vector<16xf32>
      %swap3A_1040 = vector.shape_cast %get3A_1011 : vector<16xf32> to vector<16xf32>
      tpu.vector_store %arg12[%swap3A_1037], %swap3A_1040 {strides = array<i32>} : memref<16352xf32, #tpu.memory_space<vmem>>, vector<16xf32>,
      %mul3A_1041 = arith.constant 64 : i32
      %mul3A_1042 = arith.muli %mul3A_1041, %scan3A_993 : i32
      %add3A_1043 = arith.constant 48 : i32
      %add3A_1044 = arith.addi %mul3A_1042, %add3A_1043 : i32
      %swap3A_1045 = arith.index_cast %add3A_1044 : i32 to index
      %swap3A_1046 = tpu.vector_load %arg12[%swap3A_1045] {strides = array<i32>} : memref<16352xf32, #tpu.memory_space<vmem>>, vector<16xf32>,
      %swap3A_1047 = vector.shape_cast %swap3A_1046 : vector<16xf32> to vector<16xf32>
      %swap3A_1048 = vector.shape_cast %get3A_1018 : vector<16xf32> to vector<16xf32>
      tpu.vector_store %arg12[%swap3A_1045], %swap3A_1048 {strides = array<i32>} : memref<16352xf32, #tpu.memory_space<vmem>>, vector<16xf32>,
      %scan3A_1049 = arith.constant 0 : i32
      scf.yield %scan3A_1049 : i32
    }
    %scan3A_661 = arith.constant 255 : i32
    %get3A_662 = arith.constant 4080 : index
    %get3A_663 = tpu.vector_load %arg10[%get3A_662] {strides = array<i32>} : memref<8192xf32, #tpu.memory_space<vmem>>, vector<16xf32>,
    %get3A_664 = vector.shape_cast %get3A_663 : vector<16xf32> to vector<16xf32>
    %swap3A_665 = arith.constant 16320 : index
    %swap3A_666 = tpu.vector_load %arg12[%swap3A_665] {strides = array<i32>} : memref<16352xf32, #tpu.memory_space<vmem>>, vector<16xf32>,
    %swap3A_667 = vector.shape_cast %swap3A_666 : vector<16xf32> to vector<16xf32>
    %swap3A_668 = vector.shape_cast %get3A_664 : vector<16xf32> to vector<16xf32>
    tpu.vector_store %arg12[%swap3A_665], %swap3A_668 {strides = array<i32>} : memref<16352xf32, #tpu.memory_space<vmem>>, vector<16xf32>,
    %get3A_669 = arith.constant 4096 : index
    %get3A_670 = tpu.vector_load %arg10[%get3A_669] {strides = array<i32>} : memref<8192xf32, #tpu.memory_space<vmem>>, vector<16xf32>,
    %get3A_671 = vector.shape_cast %get3A_670 : vector<16xf32> to vector<16xf32>
    %swap3A_672 = arith.constant 16336 : index
    %swap3A_673 = tpu.vector_load %arg12[%swap3A_672] {strides = array<i32>} : memref<16352xf32, #tpu.memory_space<vmem>>, vector<16xf32>,
    %swap3A_674 = vector.shape_cast %swap3A_673 : vector<16xf32> to vector<16xf32>
    %swap3A_675 = vector.shape_cast %get3A_671 : vector<16xf32> to vector<16xf32>
    tpu.vector_store %arg12[%swap3A_672], %swap3A_675 {strides = array<i32>} : memref<16352xf32, #tpu.memory_space<vmem>>, vector<16xf32>,
    %mul3A_676 = arith.constant 32672 : i32
    %mul3A_677 = arith.muli %mul3A_676, %add3A_647 : i32
    %dma_start3A_678 = tpu.memref_slice %arg6[%mul3A_677] : memref<2091008xf32, #tpu.memory_space<hbm>> -> memref<16352xf32, #tpu.memory_space<hbm>>
    %dma_start3A_679 = tpu.memref_slice %arg6[%mul3A_677] : memref<2091008xf32, #tpu.memory_space<hbm>> -> memref<16352xf32, #tpu.memory_space<hbm>>
    tpu.enqueue_dma source(%arg12 : memref<16352xf32, #tpu.memory_space<vmem>>) target(%dma_start3A_679 : memref<16352xf32, #tpu.memory_space<hbm>>) target_semaphore(%arg23 : memref<!tpu.dma_semaphore, #tpu.memory_space<semaphore_mem>>)
    %dma_wait3A_680 = tpu.memref_slice %arg6[%add3A_641] : memref<2091008xf32, #tpu.memory_space<hbm>> -> memref<16320xf32, #tpu.memory_space<hbm>>
    %dma_wait3A_681 = tpu.memref_slice %arg6[%add3A_641] : memref<2091008xf32, #tpu.memory_space<hbm>> -> memref<16320xf32, #tpu.memory_space<hbm>>
    tpu.wait_dma2 semaphore(%arg24 : memref<!tpu.dma_semaphore, #tpu.memory_space<semaphore_mem>>) src(%arg13 : memref<16320xf32, #tpu.memory_space<vmem>>) dst(%dma_wait3A_681 : memref<16320xf32, #tpu.memory_space<hbm>>)
    %scan3A_682 = arith.constant 0 : i32
    %scan3A_683 = arith.constant 0 : i32
    %scan3A_684 = arith.constant 255 : i32
    %scan3A_685 = arith.addi %scan3A_683, %scan3A_684 : i32
    %scan3A_686 = arith.constant 1 : i32
    %scan3A_687 = scf.for %scan3A_993 = %scan3A_683 to %scan3A_685 step %scan3A_686 iter_args(%scan3A_994 = %scan3A_682) -> (i32)  : i32 {
      %mul3A_995 = arith.constant 16 : i32
      %mul3A_996 = arith.muli %mul3A_995, %scan3A_993 : i32
      %add3A_997 = arith.constant 4080 : i32
      %add3A_998 = arith.addi %add3A_997, %mul3A_996 : i32
      %get3A_999 = arith.index_cast %add3A_998 : i32 to index
      %get3A_1000 = tpu.vector_load %arg11[%get3A_999] {strides = array<i32>} : memref<8192xf32, #tpu.memory_space<vmem>>, vector<16xf32>,
      %get3A_1001 = vector.shape_cast %get3A_1000 : vector<16xf32> to vector<16xf32>
      %mul3A_1002 = arith.constant 16 : i32
      %mul3A_1003 = arith.muli %mul3A_1002, %scan3A_993 : i32
      %add3A_1004 = arith.constant 4096 : i32
      %add3A_1005 = arith.addi %add3A_1004, %mul3A_1003 : i32
      %get3A_1006 = arith.index_cast %add3A_1005 : i32 to index
      %get3A_1007 = tpu.vector_load %arg11[%get3A_1006] {strides = array<i32>} : memref<8192xf32, #tpu.memory_space<vmem>>, vector<16xf32>,
      %get3A_1008 = vector.shape_cast %get3A_1007 : vector<16xf32> to vector<16xf32>
      %mul3A_1009 = arith.constant 16 : i32
      %mul3A_1010 = arith.muli %mul3A_1009, %scan3A_993 : i32
      %add3A_1011 = arith.constant 4096 : i32
      %add3A_1012 = arith.addi %add3A_1011, %mul3A_1010 : i32
      %get3A_1013 = arith.index_cast %add3A_1012 : i32 to index
      %get3A_1014 = tpu.vector_load %arg10[%get3A_1013] {strides = array<i32>} : memref<8192xf32, #tpu.memory_space<vmem>>, vector<16xf32>,
      %get3A_1015 = vector.shape_cast %get3A_1014 : vector<16xf32> to vector<16xf32>
      %mul3A_1016 = arith.constant 16 : i32
      %mul3A_1017 = arith.muli %mul3A_1016, %scan3A_993 : i32
      %add3A_1018 = arith.constant 4112 : i32
      %add3A_1019 = arith.addi %add3A_1018, %mul3A_1017 : i32
      %get3A_1020 = arith.index_cast %add3A_1019 : i32 to index
      %get3A_1021 = tpu.vector_load %arg10[%get3A_1020] {strides = array<i32>} : memref<8192xf32, #tpu.memory_space<vmem>>, vector<16xf32>,
      %get3A_1022 = vector.shape_cast %get3A_1021 : vector<16xf32> to vector<16xf32>
      %mul3A_1023 = arith.constant 64 : i32
      %mul3A_1024 = arith.muli %mul3A_1023, %scan3A_993 : i32
      %swap3A_1025 = arith.index_cast %mul3A_1024 : i32 to index
      %swap3A_1026 = tpu.vector_load %arg13[%swap3A_1025] {strides = array<i32>} : memref<16320xf32, #tpu.memory_space<vmem>>, vector<16xf32>,
      %swap3A_1027 = vector.shape_cast %swap3A_1026 : vector<16xf32> to vector<16xf32>
      %swap3A_1028 = vector.shape_cast %get3A_1001 : vector<16xf32> to vector<16xf32>
      tpu.vector_store %arg13[%swap3A_1025], %swap3A_1028 {strides = array<i32>} : memref<16320xf32, #tpu.memory_space<vmem>>, vector<16xf32>,
      %mul3A_1029 = arith.constant 64 : i32
      %mul3A_1030 = arith.muli %mul3A_1029, %scan3A_993 : i32
      %add3A_1031 = arith.constant 16 : i32
      %add3A_1032 = arith.addi %mul3A_1030, %add3A_1031 : i32
      %swap3A_1033 = arith.index_cast %add3A_1032 : i32 to index
      %swap3A_1034 = tpu.vector_load %arg13[%swap3A_1033] {strides = array<i32>} : memref<16320xf32, #tpu.memory_space<vmem>>, vector<16xf32>,
      %swap3A_1035 = vector.shape_cast %swap3A_1034 : vector<16xf32> to vector<16xf32>
      %swap3A_1036 = vector.shape_cast %get3A_1008 : vector<16xf32> to vector<16xf32>
      tpu.vector_store %arg13[%swap3A_1033], %swap3A_1036 {strides = array<i32>} : memref<16320xf32, #tpu.memory_space<vmem>>, vector<16xf32>,
      %mul3A_1037 = arith.constant 64 : i32
      %mul3A_1038 = arith.muli %mul3A_1037, %scan3A_993 : i32
      %add3A_1039 = arith.constant 32 : i32
      %add3A_1040 = arith.addi %mul3A_1038, %add3A_1039 : i32
      %swap3A_1041 = arith.index_cast %add3A_1040 : i32 to index
      %swap3A_1042 = tpu.vector_load %arg13[%swap3A_1041] {strides = array<i32>} : memref<16320xf32, #tpu.memory_space<vmem>>, vector<16xf32>,
      %swap3A_1043 = vector.shape_cast %swap3A_1042 : vector<16xf32> to vector<16xf32>
      %swap3A_1044 = vector.shape_cast %get3A_1015 : vector<16xf32> to vector<16xf32>
      tpu.vector_store %arg13[%swap3A_1041], %swap3A_1044 {strides = array<i32>} : memref<16320xf32, #tpu.memory_space<vmem>>, vector<16xf32>,
      %mul3A_1045 = arith.constant 64 : i32
      %mul3A_1046 = arith.muli %mul3A_1045, %scan3A_993 : i32
      %add3A_1047 = arith.constant 48 : i32
      %add3A_1048 = arith.addi %mul3A_1046, %add3A_1047 : i32
      %swap3A_1049 = arith.index_cast %add3A_1048 : i32 to index
      %swap3A_1050 = tpu.vector_load %arg13[%swap3A_1049] {strides = array<i32>} : memref<16320xf32, #tpu.memory_space<vmem>>, vector<16xf32>,
      %swap3A_1051 = vector.shape_cast %swap3A_1050 : vector<16xf32> to vector<16xf32>
      %swap3A_1052 = vector.shape_cast %get3A_1022 : vector<16xf32> to vector<16xf32>
      tpu.vector_store %arg13[%swap3A_1049], %swap3A_1052 {strides = array<i32>} : memref<16320xf32, #tpu.memory_space<vmem>>, vector<16xf32>,
      %scan3A_1053 = arith.constant 0 : i32
      scf.yield %scan3A_1053 : i32
    }
    %scan3A_688 = arith.constant 255 : i32
    %mul3A_689 = arith.constant 32672 : i32
    %mul3A_690 = arith.muli %mul3A_689, %add3A_647 : i32
    %add3A_691 = arith.constant 16352 : i32
    %add3A_692 = arith.addi %mul3A_690, %add3A_691 : i32
    %dma_start3A_693 = tpu.memref_slice %arg6[%add3A_692] : memref<2091008xf32, #tpu.memory_space<hbm>> -> memref<16320xf32, #tpu.memory_space<hbm>>
    %dma_start3A_694 = tpu.memref_slice %arg6[%add3A_692] : memref<2091008xf32, #tpu.memory_space<hbm>> -> memref<16320xf32, #tpu.memory_space<hbm>>
    tpu.enqueue_dma source(%arg13 : memref<16320xf32, #tpu.memory_space<vmem>>) target(%dma_start3A_694 : memref<16320xf32, #tpu.memory_space<hbm>>) target_semaphore(%arg24 : memref<!tpu.dma_semaphore, #tpu.memory_space<semaphore_mem>>)
    %get3A_695 = arith.constant 0 : i32
    %get3A_696 = arith.index_cast %get3A_695 : i32 to index
    %get3A_697 = arith.constant 0 : index
    %get3A_698 = tpu.vector_load %arg20[%get3A_696, %get3A_697] {strides = array<i32>} : memref<2x432xi32, #tpu.memory_space<vmem>>, vector<1x16xi32>,
    %get3A_699 = vector.shape_cast %get3A_698 : vector<1x16xi32> to vector<16xi32>
    %get3A_700 = arith.constant 0 : i32
    %get3A_701 = arith.index_cast %get3A_700 : i32 to index
    %get3A_702 = arith.constant 16 : index
    %get3A_703 = tpu.vector_load %arg20[%get3A_701, %get3A_702] {strides = array<i32>} : memref<2x432xi32, #tpu.memory_space<vmem>>, vector<1x16xi32>,
    %get3A_704 = vector.shape_cast %get3A_703 : vector<1x16xi32> to vector<16xi32>
    %get3A_705 = arith.constant 0 : i32
    %get3A_706 = arith.index_cast %get3A_705 : i32 to index
    %get3A_707 = arith.constant 32 : index
    %get3A_708 = tpu.vector_load %arg20[%get3A_706, %get3A_707] {strides = array<i32>} : memref<2x432xi32, #tpu.memory_space<vmem>>, vector<1x16xi32>,
    %get3A_709 = vector.shape_cast %get3A_708 : vector<1x16xi32> to vector<16xi32>
    %get3A_710 = arith.constant 0 : i32
    %get3A_711 = arith.index_cast %get3A_710 : i32 to index
    %get3A_712 = arith.constant 48 : index
    %get3A_713 = tpu.vector_load %arg20[%get3A_711, %get3A_712] {strides = array<i32>} : memref<2x432xi32, #tpu.memory_space<vmem>>, vector<1x16xi32>,
    %get3A_714 = vector.shape_cast %get3A_713 : vector<1x16xi32> to vector<16xi32>
    %get3A_715 = arith.constant 0 : i32
    %get3A_716 = arith.index_cast %get3A_715 : i32 to index
    %get3A_717 = arith.constant 64 : index
    %get3A_718 = tpu.vector_load %arg20[%get3A_716, %get3A_717] {strides = array<i32>} : memref<2x432xi32, #tpu.memory_space<vmem>>, vector<1x16xi32>,
    %get3A_719 = vector.shape_cast %get3A_718 : vector<1x16xi32> to vector<16xi32>
    %get3A_720 = arith.constant 0 : i32
    %get3A_721 = arith.index_cast %get3A_720 : i32 to index
    %get3A_722 = arith.constant 80 : index
    %get3A_723 = tpu.vector_load %arg20[%get3A_721, %get3A_722] {strides = array<i32>} : memref<2x432xi32, #tpu.memory_space<vmem>>, vector<1x16xi32>,
    %get3A_724 = vector.shape_cast %get3A_723 : vector<1x16xi32> to vector<16xi32>
    %get3A_725 = arith.constant 0 : i32
    %get3A_726 = arith.index_cast %get3A_725 : i32 to index
    %get3A_727 = arith.constant 96 : index
    %get3A_728 = tpu.vector_load %arg20[%get3A_726, %get3A_727] {strides = array<i32>} : memref<2x432xi32, #tpu.memory_space<vmem>>, vector<1x16xi32>,
    %get3A_729 = vector.shape_cast %get3A_728 : vector<1x16xi32> to vector<16xi32>
    %get3A_730 = arith.constant 0 : i32
    %get3A_731 = arith.index_cast %get3A_730 : i32 to index
    %get3A_732 = arith.constant 112 : index
    %get3A_733 = tpu.vector_load %arg20[%get3A_731, %get3A_732] {strides = array<i32>} : memref<2x432xi32, #tpu.memory_space<vmem>>, vector<1x16xi32>,
    %get3A_734 = vector.shape_cast %get3A_733 : vector<1x16xi32> to vector<16xi32>
    %get3A_735 = arith.constant 0 : i32
    %get3A_736 = arith.index_cast %get3A_735 : i32 to index
    %get3A_737 = arith.constant 128 : index
    %get3A_738 = tpu.vector_load %arg20[%get3A_736, %get3A_737] {strides = array<i32>} : memref<2x432xi32, #tpu.memory_space<vmem>>, vector<1x16xi32>,
    %get3A_739 = vector.shape_cast %get3A_738 : vector<1x16xi32> to vector<16xi32>
    %get3A_740 = arith.constant 0 : i32
    %get3A_741 = arith.index_cast %get3A_740 : i32 to index
    %get3A_742 = arith.constant 144 : index
    %get3A_743 = tpu.vector_load %arg20[%get3A_741, %get3A_742] {strides = array<i32>} : memref<2x432xi32, #tpu.memory_space<vmem>>, vector<1x16xi32>,
    %get3A_744 = vector.shape_cast %get3A_743 : vector<1x16xi32> to vector<16xi32>
    %get3A_745 = arith.constant 0 : i32
    %get3A_746 = arith.index_cast %get3A_745 : i32 to index
    %get3A_747 = arith.constant 160 : index
    %get3A_748 = tpu.vector_load %arg20[%get3A_746, %get3A_747] {strides = array<i32>} : memref<2x432xi32, #tpu.memory_space<vmem>>, vector<1x16xi32>,
    %get3A_749 = vector.shape_cast %get3A_748 : vector<1x16xi32> to vector<16xi32>
    %get3A_750 = arith.constant 0 : i32
    %get3A_751 = arith.index_cast %get3A_750 : i32 to index
    %get3A_752 = arith.constant 176 : index
    %get3A_753 = tpu.vector_load %arg20[%get3A_751, %get3A_752] {strides = array<i32>} : memref<2x432xi32, #tpu.memory_space<vmem>>, vector<1x16xi32>,
    %get3A_754 = vector.shape_cast %get3A_753 : vector<1x16xi32> to vector<16xi32>
    %get3A_755 = arith.constant 0 : i32
    %get3A_756 = arith.index_cast %get3A_755 : i32 to index
    %get3A_757 = arith.constant 192 : index
    %get3A_758 = tpu.vector_load %arg20[%get3A_756, %get3A_757] {strides = array<i32>} : memref<2x432xi32, #tpu.memory_space<vmem>>, vector<1x16xi32>,
    %get3A_759 = vector.shape_cast %get3A_758 : vector<1x16xi32> to vector<16xi32>
    %get3A_760 = arith.constant 0 : i32
    %get3A_761 = arith.index_cast %get3A_760 : i32 to index
    %get3A_762 = arith.constant 208 : index
    %get3A_763 = tpu.vector_load %arg20[%get3A_761, %get3A_762] {strides = array<i32>} : memref<2x432xi32, #tpu.memory_space<vmem>>, vector<1x16xi32>,
    %get3A_764 = vector.shape_cast %get3A_763 : vector<1x16xi32> to vector<16xi32>
    %get3A_765 = arith.constant 0 : i32
    %get3A_766 = arith.index_cast %get3A_765 : i32 to index
    %get3A_767 = arith.constant 224 : index
    %get3A_768 = tpu.vector_load %arg20[%get3A_766, %get3A_767] {strides = array<i32>} : memref<2x432xi32, #tpu.memory_space<vmem>>, vector<1x16xi32>,
    %get3A_769 = vector.shape_cast %get3A_768 : vector<1x16xi32> to vector<16xi32>
    %get3A_770 = arith.constant 0 : i32
    %get3A_771 = arith.index_cast %get3A_770 : i32 to index
    %get3A_772 = arith.constant 240 : index
    %get3A_773 = tpu.vector_load %arg20[%get3A_771, %get3A_772] {strides = array<i32>} : memref<2x432xi32, #tpu.memory_space<vmem>>, vector<1x16xi32>,
    %get3A_774 = vector.shape_cast %get3A_773 : vector<1x16xi32> to vector<16xi32>
    %get3A_775 = arith.constant 0 : i32
    %get3A_776 = arith.index_cast %get3A_775 : i32 to index
    %get3A_777 = arith.constant 256 : index
    %get3A_778 = tpu.vector_load %arg20[%get3A_776, %get3A_777] {strides = array<i32>} : memref<2x432xi32, #tpu.memory_space<vmem>>, vector<1x16xi32>,
    %get3A_779 = vector.shape_cast %get3A_778 : vector<1x16xi32> to vector<16xi32>
    %get3A_780 = arith.constant 0 : i32
    %get3A_781 = arith.index_cast %get3A_780 : i32 to index
    %get3A_782 = arith.constant 272 : index
    %get3A_783 = tpu.vector_load %arg20[%get3A_781, %get3A_782] {strides = array<i32>} : memref<2x432xi32, #tpu.memory_space<vmem>>, vector<1x16xi32>,
    %get3A_784 = vector.shape_cast %get3A_783 : vector<1x16xi32> to vector<16xi32>
    %get3A_785 = arith.constant 0 : i32
    %get3A_786 = arith.index_cast %get3A_785 : i32 to index
    %get3A_787 = arith.constant 288 : index
    %get3A_788 = tpu.vector_load %arg20[%get3A_786, %get3A_787] {strides = array<i32>} : memref<2x432xi32, #tpu.memory_space<vmem>>, vector<1x16xi32>,
    %get3A_789 = vector.shape_cast %get3A_788 : vector<1x16xi32> to vector<16xi32>
    %get3A_790 = arith.constant 0 : i32
    %get3A_791 = arith.index_cast %get3A_790 : i32 to index
    %get3A_792 = arith.constant 304 : index
    %get3A_793 = tpu.vector_load %arg20[%get3A_791, %get3A_792] {strides = array<i32>} : memref<2x432xi32, #tpu.memory_space<vmem>>, vector<1x16xi32>,
    %get3A_794 = vector.shape_cast %get3A_793 : vector<1x16xi32> to vector<16xi32>
    %get3A_795 = arith.constant 0 : i32
    %get3A_796 = arith.index_cast %get3A_795 : i32 to index
    %get3A_797 = arith.constant 320 : index
    %get3A_798 = tpu.vector_load %arg20[%get3A_796, %get3A_797] {strides = array<i32>} : memref<2x432xi32, #tpu.memory_space<vmem>>, vector<1x16xi32>,
    %get3A_799 = vector.shape_cast %get3A_798 : vector<1x16xi32> to vector<16xi32>
    %get3A_800 = arith.constant 0 : i32
    %get3A_801 = arith.index_cast %get3A_800 : i32 to index
    %get3A_802 = arith.constant 336 : index
    %get3A_803 = tpu.vector_load %arg20[%get3A_801, %get3A_802] {strides = array<i32>} : memref<2x432xi32, #tpu.memory_space<vmem>>, vector<1x16xi32>,
    %get3A_804 = vector.shape_cast %get3A_803 : vector<1x16xi32> to vector<16xi32>
    %get3A_805 = arith.constant 0 : i32
    %get3A_806 = arith.index_cast %get3A_805 : i32 to index
    %get3A_807 = arith.constant 352 : index
    %get3A_808 = tpu.vector_load %arg20[%get3A_806, %get3A_807] {strides = array<i32>} : memref<2x432xi32, #tpu.memory_space<vmem>>, vector<1x16xi32>,
    %get3A_809 = vector.shape_cast %get3A_808 : vector<1x16xi32> to vector<16xi32>
    %get3A_810 = arith.constant 0 : i32
    %get3A_811 = arith.index_cast %get3A_810 : i32 to index
    %get3A_812 = arith.constant 368 : index
    %get3A_813 = tpu.vector_load %arg20[%get3A_811, %get3A_812] {strides = array<i32>} : memref<2x432xi32, #tpu.memory_space<vmem>>, vector<1x16xi32>,
    %get3A_814 = vector.shape_cast %get3A_813 : vector<1x16xi32> to vector<16xi32>
    %get3A_815 = arith.constant 0 : i32
    %get3A_816 = arith.index_cast %get3A_815 : i32 to index
    %get3A_817 = arith.constant 384 : index
    %get3A_818 = tpu.vector_load %arg20[%get3A_816, %get3A_817] {strides = array<i32>} : memref<2x432xi32, #tpu.memory_space<vmem>>, vector<1x16xi32>,
    %get3A_819 = vector.shape_cast %get3A_818 : vector<1x16xi32> to vector<16xi32>
    %get3A_820 = arith.constant 0 : i32
    %get3A_821 = arith.index_cast %get3A_820 : i32 to index
    %get3A_822 = arith.constant 400 : index
    %get3A_823 = tpu.vector_load %arg20[%get3A_821, %get3A_822] {strides = array<i32>} : memref<2x432xi32, #tpu.memory_space<vmem>>, vector<1x16xi32>,
    %get3A_824 = vector.shape_cast %get3A_823 : vector<1x16xi32> to vector<16xi32>
    %get3A_825 = arith.constant 0 : i32
    %get3A_826 = arith.index_cast %get3A_825 : i32 to index
    %get3A_827 = arith.constant 416 : index
    %get3A_828 = tpu.vector_load %arg20[%get3A_826, %get3A_827] {strides = array<i32>} : memref<2x432xi32, #tpu.memory_space<vmem>>, vector<1x16xi32>,
    %get3A_829 = vector.shape_cast %get3A_828 : vector<1x16xi32> to vector<16xi32>
    %get3A_830 = arith.constant 1 : i32
    %get3A_831 = arith.index_cast %get3A_830 : i32 to index
    %get3A_832 = arith.constant 0 : index
    %get3A_833 = tpu.vector_load %arg20[%get3A_831, %get3A_832] {strides = array<i32>} : memref<2x432xi32, #tpu.memory_space<vmem>>, vector<1x16xi32>,
    %get3A_834 = vector.shape_cast %get3A_833 : vector<1x16xi32> to vector<16xi32>
    %get3A_835 = arith.constant 1 : i32
    %get3A_836 = arith.index_cast %get3A_835 : i32 to index
    %get3A_837 = arith.constant 16 : index
    %get3A_838 = tpu.vector_load %arg20[%get3A_836, %get3A_837] {strides = array<i32>} : memref<2x432xi32, #tpu.memory_space<vmem>>, vector<1x16xi32>,
    %get3A_839 = vector.shape_cast %get3A_838 : vector<1x16xi32> to vector<16xi32>
    %get3A_840 = arith.constant 1 : i32
    %get3A_841 = arith.index_cast %get3A_840 : i32 to index
    %get3A_842 = arith.constant 32 : index
    %get3A_843 = tpu.vector_load %arg20[%get3A_841, %get3A_842] {strides = array<i32>} : memref<2x432xi32, #tpu.memory_space<vmem>>, vector<1x16xi32>,
    %get3A_844 = vector.shape_cast %get3A_843 : vector<1x16xi32> to vector<16xi32>
    %get3A_845 = arith.constant 1 : i32
    %get3A_846 = arith.index_cast %get3A_845 : i32 to index
    %get3A_847 = arith.constant 48 : index
    %get3A_848 = tpu.vector_load %arg20[%get3A_846, %get3A_847] {strides = array<i32>} : memref<2x432xi32, #tpu.memory_space<vmem>>, vector<1x16xi32>,
    %get3A_849 = vector.shape_cast %get3A_848 : vector<1x16xi32> to vector<16xi32>
    %get3A_850 = arith.constant 1 : i32
    %get3A_851 = arith.index_cast %get3A_850 : i32 to index
    %get3A_852 = arith.constant 64 : index
    %get3A_853 = tpu.vector_load %arg20[%get3A_851, %get3A_852] {strides = array<i32>} : memref<2x432xi32, #tpu.memory_space<vmem>>, vector<1x16xi32>,
    %get3A_854 = vector.shape_cast %get3A_853 : vector<1x16xi32> to vector<16xi32>
    %get3A_855 = arith.constant 1 : i32
    %get3A_856 = arith.index_cast %get3A_855 : i32 to index
    %get3A_857 = arith.constant 80 : index
    %get3A_858 = tpu.vector_load %arg20[%get3A_856, %get3A_857] {strides = array<i32>} : memref<2x432xi32, #tpu.memory_space<vmem>>, vector<1x16xi32>,
    %get3A_859 = vector.shape_cast %get3A_858 : vector<1x16xi32> to vector<16xi32>
    %get3A_860 = arith.constant 1 : i32
    %get3A_861 = arith.index_cast %get3A_860 : i32 to index
    %get3A_862 = arith.constant 96 : index
    %get3A_863 = tpu.vector_load %arg20[%get3A_861, %get3A_862] {strides = array<i32>} : memref<2x432xi32, #tpu.memory_space<vmem>>, vector<1x16xi32>,
    %get3A_864 = vector.shape_cast %get3A_863 : vector<1x16xi32> to vector<16xi32>
    %get3A_865 = arith.constant 1 : i32
    %get3A_866 = arith.index_cast %get3A_865 : i32 to index
    %get3A_867 = arith.constant 112 : index
    %get3A_868 = tpu.vector_load %arg20[%get3A_866, %get3A_867] {strides = array<i32>} : memref<2x432xi32, #tpu.memory_space<vmem>>, vector<1x16xi32>,
    %get3A_869 = vector.shape_cast %get3A_868 : vector<1x16xi32> to vector<16xi32>
    %get3A_870 = arith.constant 1 : i32
    %get3A_871 = arith.index_cast %get3A_870 : i32 to index
    %get3A_872 = arith.constant 128 : index
    %get3A_873 = tpu.vector_load %arg20[%get3A_871, %get3A_872] {strides = array<i32>} : memref<2x432xi32, #tpu.memory_space<vmem>>, vector<1x16xi32>,
    %get3A_874 = vector.shape_cast %get3A_873 : vector<1x16xi32> to vector<16xi32>
    %get3A_875 = arith.constant 1 : i32
    %get3A_876 = arith.index_cast %get3A_875 : i32 to index
    %get3A_877 = arith.constant 144 : index
    %get3A_878 = tpu.vector_load %arg20[%get3A_876, %get3A_877] {strides = array<i32>} : memref<2x432xi32, #tpu.memory_space<vmem>>, vector<1x16xi32>,
    %get3A_879 = vector.shape_cast %get3A_878 : vector<1x16xi32> to vector<16xi32>
    %get3A_880 = arith.constant 1 : i32
    %get3A_881 = arith.index_cast %get3A_880 : i32 to index
    %get3A_882 = arith.constant 160 : index
    %get3A_883 = tpu.vector_load %arg20[%get3A_881, %get3A_882] {strides = array<i32>} : memref<2x432xi32, #tpu.memory_space<vmem>>, vector<1x16xi32>,
    %get3A_884 = vector.shape_cast %get3A_883 : vector<1x16xi32> to vector<16xi32>
    %get3A_885 = arith.constant 1 : i32
    %get3A_886 = arith.index_cast %get3A_885 : i32 to index
    %get3A_887 = arith.constant 176 : index
    %get3A_888 = tpu.vector_load %arg20[%get3A_886, %get3A_887] {strides = array<i32>} : memref<2x432xi32, #tpu.memory_space<vmem>>, vector<1x16xi32>,
    %get3A_889 = vector.shape_cast %get3A_888 : vector<1x16xi32> to vector<16xi32>
    %get3A_890 = arith.constant 1 : i32
    %get3A_891 = arith.index_cast %get3A_890 : i32 to index
    %get3A_892 = arith.constant 192 : index
    %get3A_893 = tpu.vector_load %arg20[%get3A_891, %get3A_892] {strides = array<i32>} : memref<2x432xi32, #tpu.memory_space<vmem>>, vector<1x16xi32>,
    %get3A_894 = vector.shape_cast %get3A_893 : vector<1x16xi32> to vector<16xi32>
    %get3A_895 = arith.constant 1 : i32
    %get3A_896 = arith.index_cast %get3A_895 : i32 to index
    %get3A_897 = arith.constant 208 : index
    %get3A_898 = tpu.vector_load %arg20[%get3A_896, %get3A_897] {strides = array<i32>} : memref<2x432xi32, #tpu.memory_space<vmem>>, vector<1x16xi32>,
    %get3A_899 = vector.shape_cast %get3A_898 : vector<1x16xi32> to vector<16xi32>
    %get3A_900 = arith.constant 1 : i32
    %get3A_901 = arith.index_cast %get3A_900 : i32 to index
    %get3A_902 = arith.constant 224 : index
    %get3A_903 = tpu.vector_load %arg20[%get3A_901, %get3A_902] {strides = array<i32>} : memref<2x432xi32, #tpu.memory_space<vmem>>, vector<1x16xi32>,
    %get3A_904 = vector.shape_cast %get3A_903 : vector<1x16xi32> to vector<16xi32>
    %get3A_905 = arith.constant 1 : i32
    %get3A_906 = arith.index_cast %get3A_905 : i32 to index
    %get3A_907 = arith.constant 240 : index
    %get3A_908 = tpu.vector_load %arg20[%get3A_906, %get3A_907] {strides = array<i32>} : memref<2x432xi32, #tpu.memory_space<vmem>>, vector<1x16xi32>,
    %get3A_909 = vector.shape_cast %get3A_908 : vector<1x16xi32> to vector<16xi32>
    %get3A_910 = arith.constant 1 : i32
    %get3A_911 = arith.index_cast %get3A_910 : i32 to index
    %get3A_912 = arith.constant 256 : index
    %get3A_913 = tpu.vector_load %arg20[%get3A_911, %get3A_912] {strides = array<i32>} : memref<2x432xi32, #tpu.memory_space<vmem>>, vector<1x16xi32>,
    %get3A_914 = vector.shape_cast %get3A_913 : vector<1x16xi32> to vector<16xi32>
    %get3A_915 = arith.constant 1 : i32
    %get3A_916 = arith.index_cast %get3A_915 : i32 to index
    %get3A_917 = arith.constant 272 : index
    %get3A_918 = tpu.vector_load %arg20[%get3A_916, %get3A_917] {strides = array<i32>} : memref<2x432xi32, #tpu.memory_space<vmem>>, vector<1x16xi32>,
    %get3A_919 = vector.shape_cast %get3A_918 : vector<1x16xi32> to vector<16xi32>
    %get3A_920 = arith.constant 1 : i32
    %get3A_921 = arith.index_cast %get3A_920 : i32 to index
    %get3A_922 = arith.constant 288 : index
    %get3A_923 = tpu.vector_load %arg20[%get3A_921, %get3A_922] {strides = array<i32>} : memref<2x432xi32, #tpu.memory_space<vmem>>, vector<1x16xi32>,
    %get3A_924 = vector.shape_cast %get3A_923 : vector<1x16xi32> to vector<16xi32>
    %get3A_925 = arith.constant 1 : i32
    %get3A_926 = arith.index_cast %get3A_925 : i32 to index
    %get3A_927 = arith.constant 304 : index
    %get3A_928 = tpu.vector_load %arg20[%get3A_926, %get3A_927] {strides = array<i32>} : memref<2x432xi32, #tpu.memory_space<vmem>>, vector<1x16xi32>,
    %get3A_929 = vector.shape_cast %get3A_928 : vector<1x16xi32> to vector<16xi32>
    %get3A_930 = arith.constant 1 : i32
    %get3A_931 = arith.index_cast %get3A_930 : i32 to index
    %get3A_932 = arith.constant 320 : index
    %get3A_933 = tpu.vector_load %arg20[%get3A_931, %get3A_932] {strides = array<i32>} : memref<2x432xi32, #tpu.memory_space<vmem>>, vector<1x16xi32>,
    %get3A_934 = vector.shape_cast %get3A_933 : vector<1x16xi32> to vector<16xi32>
    %get3A_935 = arith.constant 1 : i32
    %get3A_936 = arith.index_cast %get3A_935 : i32 to index
    %get3A_937 = arith.constant 336 : index
    %get3A_938 = tpu.vector_load %arg20[%get3A_936, %get3A_937] {strides = array<i32>} : memref<2x432xi32, #tpu.memory_space<vmem>>, vector<1x16xi32>,
    %get3A_939 = vector.shape_cast %get3A_938 : vector<1x16xi32> to vector<16xi32>
    %get3A_940 = arith.constant 1 : i32
    %get3A_941 = arith.index_cast %get3A_940 : i32 to index
    %get3A_942 = arith.constant 352 : index
    %get3A_943 = tpu.vector_load %arg20[%get3A_941, %get3A_942] {strides = array<i32>} : memref<2x432xi32, #tpu.memory_space<vmem>>, vector<1x16xi32>,
    %get3A_944 = vector.shape_cast %get3A_943 : vector<1x16xi32> to vector<16xi32>
    %get3A_945 = arith.constant 1 : i32
    %get3A_946 = arith.index_cast %get3A_945 : i32 to index
    %get3A_947 = arith.constant 368 : index
    %get3A_948 = tpu.vector_load %arg20[%get3A_946, %get3A_947] {strides = array<i32>} : memref<2x432xi32, #tpu.memory_space<vmem>>, vector<1x16xi32>,
    %get3A_949 = vector.shape_cast %get3A_948 : vector<1x16xi32> to vector<16xi32>
    %get3A_950 = arith.constant 1 : i32
    %get3A_951 = arith.index_cast %get3A_950 : i32 to index
    %get3A_952 = arith.constant 384 : index
    %get3A_953 = tpu.vector_load %arg20[%get3A_951, %get3A_952] {strides = array<i32>} : memref<2x432xi32, #tpu.memory_space<vmem>>, vector<1x16xi32>,
    %get3A_954 = vector.shape_cast %get3A_953 : vector<1x16xi32> to vector<16xi32>
    %get3A_955 = arith.constant 1 : i32
    %get3A_956 = arith.index_cast %get3A_955 : i32 to index
    %get3A_957 = arith.constant 400 : index
    %get3A_958 = tpu.vector_load %arg20[%get3A_956, %get3A_957] {strides = array<i32>} : memref<2x432xi32, #tpu.memory_space<vmem>>, vector<1x16xi32>,
    %get3A_959 = vector.shape_cast %get3A_958 : vector<1x16xi32> to vector<16xi32>
    %get3A_960 = arith.constant 1 : i32
    %get3A_961 = arith.index_cast %get3A_960 : i32 to index
    %get3A_962 = arith.constant 416 : index
    %get3A_963 = tpu.vector_load %arg20[%get3A_961, %get3A_962] {strides = array<i32>} : memref<2x432xi32, #tpu.memory_space<vmem>>, vector<1x16xi32>,
    %get3A_964 = vector.shape_cast %get3A_963 : vector<1x16xi32> to vector<16xi32>
    %scan3A_965 = arith.constant 0 : i32
    %scan3A_966 = arith.constant 0 : i32
    %scan3A_967 = arith.constant 31 : i32
    %scan3A_968 = arith.addi %scan3A_966, %scan3A_967 : i32
    %scan3A_969 = arith.constant 1 : i32
    %scan3A_970 = scf.for %scan3A_993 = %scan3A_966 to %scan3A_968 step %scan3A_969 iter_args(%scan3A_994 = %scan3A_965) -> (i32)  : i32 {
      %mul3A_995 = arith.constant 32 : i32
      %mul3A_996 = arith.muli %mul3A_995, %scan3A_993 : i32
      %add3A_997 = arith.addi %add3A, %mul3A_996 : i32
      %mul3A_998 = arith.constant 64 : i32
      %mul3A_999 = arith.muli %mul3A_998, %add3A_997 : i32
      %scan3A_1000 = arith.constant 0 : i32
      %scan3A_1001 = arith.constant 16 : i32
      %scan3A_1002 = arith.addi %scan3A_1000, %scan3A_1001 : i32
      %scan3A_1003 = arith.constant 1 : i32
      scf.for %scan3A_1008 = %scan3A_1000 to %scan3A_1002 step %scan3A_1003  : i32 {
        %mul3A_1009 = arith.constant 4 : i32
        %mul3A_1010 = arith.muli %mul3A_1009, %scan3A_1008 : i32
        %add3A_1011 = arith.addi %mul3A_999, %mul3A_1010 : i32
        %mul3A_1012 = arith.constant 16 : i32
        %mul3A_1013 = arith.muli %mul3A_1012, %add3A_1011 : i32
        %broadcast_in_dim3A_1014 = vector.broadcast %mul3A_1013 : i32 to vector<16xi32>
        %add3A_1015 = arith.addi %get3A_699, %broadcast_in_dim3A_1014 : vector<16xi32>
        %mul3A_1016 = arith.constant 432 : i32
        %mul3A_1017 = arith.muli %mul3A_1016, %scan3A_1008 : i32
        %add3A_1018 = arith.constant 0 : i32
        %add3A_1019 = arith.addi %mul3A_1017, %add3A_1018 : i32
        %swap3A_1020 = arith.constant 0 : i32
        %swap3A_1021 = arith.index_cast %swap3A_1020 : i32 to index
        %swap3A_1022 = arith.index_cast %add3A_1019 : i32 to index
        %swap3A_1023 = tpu.vector_load %arg14[%swap3A_1021, %swap3A_1022] {strides = array<i32>} : memref<2x6912xi32, #tpu.memory_space<vmem>>, vector<1x16xi32>,
        %swap3A_1024 = vector.shape_cast %swap3A_1023 : vector<1x16xi32> to vector<16xi32>
        %swap3A_1025 = vector.shape_cast %add3A_1015 : vector<16xi32> to vector<1x16xi32>
        tpu.vector_store %arg14[%swap3A_1021, %swap3A_1022], %swap3A_1025 {strides = array<i32>} : memref<2x6912xi32, #tpu.memory_space<vmem>>, vector<1x16xi32>,
        %add3A_1026 = arith.addi %get3A_704, %broadcast_in_dim3A_1014 : vector<16xi32>
        %mul3A_1027 = arith.constant 432 : i32
        %mul3A_1028 = arith.muli %mul3A_1027, %scan3A_1008 : i32
        %add3A_1029 = arith.constant 16 : i32
        %add3A_1030 = arith.addi %mul3A_1028, %add3A_1029 : i32
        %swap3A_1031 = arith.constant 0 : i32
        %swap3A_1032 = arith.index_cast %swap3A_1031 : i32 to index
        %swap3A_1033 = arith.index_cast %add3A_1030 : i32 to index
        %swap3A_1034 = tpu.vector_load %arg14[%swap3A_1032, %swap3A_1033] {strides = array<i32>} : memref<2x6912xi32, #tpu.memory_space<vmem>>, vector<1x16xi32>,
        %swap3A_1035 = vector.shape_cast %swap3A_1034 : vector<1x16xi32> to vector<16xi32>
        %swap3A_1036 = vector.shape_cast %add3A_1026 : vector<16xi32> to vector<1x16xi32>
        tpu.vector_store %arg14[%swap3A_1032, %swap3A_1033], %swap3A_1036 {strides = array<i32>} : memref<2x6912xi32, #tpu.memory_space<vmem>>, vector<1x16xi32>,
        %add3A_1037 = arith.addi %get3A_709, %broadcast_in_dim3A_1014 : vector<16xi32>
        %mul3A_1038 = arith.constant 432 : i32
        %mul3A_1039 = arith.muli %mul3A_1038, %scan3A_1008 : i32
        %add3A_1040 = arith.constant 32 : i32
        %add3A_1041 = arith.addi %mul3A_1039, %add3A_1040 : i32
        %swap3A_1042 = arith.constant 0 : i32
        %swap3A_1043 = arith.index_cast %swap3A_1042 : i32 to index
        %swap3A_1044 = arith.index_cast %add3A_1041 : i32 to index
        %swap3A_1045 = tpu.vector_load %arg14[%swap3A_1043, %swap3A_1044] {strides = array<i32>} : memref<2x6912xi32, #tpu.memory_space<vmem>>, vector<1x16xi32>,
        %swap3A_1046 = vector.shape_cast %swap3A_1045 : vector<1x16xi32> to vector<16xi32>
        %swap3A_1047 = vector.shape_cast %add3A_1037 : vector<16xi32> to vector<1x16xi32>
        tpu.vector_store %arg14[%swap3A_1043, %swap3A_1044], %swap3A_1047 {strides = array<i32>} : memref<2x6912xi32, #tpu.memory_space<vmem>>, vector<1x16xi32>,
        %add3A_1048 = arith.addi %get3A_714, %broadcast_in_dim3A_1014 : vector<16xi32>
        %mul3A_1049 = arith.constant 432 : i32
        %mul3A_1050 = arith.muli %mul3A_1049, %scan3A_1008 : i32
        %add3A_1051 = arith.constant 48 : i32
        %add3A_1052 = arith.addi %mul3A_1050, %add3A_1051 : i32
        %swap3A_1053 = arith.constant 0 : i32
        %swap3A_1054 = arith.index_cast %swap3A_1053 : i32 to index
        %swap3A_1055 = arith.index_cast %add3A_1052 : i32 to index
        %swap3A_1056 = tpu.vector_load %arg14[%swap3A_1054, %swap3A_1055] {strides = array<i32>} : memref<2x6912xi32, #tpu.memory_space<vmem>>, vector<1x16xi32>,
        %swap3A_1057 = vector.shape_cast %swap3A_1056 : vector<1x16xi32> to vector<16xi32>
        %swap3A_1058 = vector.shape_cast %add3A_1048 : vector<16xi32> to vector<1x16xi32>
        tpu.vector_store %arg14[%swap3A_1054, %swap3A_1055], %swap3A_1058 {strides = array<i32>} : memref<2x6912xi32, #tpu.memory_space<vmem>>, vector<1x16xi32>,
        %add3A_1059 = arith.addi %get3A_719, %broadcast_in_dim3A_1014 : vector<16xi32>
        %mul3A_1060 = arith.constant 432 : i32
        %mul3A_1061 = arith.muli %mul3A_1060, %scan3A_1008 : i32
        %add3A_1062 = arith.constant 64 : i32
        %add3A_1063 = arith.addi %mul3A_1061, %add3A_1062 : i32
        %swap3A_1064 = arith.constant 0 : i32
        %swap3A_1065 = arith.index_cast %swap3A_1064 : i32 to index
        %swap3A_1066 = arith.index_cast %add3A_1063 : i32 to index
        %swap3A_1067 = tpu.vector_load %arg14[%swap3A_1065, %swap3A_1066] {strides = array<i32>} : memref<2x6912xi32, #tpu.memory_space<vmem>>, vector<1x16xi32>,
        %swap3A_1068 = vector.shape_cast %swap3A_1067 : vector<1x16xi32> to vector<16xi32>
        %swap3A_1069 = vector.shape_cast %add3A_1059 : vector<16xi32> to vector<1x16xi32>
        tpu.vector_store %arg14[%swap3A_1065, %swap3A_1066], %swap3A_1069 {strides = array<i32>} : memref<2x6912xi32, #tpu.memory_space<vmem>>, vector<1x16xi32>,
        %add3A_1070 = arith.addi %get3A_724, %broadcast_in_dim3A_1014 : vector<16xi32>
        %mul3A_1071 = arith.constant 432 : i32
        %mul3A_1072 = arith.muli %mul3A_1071, %scan3A_1008 : i32
        %add3A_1073 = arith.constant 80 : i32
        %add3A_1074 = arith.addi %mul3A_1072, %add3A_1073 : i32
        %swap3A_1075 = arith.constant 0 : i32
        %swap3A_1076 = arith.index_cast %swap3A_1075 : i32 to index
        %swap3A_1077 = arith.index_cast %add3A_1074 : i32 to index
        %swap3A_1078 = tpu.vector_load %arg14[%swap3A_1076, %swap3A_1077] {strides = array<i32>} : memref<2x6912xi32, #tpu.memory_space<vmem>>, vector<1x16xi32>,
        %swap3A_1079 = vector.shape_cast %swap3A_1078 : vector<1x16xi32> to vector<16xi32>
        %swap3A_1080 = vector.shape_cast %add3A_1070 : vector<16xi32> to vector<1x16xi32>
        tpu.vector_store %arg14[%swap3A_1076, %swap3A_1077], %swap3A_1080 {strides = array<i32>} : memref<2x6912xi32, #tpu.memory_space<vmem>>, vector<1x16xi32>,
        %add3A_1081 = arith.addi %get3A_729, %broadcast_in_dim3A_1014 : vector<16xi32>
        %mul3A_1082 = arith.constant 432 : i32
        %mul3A_1083 = arith.muli %mul3A_1082, %scan3A_1008 : i32
        %add3A_1084 = arith.constant 96 : i32
        %add3A_1085 = arith.addi %mul3A_1083, %add3A_1084 : i32
        %swap3A_1086 = arith.constant 0 : i32
        %swap3A_1087 = arith.index_cast %swap3A_1086 : i32 to index
        %swap3A_1088 = arith.index_cast %add3A_1085 : i32 to index
        %swap3A_1089 = tpu.vector_load %arg14[%swap3A_1087, %swap3A_1088] {strides = array<i32>} : memref<2x6912xi32, #tpu.memory_space<vmem>>, vector<1x16xi32>,
        %swap3A_1090 = vector.shape_cast %swap3A_1089 : vector<1x16xi32> to vector<16xi32>
        %swap3A_1091 = vector.shape_cast %add3A_1081 : vector<16xi32> to vector<1x16xi32>
        tpu.vector_store %arg14[%swap3A_1087, %swap3A_1088], %swap3A_1091 {strides = array<i32>} : memref<2x6912xi32, #tpu.memory_space<vmem>>, vector<1x16xi32>,
        %add3A_1092 = arith.addi %get3A_734, %broadcast_in_dim3A_1014 : vector<16xi32>
        %mul3A_1093 = arith.constant 432 : i32
        %mul3A_1094 = arith.muli %mul3A_1093, %scan3A_1008 : i32
        %add3A_1095 = arith.constant 112 : i32
        %add3A_1096 = arith.addi %mul3A_1094, %add3A_1095 : i32
        %swap3A_1097 = arith.constant 0 : i32
        %swap3A_1098 = arith.index_cast %swap3A_1097 : i32 to index
        %swap3A_1099 = arith.index_cast %add3A_1096 : i32 to index
        %swap3A_1100 = tpu.vector_load %arg14[%swap3A_1098, %swap3A_1099] {strides = array<i32>} : memref<2x6912xi32, #tpu.memory_space<vmem>>, vector<1x16xi32>,
        %swap3A_1101 = vector.shape_cast %swap3A_1100 : vector<1x16xi32> to vector<16xi32>
        %swap3A_1102 = vector.shape_cast %add3A_1092 : vector<16xi32> to vector<1x16xi32>
        tpu.vector_store %arg14[%swap3A_1098, %swap3A_1099], %swap3A_1102 {strides = array<i32>} : memref<2x6912xi32, #tpu.memory_space<vmem>>, vector<1x16xi32>,
        %add3A_1103 = arith.addi %get3A_739, %broadcast_in_dim3A_1014 : vector<16xi32>
        %mul3A_1104 = arith.constant 432 : i32
        %mul3A_1105 = arith.muli %mul3A_1104, %scan3A_1008 : i32
        %add3A_1106 = arith.constant 128 : i32
        %add3A_1107 = arith.addi %mul3A_1105, %add3A_1106 : i32
        %swap3A_1108 = arith.constant 0 : i32
        %swap3A_1109 = arith.index_cast %swap3A_1108 : i32 to index
        %swap3A_1110 = arith.index_cast %add3A_1107 : i32 to index
        %swap3A_1111 = tpu.vector_load %arg14[%swap3A_1109, %swap3A_1110] {strides = array<i32>} : memref<2x6912xi32, #tpu.memory_space<vmem>>, vector<1x16xi32>,
        %swap3A_1112 = vector.shape_cast %swap3A_1111 : vector<1x16xi32> to vector<16xi32>
        %swap3A_1113 = vector.shape_cast %add3A_1103 : vector<16xi32> to vector<1x16xi32>
        tpu.vector_store %arg14[%swap3A_1109, %swap3A_1110], %swap3A_1113 {strides = array<i32>} : memref<2x6912xi32, #tpu.memory_space<vmem>>, vector<1x16xi32>,
        %add3A_1114 = arith.addi %get3A_744, %broadcast_in_dim3A_1014 : vector<16xi32>
        %mul3A_1115 = arith.constant 432 : i32
        %mul3A_1116 = arith.muli %mul3A_1115, %scan3A_1008 : i32
        %add3A_1117 = arith.constant 144 : i32
        %add3A_1118 = arith.addi %mul3A_1116, %add3A_1117 : i32
        %swap3A_1119 = arith.constant 0 : i32
        %swap3A_1120 = arith.index_cast %swap3A_1119 : i32 to index
        %swap3A_1121 = arith.index_cast %add3A_1118 : i32 to index
        %swap3A_1122 = tpu.vector_load %arg14[%swap3A_1120, %swap3A_1121] {strides = array<i32>} : memref<2x6912xi32, #tpu.memory_space<vmem>>, vector<1x16xi32>,
        %swap3A_1123 = vector.shape_cast %swap3A_1122 : vector<1x16xi32> to vector<16xi32>
        %swap3A_1124 = vector.shape_cast %add3A_1114 : vector<16xi32> to vector<1x16xi32>
        tpu.vector_store %arg14[%swap3A_1120, %swap3A_1121], %swap3A_1124 {strides = array<i32>} : memref<2x6912xi32, #tpu.memory_space<vmem>>, vector<1x16xi32>,
        %add3A_1125 = arith.addi %get3A_749, %broadcast_in_dim3A_1014 : vector<16xi32>
        %mul3A_1126 = arith.constant 432 : i32
        %mul3A_1127 = arith.muli %mul3A_1126, %scan3A_1008 : i32
        %add3A_1128 = arith.constant 160 : i32
        %add3A_1129 = arith.addi %mul3A_1127, %add3A_1128 : i32
        %swap3A_1130 = arith.constant 0 : i32
        %swap3A_1131 = arith.index_cast %swap3A_1130 : i32 to index
        %swap3A_1132 = arith.index_cast %add3A_1129 : i32 to index
        %swap3A_1133 = tpu.vector_load %arg14[%swap3A_1131, %swap3A_1132] {strides = array<i32>} : memref<2x6912xi32, #tpu.memory_space<vmem>>, vector<1x16xi32>,
        %swap3A_1134 = vector.shape_cast %swap3A_1133 : vector<1x16xi32> to vector<16xi32>
        %swap3A_1135 = vector.shape_cast %add3A_1125 : vector<16xi32> to vector<1x16xi32>
        tpu.vector_store %arg14[%swap3A_1131, %swap3A_1132], %swap3A_1135 {strides = array<i32>} : memref<2x6912xi32, #tpu.memory_space<vmem>>, vector<1x16xi32>,
        %add3A_1136 = arith.addi %get3A_754, %broadcast_in_dim3A_1014 : vector<16xi32>
        %mul3A_1137 = arith.constant 432 : i32
        %mul3A_1138 = arith.muli %mul3A_1137, %scan3A_1008 : i32
        %add3A_1139 = arith.constant 176 : i32
        %add3A_1140 = arith.addi %mul3A_1138, %add3A_1139 : i32
        %swap3A_1141 = arith.constant 0 : i32
        %swap3A_1142 = arith.index_cast %swap3A_1141 : i32 to index
        %swap3A_1143 = arith.index_cast %add3A_1140 : i32 to index
        %swap3A_1144 = tpu.vector_load %arg14[%swap3A_1142, %swap3A_1143] {strides = array<i32>} : memref<2x6912xi32, #tpu.memory_space<vmem>>, vector<1x16xi32>,
        %swap3A_1145 = vector.shape_cast %swap3A_1144 : vector<1x16xi32> to vector<16xi32>
        %swap3A_1146 = vector.shape_cast %add3A_1136 : vector<16xi32> to vector<1x16xi32>
        tpu.vector_store %arg14[%swap3A_1142, %swap3A_1143], %swap3A_1146 {strides = array<i32>} : memref<2x6912xi32, #tpu.memory_space<vmem>>, vector<1x16xi32>,
        %add3A_1147 = arith.addi %get3A_759, %broadcast_in_dim3A_1014 : vector<16xi32>
        %mul3A_1148 = arith.constant 432 : i32
        %mul3A_1149 = arith.muli %mul3A_1148, %scan3A_1008 : i32
        %add3A_1150 = arith.constant 192 : i32
        %add3A_1151 = arith.addi %mul3A_1149, %add3A_1150 : i32
        %swap3A_1152 = arith.constant 0 : i32
        %swap3A_1153 = arith.index_cast %swap3A_1152 : i32 to index
        %swap3A_1154 = arith.index_cast %add3A_1151 : i32 to index
        %swap3A_1155 = tpu.vector_load %arg14[%swap3A_1153, %swap3A_1154] {strides = array<i32>} : memref<2x6912xi32, #tpu.memory_space<vmem>>, vector<1x16xi32>,
        %swap3A_1156 = vector.shape_cast %swap3A_1155 : vector<1x16xi32> to vector<16xi32>
        %swap3A_1157 = vector.shape_cast %add3A_1147 : vector<16xi32> to vector<1x16xi32>
        tpu.vector_store %arg14[%swap3A_1153, %swap3A_1154], %swap3A_1157 {strides = array<i32>} : memref<2x6912xi32, #tpu.memory_space<vmem>>, vector<1x16xi32>,
        %add3A_1158 = arith.addi %get3A_764, %broadcast_in_dim3A_1014 : vector<16xi32>
        %mul3A_1159 = arith.constant 432 : i32
        %mul3A_1160 = arith.muli %mul3A_1159, %scan3A_1008 : i32
        %add3A_1161 = arith.constant 208 : i32
        %add3A_1162 = arith.addi %mul3A_1160, %add3A_1161 : i32
        %swap3A_1163 = arith.constant 0 : i32
        %swap3A_1164 = arith.index_cast %swap3A_1163 : i32 to index
        %swap3A_1165 = arith.index_cast %add3A_1162 : i32 to index
        %swap3A_1166 = tpu.vector_load %arg14[%swap3A_1164, %swap3A_1165] {strides = array<i32>} : memref<2x6912xi32, #tpu.memory_space<vmem>>, vector<1x16xi32>,
        %swap3A_1167 = vector.shape_cast %swap3A_1166 : vector<1x16xi32> to vector<16xi32>
        %swap3A_1168 = vector.shape_cast %add3A_1158 : vector<16xi32> to vector<1x16xi32>
        tpu.vector_store %arg14[%swap3A_1164, %swap3A_1165], %swap3A_1168 {strides = array<i32>} : memref<2x6912xi32, #tpu.memory_space<vmem>>, vector<1x16xi32>,
        %add3A_1169 = arith.addi %get3A_769, %broadcast_in_dim3A_1014 : vector<16xi32>
        %mul3A_1170 = arith.constant 432 : i32
        %mul3A_1171 = arith.muli %mul3A_1170, %scan3A_1008 : i32
        %add3A_1172 = arith.constant 224 : i32
        %add3A_1173 = arith.addi %mul3A_1171, %add3A_1172 : i32
        %swap3A_1174 = arith.constant 0 : i32
        %swap3A_1175 = arith.index_cast %swap3A_1174 : i32 to index
        %swap3A_1176 = arith.index_cast %add3A_1173 : i32 to index
        %swap3A_1177 = tpu.vector_load %arg14[%swap3A_1175, %swap3A_1176] {strides = array<i32>} : memref<2x6912xi32, #tpu.memory_space<vmem>>, vector<1x16xi32>,
        %swap3A_1178 = vector.shape_cast %swap3A_1177 : vector<1x16xi32> to vector<16xi32>
        %swap3A_1179 = vector.shape_cast %add3A_1169 : vector<16xi32> to vector<1x16xi32>
        tpu.vector_store %arg14[%swap3A_1175, %swap3A_1176], %swap3A_1179 {strides = array<i32>} : memref<2x6912xi32, #tpu.memory_space<vmem>>, vector<1x16xi32>,
        %add3A_1180 = arith.addi %get3A_774, %broadcast_in_dim3A_1014 : vector<16xi32>
        %mul3A_1181 = arith.constant 432 : i32
        %mul3A_1182 = arith.muli %mul3A_1181, %scan3A_1008 : i32
        %add3A_1183 = arith.constant 240 : i32
        %add3A_1184 = arith.addi %mul3A_1182, %add3A_1183 : i32
        %swap3A_1185 = arith.constant 0 : i32
        %swap3A_1186 = arith.index_cast %swap3A_1185 : i32 to index
        %swap3A_1187 = arith.index_cast %add3A_1184 : i32 to index
        %swap3A_1188 = tpu.vector_load %arg14[%swap3A_1186, %swap3A_1187] {strides = array<i32>} : memref<2x6912xi32, #tpu.memory_space<vmem>>, vector<1x16xi32>,
        %swap3A_1189 = vector.shape_cast %swap3A_1188 : vector<1x16xi32> to vector<16xi32>
        %swap3A_1190 = vector.shape_cast %add3A_1180 : vector<16xi32> to vector<1x16xi32>
        tpu.vector_store %arg14[%swap3A_1186, %swap3A_1187], %swap3A_1190 {strides = array<i32>} : memref<2x6912xi32, #tpu.memory_space<vmem>>, vector<1x16xi32>,
        %add3A_1191 = arith.addi %get3A_779, %broadcast_in_dim3A_1014 : vector<16xi32>
        %mul3A_1192 = arith.constant 432 : i32
        %mul3A_1193 = arith.muli %mul3A_1192, %scan3A_1008 : i32
        %add3A_1194 = arith.constant 256 : i32
        %add3A_1195 = arith.addi %mul3A_1193, %add3A_1194 : i32
        %swap3A_1196 = arith.constant 0 : i32
        %swap3A_1197 = arith.index_cast %swap3A_1196 : i32 to index
        %swap3A_1198 = arith.index_cast %add3A_1195 : i32 to index
        %swap3A_1199 = tpu.vector_load %arg14[%swap3A_1197, %swap3A_1198] {strides = array<i32>} : memref<2x6912xi32, #tpu.memory_space<vmem>>, vector<1x16xi32>,
        %swap3A_1200 = vector.shape_cast %swap3A_1199 : vector<1x16xi32> to vector<16xi32>
        %swap3A_1201 = vector.shape_cast %add3A_1191 : vector<16xi32> to vector<1x16xi32>
        tpu.vector_store %arg14[%swap3A_1197, %swap3A_1198], %swap3A_1201 {strides = array<i32>} : memref<2x6912xi32, #tpu.memory_space<vmem>>, vector<1x16xi32>,
        %add3A_1202 = arith.addi %get3A_784, %broadcast_in_dim3A_1014 : vector<16xi32>
        %mul3A_1203 = arith.constant 432 : i32
        %mul3A_1204 = arith.muli %mul3A_1203, %scan3A_1008 : i32
        %add3A_1205 = arith.constant 272 : i32
        %add3A_1206 = arith.addi %mul3A_1204, %add3A_1205 : i32
        %swap3A_1207 = arith.constant 0 : i32
        %swap3A_1208 = arith.index_cast %swap3A_1207 : i32 to index
        %swap3A_1209 = arith.index_cast %add3A_1206 : i32 to index
        %swap3A_1210 = tpu.vector_load %arg14[%swap3A_1208, %swap3A_1209] {strides = array<i32>} : memref<2x6912xi32, #tpu.memory_space<vmem>>, vector<1x16xi32>,
        %swap3A_1211 = vector.shape_cast %swap3A_1210 : vector<1x16xi32> to vector<16xi32>
        %swap3A_1212 = vector.shape_cast %add3A_1202 : vector<16xi32> to vector<1x16xi32>
        tpu.vector_store %arg14[%swap3A_1208, %swap3A_1209], %swap3A_1212 {strides = array<i32>} : memref<2x6912xi32, #tpu.memory_space<vmem>>, vector<1x16xi32>,
        %add3A_1213 = arith.addi %get3A_789, %broadcast_in_dim3A_1014 : vector<16xi32>
        %mul3A_1214 = arith.constant 432 : i32
        %mul3A_1215 = arith.muli %mul3A_1214, %scan3A_1008 : i32
        %add3A_1216 = arith.constant 288 : i32
        %add3A_1217 = arith.addi %mul3A_1215, %add3A_1216 : i32
        %swap3A_1218 = arith.constant 0 : i32
        %swap3A_1219 = arith.index_cast %swap3A_1218 : i32 to index
        %swap3A_1220 = arith.index_cast %add3A_1217 : i32 to index
        %swap3A_1221 = tpu.vector_load %arg14[%swap3A_1219, %swap3A_1220] {strides = array<i32>} : memref<2x6912xi32, #tpu.memory_space<vmem>>, vector<1x16xi32>,
        %swap3A_1222 = vector.shape_cast %swap3A_1221 : vector<1x16xi32> to vector<16xi32>
        %swap3A_1223 = vector.shape_cast %add3A_1213 : vector<16xi32> to vector<1x16xi32>
        tpu.vector_store %arg14[%swap3A_1219, %swap3A_1220], %swap3A_1223 {strides = array<i32>} : memref<2x6912xi32, #tpu.memory_space<vmem>>, vector<1x16xi32>,
        %add3A_1224 = arith.addi %get3A_794, %broadcast_in_dim3A_1014 : vector<16xi32>
        %mul3A_1225 = arith.constant 432 : i32
        %mul3A_1226 = arith.muli %mul3A_1225, %scan3A_1008 : i32
        %add3A_1227 = arith.constant 304 : i32
        %add3A_1228 = arith.addi %mul3A_1226, %add3A_1227 : i32
        %swap3A_1229 = arith.constant 0 : i32
        %swap3A_1230 = arith.index_cast %swap3A_1229 : i32 to index
        %swap3A_1231 = arith.index_cast %add3A_1228 : i32 to index
        %swap3A_1232 = tpu.vector_load %arg14[%swap3A_1230, %swap3A_1231] {strides = array<i32>} : memref<2x6912xi32, #tpu.memory_space<vmem>>, vector<1x16xi32>,
        %swap3A_1233 = vector.shape_cast %swap3A_1232 : vector<1x16xi32> to vector<16xi32>
        %swap3A_1234 = vector.shape_cast %add3A_1224 : vector<16xi32> to vector<1x16xi32>
        tpu.vector_store %arg14[%swap3A_1230, %swap3A_1231], %swap3A_1234 {strides = array<i32>} : memref<2x6912xi32, #tpu.memory_space<vmem>>, vector<1x16xi32>,
        %add3A_1235 = arith.addi %get3A_799, %broadcast_in_dim3A_1014 : vector<16xi32>
        %mul3A_1236 = arith.constant 432 : i32
        %mul3A_1237 = arith.muli %mul3A_1236, %scan3A_1008 : i32
        %add3A_1238 = arith.constant 320 : i32
        %add3A_1239 = arith.addi %mul3A_1237, %add3A_1238 : i32
        %swap3A_1240 = arith.constant 0 : i32
        %swap3A_1241 = arith.index_cast %swap3A_1240 : i32 to index
        %swap3A_1242 = arith.index_cast %add3A_1239 : i32 to index
        %swap3A_1243 = tpu.vector_load %arg14[%swap3A_1241, %swap3A_1242] {strides = array<i32>} : memref<2x6912xi32, #tpu.memory_space<vmem>>, vector<1x16xi32>,
        %swap3A_1244 = vector.shape_cast %swap3A_1243 : vector<1x16xi32> to vector<16xi32>
        %swap3A_1245 = vector.shape_cast %add3A_1235 : vector<16xi32> to vector<1x16xi32>
        tpu.vector_store %arg14[%swap3A_1241, %swap3A_1242], %swap3A_1245 {strides = array<i32>} : memref<2x6912xi32, #tpu.memory_space<vmem>>, vector<1x16xi32>,
        %add3A_1246 = arith.addi %get3A_804, %broadcast_in_dim3A_1014 : vector<16xi32>
        %mul3A_1247 = arith.constant 432 : i32
        %mul3A_1248 = arith.muli %mul3A_1247, %scan3A_1008 : i32
        %add3A_1249 = arith.constant 336 : i32
        %add3A_1250 = arith.addi %mul3A_1248, %add3A_1249 : i32
        %swap3A_1251 = arith.constant 0 : i32
        %swap3A_1252 = arith.index_cast %swap3A_1251 : i32 to index
        %swap3A_1253 = arith.index_cast %add3A_1250 : i32 to index
        %swap3A_1254 = tpu.vector_load %arg14[%swap3A_1252, %swap3A_1253] {strides = array<i32>} : memref<2x6912xi32, #tpu.memory_space<vmem>>, vector<1x16xi32>,
        %swap3A_1255 = vector.shape_cast %swap3A_1254 : vector<1x16xi32> to vector<16xi32>
        %swap3A_1256 = vector.shape_cast %add3A_1246 : vector<16xi32> to vector<1x16xi32>
        tpu.vector_store %arg14[%swap3A_1252, %swap3A_1253], %swap3A_1256 {strides = array<i32>} : memref<2x6912xi32, #tpu.memory_space<vmem>>, vector<1x16xi32>,
        %add3A_1257 = arith.addi %get3A_809, %broadcast_in_dim3A_1014 : vector<16xi32>
        %mul3A_1258 = arith.constant 432 : i32
        %mul3A_1259 = arith.muli %mul3A_1258, %scan3A_1008 : i32
        %add3A_1260 = arith.constant 352 : i32
        %add3A_1261 = arith.addi %mul3A_1259, %add3A_1260 : i32
        %swap3A_1262 = arith.constant 0 : i32
        %swap3A_1263 = arith.index_cast %swap3A_1262 : i32 to index
        %swap3A_1264 = arith.index_cast %add3A_1261 : i32 to index
        %swap3A_1265 = tpu.vector_load %arg14[%swap3A_1263, %swap3A_1264] {strides = array<i32>} : memref<2x6912xi32, #tpu.memory_space<vmem>>, vector<1x16xi32>,
        %swap3A_1266 = vector.shape_cast %swap3A_1265 : vector<1x16xi32> to vector<16xi32>
        %swap3A_1267 = vector.shape_cast %add3A_1257 : vector<16xi32> to vector<1x16xi32>
        tpu.vector_store %arg14[%swap3A_1263, %swap3A_1264], %swap3A_1267 {strides = array<i32>} : memref<2x6912xi32, #tpu.memory_space<vmem>>, vector<1x16xi32>,
        %add3A_1268 = arith.addi %get3A_814, %broadcast_in_dim3A_1014 : vector<16xi32>
        %mul3A_1269 = arith.constant 432 : i32
        %mul3A_1270 = arith.muli %mul3A_1269, %scan3A_1008 : i32
        %add3A_1271 = arith.constant 368 : i32
        %add3A_1272 = arith.addi %mul3A_1270, %add3A_1271 : i32
        %swap3A_1273 = arith.constant 0 : i32
        %swap3A_1274 = arith.index_cast %swap3A_1273 : i32 to index
        %swap3A_1275 = arith.index_cast %add3A_1272 : i32 to index
        %swap3A_1276 = tpu.vector_load %arg14[%swap3A_1274, %swap3A_1275] {strides = array<i32>} : memref<2x6912xi32, #tpu.memory_space<vmem>>, vector<1x16xi32>,
        %swap3A_1277 = vector.shape_cast %swap3A_1276 : vector<1x16xi32> to vector<16xi32>
        %swap3A_1278 = vector.shape_cast %add3A_1268 : vector<16xi32> to vector<1x16xi32>
        tpu.vector_store %arg14[%swap3A_1274, %swap3A_1275], %swap3A_1278 {strides = array<i32>} : memref<2x6912xi32, #tpu.memory_space<vmem>>, vector<1x16xi32>,
        %add3A_1279 = arith.addi %get3A_819, %broadcast_in_dim3A_1014 : vector<16xi32>
        %mul3A_1280 = arith.constant 432 : i32
        %mul3A_1281 = arith.muli %mul3A_1280, %scan3A_1008 : i32
        %add3A_1282 = arith.constant 384 : i32
        %add3A_1283 = arith.addi %mul3A_1281, %add3A_1282 : i32
        %swap3A_1284 = arith.constant 0 : i32
        %swap3A_1285 = arith.index_cast %swap3A_1284 : i32 to index
        %swap3A_1286 = arith.index_cast %add3A_1283 : i32 to index
        %swap3A_1287 = tpu.vector_load %arg14[%swap3A_1285, %swap3A_1286] {strides = array<i32>} : memref<2x6912xi32, #tpu.memory_space<vmem>>, vector<1x16xi32>,
        %swap3A_1288 = vector.shape_cast %swap3A_1287 : vector<1x16xi32> to vector<16xi32>
        %swap3A_1289 = vector.shape_cast %add3A_1279 : vector<16xi32> to vector<1x16xi32>
        tpu.vector_store %arg14[%swap3A_1285, %swap3A_1286], %swap3A_1289 {strides = array<i32>} : memref<2x6912xi32, #tpu.memory_space<vmem>>, vector<1x16xi32>,
        %add3A_1290 = arith.addi %get3A_824, %broadcast_in_dim3A_1014 : vector<16xi32>
        %mul3A_1291 = arith.constant 432 : i32
        %mul3A_1292 = arith.muli %mul3A_1291, %scan3A_1008 : i32
        %add3A_1293 = arith.constant 400 : i32
        %add3A_1294 = arith.addi %mul3A_1292, %add3A_1293 : i32
        %swap3A_1295 = arith.constant 0 : i32
        %swap3A_1296 = arith.index_cast %swap3A_1295 : i32 to index
        %swap3A_1297 = arith.index_cast %add3A_1294 : i32 to index
        %swap3A_1298 = tpu.vector_load %arg14[%swap3A_1296, %swap3A_1297] {strides = array<i32>} : memref<2x6912xi32, #tpu.memory_space<vmem>>, vector<1x16xi32>,
        %swap3A_1299 = vector.shape_cast %swap3A_1298 : vector<1x16xi32> to vector<16xi32>
        %swap3A_1300 = vector.shape_cast %add3A_1290 : vector<16xi32> to vector<1x16xi32>
        tpu.vector_store %arg14[%swap3A_1296, %swap3A_1297], %swap3A_1300 {strides = array<i32>} : memref<2x6912xi32, #tpu.memory_space<vmem>>, vector<1x16xi32>,
        %add3A_1301 = arith.addi %get3A_829, %broadcast_in_dim3A_1014 : vector<16xi32>
        %mul3A_1302 = arith.constant 432 : i32
        %mul3A_1303 = arith.muli %mul3A_1302, %scan3A_1008 : i32
        %add3A_1304 = arith.constant 416 : i32
        %add3A_1305 = arith.addi %mul3A_1303, %add3A_1304 : i32
        %swap3A_1306 = arith.constant 0 : i32
        %swap3A_1307 = arith.index_cast %swap3A_1306 : i32 to index
        %swap3A_1308 = arith.index_cast %add3A_1305 : i32 to index
        %swap3A_1309 = tpu.vector_load %arg14[%swap3A_1307, %swap3A_1308] {strides = array<i32>} : memref<2x6912xi32, #tpu.memory_space<vmem>>, vector<1x16xi32>,
        %swap3A_1310 = vector.shape_cast %swap3A_1309 : vector<1x16xi32> to vector<16xi32>
        %swap3A_1311 = vector.shape_cast %add3A_1301 : vector<16xi32> to vector<1x16xi32>
        tpu.vector_store %arg14[%swap3A_1307, %swap3A_1308], %swap3A_1311 {strides = array<i32>} : memref<2x6912xi32, #tpu.memory_space<vmem>>, vector<1x16xi32>,
        %add3A_1312 = arith.addi %get3A_834, %broadcast_in_dim3A_1014 : vector<16xi32>
        %mul3A_1313 = arith.constant 432 : i32
        %mul3A_1314 = arith.muli %mul3A_1313, %scan3A_1008 : i32
        %add3A_1315 = arith.constant 0 : i32
        %add3A_1316 = arith.addi %mul3A_1314, %add3A_1315 : i32
        %swap3A_1317 = arith.constant 1 : i32
        %swap3A_1318 = arith.index_cast %swap3A_1317 : i32 to index
        %swap3A_1319 = arith.index_cast %add3A_1316 : i32 to index
        %swap3A_1320 = tpu.vector_load %arg14[%swap3A_1318, %swap3A_1319] {strides = array<i32>} : memref<2x6912xi32, #tpu.memory_space<vmem>>, vector<1x16xi32>,
        %swap3A_1321 = vector.shape_cast %swap3A_1320 : vector<1x16xi32> to vector<16xi32>
        %swap3A_1322 = vector.shape_cast %add3A_1312 : vector<16xi32> to vector<1x16xi32>
        tpu.vector_store %arg14[%swap3A_1318, %swap3A_1319], %swap3A_1322 {strides = array<i32>} : memref<2x6912xi32, #tpu.memory_space<vmem>>, vector<1x16xi32>,
        %add3A_1323 = arith.addi %get3A_839, %broadcast_in_dim3A_1014 : vector<16xi32>
        %mul3A_1324 = arith.constant 432 : i32
        %mul3A_1325 = arith.muli %mul3A_1324, %scan3A_1008 : i32
        %add3A_1326 = arith.constant 16 : i32
        %add3A_1327 = arith.addi %mul3A_1325, %add3A_1326 : i32
        %swap3A_1328 = arith.constant 1 : i32
        %swap3A_1329 = arith.index_cast %swap3A_1328 : i32 to index
        %swap3A_1330 = arith.index_cast %add3A_1327 : i32 to index
        %swap3A_1331 = tpu.vector_load %arg14[%swap3A_1329, %swap3A_1330] {strides = array<i32>} : memref<2x6912xi32, #tpu.memory_space<vmem>>, vector<1x16xi32>,
        %swap3A_1332 = vector.shape_cast %swap3A_1331 : vector<1x16xi32> to vector<16xi32>
        %swap3A_1333 = vector.shape_cast %add3A_1323 : vector<16xi32> to vector<1x16xi32>
        tpu.vector_store %arg14[%swap3A_1329, %swap3A_1330], %swap3A_1333 {strides = array<i32>} : memref<2x6912xi32, #tpu.memory_space<vmem>>, vector<1x16xi32>,
        %add3A_1334 = arith.addi %get3A_844, %broadcast_in_dim3A_1014 : vector<16xi32>
        %mul3A_1335 = arith.constant 432 : i32
        %mul3A_1336 = arith.muli %mul3A_1335, %scan3A_1008 : i32
        %add3A_1337 = arith.constant 32 : i32
        %add3A_1338 = arith.addi %mul3A_1336, %add3A_1337 : i32
        %swap3A_1339 = arith.constant 1 : i32
        %swap3A_1340 = arith.index_cast %swap3A_1339 : i32 to index
        %swap3A_1341 = arith.index_cast %add3A_1338 : i32 to index
        %swap3A_1342 = tpu.vector_load %arg14[%swap3A_1340, %swap3A_1341] {strides = array<i32>} : memref<2x6912xi32, #tpu.memory_space<vmem>>, vector<1x16xi32>,
        %swap3A_1343 = vector.shape_cast %swap3A_1342 : vector<1x16xi32> to vector<16xi32>
        %swap3A_1344 = vector.shape_cast %add3A_1334 : vector<16xi32> to vector<1x16xi32>
        tpu.vector_store %arg14[%swap3A_1340, %swap3A_1341], %swap3A_1344 {strides = array<i32>} : memref<2x6912xi32, #tpu.memory_space<vmem>>, vector<1x16xi32>,
        %add3A_1345 = arith.addi %get3A_849, %broadcast_in_dim3A_1014 : vector<16xi32>
        %mul3A_1346 = arith.constant 432 : i32
        %mul3A_1347 = arith.muli %mul3A_1346, %scan3A_1008 : i32
        %add3A_1348 = arith.constant 48 : i32
        %add3A_1349 = arith.addi %mul3A_1347, %add3A_1348 : i32
        %swap3A_1350 = arith.constant 1 : i32
        %swap3A_1351 = arith.index_cast %swap3A_1350 : i32 to index
        %swap3A_1352 = arith.index_cast %add3A_1349 : i32 to index
        %swap3A_1353 = tpu.vector_load %arg14[%swap3A_1351, %swap3A_1352] {strides = array<i32>} : memref<2x6912xi32, #tpu.memory_space<vmem>>, vector<1x16xi32>,
        %swap3A_1354 = vector.shape_cast %swap3A_1353 : vector<1x16xi32> to vector<16xi32>
        %swap3A_1355 = vector.shape_cast %add3A_1345 : vector<16xi32> to vector<1x16xi32>
        tpu.vector_store %arg14[%swap3A_1351, %swap3A_1352], %swap3A_1355 {strides = array<i32>} : memref<2x6912xi32, #tpu.memory_space<vmem>>, vector<1x16xi32>,
        %add3A_1356 = arith.addi %get3A_854, %broadcast_in_dim3A_1014 : vector<16xi32>
        %mul3A_1357 = arith.constant 432 : i32
        %mul3A_1358 = arith.muli %mul3A_1357, %scan3A_1008 : i32
        %add3A_1359 = arith.constant 64 : i32
        %add3A_1360 = arith.addi %mul3A_1358, %add3A_1359 : i32
        %swap3A_1361 = arith.constant 1 : i32
        %swap3A_1362 = arith.index_cast %swap3A_1361 : i32 to index
        %swap3A_1363 = arith.index_cast %add3A_1360 : i32 to index
        %swap3A_1364 = tpu.vector_load %arg14[%swap3A_1362, %swap3A_1363] {strides = array<i32>} : memref<2x6912xi32, #tpu.memory_space<vmem>>, vector<1x16xi32>,
        %swap3A_1365 = vector.shape_cast %swap3A_1364 : vector<1x16xi32> to vector<16xi32>
        %swap3A_1366 = vector.shape_cast %add3A_1356 : vector<16xi32> to vector<1x16xi32>
        tpu.vector_store %arg14[%swap3A_1362, %swap3A_1363], %swap3A_1366 {strides = array<i32>} : memref<2x6912xi32, #tpu.memory_space<vmem>>, vector<1x16xi32>,
        %add3A_1367 = arith.addi %get3A_859, %broadcast_in_dim3A_1014 : vector<16xi32>
        %mul3A_1368 = arith.constant 432 : i32
        %mul3A_1369 = arith.muli %mul3A_1368, %scan3A_1008 : i32
        %add3A_1370 = arith.constant 80 : i32
        %add3A_1371 = arith.addi %mul3A_1369, %add3A_1370 : i32
        %swap3A_1372 = arith.constant 1 : i32
        %swap3A_1373 = arith.index_cast %swap3A_1372 : i32 to index
        %swap3A_1374 = arith.index_cast %add3A_1371 : i32 to index
        %swap3A_1375 = tpu.vector_load %arg14[%swap3A_1373, %swap3A_1374] {strides = array<i32>} : memref<2x6912xi32, #tpu.memory_space<vmem>>, vector<1x16xi32>,
        %swap3A_1376 = vector.shape_cast %swap3A_1375 : vector<1x16xi32> to vector<16xi32>
        %swap3A_1377 = vector.shape_cast %add3A_1367 : vector<16xi32> to vector<1x16xi32>
        tpu.vector_store %arg14[%swap3A_1373, %swap3A_1374], %swap3A_1377 {strides = array<i32>} : memref<2x6912xi32, #tpu.memory_space<vmem>>, vector<1x16xi32>,
        %add3A_1378 = arith.addi %get3A_864, %broadcast_in_dim3A_1014 : vector<16xi32>
        %mul3A_1379 = arith.constant 432 : i32
        %mul3A_1380 = arith.muli %mul3A_1379, %scan3A_1008 : i32
        %add3A_1381 = arith.constant 96 : i32
        %add3A_1382 = arith.addi %mul3A_1380, %add3A_1381 : i32
        %swap3A_1383 = arith.constant 1 : i32
        %swap3A_1384 = arith.index_cast %swap3A_1383 : i32 to index
        %swap3A_1385 = arith.index_cast %add3A_1382 : i32 to index
        %swap3A_1386 = tpu.vector_load %arg14[%swap3A_1384, %swap3A_1385] {strides = array<i32>} : memref<2x6912xi32, #tpu.memory_space<vmem>>, vector<1x16xi32>,
        %swap3A_1387 = vector.shape_cast %swap3A_1386 : vector<1x16xi32> to vector<16xi32>
        %swap3A_1388 = vector.shape_cast %add3A_1378 : vector<16xi32> to vector<1x16xi32>
        tpu.vector_store %arg14[%swap3A_1384, %swap3A_1385], %swap3A_1388 {strides = array<i32>} : memref<2x6912xi32, #tpu.memory_space<vmem>>, vector<1x16xi32>,
        %add3A_1389 = arith.addi %get3A_869, %broadcast_in_dim3A_1014 : vector<16xi32>
        %mul3A_1390 = arith.constant 432 : i32
        %mul3A_1391 = arith.muli %mul3A_1390, %scan3A_1008 : i32
        %add3A_1392 = arith.constant 112 : i32
        %add3A_1393 = arith.addi %mul3A_1391, %add3A_1392 : i32
        %swap3A_1394 = arith.constant 1 : i32
        %swap3A_1395 = arith.index_cast %swap3A_1394 : i32 to index
        %swap3A_1396 = arith.index_cast %add3A_1393 : i32 to index
        %swap3A_1397 = tpu.vector_load %arg14[%swap3A_1395, %swap3A_1396] {strides = array<i32>} : memref<2x6912xi32, #tpu.memory_space<vmem>>, vector<1x16xi32>,
        %swap3A_1398 = vector.shape_cast %swap3A_1397 : vector<1x16xi32> to vector<16xi32>
        %swap3A_1399 = vector.shape_cast %add3A_1389 : vector<16xi32> to vector<1x16xi32>
        tpu.vector_store %arg14[%swap3A_1395, %swap3A_1396], %swap3A_1399 {strides = array<i32>} : memref<2x6912xi32, #tpu.memory_space<vmem>>, vector<1x16xi32>,
        %add3A_1400 = arith.addi %get3A_874, %broadcast_in_dim3A_1014 : vector<16xi32>
        %mul3A_1401 = arith.constant 432 : i32
        %mul3A_1402 = arith.muli %mul3A_1401, %scan3A_1008 : i32
        %add3A_1403 = arith.constant 128 : i32
        %add3A_1404 = arith.addi %mul3A_1402, %add3A_1403 : i32
        %swap3A_1405 = arith.constant 1 : i32
        %swap3A_1406 = arith.index_cast %swap3A_1405 : i32 to index
        %swap3A_1407 = arith.index_cast %add3A_1404 : i32 to index
        %swap3A_1408 = tpu.vector_load %arg14[%swap3A_1406, %swap3A_1407] {strides = array<i32>} : memref<2x6912xi32, #tpu.memory_space<vmem>>, vector<1x16xi32>,
        %swap3A_1409 = vector.shape_cast %swap3A_1408 : vector<1x16xi32> to vector<16xi32>
        %swap3A_1410 = vector.shape_cast %add3A_1400 : vector<16xi32> to vector<1x16xi32>
        tpu.vector_store %arg14[%swap3A_1406, %swap3A_1407], %swap3A_1410 {strides = array<i32>} : memref<2x6912xi32, #tpu.memory_space<vmem>>, vector<1x16xi32>,
        %add3A_1411 = arith.addi %get3A_879, %broadcast_in_dim3A_1014 : vector<16xi32>
        %mul3A_1412 = arith.constant 432 : i32
        %mul3A_1413 = arith.muli %mul3A_1412, %scan3A_1008 : i32
        %add3A_1414 = arith.constant 144 : i32
        %add3A_1415 = arith.addi %mul3A_1413, %add3A_1414 : i32
        %swap3A_1416 = arith.constant 1 : i32
        %swap3A_1417 = arith.index_cast %swap3A_1416 : i32 to index
        %swap3A_1418 = arith.index_cast %add3A_1415 : i32 to index
        %swap3A_1419 = tpu.vector_load %arg14[%swap3A_1417, %swap3A_1418] {strides = array<i32>} : memref<2x6912xi32, #tpu.memory_space<vmem>>, vector<1x16xi32>,
        %swap3A_1420 = vector.shape_cast %swap3A_1419 : vector<1x16xi32> to vector<16xi32>
        %swap3A_1421 = vector.shape_cast %add3A_1411 : vector<16xi32> to vector<1x16xi32>
        tpu.vector_store %arg14[%swap3A_1417, %swap3A_1418], %swap3A_1421 {strides = array<i32>} : memref<2x6912xi32, #tpu.memory_space<vmem>>, vector<1x16xi32>,
        %add3A_1422 = arith.addi %get3A_884, %broadcast_in_dim3A_1014 : vector<16xi32>
        %mul3A_1423 = arith.constant 432 : i32
        %mul3A_1424 = arith.muli %mul3A_1423, %scan3A_1008 : i32
        %add3A_1425 = arith.constant 160 : i32
        %add3A_1426 = arith.addi %mul3A_1424, %add3A_1425 : i32
        %swap3A_1427 = arith.constant 1 : i32
        %swap3A_1428 = arith.index_cast %swap3A_1427 : i32 to index
        %swap3A_1429 = arith.index_cast %add3A_1426 : i32 to index
        %swap3A_1430 = tpu.vector_load %arg14[%swap3A_1428, %swap3A_1429] {strides = array<i32>} : memref<2x6912xi32, #tpu.memory_space<vmem>>, vector<1x16xi32>,
        %swap3A_1431 = vector.shape_cast %swap3A_1430 : vector<1x16xi32> to vector<16xi32>
        %swap3A_1432 = vector.shape_cast %add3A_1422 : vector<16xi32> to vector<1x16xi32>
        tpu.vector_store %arg14[%swap3A_1428, %swap3A_1429], %swap3A_1432 {strides = array<i32>} : memref<2x6912xi32, #tpu.memory_space<vmem>>, vector<1x16xi32>,
        %add3A_1433 = arith.addi %get3A_889, %broadcast_in_dim3A_1014 : vector<16xi32>
        %mul3A_1434 = arith.constant 432 : i32
        %mul3A_1435 = arith.muli %mul3A_1434, %scan3A_1008 : i32
        %add3A_1436 = arith.constant 176 : i32
        %add3A_1437 = arith.addi %mul3A_1435, %add3A_1436 : i32
        %swap3A_1438 = arith.constant 1 : i32
        %swap3A_1439 = arith.index_cast %swap3A_1438 : i32 to index
        %swap3A_1440 = arith.index_cast %add3A_1437 : i32 to index
        %swap3A_1441 = tpu.vector_load %arg14[%swap3A_1439, %swap3A_1440] {strides = array<i32>} : memref<2x6912xi32, #tpu.memory_space<vmem>>, vector<1x16xi32>,
        %swap3A_1442 = vector.shape_cast %swap3A_1441 : vector<1x16xi32> to vector<16xi32>
        %swap3A_1443 = vector.shape_cast %add3A_1433 : vector<16xi32> to vector<1x16xi32>
        tpu.vector_store %arg14[%swap3A_1439, %swap3A_1440], %swap3A_1443 {strides = array<i32>} : memref<2x6912xi32, #tpu.memory_space<vmem>>, vector<1x16xi32>,
        %add3A_1444 = arith.addi %get3A_894, %broadcast_in_dim3A_1014 : vector<16xi32>
        %mul3A_1445 = arith.constant 432 : i32
        %mul3A_1446 = arith.muli %mul3A_1445, %scan3A_1008 : i32
        %add3A_1447 = arith.constant 192 : i32
        %add3A_1448 = arith.addi %mul3A_1446, %add3A_1447 : i32
        %swap3A_1449 = arith.constant 1 : i32
        %swap3A_1450 = arith.index_cast %swap3A_1449 : i32 to index
        %swap3A_1451 = arith.index_cast %add3A_1448 : i32 to index
        %swap3A_1452 = tpu.vector_load %arg14[%swap3A_1450, %swap3A_1451] {strides = array<i32>} : memref<2x6912xi32, #tpu.memory_space<vmem>>, vector<1x16xi32>,
        %swap3A_1453 = vector.shape_cast %swap3A_1452 : vector<1x16xi32> to vector<16xi32>
        %swap3A_1454 = vector.shape_cast %add3A_1444 : vector<16xi32> to vector<1x16xi32>
        tpu.vector_store %arg14[%swap3A_1450, %swap3A_1451], %swap3A_1454 {strides = array<i32>} : memref<2x6912xi32, #tpu.memory_space<vmem>>, vector<1x16xi32>,
        %add3A_1455 = arith.addi %get3A_899, %broadcast_in_dim3A_1014 : vector<16xi32>
        %mul3A_1456 = arith.constant 432 : i32
        %mul3A_1457 = arith.muli %mul3A_1456, %scan3A_1008 : i32
        %add3A_1458 = arith.constant 208 : i32
        %add3A_1459 = arith.addi %mul3A_1457, %add3A_1458 : i32
        %swap3A_1460 = arith.constant 1 : i32
        %swap3A_1461 = arith.index_cast %swap3A_1460 : i32 to index
        %swap3A_1462 = arith.index_cast %add3A_1459 : i32 to index
        %swap3A_1463 = tpu.vector_load %arg14[%swap3A_1461, %swap3A_1462] {strides = array<i32>} : memref<2x6912xi32, #tpu.memory_space<vmem>>, vector<1x16xi32>,
        %swap3A_1464 = vector.shape_cast %swap3A_1463 : vector<1x16xi32> to vector<16xi32>
        %swap3A_1465 = vector.shape_cast %add3A_1455 : vector<16xi32> to vector<1x16xi32>
        tpu.vector_store %arg14[%swap3A_1461, %swap3A_1462], %swap3A_1465 {strides = array<i32>} : memref<2x6912xi32, #tpu.memory_space<vmem>>, vector<1x16xi32>,
        %add3A_1466 = arith.addi %get3A_904, %broadcast_in_dim3A_1014 : vector<16xi32>
        %mul3A_1467 = arith.constant 432 : i32
        %mul3A_1468 = arith.muli %mul3A_1467, %scan3A_1008 : i32
        %add3A_1469 = arith.constant 224 : i32
        %add3A_1470 = arith.addi %mul3A_1468, %add3A_1469 : i32
        %swap3A_1471 = arith.constant 1 : i32
        %swap3A_1472 = arith.index_cast %swap3A_1471 : i32 to index
        %swap3A_1473 = arith.index_cast %add3A_1470 : i32 to index
        %swap3A_1474 = tpu.vector_load %arg14[%swap3A_1472, %swap3A_1473] {strides = array<i32>} : memref<2x6912xi32, #tpu.memory_space<vmem>>, vector<1x16xi32>,
        %swap3A_1475 = vector.shape_cast %swap3A_1474 : vector<1x16xi32> to vector<16xi32>
        %swap3A_1476 = vector.shape_cast %add3A_1466 : vector<16xi32> to vector<1x16xi32>
        tpu.vector_store %arg14[%swap3A_1472, %swap3A_1473], %swap3A_1476 {strides = array<i32>} : memref<2x6912xi32, #tpu.memory_space<vmem>>, vector<1x16xi32>,
        %add3A_1477 = arith.addi %get3A_909, %broadcast_in_dim3A_1014 : vector<16xi32>
        %mul3A_1478 = arith.constant 432 : i32
        %mul3A_1479 = arith.muli %mul3A_1478, %scan3A_1008 : i32
        %add3A_1480 = arith.constant 240 : i32
        %add3A_1481 = arith.addi %mul3A_1479, %add3A_1480 : i32
        %swap3A_1482 = arith.constant 1 : i32
        %swap3A_1483 = arith.index_cast %swap3A_1482 : i32 to index
        %swap3A_1484 = arith.index_cast %add3A_1481 : i32 to index
        %swap3A_1485 = tpu.vector_load %arg14[%swap3A_1483, %swap3A_1484] {strides = array<i32>} : memref<2x6912xi32, #tpu.memory_space<vmem>>, vector<1x16xi32>,
        %swap3A_1486 = vector.shape_cast %swap3A_1485 : vector<1x16xi32> to vector<16xi32>
        %swap3A_1487 = vector.shape_cast %add3A_1477 : vector<16xi32> to vector<1x16xi32>
        tpu.vector_store %arg14[%swap3A_1483, %swap3A_1484], %swap3A_1487 {strides = array<i32>} : memref<2x6912xi32, #tpu.memory_space<vmem>>, vector<1x16xi32>,
        %add3A_1488 = arith.addi %get3A_914, %broadcast_in_dim3A_1014 : vector<16xi32>
        %mul3A_1489 = arith.constant 432 : i32
        %mul3A_1490 = arith.muli %mul3A_1489, %scan3A_1008 : i32
        %add3A_1491 = arith.constant 256 : i32
        %add3A_1492 = arith.addi %mul3A_1490, %add3A_1491 : i32
        %swap3A_1493 = arith.constant 1 : i32
        %swap3A_1494 = arith.index_cast %swap3A_1493 : i32 to index
        %swap3A_1495 = arith.index_cast %add3A_1492 : i32 to index
        %swap3A_1496 = tpu.vector_load %arg14[%swap3A_1494, %swap3A_1495] {strides = array<i32>} : memref<2x6912xi32, #tpu.memory_space<vmem>>, vector<1x16xi32>,
        %swap3A_1497 = vector.shape_cast %swap3A_1496 : vector<1x16xi32> to vector<16xi32>
        %swap3A_1498 = vector.shape_cast %add3A_1488 : vector<16xi32> to vector<1x16xi32>
        tpu.vector_store %arg14[%swap3A_1494, %swap3A_1495], %swap3A_1498 {strides = array<i32>} : memref<2x6912xi32, #tpu.memory_space<vmem>>, vector<1x16xi32>,
        %add3A_1499 = arith.addi %get3A_919, %broadcast_in_dim3A_1014 : vector<16xi32>
        %mul3A_1500 = arith.constant 432 : i32
        %mul3A_1501 = arith.muli %mul3A_1500, %scan3A_1008 : i32
        %add3A_1502 = arith.constant 272 : i32
        %add3A_1503 = arith.addi %mul3A_1501, %add3A_1502 : i32
        %swap3A_1504 = arith.constant 1 : i32
        %swap3A_1505 = arith.index_cast %swap3A_1504 : i32 to index
        %swap3A_1506 = arith.index_cast %add3A_1503 : i32 to index
        %swap3A_1507 = tpu.vector_load %arg14[%swap3A_1505, %swap3A_1506] {strides = array<i32>} : memref<2x6912xi32, #tpu.memory_space<vmem>>, vector<1x16xi32>,
        %swap3A_1508 = vector.shape_cast %swap3A_1507 : vector<1x16xi32> to vector<16xi32>
        %swap3A_1509 = vector.shape_cast %add3A_1499 : vector<16xi32> to vector<1x16xi32>
        tpu.vector_store %arg14[%swap3A_1505, %swap3A_1506], %swap3A_1509 {strides = array<i32>} : memref<2x6912xi32, #tpu.memory_space<vmem>>, vector<1x16xi32>,
        %add3A_1510 = arith.addi %get3A_924, %broadcast_in_dim3A_1014 : vector<16xi32>
        %mul3A_1511 = arith.constant 432 : i32
        %mul3A_1512 = arith.muli %mul3A_1511, %scan3A_1008 : i32
        %add3A_1513 = arith.constant 288 : i32
        %add3A_1514 = arith.addi %mul3A_1512, %add3A_1513 : i32
        %swap3A_1515 = arith.constant 1 : i32
        %swap3A_1516 = arith.index_cast %swap3A_1515 : i32 to index
        %swap3A_1517 = arith.index_cast %add3A_1514 : i32 to index
        %swap3A_1518 = tpu.vector_load %arg14[%swap3A_1516, %swap3A_1517] {strides = array<i32>} : memref<2x6912xi32, #tpu.memory_space<vmem>>, vector<1x16xi32>,
        %swap3A_1519 = vector.shape_cast %swap3A_1518 : vector<1x16xi32> to vector<16xi32>
        %swap3A_1520 = vector.shape_cast %add3A_1510 : vector<16xi32> to vector<1x16xi32>
        tpu.vector_store %arg14[%swap3A_1516, %swap3A_1517], %swap3A_1520 {strides = array<i32>} : memref<2x6912xi32, #tpu.memory_space<vmem>>, vector<1x16xi32>,
        %add3A_1521 = arith.addi %get3A_929, %broadcast_in_dim3A_1014 : vector<16xi32>
        %mul3A_1522 = arith.constant 432 : i32
        %mul3A_1523 = arith.muli %mul3A_1522, %scan3A_1008 : i32
        %add3A_1524 = arith.constant 304 : i32
        %add3A_1525 = arith.addi %mul3A_1523, %add3A_1524 : i32
        %swap3A_1526 = arith.constant 1 : i32
        %swap3A_1527 = arith.index_cast %swap3A_1526 : i32 to index
        %swap3A_1528 = arith.index_cast %add3A_1525 : i32 to index
        %swap3A_1529 = tpu.vector_load %arg14[%swap3A_1527, %swap3A_1528] {strides = array<i32>} : memref<2x6912xi32, #tpu.memory_space<vmem>>, vector<1x16xi32>,
        %swap3A_1530 = vector.shape_cast %swap3A_1529 : vector<1x16xi32> to vector<16xi32>
        %swap3A_1531 = vector.shape_cast %add3A_1521 : vector<16xi32> to vector<1x16xi32>
        tpu.vector_store %arg14[%swap3A_1527, %swap3A_1528], %swap3A_1531 {strides = array<i32>} : memref<2x6912xi32, #tpu.memory_space<vmem>>, vector<1x16xi32>,
        %add3A_1532 = arith.addi %get3A_934, %broadcast_in_dim3A_1014 : vector<16xi32>
        %mul3A_1533 = arith.constant 432 : i32
        %mul3A_1534 = arith.muli %mul3A_1533, %scan3A_1008 : i32
        %add3A_1535 = arith.constant 320 : i32
        %add3A_1536 = arith.addi %mul3A_1534, %add3A_1535 : i32
        %swap3A_1537 = arith.constant 1 : i32
        %swap3A_1538 = arith.index_cast %swap3A_1537 : i32 to index
        %swap3A_1539 = arith.index_cast %add3A_1536 : i32 to index
        %swap3A_1540 = tpu.vector_load %arg14[%swap3A_1538, %swap3A_1539] {strides = array<i32>} : memref<2x6912xi32, #tpu.memory_space<vmem>>, vector<1x16xi32>,
        %swap3A_1541 = vector.shape_cast %swap3A_1540 : vector<1x16xi32> to vector<16xi32>
        %swap3A_1542 = vector.shape_cast %add3A_1532 : vector<16xi32> to vector<1x16xi32>
        tpu.vector_store %arg14[%swap3A_1538, %swap3A_1539], %swap3A_1542 {strides = array<i32>} : memref<2x6912xi32, #tpu.memory_space<vmem>>, vector<1x16xi32>,
        %add3A_1543 = arith.addi %get3A_939, %broadcast_in_dim3A_1014 : vector<16xi32>
        %mul3A_1544 = arith.constant 432 : i32
        %mul3A_1545 = arith.muli %mul3A_1544, %scan3A_1008 : i32
        %add3A_1546 = arith.constant 336 : i32
        %add3A_1547 = arith.addi %mul3A_1545, %add3A_1546 : i32
        %swap3A_1548 = arith.constant 1 : i32
        %swap3A_1549 = arith.index_cast %swap3A_1548 : i32 to index
        %swap3A_1550 = arith.index_cast %add3A_1547 : i32 to index
        %swap3A_1551 = tpu.vector_load %arg14[%swap3A_1549, %swap3A_1550] {strides = array<i32>} : memref<2x6912xi32, #tpu.memory_space<vmem>>, vector<1x16xi32>,
        %swap3A_1552 = vector.shape_cast %swap3A_1551 : vector<1x16xi32> to vector<16xi32>
        %swap3A_1553 = vector.shape_cast %add3A_1543 : vector<16xi32> to vector<1x16xi32>
        tpu.vector_store %arg14[%swap3A_1549, %swap3A_1550], %swap3A_1553 {strides = array<i32>} : memref<2x6912xi32, #tpu.memory_space<vmem>>, vector<1x16xi32>,
        %add3A_1554 = arith.addi %get3A_944, %broadcast_in_dim3A_1014 : vector<16xi32>
        %mul3A_1555 = arith.constant 432 : i32
        %mul3A_1556 = arith.muli %mul3A_1555, %scan3A_1008 : i32
        %add3A_1557 = arith.constant 352 : i32
        %add3A_1558 = arith.addi %mul3A_1556, %add3A_1557 : i32
        %swap3A_1559 = arith.constant 1 : i32
        %swap3A_1560 = arith.index_cast %swap3A_1559 : i32 to index
        %swap3A_1561 = arith.index_cast %add3A_1558 : i32 to index
        %swap3A_1562 = tpu.vector_load %arg14[%swap3A_1560, %swap3A_1561] {strides = array<i32>} : memref<2x6912xi32, #tpu.memory_space<vmem>>, vector<1x16xi32>,
        %swap3A_1563 = vector.shape_cast %swap3A_1562 : vector<1x16xi32> to vector<16xi32>
        %swap3A_1564 = vector.shape_cast %add3A_1554 : vector<16xi32> to vector<1x16xi32>
        tpu.vector_store %arg14[%swap3A_1560, %swap3A_1561], %swap3A_1564 {strides = array<i32>} : memref<2x6912xi32, #tpu.memory_space<vmem>>, vector<1x16xi32>,
        %add3A_1565 = arith.addi %get3A_949, %broadcast_in_dim3A_1014 : vector<16xi32>
        %mul3A_1566 = arith.constant 432 : i32
        %mul3A_1567 = arith.muli %mul3A_1566, %scan3A_1008 : i32
        %add3A_1568 = arith.constant 368 : i32
        %add3A_1569 = arith.addi %mul3A_1567, %add3A_1568 : i32
        %swap3A_1570 = arith.constant 1 : i32
        %swap3A_1571 = arith.index_cast %swap3A_1570 : i32 to index
        %swap3A_1572 = arith.index_cast %add3A_1569 : i32 to index
        %swap3A_1573 = tpu.vector_load %arg14[%swap3A_1571, %swap3A_1572] {strides = array<i32>} : memref<2x6912xi32, #tpu.memory_space<vmem>>, vector<1x16xi32>,
        %swap3A_1574 = vector.shape_cast %swap3A_1573 : vector<1x16xi32> to vector<16xi32>
        %swap3A_1575 = vector.shape_cast %add3A_1565 : vector<16xi32> to vector<1x16xi32>
        tpu.vector_store %arg14[%swap3A_1571, %swap3A_1572], %swap3A_1575 {strides = array<i32>} : memref<2x6912xi32, #tpu.memory_space<vmem>>, vector<1x16xi32>,
        %add3A_1576 = arith.addi %get3A_954, %broadcast_in_dim3A_1014 : vector<16xi32>
        %mul3A_1577 = arith.constant 432 : i32
        %mul3A_1578 = arith.muli %mul3A_1577, %scan3A_1008 : i32
        %add3A_1579 = arith.constant 384 : i32
        %add3A_1580 = arith.addi %mul3A_1578, %add3A_1579 : i32
        %swap3A_1581 = arith.constant 1 : i32
        %swap3A_1582 = arith.index_cast %swap3A_1581 : i32 to index
        %swap3A_1583 = arith.index_cast %add3A_1580 : i32 to index
        %swap3A_1584 = tpu.vector_load %arg14[%swap3A_1582, %swap3A_1583] {strides = array<i32>} : memref<2x6912xi32, #tpu.memory_space<vmem>>, vector<1x16xi32>,
        %swap3A_1585 = vector.shape_cast %swap3A_1584 : vector<1x16xi32> to vector<16xi32>
        %swap3A_1586 = vector.shape_cast %add3A_1576 : vector<16xi32> to vector<1x16xi32>
        tpu.vector_store %arg14[%swap3A_1582, %swap3A_1583], %swap3A_1586 {strides = array<i32>} : memref<2x6912xi32, #tpu.memory_space<vmem>>, vector<1x16xi32>,
        %add3A_1587 = arith.addi %get3A_959, %broadcast_in_dim3A_1014 : vector<16xi32>
        %mul3A_1588 = arith.constant 432 : i32
        %mul3A_1589 = arith.muli %mul3A_1588, %scan3A_1008 : i32
        %add3A_1590 = arith.constant 400 : i32
        %add3A_1591 = arith.addi %mul3A_1589, %add3A_1590 : i32
        %swap3A_1592 = arith.constant 1 : i32
        %swap3A_1593 = arith.index_cast %swap3A_1592 : i32 to index
        %swap3A_1594 = arith.index_cast %add3A_1591 : i32 to index
        %swap3A_1595 = tpu.vector_load %arg14[%swap3A_1593, %swap3A_1594] {strides = array<i32>} : memref<2x6912xi32, #tpu.memory_space<vmem>>, vector<1x16xi32>,
        %swap3A_1596 = vector.shape_cast %swap3A_1595 : vector<1x16xi32> to vector<16xi32>
        %swap3A_1597 = vector.shape_cast %add3A_1587 : vector<16xi32> to vector<1x16xi32>
        tpu.vector_store %arg14[%swap3A_1593, %swap3A_1594], %swap3A_1597 {strides = array<i32>} : memref<2x6912xi32, #tpu.memory_space<vmem>>, vector<1x16xi32>,
        %add3A_1598 = arith.addi %get3A_964, %broadcast_in_dim3A_1014 : vector<16xi32>
        %mul3A_1599 = arith.constant 432 : i32
        %mul3A_1600 = arith.muli %mul3A_1599, %scan3A_1008 : i32
        %add3A_1601 = arith.constant 416 : i32
        %add3A_1602 = arith.addi %mul3A_1600, %add3A_1601 : i32
        %swap3A_1603 = arith.constant 1 : i32
        %swap3A_1604 = arith.index_cast %swap3A_1603 : i32 to index
        %swap3A_1605 = arith.index_cast %add3A_1602 : i32 to index
        %swap3A_1606 = tpu.vector_load %arg14[%swap3A_1604, %swap3A_1605] {strides = array<i32>} : memref<2x6912xi32, #tpu.memory_space<vmem>>, vector<1x16xi32>,
        %swap3A_1607 = vector.shape_cast %swap3A_1606 : vector<1x16xi32> to vector<16xi32>
        %swap3A_1608 = vector.shape_cast %add3A_1598 : vector<16xi32> to vector<1x16xi32>
        tpu.vector_store %arg14[%swap3A_1604, %swap3A_1605], %swap3A_1608 {strides = array<i32>} : memref<2x6912xi32, #tpu.memory_space<vmem>>, vector<1x16xi32>,
      }
      %scan3A_1004 = arith.constant 16 : i32
      %mul3A_1005 = arith.constant 6912 : i32
      %mul3A_1006 = arith.muli %mul3A_1005, %add3A_997 : i32
      "tpu.region"() ({
        %run_scoped3A = tpu.sem_alloc : memref<!tpu.dma_semaphore, #tpu.memory_space<semaphore_mem>>
        %dma_start3A_1008 = arith.constant 0 : i32
        %dma_start3A_1009 = tpu.memref_slice %arg7[%dma_start3A_1008, %mul3A_1006] : memref<2x7122432xi32, #tpu.memory_space<hbm>> -> memref<2x6912xi32, #tpu.memory_space<hbm>>
        %dma_start3A_1010 = arith.constant 0 : i32
        %dma_start3A_1011 = tpu.memref_slice %arg7[%dma_start3A_1010, %mul3A_1006] : memref<2x7122432xi32, #tpu.memory_space<hbm>> -> memref<2x6912xi32, #tpu.memory_space<hbm>>
        tpu.enqueue_dma source(%arg14 : memref<2x6912xi32, #tpu.memory_space<vmem>>) target(%dma_start3A_1011 : memref<2x6912xi32, #tpu.memory_space<hbm>>) target_semaphore(%run_scoped3A : memref<!tpu.dma_semaphore, #tpu.memory_space<semaphore_mem>>)
        %dma_wait3A_1012 = arith.constant 0 : i32
        %dma_wait3A_1013 = tpu.memref_slice %arg7[%dma_wait3A_1012, %mul3A_1006] : memref<2x7122432xi32, #tpu.memory_space<hbm>> -> memref<2x6912xi32, #tpu.memory_space<hbm>>
        %dma_wait3A_1014 = arith.constant 0 : i32
        %dma_wait3A_1015 = tpu.memref_slice %arg7[%dma_wait3A_1014, %mul3A_1006] : memref<2x7122432xi32, #tpu.memory_space<hbm>> -> memref<2x6912xi32, #tpu.memory_space<hbm>>
        tpu.wait_dma2 semaphore(%run_scoped3A : memref<!tpu.dma_semaphore, #tpu.memory_space<semaphore_mem>>) src(%arg14 : memref<2x6912xi32, #tpu.memory_space<vmem>>) dst(%dma_wait3A_1015 : memref<2x6912xi32, #tpu.memory_space<hbm>>)
        tpu.yield
      }) : () -> ()
      %scan3A_1007 = arith.constant 0 : i32
      scf.yield %scan3A_1007 : i32
    }
    %scan3A_971 = arith.constant 31 : i32
    %lt3A_972 = arith.constant 29 : i32
    %lt3A_973 = arith.cmpi slt, %add3A, %lt3A_972 : i32
    %convert_element_type3A_974 = arith.extui %lt3A_973 : i1 to i32
    %cond3A_975 = arith.constant 0 : i32
    %cond3A_976 = arith.cmpi ne, %convert_element_type3A_974, %cond3A_975 : i32
    scf.if %cond3A_976 {
      %add3A_993 = arith.constant 992 : i32
      %add3A_994 = arith.addi %add3A, %add3A_993 : i32
      %mul3A_995 = arith.constant 64 : i32
      %mul3A_996 = arith.muli %mul3A_995, %add3A_994 : i32
      %scan3A_997 = arith.constant 0 : i32
      %scan3A_998 = arith.constant 16 : i32
      %scan3A_999 = arith.addi %scan3A_997, %scan3A_998 : i32
      %scan3A_1000 = arith.constant 1 : i32
      scf.for %scan3A_1004 = %scan3A_997 to %scan3A_999 step %scan3A_1000  : i32 {
        %mul3A_1005 = arith.constant 4 : i32
        %mul3A_1006 = arith.muli %mul3A_1005, %scan3A_1004 : i32
        %add3A_1007 = arith.addi %mul3A_996, %mul3A_1006 : i32
        %mul3A_1008 = arith.constant 16 : i32
        %mul3A_1009 = arith.muli %mul3A_1008, %add3A_1007 : i32
        %broadcast_in_dim3A_1010 = vector.broadcast %mul3A_1009 : i32 to vector<16xi32>
        %add3A_1011 = arith.addi %get3A_699, %broadcast_in_dim3A_1010 : vector<16xi32>
        %mul3A_1012 = arith.constant 432 : i32
        %mul3A_1013 = arith.muli %mul3A_1012, %scan3A_1004 : i32
        %add3A_1014 = arith.constant 0 : i32
        %add3A_1015 = arith.addi %mul3A_1013, %add3A_1014 : i32
        %swap3A_1016 = arith.constant 0 : i32
        %swap3A_1017 = arith.index_cast %swap3A_1016 : i32 to index
        %swap3A_1018 = arith.index_cast %add3A_1015 : i32 to index
        %swap3A_1019 = tpu.vector_load %arg14[%swap3A_1017, %swap3A_1018] {strides = array<i32>} : memref<2x6912xi32, #tpu.memory_space<vmem>>, vector<1x16xi32>,
        %swap3A_1020 = vector.shape_cast %swap3A_1019 : vector<1x16xi32> to vector<16xi32>
        %swap3A_1021 = vector.shape_cast %add3A_1011 : vector<16xi32> to vector<1x16xi32>
        tpu.vector_store %arg14[%swap3A_1017, %swap3A_1018], %swap3A_1021 {strides = array<i32>} : memref<2x6912xi32, #tpu.memory_space<vmem>>, vector<1x16xi32>,
        %add3A_1022 = arith.addi %get3A_704, %broadcast_in_dim3A_1010 : vector<16xi32>
        %mul3A_1023 = arith.constant 432 : i32
        %mul3A_1024 = arith.muli %mul3A_1023, %scan3A_1004 : i32
        %add3A_1025 = arith.constant 16 : i32
        %add3A_1026 = arith.addi %mul3A_1024, %add3A_1025 : i32
        %swap3A_1027 = arith.constant 0 : i32
        %swap3A_1028 = arith.index_cast %swap3A_1027 : i32 to index
        %swap3A_1029 = arith.index_cast %add3A_1026 : i32 to index
        %swap3A_1030 = tpu.vector_load %arg14[%swap3A_1028, %swap3A_1029] {strides = array<i32>} : memref<2x6912xi32, #tpu.memory_space<vmem>>, vector<1x16xi32>,
        %swap3A_1031 = vector.shape_cast %swap3A_1030 : vector<1x16xi32> to vector<16xi32>
        %swap3A_1032 = vector.shape_cast %add3A_1022 : vector<16xi32> to vector<1x16xi32>
        tpu.vector_store %arg14[%swap3A_1028, %swap3A_1029], %swap3A_1032 {strides = array<i32>} : memref<2x6912xi32, #tpu.memory_space<vmem>>, vector<1x16xi32>,
        %add3A_1033 = arith.addi %get3A_709, %broadcast_in_dim3A_1010 : vector<16xi32>
        %mul3A_1034 = arith.constant 432 : i32
        %mul3A_1035 = arith.muli %mul3A_1034, %scan3A_1004 : i32
        %add3A_1036 = arith.constant 32 : i32
        %add3A_1037 = arith.addi %mul3A_1035, %add3A_1036 : i32
        %swap3A_1038 = arith.constant 0 : i32
        %swap3A_1039 = arith.index_cast %swap3A_1038 : i32 to index
        %swap3A_1040 = arith.index_cast %add3A_1037 : i32 to index
        %swap3A_1041 = tpu.vector_load %arg14[%swap3A_1039, %swap3A_1040] {strides = array<i32>} : memref<2x6912xi32, #tpu.memory_space<vmem>>, vector<1x16xi32>,
        %swap3A_1042 = vector.shape_cast %swap3A_1041 : vector<1x16xi32> to vector<16xi32>
        %swap3A_1043 = vector.shape_cast %add3A_1033 : vector<16xi32> to vector<1x16xi32>
        tpu.vector_store %arg14[%swap3A_1039, %swap3A_1040], %swap3A_1043 {strides = array<i32>} : memref<2x6912xi32, #tpu.memory_space<vmem>>, vector<1x16xi32>,
        %add3A_1044 = arith.addi %get3A_714, %broadcast_in_dim3A_1010 : vector<16xi32>
        %mul3A_1045 = arith.constant 432 : i32
        %mul3A_1046 = arith.muli %mul3A_1045, %scan3A_1004 : i32
        %add3A_1047 = arith.constant 48 : i32
        %add3A_1048 = arith.addi %mul3A_1046, %add3A_1047 : i32
        %swap3A_1049 = arith.constant 0 : i32
        %swap3A_1050 = arith.index_cast %swap3A_1049 : i32 to index
        %swap3A_1051 = arith.index_cast %add3A_1048 : i32 to index
        %swap3A_1052 = tpu.vector_load %arg14[%swap3A_1050, %swap3A_1051] {strides = array<i32>} : memref<2x6912xi32, #tpu.memory_space<vmem>>, vector<1x16xi32>,
        %swap3A_1053 = vector.shape_cast %swap3A_1052 : vector<1x16xi32> to vector<16xi32>
        %swap3A_1054 = vector.shape_cast %add3A_1044 : vector<16xi32> to vector<1x16xi32>
        tpu.vector_store %arg14[%swap3A_1050, %swap3A_1051], %swap3A_1054 {strides = array<i32>} : memref<2x6912xi32, #tpu.memory_space<vmem>>, vector<1x16xi32>,
        %add3A_1055 = arith.addi %get3A_719, %broadcast_in_dim3A_1010 : vector<16xi32>
        %mul3A_1056 = arith.constant 432 : i32
        %mul3A_1057 = arith.muli %mul3A_1056, %scan3A_1004 : i32
        %add3A_1058 = arith.constant 64 : i32
        %add3A_1059 = arith.addi %mul3A_1057, %add3A_1058 : i32
        %swap3A_1060 = arith.constant 0 : i32
        %swap3A_1061 = arith.index_cast %swap3A_1060 : i32 to index
        %swap3A_1062 = arith.index_cast %add3A_1059 : i32 to index
        %swap3A_1063 = tpu.vector_load %arg14[%swap3A_1061, %swap3A_1062] {strides = array<i32>} : memref<2x6912xi32, #tpu.memory_space<vmem>>, vector<1x16xi32>,
        %swap3A_1064 = vector.shape_cast %swap3A_1063 : vector<1x16xi32> to vector<16xi32>
        %swap3A_1065 = vector.shape_cast %add3A_1055 : vector<16xi32> to vector<1x16xi32>
        tpu.vector_store %arg14[%swap3A_1061, %swap3A_1062], %swap3A_1065 {strides = array<i32>} : memref<2x6912xi32, #tpu.memory_space<vmem>>, vector<1x16xi32>,
        %add3A_1066 = arith.addi %get3A_724, %broadcast_in_dim3A_1010 : vector<16xi32>
        %mul3A_1067 = arith.constant 432 : i32
        %mul3A_1068 = arith.muli %mul3A_1067, %scan3A_1004 : i32
        %add3A_1069 = arith.constant 80 : i32
        %add3A_1070 = arith.addi %mul3A_1068, %add3A_1069 : i32
        %swap3A_1071 = arith.constant 0 : i32
        %swap3A_1072 = arith.index_cast %swap3A_1071 : i32 to index
        %swap3A_1073 = arith.index_cast %add3A_1070 : i32 to index
        %swap3A_1074 = tpu.vector_load %arg14[%swap3A_1072, %swap3A_1073] {strides = array<i32>} : memref<2x6912xi32, #tpu.memory_space<vmem>>, vector<1x16xi32>,
        %swap3A_1075 = vector.shape_cast %swap3A_1074 : vector<1x16xi32> to vector<16xi32>
        %swap3A_1076 = vector.shape_cast %add3A_1066 : vector<16xi32> to vector<1x16xi32>
        tpu.vector_store %arg14[%swap3A_1072, %swap3A_1073], %swap3A_1076 {strides = array<i32>} : memref<2x6912xi32, #tpu.memory_space<vmem>>, vector<1x16xi32>,
        %add3A_1077 = arith.addi %get3A_729, %broadcast_in_dim3A_1010 : vector<16xi32>
        %mul3A_1078 = arith.constant 432 : i32
        %mul3A_1079 = arith.muli %mul3A_1078, %scan3A_1004 : i32
        %add3A_1080 = arith.constant 96 : i32
        %add3A_1081 = arith.addi %mul3A_1079, %add3A_1080 : i32
        %swap3A_1082 = arith.constant 0 : i32
        %swap3A_1083 = arith.index_cast %swap3A_1082 : i32 to index
        %swap3A_1084 = arith.index_cast %add3A_1081 : i32 to index
        %swap3A_1085 = tpu.vector_load %arg14[%swap3A_1083, %swap3A_1084] {strides = array<i32>} : memref<2x6912xi32, #tpu.memory_space<vmem>>, vector<1x16xi32>,
        %swap3A_1086 = vector.shape_cast %swap3A_1085 : vector<1x16xi32> to vector<16xi32>
        %swap3A_1087 = vector.shape_cast %add3A_1077 : vector<16xi32> to vector<1x16xi32>
        tpu.vector_store %arg14[%swap3A_1083, %swap3A_1084], %swap3A_1087 {strides = array<i32>} : memref<2x6912xi32, #tpu.memory_space<vmem>>, vector<1x16xi32>,
        %add3A_1088 = arith.addi %get3A_734, %broadcast_in_dim3A_1010 : vector<16xi32>
        %mul3A_1089 = arith.constant 432 : i32
        %mul3A_1090 = arith.muli %mul3A_1089, %scan3A_1004 : i32
        %add3A_1091 = arith.constant 112 : i32
        %add3A_1092 = arith.addi %mul3A_1090, %add3A_1091 : i32
        %swap3A_1093 = arith.constant 0 : i32
        %swap3A_1094 = arith.index_cast %swap3A_1093 : i32 to index
        %swap3A_1095 = arith.index_cast %add3A_1092 : i32 to index
        %swap3A_1096 = tpu.vector_load %arg14[%swap3A_1094, %swap3A_1095] {strides = array<i32>} : memref<2x6912xi32, #tpu.memory_space<vmem>>, vector<1x16xi32>,
        %swap3A_1097 = vector.shape_cast %swap3A_1096 : vector<1x16xi32> to vector<16xi32>
        %swap3A_1098 = vector.shape_cast %add3A_1088 : vector<16xi32> to vector<1x16xi32>
        tpu.vector_store %arg14[%swap3A_1094, %swap3A_1095], %swap3A_1098 {strides = array<i32>} : memref<2x6912xi32, #tpu.memory_space<vmem>>, vector<1x16xi32>,
        %add3A_1099 = arith.addi %get3A_739, %broadcast_in_dim3A_1010 : vector<16xi32>
        %mul3A_1100 = arith.constant 432 : i32
        %mul3A_1101 = arith.muli %mul3A_1100, %scan3A_1004 : i32
        %add3A_1102 = arith.constant 128 : i32
        %add3A_1103 = arith.addi %mul3A_1101, %add3A_1102 : i32
        %swap3A_1104 = arith.constant 0 : i32
        %swap3A_1105 = arith.index_cast %swap3A_1104 : i32 to index
        %swap3A_1106 = arith.index_cast %add3A_1103 : i32 to index
        %swap3A_1107 = tpu.vector_load %arg14[%swap3A_1105, %swap3A_1106] {strides = array<i32>} : memref<2x6912xi32, #tpu.memory_space<vmem>>, vector<1x16xi32>,
        %swap3A_1108 = vector.shape_cast %swap3A_1107 : vector<1x16xi32> to vector<16xi32>
        %swap3A_1109 = vector.shape_cast %add3A_1099 : vector<16xi32> to vector<1x16xi32>
        tpu.vector_store %arg14[%swap3A_1105, %swap3A_1106], %swap3A_1109 {strides = array<i32>} : memref<2x6912xi32, #tpu.memory_space<vmem>>, vector<1x16xi32>,
        %add3A_1110 = arith.addi %get3A_744, %broadcast_in_dim3A_1010 : vector<16xi32>
        %mul3A_1111 = arith.constant 432 : i32
        %mul3A_1112 = arith.muli %mul3A_1111, %scan3A_1004 : i32
        %add3A_1113 = arith.constant 144 : i32
        %add3A_1114 = arith.addi %mul3A_1112, %add3A_1113 : i32
        %swap3A_1115 = arith.constant 0 : i32
        %swap3A_1116 = arith.index_cast %swap3A_1115 : i32 to index
        %swap3A_1117 = arith.index_cast %add3A_1114 : i32 to index
        %swap3A_1118 = tpu.vector_load %arg14[%swap3A_1116, %swap3A_1117] {strides = array<i32>} : memref<2x6912xi32, #tpu.memory_space<vmem>>, vector<1x16xi32>,
        %swap3A_1119 = vector.shape_cast %swap3A_1118 : vector<1x16xi32> to vector<16xi32>
        %swap3A_1120 = vector.shape_cast %add3A_1110 : vector<16xi32> to vector<1x16xi32>
        tpu.vector_store %arg14[%swap3A_1116, %swap3A_1117], %swap3A_1120 {strides = array<i32>} : memref<2x6912xi32, #tpu.memory_space<vmem>>, vector<1x16xi32>,
        %add3A_1121 = arith.addi %get3A_749, %broadcast_in_dim3A_1010 : vector<16xi32>
        %mul3A_1122 = arith.constant 432 : i32
        %mul3A_1123 = arith.muli %mul3A_1122, %scan3A_1004 : i32
        %add3A_1124 = arith.constant 160 : i32
        %add3A_1125 = arith.addi %mul3A_1123, %add3A_1124 : i32
        %swap3A_1126 = arith.constant 0 : i32
        %swap3A_1127 = arith.index_cast %swap3A_1126 : i32 to index
        %swap3A_1128 = arith.index_cast %add3A_1125 : i32 to index
        %swap3A_1129 = tpu.vector_load %arg14[%swap3A_1127, %swap3A_1128] {strides = array<i32>} : memref<2x6912xi32, #tpu.memory_space<vmem>>, vector<1x16xi32>,
        %swap3A_1130 = vector.shape_cast %swap3A_1129 : vector<1x16xi32> to vector<16xi32>
        %swap3A_1131 = vector.shape_cast %add3A_1121 : vector<16xi32> to vector<1x16xi32>
        tpu.vector_store %arg14[%swap3A_1127, %swap3A_1128], %swap3A_1131 {strides = array<i32>} : memref<2x6912xi32, #tpu.memory_space<vmem>>, vector<1x16xi32>,
        %add3A_1132 = arith.addi %get3A_754, %broadcast_in_dim3A_1010 : vector<16xi32>
        %mul3A_1133 = arith.constant 432 : i32
        %mul3A_1134 = arith.muli %mul3A_1133, %scan3A_1004 : i32
        %add3A_1135 = arith.constant 176 : i32
        %add3A_1136 = arith.addi %mul3A_1134, %add3A_1135 : i32
        %swap3A_1137 = arith.constant 0 : i32
        %swap3A_1138 = arith.index_cast %swap3A_1137 : i32 to index
        %swap3A_1139 = arith.index_cast %add3A_1136 : i32 to index
        %swap3A_1140 = tpu.vector_load %arg14[%swap3A_1138, %swap3A_1139] {strides = array<i32>} : memref<2x6912xi32, #tpu.memory_space<vmem>>, vector<1x16xi32>,
        %swap3A_1141 = vector.shape_cast %swap3A_1140 : vector<1x16xi32> to vector<16xi32>
        %swap3A_1142 = vector.shape_cast %add3A_1132 : vector<16xi32> to vector<1x16xi32>
        tpu.vector_store %arg14[%swap3A_1138, %swap3A_1139], %swap3A_1142 {strides = array<i32>} : memref<2x6912xi32, #tpu.memory_space<vmem>>, vector<1x16xi32>,
        %add3A_1143 = arith.addi %get3A_759, %broadcast_in_dim3A_1010 : vector<16xi32>
        %mul3A_1144 = arith.constant 432 : i32
        %mul3A_1145 = arith.muli %mul3A_1144, %scan3A_1004 : i32
        %add3A_1146 = arith.constant 192 : i32
        %add3A_1147 = arith.addi %mul3A_1145, %add3A_1146 : i32
        %swap3A_1148 = arith.constant 0 : i32
        %swap3A_1149 = arith.index_cast %swap3A_1148 : i32 to index
        %swap3A_1150 = arith.index_cast %add3A_1147 : i32 to index
        %swap3A_1151 = tpu.vector_load %arg14[%swap3A_1149, %swap3A_1150] {strides = array<i32>} : memref<2x6912xi32, #tpu.memory_space<vmem>>, vector<1x16xi32>,
        %swap3A_1152 = vector.shape_cast %swap3A_1151 : vector<1x16xi32> to vector<16xi32>
        %swap3A_1153 = vector.shape_cast %add3A_1143 : vector<16xi32> to vector<1x16xi32>
        tpu.vector_store %arg14[%swap3A_1149, %swap3A_1150], %swap3A_1153 {strides = array<i32>} : memref<2x6912xi32, #tpu.memory_space<vmem>>, vector<1x16xi32>,
        %add3A_1154 = arith.addi %get3A_764, %broadcast_in_dim3A_1010 : vector<16xi32>
        %mul3A_1155 = arith.constant 432 : i32
        %mul3A_1156 = arith.muli %mul3A_1155, %scan3A_1004 : i32
        %add3A_1157 = arith.constant 208 : i32
        %add3A_1158 = arith.addi %mul3A_1156, %add3A_1157 : i32
        %swap3A_1159 = arith.constant 0 : i32
        %swap3A_1160 = arith.index_cast %swap3A_1159 : i32 to index
        %swap3A_1161 = arith.index_cast %add3A_1158 : i32 to index
        %swap3A_1162 = tpu.vector_load %arg14[%swap3A_1160, %swap3A_1161] {strides = array<i32>} : memref<2x6912xi32, #tpu.memory_space<vmem>>, vector<1x16xi32>,
        %swap3A_1163 = vector.shape_cast %swap3A_1162 : vector<1x16xi32> to vector<16xi32>
        %swap3A_1164 = vector.shape_cast %add3A_1154 : vector<16xi32> to vector<1x16xi32>
        tpu.vector_store %arg14[%swap3A_1160, %swap3A_1161], %swap3A_1164 {strides = array<i32>} : memref<2x6912xi32, #tpu.memory_space<vmem>>, vector<1x16xi32>,
        %add3A_1165 = arith.addi %get3A_769, %broadcast_in_dim3A_1010 : vector<16xi32>
        %mul3A_1166 = arith.constant 432 : i32
        %mul3A_1167 = arith.muli %mul3A_1166, %scan3A_1004 : i32
        %add3A_1168 = arith.constant 224 : i32
        %add3A_1169 = arith.addi %mul3A_1167, %add3A_1168 : i32
        %swap3A_1170 = arith.constant 0 : i32
        %swap3A_1171 = arith.index_cast %swap3A_1170 : i32 to index
        %swap3A_1172 = arith.index_cast %add3A_1169 : i32 to index
        %swap3A_1173 = tpu.vector_load %arg14[%swap3A_1171, %swap3A_1172] {strides = array<i32>} : memref<2x6912xi32, #tpu.memory_space<vmem>>, vector<1x16xi32>,
        %swap3A_1174 = vector.shape_cast %swap3A_1173 : vector<1x16xi32> to vector<16xi32>
        %swap3A_1175 = vector.shape_cast %add3A_1165 : vector<16xi32> to vector<1x16xi32>
        tpu.vector_store %arg14[%swap3A_1171, %swap3A_1172], %swap3A_1175 {strides = array<i32>} : memref<2x6912xi32, #tpu.memory_space<vmem>>, vector<1x16xi32>,
        %add3A_1176 = arith.addi %get3A_774, %broadcast_in_dim3A_1010 : vector<16xi32>
        %mul3A_1177 = arith.constant 432 : i32
        %mul3A_1178 = arith.muli %mul3A_1177, %scan3A_1004 : i32
        %add3A_1179 = arith.constant 240 : i32
        %add3A_1180 = arith.addi %mul3A_1178, %add3A_1179 : i32
        %swap3A_1181 = arith.constant 0 : i32
        %swap3A_1182 = arith.index_cast %swap3A_1181 : i32 to index
        %swap3A_1183 = arith.index_cast %add3A_1180 : i32 to index
        %swap3A_1184 = tpu.vector_load %arg14[%swap3A_1182, %swap3A_1183] {strides = array<i32>} : memref<2x6912xi32, #tpu.memory_space<vmem>>, vector<1x16xi32>,
        %swap3A_1185 = vector.shape_cast %swap3A_1184 : vector<1x16xi32> to vector<16xi32>
        %swap3A_1186 = vector.shape_cast %add3A_1176 : vector<16xi32> to vector<1x16xi32>
        tpu.vector_store %arg14[%swap3A_1182, %swap3A_1183], %swap3A_1186 {strides = array<i32>} : memref<2x6912xi32, #tpu.memory_space<vmem>>, vector<1x16xi32>,
        %add3A_1187 = arith.addi %get3A_779, %broadcast_in_dim3A_1010 : vector<16xi32>
        %mul3A_1188 = arith.constant 432 : i32
        %mul3A_1189 = arith.muli %mul3A_1188, %scan3A_1004 : i32
        %add3A_1190 = arith.constant 256 : i32
        %add3A_1191 = arith.addi %mul3A_1189, %add3A_1190 : i32
        %swap3A_1192 = arith.constant 0 : i32
        %swap3A_1193 = arith.index_cast %swap3A_1192 : i32 to index
        %swap3A_1194 = arith.index_cast %add3A_1191 : i32 to index
        %swap3A_1195 = tpu.vector_load %arg14[%swap3A_1193, %swap3A_1194] {strides = array<i32>} : memref<2x6912xi32, #tpu.memory_space<vmem>>, vector<1x16xi32>,
        %swap3A_1196 = vector.shape_cast %swap3A_1195 : vector<1x16xi32> to vector<16xi32>
        %swap3A_1197 = vector.shape_cast %add3A_1187 : vector<16xi32> to vector<1x16xi32>
        tpu.vector_store %arg14[%swap3A_1193, %swap3A_1194], %swap3A_1197 {strides = array<i32>} : memref<2x6912xi32, #tpu.memory_space<vmem>>, vector<1x16xi32>,
        %add3A_1198 = arith.addi %get3A_784, %broadcast_in_dim3A_1010 : vector<16xi32>
        %mul3A_1199 = arith.constant 432 : i32
        %mul3A_1200 = arith.muli %mul3A_1199, %scan3A_1004 : i32
        %add3A_1201 = arith.constant 272 : i32
        %add3A_1202 = arith.addi %mul3A_1200, %add3A_1201 : i32
        %swap3A_1203 = arith.constant 0 : i32
        %swap3A_1204 = arith.index_cast %swap3A_1203 : i32 to index
        %swap3A_1205 = arith.index_cast %add3A_1202 : i32 to index
        %swap3A_1206 = tpu.vector_load %arg14[%swap3A_1204, %swap3A_1205] {strides = array<i32>} : memref<2x6912xi32, #tpu.memory_space<vmem>>, vector<1x16xi32>,
        %swap3A_1207 = vector.shape_cast %swap3A_1206 : vector<1x16xi32> to vector<16xi32>
        %swap3A_1208 = vector.shape_cast %add3A_1198 : vector<16xi32> to vector<1x16xi32>
        tpu.vector_store %arg14[%swap3A_1204, %swap3A_1205], %swap3A_1208 {strides = array<i32>} : memref<2x6912xi32, #tpu.memory_space<vmem>>, vector<1x16xi32>,
        %add3A_1209 = arith.addi %get3A_789, %broadcast_in_dim3A_1010 : vector<16xi32>
        %mul3A_1210 = arith.constant 432 : i32
        %mul3A_1211 = arith.muli %mul3A_1210, %scan3A_1004 : i32
        %add3A_1212 = arith.constant 288 : i32
        %add3A_1213 = arith.addi %mul3A_1211, %add3A_1212 : i32
        %swap3A_1214 = arith.constant 0 : i32
        %swap3A_1215 = arith.index_cast %swap3A_1214 : i32 to index
        %swap3A_1216 = arith.index_cast %add3A_1213 : i32 to index
        %swap3A_1217 = tpu.vector_load %arg14[%swap3A_1215, %swap3A_1216] {strides = array<i32>} : memref<2x6912xi32, #tpu.memory_space<vmem>>, vector<1x16xi32>,
        %swap3A_1218 = vector.shape_cast %swap3A_1217 : vector<1x16xi32> to vector<16xi32>
        %swap3A_1219 = vector.shape_cast %add3A_1209 : vector<16xi32> to vector<1x16xi32>
        tpu.vector_store %arg14[%swap3A_1215, %swap3A_1216], %swap3A_1219 {strides = array<i32>} : memref<2x6912xi32, #tpu.memory_space<vmem>>, vector<1x16xi32>,
        %add3A_1220 = arith.addi %get3A_794, %broadcast_in_dim3A_1010 : vector<16xi32>
        %mul3A_1221 = arith.constant 432 : i32
        %mul3A_1222 = arith.muli %mul3A_1221, %scan3A_1004 : i32
        %add3A_1223 = arith.constant 304 : i32
        %add3A_1224 = arith.addi %mul3A_1222, %add3A_1223 : i32
        %swap3A_1225 = arith.constant 0 : i32
        %swap3A_1226 = arith.index_cast %swap3A_1225 : i32 to index
        %swap3A_1227 = arith.index_cast %add3A_1224 : i32 to index
        %swap3A_1228 = tpu.vector_load %arg14[%swap3A_1226, %swap3A_1227] {strides = array<i32>} : memref<2x6912xi32, #tpu.memory_space<vmem>>, vector<1x16xi32>,
        %swap3A_1229 = vector.shape_cast %swap3A_1228 : vector<1x16xi32> to vector<16xi32>
        %swap3A_1230 = vector.shape_cast %add3A_1220 : vector<16xi32> to vector<1x16xi32>
        tpu.vector_store %arg14[%swap3A_1226, %swap3A_1227], %swap3A_1230 {strides = array<i32>} : memref<2x6912xi32, #tpu.memory_space<vmem>>, vector<1x16xi32>,
        %add3A_1231 = arith.addi %get3A_799, %broadcast_in_dim3A_1010 : vector<16xi32>
        %mul3A_1232 = arith.constant 432 : i32
        %mul3A_1233 = arith.muli %mul3A_1232, %scan3A_1004 : i32
        %add3A_1234 = arith.constant 320 : i32
        %add3A_1235 = arith.addi %mul3A_1233, %add3A_1234 : i32
        %swap3A_1236 = arith.constant 0 : i32
        %swap3A_1237 = arith.index_cast %swap3A_1236 : i32 to index
        %swap3A_1238 = arith.index_cast %add3A_1235 : i32 to index
        %swap3A_1239 = tpu.vector_load %arg14[%swap3A_1237, %swap3A_1238] {strides = array<i32>} : memref<2x6912xi32, #tpu.memory_space<vmem>>, vector<1x16xi32>,
        %swap3A_1240 = vector.shape_cast %swap3A_1239 : vector<1x16xi32> to vector<16xi32>
        %swap3A_1241 = vector.shape_cast %add3A_1231 : vector<16xi32> to vector<1x16xi32>
        tpu.vector_store %arg14[%swap3A_1237, %swap3A_1238], %swap3A_1241 {strides = array<i32>} : memref<2x6912xi32, #tpu.memory_space<vmem>>, vector<1x16xi32>,
        %add3A_1242 = arith.addi %get3A_804, %broadcast_in_dim3A_1010 : vector<16xi32>
        %mul3A_1243 = arith.constant 432 : i32
        %mul3A_1244 = arith.muli %mul3A_1243, %scan3A_1004 : i32
        %add3A_1245 = arith.constant 336 : i32
        %add3A_1246 = arith.addi %mul3A_1244, %add3A_1245 : i32
        %swap3A_1247 = arith.constant 0 : i32
        %swap3A_1248 = arith.index_cast %swap3A_1247 : i32 to index
        %swap3A_1249 = arith.index_cast %add3A_1246 : i32 to index
        %swap3A_1250 = tpu.vector_load %arg14[%swap3A_1248, %swap3A_1249] {strides = array<i32>} : memref<2x6912xi32, #tpu.memory_space<vmem>>, vector<1x16xi32>,
        %swap3A_1251 = vector.shape_cast %swap3A_1250 : vector<1x16xi32> to vector<16xi32>
        %swap3A_1252 = vector.shape_cast %add3A_1242 : vector<16xi32> to vector<1x16xi32>
        tpu.vector_store %arg14[%swap3A_1248, %swap3A_1249], %swap3A_1252 {strides = array<i32>} : memref<2x6912xi32, #tpu.memory_space<vmem>>, vector<1x16xi32>,
        %add3A_1253 = arith.addi %get3A_809, %broadcast_in_dim3A_1010 : vector<16xi32>
        %mul3A_1254 = arith.constant 432 : i32
        %mul3A_1255 = arith.muli %mul3A_1254, %scan3A_1004 : i32
        %add3A_1256 = arith.constant 352 : i32
        %add3A_1257 = arith.addi %mul3A_1255, %add3A_1256 : i32
        %swap3A_1258 = arith.constant 0 : i32
        %swap3A_1259 = arith.index_cast %swap3A_1258 : i32 to index
        %swap3A_1260 = arith.index_cast %add3A_1257 : i32 to index
        %swap3A_1261 = tpu.vector_load %arg14[%swap3A_1259, %swap3A_1260] {strides = array<i32>} : memref<2x6912xi32, #tpu.memory_space<vmem>>, vector<1x16xi32>,
        %swap3A_1262 = vector.shape_cast %swap3A_1261 : vector<1x16xi32> to vector<16xi32>
        %swap3A_1263 = vector.shape_cast %add3A_1253 : vector<16xi32> to vector<1x16xi32>
        tpu.vector_store %arg14[%swap3A_1259, %swap3A_1260], %swap3A_1263 {strides = array<i32>} : memref<2x6912xi32, #tpu.memory_space<vmem>>, vector<1x16xi32>,
        %add3A_1264 = arith.addi %get3A_814, %broadcast_in_dim3A_1010 : vector<16xi32>
        %mul3A_1265 = arith.constant 432 : i32
        %mul3A_1266 = arith.muli %mul3A_1265, %scan3A_1004 : i32
        %add3A_1267 = arith.constant 368 : i32
        %add3A_1268 = arith.addi %mul3A_1266, %add3A_1267 : i32
        %swap3A_1269 = arith.constant 0 : i32
        %swap3A_1270 = arith.index_cast %swap3A_1269 : i32 to index
        %swap3A_1271 = arith.index_cast %add3A_1268 : i32 to index
        %swap3A_1272 = tpu.vector_load %arg14[%swap3A_1270, %swap3A_1271] {strides = array<i32>} : memref<2x6912xi32, #tpu.memory_space<vmem>>, vector<1x16xi32>,
        %swap3A_1273 = vector.shape_cast %swap3A_1272 : vector<1x16xi32> to vector<16xi32>
        %swap3A_1274 = vector.shape_cast %add3A_1264 : vector<16xi32> to vector<1x16xi32>
        tpu.vector_store %arg14[%swap3A_1270, %swap3A_1271], %swap3A_1274 {strides = array<i32>} : memref<2x6912xi32, #tpu.memory_space<vmem>>, vector<1x16xi32>,
        %add3A_1275 = arith.addi %get3A_819, %broadcast_in_dim3A_1010 : vector<16xi32>
        %mul3A_1276 = arith.constant 432 : i32
        %mul3A_1277 = arith.muli %mul3A_1276, %scan3A_1004 : i32
        %add3A_1278 = arith.constant 384 : i32
        %add3A_1279 = arith.addi %mul3A_1277, %add3A_1278 : i32
        %swap3A_1280 = arith.constant 0 : i32
        %swap3A_1281 = arith.index_cast %swap3A_1280 : i32 to index
        %swap3A_1282 = arith.index_cast %add3A_1279 : i32 to index
        %swap3A_1283 = tpu.vector_load %arg14[%swap3A_1281, %swap3A_1282] {strides = array<i32>} : memref<2x6912xi32, #tpu.memory_space<vmem>>, vector<1x16xi32>,
        %swap3A_1284 = vector.shape_cast %swap3A_1283 : vector<1x16xi32> to vector<16xi32>
        %swap3A_1285 = vector.shape_cast %add3A_1275 : vector<16xi32> to vector<1x16xi32>
        tpu.vector_store %arg14[%swap3A_1281, %swap3A_1282], %swap3A_1285 {strides = array<i32>} : memref<2x6912xi32, #tpu.memory_space<vmem>>, vector<1x16xi32>,
        %add3A_1286 = arith.addi %get3A_824, %broadcast_in_dim3A_1010 : vector<16xi32>
        %mul3A_1287 = arith.constant 432 : i32
        %mul3A_1288 = arith.muli %mul3A_1287, %scan3A_1004 : i32
        %add3A_1289 = arith.constant 400 : i32
        %add3A_1290 = arith.addi %mul3A_1288, %add3A_1289 : i32
        %swap3A_1291 = arith.constant 0 : i32
        %swap3A_1292 = arith.index_cast %swap3A_1291 : i32 to index
        %swap3A_1293 = arith.index_cast %add3A_1290 : i32 to index
        %swap3A_1294 = tpu.vector_load %arg14[%swap3A_1292, %swap3A_1293] {strides = array<i32>} : memref<2x6912xi32, #tpu.memory_space<vmem>>, vector<1x16xi32>,
        %swap3A_1295 = vector.shape_cast %swap3A_1294 : vector<1x16xi32> to vector<16xi32>
        %swap3A_1296 = vector.shape_cast %add3A_1286 : vector<16xi32> to vector<1x16xi32>
        tpu.vector_store %arg14[%swap3A_1292, %swap3A_1293], %swap3A_1296 {strides = array<i32>} : memref<2x6912xi32, #tpu.memory_space<vmem>>, vector<1x16xi32>,
        %add3A_1297 = arith.addi %get3A_829, %broadcast_in_dim3A_1010 : vector<16xi32>
        %mul3A_1298 = arith.constant 432 : i32
        %mul3A_1299 = arith.muli %mul3A_1298, %scan3A_1004 : i32
        %add3A_1300 = arith.constant 416 : i32
        %add3A_1301 = arith.addi %mul3A_1299, %add3A_1300 : i32
        %swap3A_1302 = arith.constant 0 : i32
        %swap3A_1303 = arith.index_cast %swap3A_1302 : i32 to index
        %swap3A_1304 = arith.index_cast %add3A_1301 : i32 to index
        %swap3A_1305 = tpu.vector_load %arg14[%swap3A_1303, %swap3A_1304] {strides = array<i32>} : memref<2x6912xi32, #tpu.memory_space<vmem>>, vector<1x16xi32>,
        %swap3A_1306 = vector.shape_cast %swap3A_1305 : vector<1x16xi32> to vector<16xi32>
        %swap3A_1307 = vector.shape_cast %add3A_1297 : vector<16xi32> to vector<1x16xi32>
        tpu.vector_store %arg14[%swap3A_1303, %swap3A_1304], %swap3A_1307 {strides = array<i32>} : memref<2x6912xi32, #tpu.memory_space<vmem>>, vector<1x16xi32>,
        %add3A_1308 = arith.addi %get3A_834, %broadcast_in_dim3A_1010 : vector<16xi32>
        %mul3A_1309 = arith.constant 432 : i32
        %mul3A_1310 = arith.muli %mul3A_1309, %scan3A_1004 : i32
        %add3A_1311 = arith.constant 0 : i32
        %add3A_1312 = arith.addi %mul3A_1310, %add3A_1311 : i32
        %swap3A_1313 = arith.constant 1 : i32
        %swap3A_1314 = arith.index_cast %swap3A_1313 : i32 to index
        %swap3A_1315 = arith.index_cast %add3A_1312 : i32 to index
        %swap3A_1316 = tpu.vector_load %arg14[%swap3A_1314, %swap3A_1315] {strides = array<i32>} : memref<2x6912xi32, #tpu.memory_space<vmem>>, vector<1x16xi32>,
        %swap3A_1317 = vector.shape_cast %swap3A_1316 : vector<1x16xi32> to vector<16xi32>
        %swap3A_1318 = vector.shape_cast %add3A_1308 : vector<16xi32> to vector<1x16xi32>
        tpu.vector_store %arg14[%swap3A_1314, %swap3A_1315], %swap3A_1318 {strides = array<i32>} : memref<2x6912xi32, #tpu.memory_space<vmem>>, vector<1x16xi32>,
        %add3A_1319 = arith.addi %get3A_839, %broadcast_in_dim3A_1010 : vector<16xi32>
        %mul3A_1320 = arith.constant 432 : i32
        %mul3A_1321 = arith.muli %mul3A_1320, %scan3A_1004 : i32
        %add3A_1322 = arith.constant 16 : i32
        %add3A_1323 = arith.addi %mul3A_1321, %add3A_1322 : i32
        %swap3A_1324 = arith.constant 1 : i32
        %swap3A_1325 = arith.index_cast %swap3A_1324 : i32 to index
        %swap3A_1326 = arith.index_cast %add3A_1323 : i32 to index
        %swap3A_1327 = tpu.vector_load %arg14[%swap3A_1325, %swap3A_1326] {strides = array<i32>} : memref<2x6912xi32, #tpu.memory_space<vmem>>, vector<1x16xi32>,
        %swap3A_1328 = vector.shape_cast %swap3A_1327 : vector<1x16xi32> to vector<16xi32>
        %swap3A_1329 = vector.shape_cast %add3A_1319 : vector<16xi32> to vector<1x16xi32>
        tpu.vector_store %arg14[%swap3A_1325, %swap3A_1326], %swap3A_1329 {strides = array<i32>} : memref<2x6912xi32, #tpu.memory_space<vmem>>, vector<1x16xi32>,
        %add3A_1330 = arith.addi %get3A_844, %broadcast_in_dim3A_1010 : vector<16xi32>
        %mul3A_1331 = arith.constant 432 : i32
        %mul3A_1332 = arith.muli %mul3A_1331, %scan3A_1004 : i32
        %add3A_1333 = arith.constant 32 : i32
        %add3A_1334 = arith.addi %mul3A_1332, %add3A_1333 : i32
        %swap3A_1335 = arith.constant 1 : i32
        %swap3A_1336 = arith.index_cast %swap3A_1335 : i32 to index
        %swap3A_1337 = arith.index_cast %add3A_1334 : i32 to index
        %swap3A_1338 = tpu.vector_load %arg14[%swap3A_1336, %swap3A_1337] {strides = array<i32>} : memref<2x6912xi32, #tpu.memory_space<vmem>>, vector<1x16xi32>,
        %swap3A_1339 = vector.shape_cast %swap3A_1338 : vector<1x16xi32> to vector<16xi32>
        %swap3A_1340 = vector.shape_cast %add3A_1330 : vector<16xi32> to vector<1x16xi32>
        tpu.vector_store %arg14[%swap3A_1336, %swap3A_1337], %swap3A_1340 {strides = array<i32>} : memref<2x6912xi32, #tpu.memory_space<vmem>>, vector<1x16xi32>,
        %add3A_1341 = arith.addi %get3A_849, %broadcast_in_dim3A_1010 : vector<16xi32>
        %mul3A_1342 = arith.constant 432 : i32
        %mul3A_1343 = arith.muli %mul3A_1342, %scan3A_1004 : i32
        %add3A_1344 = arith.constant 48 : i32
        %add3A_1345 = arith.addi %mul3A_1343, %add3A_1344 : i32
        %swap3A_1346 = arith.constant 1 : i32
        %swap3A_1347 = arith.index_cast %swap3A_1346 : i32 to index
        %swap3A_1348 = arith.index_cast %add3A_1345 : i32 to index
        %swap3A_1349 = tpu.vector_load %arg14[%swap3A_1347, %swap3A_1348] {strides = array<i32>} : memref<2x6912xi32, #tpu.memory_space<vmem>>, vector<1x16xi32>,
        %swap3A_1350 = vector.shape_cast %swap3A_1349 : vector<1x16xi32> to vector<16xi32>
        %swap3A_1351 = vector.shape_cast %add3A_1341 : vector<16xi32> to vector<1x16xi32>
        tpu.vector_store %arg14[%swap3A_1347, %swap3A_1348], %swap3A_1351 {strides = array<i32>} : memref<2x6912xi32, #tpu.memory_space<vmem>>, vector<1x16xi32>,
        %add3A_1352 = arith.addi %get3A_854, %broadcast_in_dim3A_1010 : vector<16xi32>
        %mul3A_1353 = arith.constant 432 : i32
        %mul3A_1354 = arith.muli %mul3A_1353, %scan3A_1004 : i32
        %add3A_1355 = arith.constant 64 : i32
        %add3A_1356 = arith.addi %mul3A_1354, %add3A_1355 : i32
        %swap3A_1357 = arith.constant 1 : i32
        %swap3A_1358 = arith.index_cast %swap3A_1357 : i32 to index
        %swap3A_1359 = arith.index_cast %add3A_1356 : i32 to index
        %swap3A_1360 = tpu.vector_load %arg14[%swap3A_1358, %swap3A_1359] {strides = array<i32>} : memref<2x6912xi32, #tpu.memory_space<vmem>>, vector<1x16xi32>,
        %swap3A_1361 = vector.shape_cast %swap3A_1360 : vector<1x16xi32> to vector<16xi32>
        %swap3A_1362 = vector.shape_cast %add3A_1352 : vector<16xi32> to vector<1x16xi32>
        tpu.vector_store %arg14[%swap3A_1358, %swap3A_1359], %swap3A_1362 {strides = array<i32>} : memref<2x6912xi32, #tpu.memory_space<vmem>>, vector<1x16xi32>,
        %add3A_1363 = arith.addi %get3A_859, %broadcast_in_dim3A_1010 : vector<16xi32>
        %mul3A_1364 = arith.constant 432 : i32
        %mul3A_1365 = arith.muli %mul3A_1364, %scan3A_1004 : i32
        %add3A_1366 = arith.constant 80 : i32
        %add3A_1367 = arith.addi %mul3A_1365, %add3A_1366 : i32
        %swap3A_1368 = arith.constant 1 : i32
        %swap3A_1369 = arith.index_cast %swap3A_1368 : i32 to index
        %swap3A_1370 = arith.index_cast %add3A_1367 : i32 to index
        %swap3A_1371 = tpu.vector_load %arg14[%swap3A_1369, %swap3A_1370] {strides = array<i32>} : memref<2x6912xi32, #tpu.memory_space<vmem>>, vector<1x16xi32>,
        %swap3A_1372 = vector.shape_cast %swap3A_1371 : vector<1x16xi32> to vector<16xi32>
        %swap3A_1373 = vector.shape_cast %add3A_1363 : vector<16xi32> to vector<1x16xi32>
        tpu.vector_store %arg14[%swap3A_1369, %swap3A_1370], %swap3A_1373 {strides = array<i32>} : memref<2x6912xi32, #tpu.memory_space<vmem>>, vector<1x16xi32>,
        %add3A_1374 = arith.addi %get3A_864, %broadcast_in_dim3A_1010 : vector<16xi32>
        %mul3A_1375 = arith.constant 432 : i32
        %mul3A_1376 = arith.muli %mul3A_1375, %scan3A_1004 : i32
        %add3A_1377 = arith.constant 96 : i32
        %add3A_1378 = arith.addi %mul3A_1376, %add3A_1377 : i32
        %swap3A_1379 = arith.constant 1 : i32
        %swap3A_1380 = arith.index_cast %swap3A_1379 : i32 to index
        %swap3A_1381 = arith.index_cast %add3A_1378 : i32 to index
        %swap3A_1382 = tpu.vector_load %arg14[%swap3A_1380, %swap3A_1381] {strides = array<i32>} : memref<2x6912xi32, #tpu.memory_space<vmem>>, vector<1x16xi32>,
        %swap3A_1383 = vector.shape_cast %swap3A_1382 : vector<1x16xi32> to vector<16xi32>
        %swap3A_1384 = vector.shape_cast %add3A_1374 : vector<16xi32> to vector<1x16xi32>
        tpu.vector_store %arg14[%swap3A_1380, %swap3A_1381], %swap3A_1384 {strides = array<i32>} : memref<2x6912xi32, #tpu.memory_space<vmem>>, vector<1x16xi32>,
        %add3A_1385 = arith.addi %get3A_869, %broadcast_in_dim3A_1010 : vector<16xi32>
        %mul3A_1386 = arith.constant 432 : i32
        %mul3A_1387 = arith.muli %mul3A_1386, %scan3A_1004 : i32
        %add3A_1388 = arith.constant 112 : i32
        %add3A_1389 = arith.addi %mul3A_1387, %add3A_1388 : i32
        %swap3A_1390 = arith.constant 1 : i32
        %swap3A_1391 = arith.index_cast %swap3A_1390 : i32 to index
        %swap3A_1392 = arith.index_cast %add3A_1389 : i32 to index
        %swap3A_1393 = tpu.vector_load %arg14[%swap3A_1391, %swap3A_1392] {strides = array<i32>} : memref<2x6912xi32, #tpu.memory_space<vmem>>, vector<1x16xi32>,
        %swap3A_1394 = vector.shape_cast %swap3A_1393 : vector<1x16xi32> to vector<16xi32>
        %swap3A_1395 = vector.shape_cast %add3A_1385 : vector<16xi32> to vector<1x16xi32>
        tpu.vector_store %arg14[%swap3A_1391, %swap3A_1392], %swap3A_1395 {strides = array<i32>} : memref<2x6912xi32, #tpu.memory_space<vmem>>, vector<1x16xi32>,
        %add3A_1396 = arith.addi %get3A_874, %broadcast_in_dim3A_1010 : vector<16xi32>
        %mul3A_1397 = arith.constant 432 : i32
        %mul3A_1398 = arith.muli %mul3A_1397, %scan3A_1004 : i32
        %add3A_1399 = arith.constant 128 : i32
        %add3A_1400 = arith.addi %mul3A_1398, %add3A_1399 : i32
        %swap3A_1401 = arith.constant 1 : i32
        %swap3A_1402 = arith.index_cast %swap3A_1401 : i32 to index
        %swap3A_1403 = arith.index_cast %add3A_1400 : i32 to index
        %swap3A_1404 = tpu.vector_load %arg14[%swap3A_1402, %swap3A_1403] {strides = array<i32>} : memref<2x6912xi32, #tpu.memory_space<vmem>>, vector<1x16xi32>,
        %swap3A_1405 = vector.shape_cast %swap3A_1404 : vector<1x16xi32> to vector<16xi32>
        %swap3A_1406 = vector.shape_cast %add3A_1396 : vector<16xi32> to vector<1x16xi32>
        tpu.vector_store %arg14[%swap3A_1402, %swap3A_1403], %swap3A_1406 {strides = array<i32>} : memref<2x6912xi32, #tpu.memory_space<vmem>>, vector<1x16xi32>,
        %add3A_1407 = arith.addi %get3A_879, %broadcast_in_dim3A_1010 : vector<16xi32>
        %mul3A_1408 = arith.constant 432 : i32
        %mul3A_1409 = arith.muli %mul3A_1408, %scan3A_1004 : i32
        %add3A_1410 = arith.constant 144 : i32
        %add3A_1411 = arith.addi %mul3A_1409, %add3A_1410 : i32
        %swap3A_1412 = arith.constant 1 : i32
        %swap3A_1413 = arith.index_cast %swap3A_1412 : i32 to index
        %swap3A_1414 = arith.index_cast %add3A_1411 : i32 to index
        %swap3A_1415 = tpu.vector_load %arg14[%swap3A_1413, %swap3A_1414] {strides = array<i32>} : memref<2x6912xi32, #tpu.memory_space<vmem>>, vector<1x16xi32>,
        %swap3A_1416 = vector.shape_cast %swap3A_1415 : vector<1x16xi32> to vector<16xi32>
        %swap3A_1417 = vector.shape_cast %add3A_1407 : vector<16xi32> to vector<1x16xi32>
        tpu.vector_store %arg14[%swap3A_1413, %swap3A_1414], %swap3A_1417 {strides = array<i32>} : memref<2x6912xi32, #tpu.memory_space<vmem>>, vector<1x16xi32>,
        %add3A_1418 = arith.addi %get3A_884, %broadcast_in_dim3A_1010 : vector<16xi32>
        %mul3A_1419 = arith.constant 432 : i32
        %mul3A_1420 = arith.muli %mul3A_1419, %scan3A_1004 : i32
        %add3A_1421 = arith.constant 160 : i32
        %add3A_1422 = arith.addi %mul3A_1420, %add3A_1421 : i32
        %swap3A_1423 = arith.constant 1 : i32
        %swap3A_1424 = arith.index_cast %swap3A_1423 : i32 to index
        %swap3A_1425 = arith.index_cast %add3A_1422 : i32 to index
        %swap3A_1426 = tpu.vector_load %arg14[%swap3A_1424, %swap3A_1425] {strides = array<i32>} : memref<2x6912xi32, #tpu.memory_space<vmem>>, vector<1x16xi32>,
        %swap3A_1427 = vector.shape_cast %swap3A_1426 : vector<1x16xi32> to vector<16xi32>
        %swap3A_1428 = vector.shape_cast %add3A_1418 : vector<16xi32> to vector<1x16xi32>
        tpu.vector_store %arg14[%swap3A_1424, %swap3A_1425], %swap3A_1428 {strides = array<i32>} : memref<2x6912xi32, #tpu.memory_space<vmem>>, vector<1x16xi32>,
        %add3A_1429 = arith.addi %get3A_889, %broadcast_in_dim3A_1010 : vector<16xi32>
        %mul3A_1430 = arith.constant 432 : i32
        %mul3A_1431 = arith.muli %mul3A_1430, %scan3A_1004 : i32
        %add3A_1432 = arith.constant 176 : i32
        %add3A_1433 = arith.addi %mul3A_1431, %add3A_1432 : i32
        %swap3A_1434 = arith.constant 1 : i32
        %swap3A_1435 = arith.index_cast %swap3A_1434 : i32 to index
        %swap3A_1436 = arith.index_cast %add3A_1433 : i32 to index
        %swap3A_1437 = tpu.vector_load %arg14[%swap3A_1435, %swap3A_1436] {strides = array<i32>} : memref<2x6912xi32, #tpu.memory_space<vmem>>, vector<1x16xi32>,
        %swap3A_1438 = vector.shape_cast %swap3A_1437 : vector<1x16xi32> to vector<16xi32>
        %swap3A_1439 = vector.shape_cast %add3A_1429 : vector<16xi32> to vector<1x16xi32>
        tpu.vector_store %arg14[%swap3A_1435, %swap3A_1436], %swap3A_1439 {strides = array<i32>} : memref<2x6912xi32, #tpu.memory_space<vmem>>, vector<1x16xi32>,
        %add3A_1440 = arith.addi %get3A_894, %broadcast_in_dim3A_1010 : vector<16xi32>
        %mul3A_1441 = arith.constant 432 : i32
        %mul3A_1442 = arith.muli %mul3A_1441, %scan3A_1004 : i32
        %add3A_1443 = arith.constant 192 : i32
        %add3A_1444 = arith.addi %mul3A_1442, %add3A_1443 : i32
        %swap3A_1445 = arith.constant 1 : i32
        %swap3A_1446 = arith.index_cast %swap3A_1445 : i32 to index
        %swap3A_1447 = arith.index_cast %add3A_1444 : i32 to index
        %swap3A_1448 = tpu.vector_load %arg14[%swap3A_1446, %swap3A_1447] {strides = array<i32>} : memref<2x6912xi32, #tpu.memory_space<vmem>>, vector<1x16xi32>,
        %swap3A_1449 = vector.shape_cast %swap3A_1448 : vector<1x16xi32> to vector<16xi32>
        %swap3A_1450 = vector.shape_cast %add3A_1440 : vector<16xi32> to vector<1x16xi32>
        tpu.vector_store %arg14[%swap3A_1446, %swap3A_1447], %swap3A_1450 {strides = array<i32>} : memref<2x6912xi32, #tpu.memory_space<vmem>>, vector<1x16xi32>,
        %add3A_1451 = arith.addi %get3A_899, %broadcast_in_dim3A_1010 : vector<16xi32>
        %mul3A_1452 = arith.constant 432 : i32
        %mul3A_1453 = arith.muli %mul3A_1452, %scan3A_1004 : i32
        %add3A_1454 = arith.constant 208 : i32
        %add3A_1455 = arith.addi %mul3A_1453, %add3A_1454 : i32
        %swap3A_1456 = arith.constant 1 : i32
        %swap3A_1457 = arith.index_cast %swap3A_1456 : i32 to index
        %swap3A_1458 = arith.index_cast %add3A_1455 : i32 to index
        %swap3A_1459 = tpu.vector_load %arg14[%swap3A_1457, %swap3A_1458] {strides = array<i32>} : memref<2x6912xi32, #tpu.memory_space<vmem>>, vector<1x16xi32>,
        %swap3A_1460 = vector.shape_cast %swap3A_1459 : vector<1x16xi32> to vector<16xi32>
        %swap3A_1461 = vector.shape_cast %add3A_1451 : vector<16xi32> to vector<1x16xi32>
        tpu.vector_store %arg14[%swap3A_1457, %swap3A_1458], %swap3A_1461 {strides = array<i32>} : memref<2x6912xi32, #tpu.memory_space<vmem>>, vector<1x16xi32>,
        %add3A_1462 = arith.addi %get3A_904, %broadcast_in_dim3A_1010 : vector<16xi32>
        %mul3A_1463 = arith.constant 432 : i32
        %mul3A_1464 = arith.muli %mul3A_1463, %scan3A_1004 : i32
        %add3A_1465 = arith.constant 224 : i32
        %add3A_1466 = arith.addi %mul3A_1464, %add3A_1465 : i32
        %swap3A_1467 = arith.constant 1 : i32
        %swap3A_1468 = arith.index_cast %swap3A_1467 : i32 to index
        %swap3A_1469 = arith.index_cast %add3A_1466 : i32 to index
        %swap3A_1470 = tpu.vector_load %arg14[%swap3A_1468, %swap3A_1469] {strides = array<i32>} : memref<2x6912xi32, #tpu.memory_space<vmem>>, vector<1x16xi32>,
        %swap3A_1471 = vector.shape_cast %swap3A_1470 : vector<1x16xi32> to vector<16xi32>
        %swap3A_1472 = vector.shape_cast %add3A_1462 : vector<16xi32> to vector<1x16xi32>
        tpu.vector_store %arg14[%swap3A_1468, %swap3A_1469], %swap3A_1472 {strides = array<i32>} : memref<2x6912xi32, #tpu.memory_space<vmem>>, vector<1x16xi32>,
        %add3A_1473 = arith.addi %get3A_909, %broadcast_in_dim3A_1010 : vector<16xi32>
        %mul3A_1474 = arith.constant 432 : i32
        %mul3A_1475 = arith.muli %mul3A_1474, %scan3A_1004 : i32
        %add3A_1476 = arith.constant 240 : i32
        %add3A_1477 = arith.addi %mul3A_1475, %add3A_1476 : i32
        %swap3A_1478 = arith.constant 1 : i32
        %swap3A_1479 = arith.index_cast %swap3A_1478 : i32 to index
        %swap3A_1480 = arith.index_cast %add3A_1477 : i32 to index
        %swap3A_1481 = tpu.vector_load %arg14[%swap3A_1479, %swap3A_1480] {strides = array<i32>} : memref<2x6912xi32, #tpu.memory_space<vmem>>, vector<1x16xi32>,
        %swap3A_1482 = vector.shape_cast %swap3A_1481 : vector<1x16xi32> to vector<16xi32>
        %swap3A_1483 = vector.shape_cast %add3A_1473 : vector<16xi32> to vector<1x16xi32>
        tpu.vector_store %arg14[%swap3A_1479, %swap3A_1480], %swap3A_1483 {strides = array<i32>} : memref<2x6912xi32, #tpu.memory_space<vmem>>, vector<1x16xi32>,
        %add3A_1484 = arith.addi %get3A_914, %broadcast_in_dim3A_1010 : vector<16xi32>
        %mul3A_1485 = arith.constant 432 : i32
        %mul3A_1486 = arith.muli %mul3A_1485, %scan3A_1004 : i32
        %add3A_1487 = arith.constant 256 : i32
        %add3A_1488 = arith.addi %mul3A_1486, %add3A_1487 : i32
        %swap3A_1489 = arith.constant 1 : i32
        %swap3A_1490 = arith.index_cast %swap3A_1489 : i32 to index
        %swap3A_1491 = arith.index_cast %add3A_1488 : i32 to index
        %swap3A_1492 = tpu.vector_load %arg14[%swap3A_1490, %swap3A_1491] {strides = array<i32>} : memref<2x6912xi32, #tpu.memory_space<vmem>>, vector<1x16xi32>,
        %swap3A_1493 = vector.shape_cast %swap3A_1492 : vector<1x16xi32> to vector<16xi32>
        %swap3A_1494 = vector.shape_cast %add3A_1484 : vector<16xi32> to vector<1x16xi32>
        tpu.vector_store %arg14[%swap3A_1490, %swap3A_1491], %swap3A_1494 {strides = array<i32>} : memref<2x6912xi32, #tpu.memory_space<vmem>>, vector<1x16xi32>,
        %add3A_1495 = arith.addi %get3A_919, %broadcast_in_dim3A_1010 : vector<16xi32>
        %mul3A_1496 = arith.constant 432 : i32
        %mul3A_1497 = arith.muli %mul3A_1496, %scan3A_1004 : i32
        %add3A_1498 = arith.constant 272 : i32
        %add3A_1499 = arith.addi %mul3A_1497, %add3A_1498 : i32
        %swap3A_1500 = arith.constant 1 : i32
        %swap3A_1501 = arith.index_cast %swap3A_1500 : i32 to index
        %swap3A_1502 = arith.index_cast %add3A_1499 : i32 to index
        %swap3A_1503 = tpu.vector_load %arg14[%swap3A_1501, %swap3A_1502] {strides = array<i32>} : memref<2x6912xi32, #tpu.memory_space<vmem>>, vector<1x16xi32>,
        %swap3A_1504 = vector.shape_cast %swap3A_1503 : vector<1x16xi32> to vector<16xi32>
        %swap3A_1505 = vector.shape_cast %add3A_1495 : vector<16xi32> to vector<1x16xi32>
        tpu.vector_store %arg14[%swap3A_1501, %swap3A_1502], %swap3A_1505 {strides = array<i32>} : memref<2x6912xi32, #tpu.memory_space<vmem>>, vector<1x16xi32>,
        %add3A_1506 = arith.addi %get3A_924, %broadcast_in_dim3A_1010 : vector<16xi32>
        %mul3A_1507 = arith.constant 432 : i32
        %mul3A_1508 = arith.muli %mul3A_1507, %scan3A_1004 : i32
        %add3A_1509 = arith.constant 288 : i32
        %add3A_1510 = arith.addi %mul3A_1508, %add3A_1509 : i32
        %swap3A_1511 = arith.constant 1 : i32
        %swap3A_1512 = arith.index_cast %swap3A_1511 : i32 to index
        %swap3A_1513 = arith.index_cast %add3A_1510 : i32 to index
        %swap3A_1514 = tpu.vector_load %arg14[%swap3A_1512, %swap3A_1513] {strides = array<i32>} : memref<2x6912xi32, #tpu.memory_space<vmem>>, vector<1x16xi32>,
        %swap3A_1515 = vector.shape_cast %swap3A_1514 : vector<1x16xi32> to vector<16xi32>
        %swap3A_1516 = vector.shape_cast %add3A_1506 : vector<16xi32> to vector<1x16xi32>
        tpu.vector_store %arg14[%swap3A_1512, %swap3A_1513], %swap3A_1516 {strides = array<i32>} : memref<2x6912xi32, #tpu.memory_space<vmem>>, vector<1x16xi32>,
        %add3A_1517 = arith.addi %get3A_929, %broadcast_in_dim3A_1010 : vector<16xi32>
        %mul3A_1518 = arith.constant 432 : i32
        %mul3A_1519 = arith.muli %mul3A_1518, %scan3A_1004 : i32
        %add3A_1520 = arith.constant 304 : i32
        %add3A_1521 = arith.addi %mul3A_1519, %add3A_1520 : i32
        %swap3A_1522 = arith.constant 1 : i32
        %swap3A_1523 = arith.index_cast %swap3A_1522 : i32 to index
        %swap3A_1524 = arith.index_cast %add3A_1521 : i32 to index
        %swap3A_1525 = tpu.vector_load %arg14[%swap3A_1523, %swap3A_1524] {strides = array<i32>} : memref<2x6912xi32, #tpu.memory_space<vmem>>, vector<1x16xi32>,
        %swap3A_1526 = vector.shape_cast %swap3A_1525 : vector<1x16xi32> to vector<16xi32>
        %swap3A_1527 = vector.shape_cast %add3A_1517 : vector<16xi32> to vector<1x16xi32>
        tpu.vector_store %arg14[%swap3A_1523, %swap3A_1524], %swap3A_1527 {strides = array<i32>} : memref<2x6912xi32, #tpu.memory_space<vmem>>, vector<1x16xi32>,
        %add3A_1528 = arith.addi %get3A_934, %broadcast_in_dim3A_1010 : vector<16xi32>
        %mul3A_1529 = arith.constant 432 : i32
        %mul3A_1530 = arith.muli %mul3A_1529, %scan3A_1004 : i32
        %add3A_1531 = arith.constant 320 : i32
        %add3A_1532 = arith.addi %mul3A_1530, %add3A_1531 : i32
        %swap3A_1533 = arith.constant 1 : i32
        %swap3A_1534 = arith.index_cast %swap3A_1533 : i32 to index
        %swap3A_1535 = arith.index_cast %add3A_1532 : i32 to index
        %swap3A_1536 = tpu.vector_load %arg14[%swap3A_1534, %swap3A_1535] {strides = array<i32>} : memref<2x6912xi32, #tpu.memory_space<vmem>>, vector<1x16xi32>,
        %swap3A_1537 = vector.shape_cast %swap3A_1536 : vector<1x16xi32> to vector<16xi32>
        %swap3A_1538 = vector.shape_cast %add3A_1528 : vector<16xi32> to vector<1x16xi32>
        tpu.vector_store %arg14[%swap3A_1534, %swap3A_1535], %swap3A_1538 {strides = array<i32>} : memref<2x6912xi32, #tpu.memory_space<vmem>>, vector<1x16xi32>,
        %add3A_1539 = arith.addi %get3A_939, %broadcast_in_dim3A_1010 : vector<16xi32>
        %mul3A_1540 = arith.constant 432 : i32
        %mul3A_1541 = arith.muli %mul3A_1540, %scan3A_1004 : i32
        %add3A_1542 = arith.constant 336 : i32
        %add3A_1543 = arith.addi %mul3A_1541, %add3A_1542 : i32
        %swap3A_1544 = arith.constant 1 : i32
        %swap3A_1545 = arith.index_cast %swap3A_1544 : i32 to index
        %swap3A_1546 = arith.index_cast %add3A_1543 : i32 to index
        %swap3A_1547 = tpu.vector_load %arg14[%swap3A_1545, %swap3A_1546] {strides = array<i32>} : memref<2x6912xi32, #tpu.memory_space<vmem>>, vector<1x16xi32>,
        %swap3A_1548 = vector.shape_cast %swap3A_1547 : vector<1x16xi32> to vector<16xi32>
        %swap3A_1549 = vector.shape_cast %add3A_1539 : vector<16xi32> to vector<1x16xi32>
        tpu.vector_store %arg14[%swap3A_1545, %swap3A_1546], %swap3A_1549 {strides = array<i32>} : memref<2x6912xi32, #tpu.memory_space<vmem>>, vector<1x16xi32>,
        %add3A_1550 = arith.addi %get3A_944, %broadcast_in_dim3A_1010 : vector<16xi32>
        %mul3A_1551 = arith.constant 432 : i32
        %mul3A_1552 = arith.muli %mul3A_1551, %scan3A_1004 : i32
        %add3A_1553 = arith.constant 352 : i32
        %add3A_1554 = arith.addi %mul3A_1552, %add3A_1553 : i32
        %swap3A_1555 = arith.constant 1 : i32
        %swap3A_1556 = arith.index_cast %swap3A_1555 : i32 to index
        %swap3A_1557 = arith.index_cast %add3A_1554 : i32 to index
        %swap3A_1558 = tpu.vector_load %arg14[%swap3A_1556, %swap3A_1557] {strides = array<i32>} : memref<2x6912xi32, #tpu.memory_space<vmem>>, vector<1x16xi32>,
        %swap3A_1559 = vector.shape_cast %swap3A_1558 : vector<1x16xi32> to vector<16xi32>
        %swap3A_1560 = vector.shape_cast %add3A_1550 : vector<16xi32> to vector<1x16xi32>
        tpu.vector_store %arg14[%swap3A_1556, %swap3A_1557], %swap3A_1560 {strides = array<i32>} : memref<2x6912xi32, #tpu.memory_space<vmem>>, vector<1x16xi32>,
        %add3A_1561 = arith.addi %get3A_949, %broadcast_in_dim3A_1010 : vector<16xi32>
        %mul3A_1562 = arith.constant 432 : i32
        %mul3A_1563 = arith.muli %mul3A_1562, %scan3A_1004 : i32
        %add3A_1564 = arith.constant 368 : i32
        %add3A_1565 = arith.addi %mul3A_1563, %add3A_1564 : i32
        %swap3A_1566 = arith.constant 1 : i32
        %swap3A_1567 = arith.index_cast %swap3A_1566 : i32 to index
        %swap3A_1568 = arith.index_cast %add3A_1565 : i32 to index
        %swap3A_1569 = tpu.vector_load %arg14[%swap3A_1567, %swap3A_1568] {strides = array<i32>} : memref<2x6912xi32, #tpu.memory_space<vmem>>, vector<1x16xi32>,
        %swap3A_1570 = vector.shape_cast %swap3A_1569 : vector<1x16xi32> to vector<16xi32>
        %swap3A_1571 = vector.shape_cast %add3A_1561 : vector<16xi32> to vector<1x16xi32>
        tpu.vector_store %arg14[%swap3A_1567, %swap3A_1568], %swap3A_1571 {strides = array<i32>} : memref<2x6912xi32, #tpu.memory_space<vmem>>, vector<1x16xi32>,
        %add3A_1572 = arith.addi %get3A_954, %broadcast_in_dim3A_1010 : vector<16xi32>
        %mul3A_1573 = arith.constant 432 : i32
        %mul3A_1574 = arith.muli %mul3A_1573, %scan3A_1004 : i32
        %add3A_1575 = arith.constant 384 : i32
        %add3A_1576 = arith.addi %mul3A_1574, %add3A_1575 : i32
        %swap3A_1577 = arith.constant 1 : i32
        %swap3A_1578 = arith.index_cast %swap3A_1577 : i32 to index
        %swap3A_1579 = arith.index_cast %add3A_1576 : i32 to index
        %swap3A_1580 = tpu.vector_load %arg14[%swap3A_1578, %swap3A_1579] {strides = array<i32>} : memref<2x6912xi32, #tpu.memory_space<vmem>>, vector<1x16xi32>,
        %swap3A_1581 = vector.shape_cast %swap3A_1580 : vector<1x16xi32> to vector<16xi32>
        %swap3A_1582 = vector.shape_cast %add3A_1572 : vector<16xi32> to vector<1x16xi32>
        tpu.vector_store %arg14[%swap3A_1578, %swap3A_1579], %swap3A_1582 {strides = array<i32>} : memref<2x6912xi32, #tpu.memory_space<vmem>>, vector<1x16xi32>,
        %add3A_1583 = arith.addi %get3A_959, %broadcast_in_dim3A_1010 : vector<16xi32>
        %mul3A_1584 = arith.constant 432 : i32
        %mul3A_1585 = arith.muli %mul3A_1584, %scan3A_1004 : i32
        %add3A_1586 = arith.constant 400 : i32
        %add3A_1587 = arith.addi %mul3A_1585, %add3A_1586 : i32
        %swap3A_1588 = arith.constant 1 : i32
        %swap3A_1589 = arith.index_cast %swap3A_1588 : i32 to index
        %swap3A_1590 = arith.index_cast %add3A_1587 : i32 to index
        %swap3A_1591 = tpu.vector_load %arg14[%swap3A_1589, %swap3A_1590] {strides = array<i32>} : memref<2x6912xi32, #tpu.memory_space<vmem>>, vector<1x16xi32>,
        %swap3A_1592 = vector.shape_cast %swap3A_1591 : vector<1x16xi32> to vector<16xi32>
        %swap3A_1593 = vector.shape_cast %add3A_1583 : vector<16xi32> to vector<1x16xi32>
        tpu.vector_store %arg14[%swap3A_1589, %swap3A_1590], %swap3A_1593 {strides = array<i32>} : memref<2x6912xi32, #tpu.memory_space<vmem>>, vector<1x16xi32>,
        %add3A_1594 = arith.addi %get3A_964, %broadcast_in_dim3A_1010 : vector<16xi32>
        %mul3A_1595 = arith.constant 432 : i32
        %mul3A_1596 = arith.muli %mul3A_1595, %scan3A_1004 : i32
        %add3A_1597 = arith.constant 416 : i32
        %add3A_1598 = arith.addi %mul3A_1596, %add3A_1597 : i32
        %swap3A_1599 = arith.constant 1 : i32
        %swap3A_1600 = arith.index_cast %swap3A_1599 : i32 to index
        %swap3A_1601 = arith.index_cast %add3A_1598 : i32 to index
        %swap3A_1602 = tpu.vector_load %arg14[%swap3A_1600, %swap3A_1601] {strides = array<i32>} : memref<2x6912xi32, #tpu.memory_space<vmem>>, vector<1x16xi32>,
        %swap3A_1603 = vector.shape_cast %swap3A_1602 : vector<1x16xi32> to vector<16xi32>
        %swap3A_1604 = vector.shape_cast %add3A_1594 : vector<16xi32> to vector<1x16xi32>
        tpu.vector_store %arg14[%swap3A_1600, %swap3A_1601], %swap3A_1604 {strides = array<i32>} : memref<2x6912xi32, #tpu.memory_space<vmem>>, vector<1x16xi32>,
      }
      %scan3A_1001 = arith.constant 16 : i32
      %mul3A_1002 = arith.constant 6912 : i32
      %mul3A_1003 = arith.muli %mul3A_1002, %add3A_994 : i32
      "tpu.region"() ({
        %run_scoped3A = tpu.sem_alloc : memref<!tpu.dma_semaphore, #tpu.memory_space<semaphore_mem>>
        %dma_start3A_1004 = arith.constant 0 : i32
        %dma_start3A_1005 = tpu.memref_slice %arg7[%dma_start3A_1004, %mul3A_1003] : memref<2x7122432xi32, #tpu.memory_space<hbm>> -> memref<2x6912xi32, #tpu.memory_space<hbm>>
        %dma_start3A_1006 = arith.constant 0 : i32
        %dma_start3A_1007 = tpu.memref_slice %arg7[%dma_start3A_1006, %mul3A_1003] : memref<2x7122432xi32, #tpu.memory_space<hbm>> -> memref<2x6912xi32, #tpu.memory_space<hbm>>
        tpu.enqueue_dma source(%arg14 : memref<2x6912xi32, #tpu.memory_space<vmem>>) target(%dma_start3A_1007 : memref<2x6912xi32, #tpu.memory_space<hbm>>) target_semaphore(%run_scoped3A : memref<!tpu.dma_semaphore, #tpu.memory_space<semaphore_mem>>)
        %dma_wait3A_1008 = arith.constant 0 : i32
        %dma_wait3A_1009 = tpu.memref_slice %arg7[%dma_wait3A_1008, %mul3A_1003] : memref<2x7122432xi32, #tpu.memory_space<hbm>> -> memref<2x6912xi32, #tpu.memory_space<hbm>>
        %dma_wait3A_1010 = arith.constant 0 : i32
        %dma_wait3A_1011 = tpu.memref_slice %arg7[%dma_wait3A_1010, %mul3A_1003] : memref<2x7122432xi32, #tpu.memory_space<hbm>> -> memref<2x6912xi32, #tpu.memory_space<hbm>>
        tpu.wait_dma2 semaphore(%run_scoped3A : memref<!tpu.dma_semaphore, #tpu.memory_space<semaphore_mem>>) src(%arg14 : memref<2x6912xi32, #tpu.memory_space<vmem>>) dst(%dma_wait3A_1011 : memref<2x6912xi32, #tpu.memory_space<hbm>>)
        tpu.yield
      }) : () -> ()
    } else {
    }
    %dma_wait3A_977 = tpu.memref_slice %arg6[%mul3A_677] : memref<2091008xf32, #tpu.memory_space<hbm>> -> memref<16352xf32, #tpu.memory_space<hbm>>
    %dma_wait3A_978 = tpu.memref_slice %arg6[%mul3A_677] : memref<2091008xf32, #tpu.memory_space<hbm>> -> memref<16352xf32, #tpu.memory_space<hbm>>
    tpu.wait_dma2 semaphore(%arg23 : memref<!tpu.dma_semaphore, #tpu.memory_space<semaphore_mem>>) src(%arg12 : memref<16352xf32, #tpu.memory_space<vmem>>) dst(%dma_wait3A_978 : memref<16352xf32, #tpu.memory_space<hbm>>)
    %dma_wait3A_979 = tpu.memref_slice %arg6[%add3A_692] : memref<2091008xf32, #tpu.memory_space<hbm>> -> memref<16320xf32, #tpu.memory_space<hbm>>
    %dma_wait3A_980 = tpu.memref_slice %arg6[%add3A_692] : memref<2091008xf32, #tpu.memory_space<hbm>> -> memref<16320xf32, #tpu.memory_space<hbm>>
    tpu.wait_dma2 semaphore(%arg24 : memref<!tpu.dma_semaphore, #tpu.memory_space<semaphore_mem>>) src(%arg13 : memref<16320xf32, #tpu.memory_space<vmem>>) dst(%dma_wait3A_980 : memref<16320xf32, #tpu.memory_space<hbm>>)
    %scan3A_981 = arith.constant 0 : i32
    %scan3A_982 = arith.constant 0 : i32
    %scan3A_983 = arith.constant 31 : i32
    %scan3A_984 = arith.addi %scan3A_982, %scan3A_983 : i32
    %scan3A_985 = arith.constant 1 : i32
    %scan3A_986 = scf.for %scan3A_993 = %scan3A_982 to %scan3A_984 step %scan3A_985 iter_args(%scan3A_994 = %scan3A_981) -> (i32)  : i32 {
      %dma_wait3A_995 = arith.constant 0 : i32
      %dma_wait3A_996 = tpu.memref_slice %arg8[%dma_wait3A_995] : memref<7122432xf32, #tpu.memory_space<hbm>> -> memref<6912xf32, #tpu.memory_space<hbm>>
      %dma_wait3A_997 = arith.constant 0 : i32
      %dma_wait3A_998 = tpu.memref_slice %arg8[%dma_wait3A_997] : memref<7122432xf32, #tpu.memory_space<hbm>> -> memref<6912xf32, #tpu.memory_space<hbm>>
      tpu.wait_dma2 semaphore(%arg22 : memref<!tpu.dma_semaphore, #tpu.memory_space<semaphore_mem>>) src(%dma_wait3A_998 : memref<6912xf32, #tpu.memory_space<hbm>>) dst(%arg15 : memref<6912xf32, #tpu.memory_space<vmem>>)
      %scan3A_999 = arith.constant 0 : i32
      scf.yield %scan3A_999 : i32
    }
    %scan3A_987 = arith.constant 31 : i32
    %lt3A_988 = arith.constant 29 : i32
    %lt3A_989 = arith.cmpi slt, %add3A, %lt3A_988 : i32
    %convert_element_type3A_990 = arith.extui %lt3A_989 : i1 to i32
    %cond3A_991 = arith.constant 0 : i32
    %cond3A_992 = arith.cmpi ne, %convert_element_type3A_990, %cond3A_991 : i32
    scf.if %cond3A_992 {
      %dma_wait3A_993 = arith.constant 0 : i32
      %dma_wait3A_994 = tpu.memref_slice %arg8[%dma_wait3A_993] : memref<7122432xf32, #tpu.memory_space<hbm>> -> memref<6912xf32, #tpu.memory_space<hbm>>
      %dma_wait3A_995 = arith.constant 0 : i32
      %dma_wait3A_996 = tpu.memref_slice %arg8[%dma_wait3A_995] : memref<7122432xf32, #tpu.memory_space<hbm>> -> memref<6912xf32, #tpu.memory_space<hbm>>
      tpu.wait_dma2 semaphore(%arg22 : memref<!tpu.dma_semaphore, #tpu.memory_space<semaphore_mem>>) src(%dma_wait3A_996 : memref<6912xf32, #tpu.memory_space<hbm>>) dst(%arg15 : memref<6912xf32, #tpu.memory_space<vmem>>)
    } else {
    }
    return
  }
}

</mosaic_0001>

<sc_bundles>
// kernel: kernel.3.cloned.1.call-start
scs
__scs_entry_jumppad:
0x0: {  	(pc) =	sbr.rel $0x88, $3  }
0x1: {  	(tag) =	ssettag $0x0;
	lr =	simm.s32 $0x1  }
0x2: {  	[smem:$0x3F9E] =	sst lr;
	_ =	strace $0xD0000000  }
0x3: {  	_ = 	snop  }
0x4: {  	_ = 	snop  }
0x5: {  	_ = 	snop  }
0x6: {  	_ = 	snop  }
0x7: {  	_ = 	snop  }
__scs_overlays_trampoline_lowered:
0x8: {  	[smem:$0x3FAD] =	sst s0  }
0x9: {  	[smem:$0x3FAE] =	sst s1  }
0xa: {  	[smem:$0x3FAF] =	sst s2  }
0xb: {  	[smem:$0x3FB0] =	sst s3  }
0xc: {  	[smem:$0x3FB1] =	sst s4  }
0xd: {  	[smem:$0x3FB2] =	sst s5  }
0xe: {  	[smem:$0x3FB3] =	sst s6  }
0xf: {  	[smem:$0x3FB4] =	sst s7  }
0x10: {  	[smem:$0x3FB5] =	sst s8  }
0x11: {  	[smem:$0x3FB6] =	sst s9;
	s0 =	simm.s32 @!p0 $0x0  }
0x12: {  	s1 =	sld [smem:$0x3F9C];
	s0 =	simm.s32 @p0 $0x1  }
0x13: {  	[smem:$0x3FB7] =	sst s0;
	s0 =	simm.s32 @!p1 $0x0  }
0x14: {  	s2 =	sld [smem:$0x3F9B];
	s0 =	simm.s32 @p1 $0x1  }
0x15: {  	[smem:$0x3FB8] =	sst s0;
	s0 =	simm.s32 @!p2 $0x0  }
0x16: {  	s3 =	sld [smem:$0x3FDB];
	s0 =	simm.s32 @p2 $0x1  }
0x17: {  	s4 =	simm.s32 $0x1BF5;
	[smem:$0x3FBA] =	sst s0  }
0x18: {  	s0 =	sld [smem:$0x3F9D];
	_ =	swait.ge [sflag:s4], $0x0  }
0x19: {  	s7 =	sld [smem:$0x3F9E]  }
0x1a: {  	s8 =	sadd.s32 $0xFFFFE003, lr  }
0x1b: {  	s9 =	sadd.s32 $0xFFFFFEF7, lr;
	s5 =	simm.s32 $0xFFFFFFFF;
	p2 =	slt.u32 s8, $0xFFFFF086  }
0x1c: {  	p1 =	slt.u32 s9, $0xF7A;
	s5 =	simm.s32 @!p2 $0x0  }
0x1d: {  	s5 =	simm.s32 @p1 $0x1;
	p0 =	seq.s32 s7, s2  }
0x1e: {  	s7 =	smul.u32 @!p0 $0xF7A, s2;
	p2 =	seq.s32 @!p0 s5, $0x0  }
0x1f: {  	s9 =	smul.u32 $0xF7A, s1;
	s8 =	simm.s32 @!p0 $0x1BF5;
	p2 =	por !p2, p0  }
0x20: {  	[sflag:s8] =	ssyncset.s32 @!p0 $0xFFFFF086;
	s6 =	sadd.s32 @!p0 s3, s7;
	s7 =	simm.s32 @!p0 $0x108  }
0x21: {  	s3 =	sadd.s32 s3, s9;
	s6 =	sadd.s32 @!p0 $0x88, s6;
	s7 =	simm.s32 @p2 $0x1082  }
0x22: {  	[simem:s7], [sflag:s8] =	dma.local @!p0 [hbm:s6], $0xF7A  }
0x23: {  	s9 =	sor.u32 $0xD0000000, s2;
	s6 =	simm.s32 $0x108;
	_ =	swait.ge @!p0 [sflag:s8], $0x0  }
0x24: {  	s3 =	sadd.s32 $0x88, s3;
	s6 =	simm.s32 @!p1 $0x1082;
	[sflag:s4] =	ssyncset.s32 $0xFFFFF086  }
0x25: {  	[simem:s6], [sflag:s4] =	dma.local [hbm:s3], $0xF7A  }
0x26: {  	[smem:$0x3F9E] =	sst s1;
	(tag) =	ssettag s2;
	_ =	strace s9  }
0x27: {  	s1 =	sld [smem:$0x3FAE]  }
0x28: {  	s2 =	sld [smem:$0x3FAF]  }
0x29: {  	s4 =	sld [smem:$0x3FB1]  }
0x2a: {  	p0 =	seq.s32 s5, $0x0;
	s5 =	sld [smem:$0x3FB2]  }
0x2b: {  	s6 =	sld [smem:$0x3FB3]  }
0x2c: {  	s7 =	sld [smem:$0x3FB4]  }
0x2d: {  	s3 =	simm.s32 $0x108;
	s8 =	sld [smem:$0x3FB5]  }
0x2e: {  	s3 =	simm.s32 @!p0 $0x1082;
	s9 =	sld [smem:$0x3FB6]  }
0x2f: {  	lr =	sadd.s32 s0, s3;
	s0 =	sld [smem:$0x3FAD]  }
0x30: {  	s3 =	sld [smem:$0x3FB0]  }
0x31: {  	[smem:$0x3FB9] =	sst s10  }
0x32: {  	s10 =	sld [smem:$0x3FB7];
	_ =	sdelay $0x3  }
0x33: {  	p0 =	seq.s32 s10, $0x1;
	s10 =	sld [smem:$0x3FB9];
	_ =	sdelay $0x3  }
0x34: {  	[smem:$0x3FB9] =	sst s10  }
0x35: {  	s10 =	sld [smem:$0x3FB8];
	_ =	sdelay $0x3  }
0x36: {  	p1 =	seq.s32 s10, $0x1;
	s10 =	sld [smem:$0x3FB9];
	_ =	sdelay $0x3  }
0x37: {  	[smem:$0x3FB9] =	sst s10  }
0x38: {  	s10 =	sld [smem:$0x3FBA]  }
0x39: {  	_ = 	snop;
	(pc) =	sbr.ind lr, $3  }
0x3a: {  	_ = 	snop  }
0x3b: {  	_ = 	snop  }
0x3c: {  	p2 =	seq.s32 s10, $0x1;
	s10 =	sld [smem:$0x3FB9]  }
0x3d: {  	_ =	shalt  }
0x3e: {  	_ =	shalt  }
0x3f: {  	_ =	shalt  }
0x40: {  	_ =	shalt  }
0x41: {  	_ =	shalt  }
0x42: {  	_ =	shalt  }
0x43: {  	_ =	shalt  }
0x44: {  	_ =	shalt  }
0x45: {  	_ =	shalt  }
0x46: {  	_ =	shalt  }
0x47: {  	_ =	shalt  }
0x48: {  	_ =	shalt  }
0x49: {  	_ =	shalt  }
0x4a: {  	_ =	shalt  }
0x4b: {  	_ =	shalt  }
0x4c: {  	_ =	shalt  }
0x4d: {  	_ =	shalt  }
0x4e: {  	_ =	shalt  }
0x4f: {  	_ =	shalt  }
0x50: {  	_ =	shalt  }
0x51: {  	_ =	shalt  }
0x52: {  	_ =	shalt  }
0x53: {  	_ =	shalt  }
0x54: {  	_ =	shalt  }
0x55: {  	_ =	shalt  }
0x56: {  	_ =	shalt  }
0x57: {  	_ =	shalt  }
0x58: {  	_ =	shalt  }
0x59: {  	_ =	shalt  }
0x5a: {  	_ =	shalt  }
0x5b: {  	_ =	shalt  }
0x5c: {  	_ =	shalt  }
0x5d: {  	_ =	shalt  }
0x5e: {  	_ =	shalt  }
0x5f: {  	_ =	shalt  }
0x60: {  	_ =	shalt  }
0x61: {  	_ =	shalt  }
0x62: {  	_ =	shalt  }
0x63: {  	_ =	shalt  }
0x64: {  	_ =	shalt  }
0x65: {  	_ =	shalt  }
0x66: {  	_ =	shalt  }
0x67: {  	_ =	shalt  }
0x68: {  	_ =	shalt  }
0x69: {  	_ =	shalt  }
0x6a: {  	_ =	shalt  }
0x6b: {  	_ =	shalt  }
0x6c: {  	_ =	shalt  }
0x6d: {  	_ =	shalt  }
0x6e: {  	_ =	shalt  }
0x6f: {  	_ =	shalt  }
0x70: {  	_ =	shalt  }
0x71: {  	_ =	shalt  }
0x72: {  	_ =	shalt  }
0x73: {  	_ =	shalt  }
0x74: {  	_ =	shalt  }
0x75: {  	_ =	shalt  }
0x76: {  	_ =	shalt  }
0x77: {  	_ =	shalt  }
0x78: {  	_ =	shalt  }
0x79: {  	_ =	shalt  }
0x7a: {  	_ =	shalt  }
0x7b: {  	_ =	shalt  }
0x7c: {  	_ =	shalt  }
0x7d: {  	_ =	shalt  }
0x7e: {  	_ =	shalt  }
0x7f: {  	_ =	shalt  }
0x80: {  	_ =	shalt  }
0x81: {  	_ =	shalt  }
0x82: {  	_ =	shalt  }
0x83: {  	_ =	shalt  }
0x84: {  	_ =	shalt  }
0x85: {  	_ =	shalt  }
0x86: {  	_ =	shalt  }
0x87: {  	_ =	shalt  }
.Lfunc_end0:
.L_simem_size_0:
called_computation_lowered:
.L_overlay_start_0:
0x88: {  	s2 =	sld [smem:$0x3FD9]  }
0x89: {  	s3 =	sld [smem:$0x3FFE];
	_ =	sdelay $0x1  }
0x8a: {  	s1 =	srdreg.scid  }
0x8b: {  	s0 =	sand.u32 $0x1, s1  }
0x8c: {  	s14 =	sshll.u32 s0, $0xA;
	s2 =	sadd.s32 s3, s2  }
0x8d: {  	s2 =	sadd.s32 s2, s14  }
0x8e: {  	[smem:$0x3FC5] =	sst s2  }
0x8f: {  	_ = 	snop  }
0x90: {  	s2 =	sld [smem:$0x3FD0];
	_ =	sdelay $0x2  }
0x91: {  	s15 =	simm.s32 $0xA;
	s4 =	simm.s32 $0x10  }
0x92: {  	[smem:s4], [sflag:s15] =	dma.local [hbm:s2], $0x1  }
0x93: {  	_ =	swait.eq [sflag:s15], $0x1  }
0x94: {  	s16 =	sld [smem:$0x10]  }
0x95: {  	s17 =	sld [smem:$0x11];
	[sflag:s15] =	ssyncset.done $0x0  }
0x96: {  	s5 =	sld [smem:$0x12];
	[sflag:s15] =	ssyncadd.s32 $0xFFFFFFFF  }
0x97: {  	s18 =	sld [smem:$0x13];
	(tm) =	ssettm $0x1  }
0x98: {  	s6 =	sld [smem:$0x3FFB];
	_ =	sdelay $0x3  }
0x99: {  	_ =	strace s6  }
0x9a: {  	s6 =	sld [smem:$0x3FFC];
	_ =	sdelay $0x3  }
0x9b: {  	_ =	strace s6  }
0x9c: {  	s6 =	sld [smem:$0x3FFD];
	_ =	sdelay $0x3  }
0x9d: {  	_ =	strace s6  }
0x9e: {  	_ =	strace $0x8FFFFFFF  }
0x9f: {  	s19 =	sld [smem:$0x3FDB];
	_ =	sdelay $0x1  }
0xa0: {  	s7 =	simm.s32 $_scs_section_size  }
0xa1: {  	s8 =	simm.s32 $_size__tile_overlayer_lowered;
	s9 =	simm.s32 $_tile_overlayer_lowered  }
0xa2: {  	s22 =	simm.s32 $0x1BFF;
	s21 =	sshll.u32 s9, $0x1;
	s6 =	sadd.s32 s7, s19  }
0xa3: {  	s10 =	simm.s32 $0x0;
	s20 =	sshll.u32 s8, $0x1;
	s8 =	sadd.s32 s21, s6  }
0xa4: {  	[timem:s10], [sflag:s22] =	dma.local [hbm:s8], s20  }
0xa5: {  	_ =	swait.ge [sflag:s22], s20  }
0xa6: {  	s7 =	ssub.s32 $0x0, s20;
	[sflag:s22] =	ssyncset.done $0x0  }
0xa7: {  	[sflag:s22] =	ssyncadd.s32 s7;
	_ =	sdelay $0x1  }
0xa8: {  	s23 =	simm.s32 $0x1B8B  }
0xa9: {  	_ =	swait.ge [sflag:s23], $0x1  }
0xaa: {  	[sflag:s23] =	ssyncset.done $0x0  }
0xab: {  	s25 =	simm.s32 $0x1B8E;
	s24 =	sld [smem:$0x3FFE];
	[sflag:s23] =	ssyncadd.s32 $0xFFFFFFFF  }
0xac: {  	s26 =	simm.s32 $execute0_lowered;
	[smem:$0x3FD2] =	sst s25  }
0xad: {  	s8 =	sshll.u32 s26, $0x1;
	_ =	strace $0x80000046;
	[dreg:$0x1] =	wrdreg $0xFFFFFFFF  }
0xae: {  	s28 =	simm.s32 $_size_execute0_lowered;
	s6 =	sadd.s32 s6, s8;
	[dreg:$0x0] =	wrdreg $0x0  }
0xaf: {  	s8 =	sshll.u32 s28, $0x1;
	[dreg:$0x2] =	wrdreg s6  }
0xb0: {  	[dreg:$0x3] =	wrdreg s8  }
0xb1: {  	[dreg:$0x4] =	wrdreg $0xC0  }
0xb2: {  	_ =	task [dreg:s10], $0x5FFFF  }
0xb3: {  	[dreg:$0x1] =	wrdreg $0xFFFFFFFF  }
0xb4: {  	[dreg:$0x0] =	wrdreg $0x60  }
0xb5: {  	[dreg:$0x2] =	wrdreg s24  }
0xb6: {  	[dreg:$0x3] =	wrdreg s16  }
0xb7: {  	[dreg:$0x4] =	wrdreg s17  }
0xb8: {  	[dreg:$0x5] =	wrdreg s5  }
0xb9: {  	[dreg:$0x6] =	wrdreg s18  }
0xba: {  	[dreg:$0x7] =	wrdreg $0x9  }
0xbb: {  	_ =	task.clear_ibuf [dreg:s10], $0x8FFFF;
	_ =	strace $0x90000046  }
0xbc: {  	s29 =	simm.s32 $0x9;
	_ =	strace $0x80000048  }
0xbd: {  	_ =	swait.ge [sflag:s29], $0x1  }
0xbe: {  	[sflag:s29] =	ssyncadd.s32 $0xFFFFFFFF  }
0xbf: {  	_ =	strace $0x90000048  }
0xc0: {  	_ =	sfence  }
0xc1: {  	s30 =	sld [smem:$0x0];
	_ =	sdelay $0x2  }
0xc2: {  	s31 =	sshll.u32 s1, $0xD;
	s1 =	sshrl.u32 s1, $0x2  }
0xc3: {  	s3 =	sand.u32 $0x4000, s31;
	s1 =	sadd.s32 s1, s30  }
0xc4: {  	s0 =	sor.u32 s3, s0;
	s1 =	sshll.u32 s1, $0x11  }
0xc5: {  	s0 =	sor.u32 s1, s0  }
0xc6: {  	s0 =	sadd.s32 $0x8F2B, s0  }
0xc7: {  	[sflag:s0] =	ssyncadd.remote.s32 $0x1  }
0xc8: {  	_ =	sfence.sel $0xFFFF  }
0xc9: {  	[dreg:$0x0] =	wrdreg $0xFFFFFFFF;
	(pc) =	sbr.abs _section_cstart, $3  }
0xca: {  	[dreg:$0x1] =	wrdreg $0xFFFFFFFF  }
0xcb: {  	_ =	task.clear_ibuf [dreg:s10], $0x2FFFF;
	_ =	strace $0x9FFFFFFF  }
0xcc: {  	(tm) =	ssettm $0x7FFFFFFF  }
0xcd: {  	_ =	shalt  }
tec
execute0_lowered:
.L_overlay_start_1:
0x0: {  	(tag) =	ssettag $0x1  }
0x1: {  	s1 =	rddreg [dreg:$0x0]  }
0x2: {  	s2 =	rddreg [dreg:$0x1]  }
0x3: {  	s14 =	rddreg [dreg:$0x2]  }
0x4: {  	s0 =	rddreg [dreg:$0x3]  }
0x5: {  	s3 =	rddreg [dreg:$0x4]  }
0x6: {  	s4 =	srdreg.scid;
	s15 =	stileid.u32  }
0x7: {  	s16 =	simm.s32 $0x0;
	s4 =	sand.u32 $0x1, s4;
	s29 =	smul.u32 $0x6C0, s15  }
0x8: {  	s5 =	sshll.u32 s15, $0x1;
	[smem:$0x7FF] =	sst s16;
	s22 =	smul.u32 $0xFF4, s15  }
0x9: {  	s24 =	sadd.s32 $0x1400, s1;
	s17 =	sor.u32 s4, s5;
	s31 =	smul.u32 $0x360, s4  }
0xa: {  	_ =	strace $0x80000047;
	[smem:$0x7E0] =	sst s24;
	s24 =	smul.u32 $0x7FA, s4  }
0xb: {  	s6 =	sadd.s32 $0x401000, s1;
	s7 =	sadd.s32 $0x1000, s1;
	s5 =	smul.u32 $0x1B00, s17  }
0xc: {  	s25 =	sadd.s32 $0x1200, s1;
	[smem:$0x7DF] =	sst s7;
	s9 =	smul.u32 $0x7F8, s17  }
0xd: {  	s1 =	sadd.s32 $0x401001, s1;
	[smem:$0x7E1] =	sst s25;
	s28 =	smul.u32 $0x7FA0, s17  }
0xe: {  	s26 =	ssub.s32 $0x2, s4;
	s21 =	sshll.u32 s4, $0xB;
	s10 =	smul.u32 $0xFF40, s17  }
0xf: {  	s8 =	sshrl.u32 s26, $0x1;
	s11 =	sshllo.u32 s17, $0x1;
	[smem:$0x7EC] =	sst s17  }
0x10: {  	s7 =	ssub.s32 s26, s8;
	s8 =	sshll.u32 s17, $0xB;
	s13 =	smul.u32 $0x7FA0, s11  }
0x11: {  	s23 =	sshll.u32 s11, $0xA;
	s5 =	sshrl.u32 s5, $0x3;
	s30 =	sadd.s32 s6, s8  }
0x12: {  	s10 =	sshrl.u32 s10, $0x3;
	s25 =	sadd.s32 s6, s23;
	[smem:$0x7E3] =	sst s30  }
0x13: {  	s26 =	sadd.s32 s23, s1;
	s1 =	sadd.s32 s8, s1;
	[smem:$0x7E4] =	sst s25  }
0x14: {  	s5 =	sadd.s32 s0, s5;
	s13 =	sshrl.u32 s13, $0x3;
	[smem:$0x7E5] =	sst s26  }
0x15: {  	s19 =	sadd.s32 s2, s10;
	s10 =	sshll.u32 s15, $0xC;
	[smem:$0x7E6] =	sst s1  }
0x16: {  	s30 =	sadd.s32 $0x6BAF00, s8;
	s5 =	sadd.s32 $0xD1400, s5;
	[smem:$0x7F2] =	sst s19  }
0x17: {  	s11 =	sor.u32 s21, s10;
	s21 =	sadd.s32 $0x1B29C0, s14;
	[smem:$0x7E2] =	sst s5  }
0x18: {  	s13 =	sadd.s32 s2, s13;
	s25 =	sadd.s32 $0x7FC, s19;
	[smem:$0x7ED] =	sst s21  }
0x19: {  	s2 =	sor.u32 $0x3E0, s17;
	s8 =	sshrl.u32 s30, $0x2;
	[smem:$0x7F3] =	sst s25  }
0x1a: {  	s5 =	sshrl.u32 s28, $0x3;
	s28 =	sshll.u32 s15, $0xB;
	[smem:$0x7F4] =	sst s13  }
0x1b: {  	s1 =	smul.u32 $0x6C0, s2;
	s15 =	smax.u32 s7, $0x1;
	[smem:$0x7FD] =	sst s11  }
0x1c: {  	s26 =	sadd.s32 $0x7FC, s13;
	s18 =	sadd.s32 s3, s5;
	[smem:$0x7EB] =	sst s15  }
0x1d: {  	s3 =	sadd.s32 s29, s0;
	s5 =	sadd.s32 s24, s22;
	[smem:$0x7F5] =	sst s26  }
0x1e: {  	s29 =	sshll.u32 s4, $0xA;
	s4 =	sshll.u32 s17, $0x5;
	[smem:$0x7F0] =	sst s18  }
0x1f: {  	s2 =	sor.u32 $0xF, s4;
	s4 =	sadd.s32 s14, s8;
	[smem:$0x7F8] =	sst s5  }
0x20: {  	p0 =	sgt.u32 s17, $0x1C;
	s10 =	sadd.s32 s14, s1;
	[smem:$0x7E7] =	sst s4  }
0x21: {  	p1 =	seq.s32 s17, $0x1F;
	s22 =	sadd.s32 $0x400, s18;
	[smem:$0x7EA] =	sst s10  }
0x22: {  	s12 =	sadd.s32 $0x3FB, s9;
	s23 =	sadd.s32 $0x800, s18;
	[smem:$0x7EE] =	sst s22  }
0x23: {  	s20 =	sadd.s32 s31, s3;
	s24 =	sadd.s32 $0xC00, s18;
	[smem:$0x7EF] =	sst s23  }
0x24: {  	s31 =	sor.u32 s29, s28;
	s28 =	sadd.s32 $0x200, s5;
	[smem:$0x7F1] =	sst s24  }
0x25: {  	s9 =	sadd.s32 $0x7F7, s9;
	s29 =	sadd.s32 $0x400, s5;
	[smem:$0x7F6] =	sst s28  }
0x26: {  	s3 =	sshrl.u32 s30, $0x3;
	s30 =	sadd.s32 $0x600, s5;
	[smem:$0x7F7] =	sst s29  }
0x27: {  	s6 =	simm.s32 $0x11100;
	v1 =	vmov s9;
	s9 =	simm.s32 $0x8000;
	[smem:$0x7F9] =	sst s30  }
.Ltmp0:
0x28: {  	v0 =	vmov s12;
	s12 =	simm.s32 $0x3;
	[smem:$0x7FA] =	sst s31;
	(pc) =	sbr.rel .LBB2_1-.Ltmp0, $4  }
0x29: {  	s7 =	simm.s32 $0x2000;
	s3 =	sadd.s32 s0, s3;
	[smem:$0x7FC] =	sst s20  }
0x2a: {  	[tilespmem:$0x1FFD0] =	vst v0;
	s8 =	simm.s32 $0x4000;
	s0 =	sadd.s32 $0xD94E0, s0;
	[smem:$0x7E8] =	sst s3  }
0x2b: {  	[tilespmem:$0x1FFE0] =	vst v1;
	s31 =	sor.u32 $0xF8000, s31;
	v2 =	vmov s2;
	s10 =	simm.s32 $0x2;
	[smem:$0x7E9] =	sst s0  }
0x2c: {  	v5 =	vlaneseq.u32;
	v27 =	vimm.s32 $0x0;
	s2 =	simm.s32 $0x0;
	[smem:$0x7FB] =	sst s31;
	s3 =	simm.s32 $0xF600;
	[tilespmem:$0x1FFF0] =	vst v2  }
.LBB2_37:
0x2d: {  	s10 =	simm.s32 $0x2  }
0x2e: {  	_ =	swait.ge [sflag:s10], $0x3FE0  }
0x2f: {  	[sflag:s10] =	ssyncset.done $0x0  }
0x30: {  	s12 =	simm.s32 $0x3;
	[sflag:s10] =	ssyncadd.s32 $0xFFFFC020  }
0x31: {  	_ =	swait.ge [sflag:s12], $0x3FC0  }
0x32: {  	[sflag:s12] =	ssyncset.done $0x0  }
0x33: {  	s0 =	simm.s32 $0x1;
	[sflag:s12] =	ssyncadd.s32 $0xFFFFC040  }
0x34: {  	_ =	swait.ge [sflag:s0], $0x1B00  }
0x35: {  	[sflag:s0] =	ssyncset.done $0x0  }
0x36: {  	[sflag:s0] =	ssyncadd.s32 $0xFFFFE500  }
0x37: {  	_ =	swait.ge [sflag:s0], $0x1B00  }
0x38: {  	[sflag:s0] =	ssyncset.done $0x0  }
0x39: {  	[sflag:s0] =	ssyncadd.s32 $0xFFFFE500  }
0x3a: {  	_ =	swait.ge [sflag:s0], $0x1B00  }
0x3b: {  	[sflag:s0] =	ssyncset.done $0x0  }
0x3c: {  	[sflag:s0] =	ssyncadd.s32 $0xFFFFE500  }
0x3d: {  	_ =	swait.ge [sflag:s0], $0x1B00  }
0x3e: {  	[sflag:s0] =	ssyncset.done $0x0  }
0x3f: {  	[sflag:s0] =	ssyncadd.s32 $0xFFFFE500  }
0x40: {  	_ =	swait.ge [sflag:s0], $0x1B00  }
0x41: {  	[sflag:s0] =	ssyncset.done $0x0  }
0x42: {  	[sflag:s0] =	ssyncadd.s32 $0xFFFFE500  }
0x43: {  	_ =	swait.ge [sflag:s0], $0x1B00  }
0x44: {  	[sflag:s0] =	ssyncset.done $0x0  }
0x45: {  	[sflag:s0] =	ssyncadd.s32 $0xFFFFE500  }
0x46: {  	_ =	swait.ge [sflag:s0], $0x1B00  }
0x47: {  	[sflag:s0] =	ssyncset.done $0x0  }
0x48: {  	[sflag:s0] =	ssyncadd.s32 $0xFFFFE500  }
0x49: {  	_ =	swait.ge [sflag:s0], $0x1B00  }
0x4a: {  	[sflag:s0] =	ssyncset.done $0x0  }
0x4b: {  	[sflag:s0] =	ssyncadd.s32 $0xFFFFE500  }
0x4c: {  	_ =	swait.ge [sflag:s0], $0x1B00  }
0x4d: {  	[sflag:s0] =	ssyncset.done $0x0  }
0x4e: {  	[sflag:s0] =	ssyncadd.s32 $0xFFFFE500  }
0x4f: {  	_ =	swait.ge [sflag:s0], $0x1B00  }
0x50: {  	[sflag:s0] =	ssyncset.done $0x0  }
0x51: {  	[sflag:s0] =	ssyncadd.s32 $0xFFFFE500  }
0x52: {  	_ =	swait.ge [sflag:s0], $0x1B00  }
0x53: {  	[sflag:s0] =	ssyncset.done $0x0  }
0x54: {  	[sflag:s0] =	ssyncadd.s32 $0xFFFFE500  }
0x55: {  	_ =	swait.ge [sflag:s0], $0x1B00  }
0x56: {  	[sflag:s0] =	ssyncset.done $0x0  }
0x57: {  	[sflag:s0] =	ssyncadd.s32 $0xFFFFE500  }
0x58: {  	_ =	swait.ge [sflag:s0], $0x1B00  }
0x59: {  	[sflag:s0] =	ssyncset.done $0x0  }
0x5a: {  	[sflag:s0] =	ssyncadd.s32 $0xFFFFE500  }
0x5b: {  	_ =	swait.ge [sflag:s0], $0x1B00  }
0x5c: {  	[sflag:s0] =	ssyncset.done $0x0  }
0x5d: {  	[sflag:s0] =	ssyncadd.s32 $0xFFFFE500  }
0x5e: {  	_ =	swait.ge [sflag:s0], $0x1B00  }
0x5f: {  	[sflag:s0] =	ssyncset.done $0x0  }
0x60: {  	[sflag:s0] =	ssyncadd.s32 $0xFFFFE500  }
0x61: {  	_ =	swait.ge [sflag:s0], $0x1B00  }
0x62: {  	[sflag:s0] =	ssyncset.done $0x0  }
0x63: {  	[sflag:s0] =	ssyncadd.s32 $0xFFFFE500  }
0x64: {  	_ =	swait.ge [sflag:s0], $0x1B00  }
0x65: {  	[sflag:s0] =	ssyncset.done $0x0  }
0x66: {  	[sflag:s0] =	ssyncadd.s32 $0xFFFFE500  }
0x67: {  	_ =	swait.ge [sflag:s0], $0x1B00  }
0x68: {  	[sflag:s0] =	ssyncset.done $0x0  }
0x69: {  	[sflag:s0] =	ssyncadd.s32 $0xFFFFE500  }
0x6a: {  	_ =	swait.ge [sflag:s0], $0x1B00  }
0x6b: {  	[sflag:s0] =	ssyncset.done $0x0  }
0x6c: {  	[sflag:s0] =	ssyncadd.s32 $0xFFFFE500  }
0x6d: {  	_ =	swait.ge [sflag:s0], $0x1B00  }
0x6e: {  	[sflag:s0] =	ssyncset.done $0x0  }
0x6f: {  	[sflag:s0] =	ssyncadd.s32 $0xFFFFE500  }
0x70: {  	_ =	swait.ge [sflag:s0], $0x1B00  }
0x71: {  	[sflag:s0] =	ssyncset.done $0x0  }
0x72: {  	[sflag:s0] =	ssyncadd.s32 $0xFFFFE500  }
0x73: {  	_ =	swait.ge [sflag:s0], $0x1B00  }
0x74: {  	[sflag:s0] =	ssyncset.done $0x0  }
0x75: {  	[sflag:s0] =	ssyncadd.s32 $0xFFFFE500  }
0x76: {  	_ =	swait.ge [sflag:s0], $0x1B00  }
0x77: {  	[sflag:s0] =	ssyncset.done $0x0  }
0x78: {  	[sflag:s0] =	ssyncadd.s32 $0xFFFFE500  }
0x79: {  	_ =	swait.ge [sflag:s0], $0x1B00  }
0x7a: {  	[sflag:s0] =	ssyncset.done $0x0  }
0x7b: {  	[sflag:s0] =	ssyncadd.s32 $0xFFFFE500  }
0x7c: {  	_ =	swait.ge [sflag:s0], $0x1B00  }
0x7d: {  	[sflag:s0] =	ssyncset.done $0x0  }
0x7e: {  	[sflag:s0] =	ssyncadd.s32 $0xFFFFE500  }
0x7f: {  	_ =	swait.ge [sflag:s0], $0x1B00  }
0x80: {  	[sflag:s0] =	ssyncset.done $0x0  }
0x81: {  	[sflag:s0] =	ssyncadd.s32 $0xFFFFE500  }
0x82: {  	_ =	swait.ge [sflag:s0], $0x1B00  }
0x83: {  	[sflag:s0] =	ssyncset.done $0x0  }
0x84: {  	[sflag:s0] =	ssyncadd.s32 $0xFFFFE500  }
0x85: {  	_ =	swait.ge [sflag:s0], $0x1B00  }
0x86: {  	[sflag:s0] =	ssyncset.done $0x0  }
0x87: {  	[sflag:s0] =	ssyncadd.s32 $0xFFFFE500  }
0x88: {  	_ =	swait.ge [sflag:s0], $0x1B00  }
0x89: {  	[sflag:s0] =	ssyncset.done $0x0  }
0x8a: {  	[sflag:s0] =	ssyncadd.s32 $0xFFFFE500  }
0x8b: {  	_ =	swait.ge [sflag:s0], $0x1B00  }
0x8c: {  	[sflag:s0] =	ssyncset.done $0x0  }
0x8d: {  	[sflag:s0] =	ssyncadd.s32 $0xFFFFE500  }
0x8e: {  	_ =	swait.ge [sflag:s0], $0x1B00  }
0x8f: {  	[sflag:s0] =	ssyncset.done $0x0  }
0x90: {  	[sflag:s0] =	ssyncadd.s32 $0xFFFFE500;
	s0 =	simm.s32 @!p0 $0x1  }
0x91: {  	_ =	swait.ge @!p0 [sflag:s0], $0x1B00  }
0x92: {  	s1 =	sld [smem:$0x7EB];
	_ =	sdelay $0x1  }
0x93: {  	s2 =	sadd.s32 $0x1, s2  }
0x94: {  	p2 =	sne.s32 s2, s1  }
.Ltmp1:
0x95: {  	_ = 	snop;
	(pc) =	sbr.rel @!p2 .LBB2_38-.Ltmp1, $4  }
0x96: {  	_ = 	snop  }
0x97: {  	s3 =	simm.s32 $0xF600;
	s6 =	simm.s32 $0x11100;
	s11 =	sld [smem:$0x7FD];
	v0 =	vld [tilespmem:$0x1FFD0]  }
0x98: {  	s7 =	simm.s32 $0x2000;
	s8 =	simm.s32 $0x4000;
	[sflag:s0] =	ssyncset.done @!p0 $0x0;
	v1 =	vld [tilespmem:$0x1FFE0]  }
0x99: {  	s9 =	simm.s32 $0x8000;
	v5 =	vlaneseq.u32;
	v27 =	vimm.s32 $0x0;
	s20 =	sld [smem:$0x7FC];
	v2 =	vld [tilespmem:$0x1FFF0];
	[sflag:s0] =	ssyncadd.s32 @!p0 $0xFFFFE500  }
.LBB2_1:
0x9a: {  	s0 =	sld [smem:$0x7DF];
	_ =	sdelay $0x1  }
0x9b: {  	[smem:$0x7DE] =	sst s2;
	s1 =	simm.s32 $0x14900;
	s26 =	simm.s32 $0x4  }
0x9c: {  	[tilespmem:s1], [sflag:$0x4] =	stream.linear.gather [hbm4b:s0+s16], $0x80, $0x38;
	[tilespmem:$0x14F80] =	vst v63  }
0x9d: {  	_ =	swait.ge [sflag:s26], $0x80  }
0x9e: {  	s28 =	sld [smem:$0x7E0]  }
0x9f: {  	[sflag:s26] =	ssyncset.done $0x0  }
0xa0: {  	s29 =	simm.s32 $0x14980;
	[sflag:s26] =	ssyncadd.s32 $0xFFFFFF80  }
0xa1: {  	[tilespmem:s29], [sflag:$0x4] =	stream.linear.gather [hbm4b:s28+s16], $0x400, $0x38;
	[tilespmem:$0x14F80] =	vst v63  }
0xa2: {  	_ =	swait.ge [sflag:s26], $0x400  }
0xa3: {  	s30 =	sld [smem:$0x7E1]  }
0xa4: {  	[sflag:s26] =	ssyncset.done $0x0  }
0xa5: {  	s31 =	simm.s32 $0x14D80;
	[sflag:s26] =	ssyncadd.s32 $0xFFFFFC00  }
0xa6: {  	[tilespmem:s31], [sflag:$0x4] =	stream.linear.gather [hbm4b:s30+s16], $0x200, $0x38;
	[tilespmem:$0x14F80] =	vst v63  }
0xa7: {  	_ =	swait.ge [sflag:s26], $0x200  }
0xa8: {  	[sflag:s26] =	ssyncset.done $0x0  }
0xa9: {  	[sflag:s26] =	ssyncadd.s32 $0xFFFFFE00  }
0xaa: {  	v6 =	vld [tilespmem:$0x14900]  }
0xab: {  	v3 =	vld [tilespmem:$0x14D80]  }
0xac: {  	v4 =	vld [tilespmem:$0x14D90]  }
0xad: {  	v12 =	vld [tilespmem:$0x14E50]  }
0xae: {  	v13 =	vld [tilespmem:$0x14E60]  }
0xaf: {  	v14 =	vld [tilespmem:$0x14E70]  }
0xb0: {  	v15 =	vld [tilespmem:$0x14E80];
	v3 =	vperm.xlane v6, v3  }
0xb1: {  	v16 =	vld [tilespmem:$0x14E90];
	v4 =	vperm.xlane v6, v4  }
0xb2: {  	v17 =	vld [tilespmem:$0x14EA0];
	v12 =	vperm.xlane v6, v12;
	[tilespmem:$0xF600] =	vst v3  }
0xb3: {  	v18 =	vld [tilespmem:$0x14EB0];
	v13 =	vperm.xlane v6, v13;
	[tilespmem:$0xF610] =	vst v4  }
0xb4: {  	v19 =	vld [tilespmem:$0x14EC0];
	v14 =	vperm.xlane v6, v14;
	[tilespmem:$0xF6D0] =	vst v12  }
0xb5: {  	v20 =	vld [tilespmem:$0x14ED0];
	v15 =	vperm.xlane v6, v15;
	[tilespmem:$0xF6E0] =	vst v13  }
0xb6: {  	v21 =	vld [tilespmem:$0x14EE0];
	v16 =	vperm.xlane v6, v16;
	[tilespmem:$0xF6F0] =	vst v14  }
0xb7: {  	v26 =	vld [tilespmem:$0x14EF0];
	v17 =	vperm.xlane v6, v17;
	[tilespmem:$0xF700] =	vst v15  }
0xb8: {  	v18 =	vperm.xlane v6, v18;
	[tilespmem:$0xF710] =	vst v16  }
0xb9: {  	v19 =	vperm.xlane v6, v19;
	[tilespmem:$0xF720] =	vst v17  }
0xba: {  	v20 =	vperm.xlane v6, v20;
	[tilespmem:$0xF730] =	vst v18  }
0xbb: {  	v21 =	vperm.xlane v6, v21;
	[tilespmem:$0xF740] =	vst v19  }
0xbc: {  	v26 =	vperm.xlane v6, v26;
	[tilespmem:$0xF750] =	vst v20  }
0xbd: {  	[tilespmem:$0xF760] =	vst v21  }
0xbe: {  	[tilespmem:$0xF770] =	vst v26  }
0xbf: {  	[tilespmem:$0xF880] =	vst v12  }
0xc0: {  	[tilespmem:$0xF890] =	vst v13  }
0xc1: {  	[tilespmem:$0xF8A0] =	vst v14  }
0xc2: {  	[tilespmem:$0xF8B0] =	vst v15  }
0xc3: {  	v7 =	vld [tilespmem:$0x14DA0];
	[tilespmem:$0xF8C0] =	vst v16  }
0xc4: {  	v8 =	vld [tilespmem:$0x14DB0];
	[tilespmem:$0xF8D0] =	vst v17  }
0xc5: {  	v9 =	vld [tilespmem:$0x14DC0];
	[tilespmem:$0xF8E0] =	vst v18  }
0xc6: {  	v10 =	vld [tilespmem:$0x14DD0];
	[tilespmem:$0xF8F0] =	vst v19  }
0xc7: {  	v58 =	vld [tilespmem:$0x14E10];
	[tilespmem:$0xF900] =	vst v20  }
0xc8: {  	v59 =	vld [tilespmem:$0x14E20];
	v3 =	vperm.xlane v6, v7;
	[tilespmem:$0xF910] =	vst v21  }
0xc9: {  	v4 =	vperm.xlane v6, v8;
	[tilespmem:$0xF920] =	vst v26  }
0xca: {  	[tilespmem:$0xF620] =	vst v3;
	v3 =	vperm.xlane v6, v9  }
0xcb: {  	v11 =	vld [tilespmem:$0x14DE0];
	[tilespmem:$0xF630] =	vst v4;
	v4 =	vperm.xlane v6, v10  }
0xcc: {  	v60 =	vld [tilespmem:$0x14E30];
	v9 =	vperm.xlane v6, v58;
	[tilespmem:$0xF640] =	vst v3  }
0xcd: {  	v10 =	vperm.xlane v6, v59;
	[tilespmem:$0xF650] =	vst v4  }
0xce: {  	[tilespmem:$0xF690] =	vst v9  }
0xcf: {  	v22 =	vld [tilespmem:$0xF600];
	[tilespmem:$0xF6A0] =	vst v10  }
0xd0: {  	v23 =	vld [tilespmem:$0xF610];
	v3 =	vperm.xlane v6, v11;
	[tilespmem:$0xF840] =	vst v9  }
0xd1: {  	v7 =	vld [tilespmem:$0x14DF0];
	v11 =	vperm.xlane v6, v60;
	[tilespmem:$0xF850] =	vst v10  }
0xd2: {  	v8 =	vld [tilespmem:$0x14E00];
	[tilespmem:$0xF660] =	vst v3  }
0xd3: {  	[tilespmem:$0xF6B0] =	vst v11  }
0xd4: {  	[tilespmem:$0xF7B0] =	vst v22  }
0xd5: {  	[tilespmem:$0xF7C0] =	vst v23  }
0xd6: {  	v61 =	vld [tilespmem:$0x14F00];
	v4 =	vperm.xlane v6, v7;
	[tilespmem:$0xF810] =	vst v3  }
0xd7: {  	v24 =	vld [tilespmem:$0xF620];
	v8 =	vperm.xlane v6, v8;
	[tilespmem:$0xF860] =	vst v11  }
0xd8: {  	v25 =	vld [tilespmem:$0xF630];
	[tilespmem:$0xF670] =	vst v4  }
0xd9: {  	[tilespmem:$0xF680] =	vst v8  }
0xda: {  	v7 =	vld [tilespmem:$0x14E40];
	[tilespmem:$0xF820] =	vst v4  }
0xdb: {  	v62 =	vld [tilespmem:$0xF640];
	[tilespmem:$0xF830] =	vst v8  }
0xdc: {  	v63 =	vld [tilespmem:$0xF650];
	v22 =	vperm.xlane v6, v61;
	[tilespmem:$0xF7D0] =	vst v24  }
0xdd: {  	v24 =	vld [tilespmem:$0x14F10];
	[tilespmem:$0xF7E0] =	vst v25  }
0xde: {  	v25 =	vld [tilespmem:$0x14F20];
	[tilespmem:$0xF780] =	vst v22  }
0xdf: {  	[tilespmem:$0xF930] =	vst v22  }
0xe0: {  	v7 =	vperm.xlane v6, v7;
	[tilespmem:$0xF7F0] =	vst v62  }
0xe1: {  	[tilespmem:$0xF800] =	vst v63  }
0xe2: {  	[tilespmem:$0xF6C0] =	vst v7;
	v24 =	vperm.xlane v6, v24  }
0xe3: {  	[tilespmem:$0xF870] =	vst v7;
	v25 =	vperm.xlane v6, v25  }
0xe4: {  	[tilespmem:$0xF790] =	vst v24  }
0xe5: {  	[tilespmem:$0xF7A0] =	vst v25  }
0xe6: {  	[tilespmem:$0xF940] =	vst v24  }
0xe7: {  	s1 =	simm.s32 $0x0;
	[tilespmem:$0xF950] =	vst v25  }
0xe8: {  	v3 =	vld [tilespmem:s1+$0xF600];
	_ =	sdelay $0x3  }
0xe9: {  	s2 =	simm.s32 $0x40  }
.LBB2_2:
0xea: {  	p2 =	sne.s32 s2, $0xD40;
	[tilespmem:s1+$0xF960] =	vst v3;
	s1 =	sshra.s32 s2, $0x2;
	s2 =	sadd.s32 $0x40, s2  }
.Ltmp2:
0xeb: {  	v3 =	vld [tilespmem:s1+$0xF600];
	(pc) =	sbr.rel @p2 .LBB2_2-.Ltmp2, $2  }
0xec: {  	_ =	sdelay $0x2  }
0xed: {  	s0 =	simm.s32 $0x0  }
0xee: {  	[tilespmem:s1+$0xF960] =	vst v3;
	s1 =	simm.s32 $0x0  }
0xef: {  	s2 =	simm.s32 $0x40;
	v3 =	vld [tilespmem:s1+$0xF600]  }
.LBB2_4:
0xf0: {  	p2 =	sne.s32 s2, $0x1AC0  }
.Ltmp3:
0xf1: {  	_ = 	snop;
	(pc) =	sbr.rel @p2 .LBB2_4-.Ltmp3, $3  }
0xf2: {  	_ =	sdelay $0x1  }
0xf3: {  	[tilespmem:s1+$0xFCC0] =	vst v3;
	s1 =	sshra.s32 s2, $0x2;
	s2 =	sadd.s32 $0x40, s2  }
0xf4: {  	v3 =	vld [tilespmem:s1+$0xF600]  }
0xf5: {  	_ =	sdelay $0x3  }
0xf6: {  	[tilespmem:s1+$0xFCC0] =	vst v3;
	s1 =	simm.s32 $0xF600  }
0xf7: {  	v3 =	vld [tilespmem:s1+$0x0];
	_ =	sdelay $0x2  }
0xf8: {  	s2 =	simm.s32 $0x10;
	s0 =	sand.u32 $0xFF0, s0  }
.LBB2_6:
0xf9: {  	p2 =	sne.s32 s2, $0xD70  }
0xfa: {  	[tilespmem:s0+$0x10380] =	vst v3;
	s1 =	sadd.s32 $0x10, s1;
	s0 =	smov.u32 s2;
	s2 =	sadd.s32 $0x10, s2  }
.Ltmp4:
0xfb: {  	v3 =	vld [tilespmem:s1+$0x0];
	(pc) =	sbr.rel @p2 .LBB2_6-.Ltmp4, $2  }
0xfc: {  	_ =	sdelay $0x2  }
0xfd: {  	s0 =	sand.u32 $0xFF0, s0  }
0xfe: {  	[tilespmem:s0+$0x10380] =	vst v3;
	s0 =	simm.s32 $0x6C00;
	s1 =	sadd.s32 $0x0, s20  }
.LBB2_8:
0xff: {  	[hbm4b:s1+s16] =	stream.linear.scatter [tilespmem:s3], [sflag:$0x1], $0x1B00, $0x38;
	[tilespmem:$0x14F80] =	vst v63  }
0x100: {  	s1 =	smov.u32 s0;
	p2 =	sne.s32 s0, $0xCA800  }
.Ltmp5:
0x101: {  	s0 =	sadd.s32 $0x6C00, s0;
	(pc) =	sbr.rel @p2 .LBB2_8-.Ltmp5, $2  }
0x102: {  	_ =	sdelay $0x2  }
0x103: {  	s1 =	sadd.s32 s1, s20  }
0x104: {  	s2 =	sld [smem:$0x7E2]  }
0x105: {  	[hbm4b:s1+s16] =	stream.linear.scatter [tilespmem:s3], [sflag:$0x1], $0x1B00, $0x38;
	[tilespmem:$0x14F80] =	vst v63  }
0x106: {  	s0 =	simm.s32 @!p0 $0x0;
	s1 =	simm.s32 @!p0 $0xF600;
	v3 =	vimm.s32 $0x4  }
0x107: {  	v3 =	vperm.xlane v6, v3;
	[hbm4b:s2+s0] =	stream.linear.scatter @!p0 [tilespmem:s1], [sflag:$0x1], $0x1B00, $0x38;
	[tilespmem:$0x14F80] =	vst v63  }
0x108: {  	s0 =	simm.s32 $0x0;
	s1 =	simm.s32 $0x40;
	s2 =	simm.s32 $0x0  }
.LBB2_10:
0x109: {  	p2 =	sne.s32 s1, $0x1FC0;
	[tilespmem:s2+$0x14100] =	vst v3;
	s2 =	smov.u32 s1;
	s1 =	sadd.s32 $0x40, s1  }
.Ltmp6:
0x10a: {  	(pc) =	sbr.rel @p2 .LBB2_10-.Ltmp6, $2  }
0x10b: {  	_ =	sdelay $0x2  }
0x10c: {  	s2 =	sshra.s32 s2, $0x2  }
0x10d: {  	s1 =	sadd.s32 $0x0, s11  }
0x10e: {  	v4 =	vor.u32 s1, v5  }
0x10f: {  	vm0 =	vgt.u32 v4, v0;
	v6 =	vshll.u32 v4, $0x4  }
0x110: {  	vm1 =	vgt.u32 v4, v1;
	v4 =	vadd.s32 v2, v6;
	v6 =	vsel vm0, $0x10, v27  }
0x111: {  	[tilespmem:s2+$0x14100] =	vst v3;
	s2 =	sand.u32 $0x70, s0;
	s3 =	sand.u32 $0xF00, s0;
	s1 =	simm.s32 $0x10;
	v3 =	vadd.s32 v6, v4;
	v4 =	vsel vm1, $0x10, v27  }
.LBB2_12:
0x112: {  	s4 =	sadd.s32 s1, s11  }
0x113: {  	v3 =	vadd.s32 v4, v3;
	s2 =	sor.u32 s2, s3;
	s3 =	smov.u32 s1;
	p2 =	sne.s32 s1, $0x7F0  }
.Ltmp7:
0x114: {  	s1 =	sadd.s32 $0x10, s1;
	s5 =	sadd.s32 $0x13100, s2;
	[tilespmem:s2+$0x13100] =	vst v3;
	v3 =	vadd.s32 $0x1, v3;
	(pc) =	sbr.rel @p2 .LBB2_12-.Ltmp7, $4  }
0x115: {  	v4 =	vor.u32 s4, v5;
	[tilespmem:s5+$0x80] =	vst v3  }
0x116: {  	vm0 =	vgt.u32 v4, v0;
	v3 =	vshll.u32 v4, $0x4  }
0x117: {  	s0 =	sadd.s32 $0x20, s0;
	vm1 =	vgt.u32 v4, v1;
	v3 =	vadd.s32 v2, v3;
	v4 =	vsel vm0, $0x10, v27  }
0x118: {  	s2 =	sand.u32 $0x70, s3;
	s3 =	sand.u32 $0xF00, s0;
	v3 =	vadd.s32 v4, v3;
	v4 =	vsel vm1, $0x10, v27  }
0x119: {  	v3 =	vadd.s32 v4, v3;
	s0 =	sor.u32 s2, s3;
	s2 =	sld [smem:$0x7ED]  }
0x11a: {  	s1 =	sadd.s32 $0x13100, s0;
	[tilespmem:s0+$0x13100] =	vst v3;
	v3 =	vadd.s32 $0x1, v3  }
0x11b: {  	s0 =	simm.s32 @p1 $0x0;
	[tilespmem:s1+$0x80] =	vst v3;
	s1 =	simm.s32 @p1 $0x13100  }
0x11c: {  	[hbm4b:s2+s0] =	stream.linear.scatter @p1 [tilespmem:s1], [sflag:$0x4], $0xE00, $0x38;
	[tilespmem:$0x14F80] =	vst v63  }
0x11d: {  	s1 =	simm.s32 @p1 $0x4  }
0x11e: {  	_ =	swait.ge @p1 [sflag:s1], $0xE00  }
0x11f: {  	s3 =	sld [smem:$0x7E9]  }
0x120: {  	[sflag:s1] =	ssyncset.done @p1 $0x0  }
0x121: {  	s2 =	simm.s32 @p1 $0x14100;
	[sflag:s1] =	ssyncadd.s32 @p1 $0xFFFFF200  }
0x122: {  	[hbm4b:s3+s0] =	stream.linear.scatter @p1 [tilespmem:s2], [sflag:$0x4], $0x700, $0x38;
	[tilespmem:$0x14F80] =	vst v63  }
0x123: {  	_ =	swait.ge @p1 [sflag:s1], $0x700  }
0x124: {  	s2 =	sld [smem:$0x7E7]  }
0x125: {  	[sflag:s1] =	ssyncset.done @p1 $0x0  }
0x126: {  	s0 =	simm.s32 @!p1 $0x0;
	[sflag:s1] =	ssyncadd.s32 @p1 $0xFFFFF900;
	s1 =	simm.s32 @!p1 $0x13100  }
0x127: {  	[hbm4b:s2+s0] =	stream.linear.scatter @!p1 [tilespmem:s1], [sflag:$0x4], $0x1000, $0x38;
	[tilespmem:$0x14F80] =	vst v63  }
0x128: {  	s1 =	simm.s32 @!p1 $0x4  }
0x129: {  	_ =	swait.ge @!p1 [sflag:s1], $0x1000  }
0x12a: {  	s3 =	sld [smem:$0x7E8]  }
0x12b: {  	[sflag:s1] =	ssyncset.done @!p1 $0x0  }
0x12c: {  	s2 =	simm.s32 @!p1 $0x14100;
	[sflag:s1] =	ssyncadd.s32 @!p1 $0xFFFFF000  }
0x12d: {  	[hbm4b:s3+s0] =	stream.linear.scatter @!p1 [tilespmem:s2], [sflag:$0x4], $0x800, $0x38;
	[tilespmem:$0x14F80] =	vst v63  }
0x12e: {  	_ =	swait.ge @!p1 [sflag:s1], $0x800  }
0x12f: {  	[sflag:s1] =	ssyncset.done @!p1 $0x0  }
0x130: {  	[sflag:s1] =	ssyncadd.s32 @!p1 $0xFFFFF800;
	s1 =	sld [smem:$0x7F8];
	_ =	sdelay $0x2  }
0x131: {  	s0 =	simm.s32 $0x40;
	s2 =	simm.s32 $0x0;
	v3 =	vmov s1  }
.LBB2_14:
0x132: {  	p2 =	sne.s32 s0, $0x7FC0  }
0x133: {  	[tilespmem:s2+$0x11100] =	vst v3;
	s1 =	sadd.s32 $0x1, s1;
	s2 =	smov.u32 s0;
	s0 =	sadd.s32 $0x40, s0  }
.Ltmp8:
0x134: {  	(pc) =	sbr.rel @p2 .LBB2_14-.Ltmp8, $2  }
0x135: {  	_ =	sdelay $0x2  }
0x136: {  	v3 =	vmov s1;
	s2 =	sshra.s32 s2, $0x2  }
0x137: {  	s1 =	sld [smem:$0x7F0];
	_ =	sdelay $0x1  }
0x138: {  	[tilespmem:s2+$0x11100] =	vst v3;
	s0 =	simm.s32 $0x0;
	s31 =	simm.s32 $0x4  }
0x139: {  	[hbm4b:s1+s0] =	stream.linear.scatter [tilespmem:s6], [sflag:$0x4], $0x2000, $0x38;
	[tilespmem:$0x14F80] =	vst v63  }
0x13a: {  	_ =	swait.ge [sflag:s31], $0x2000  }
0x13b: {  	s1 =	sld [smem:$0x7F6];
	_ =	sdelay $0x1  }
0x13c: {  	[sflag:s31] =	ssyncset.done $0x0  }
0x13d: {  	s2 =	simm.s32 $0x0;
	s0 =	simm.s32 $0x40;
	[sflag:s31] =	ssyncadd.s32 $0xFFFFE000;
	v3 =	vmov s1  }
.LBB2_16:
0x13e: {  	p2 =	sne.s32 s0, $0x7FC0  }
0x13f: {  	[tilespmem:s2+$0x11100] =	vst v3;
	s1 =	sadd.s32 $0x1, s1;
	s2 =	smov.u32 s0;
	s0 =	sadd.s32 $0x40, s0  }
.Ltmp9:
0x140: {  	(pc) =	sbr.rel @p2 .LBB2_16-.Ltmp9, $2  }
0x141: {  	_ =	sdelay $0x2  }
0x142: {  	v3 =	vmov s1;
	s2 =	sshra.s32 s2, $0x2  }
0x143: {  	s1 =	sld [smem:$0x7EE];
	_ =	sdelay $0x1  }
0x144: {  	[tilespmem:s2+$0x11100] =	vst v3;
	s0 =	simm.s32 $0x0;
	s31 =	simm.s32 $0x4  }
0x145: {  	[hbm4b:s1+s0] =	stream.linear.scatter [tilespmem:s6], [sflag:$0x4], $0x2000, $0x38;
	[tilespmem:$0x14F80] =	vst v63  }
0x146: {  	_ =	swait.ge [sflag:s31], $0x2000  }
0x147: {  	s1 =	sld [smem:$0x7F7];
	_ =	sdelay $0x1  }
0x148: {  	[sflag:s31] =	ssyncset.done $0x0  }
0x149: {  	s2 =	simm.s32 $0x0;
	s0 =	simm.s32 $0x40;
	[sflag:s31] =	ssyncadd.s32 $0xFFFFE000;
	v3 =	vmov s1  }
.LBB2_18:
0x14a: {  	p2 =	sne.s32 s0, $0x7FC0  }
0x14b: {  	[tilespmem:s2+$0x11100] =	vst v3;
	s1 =	sadd.s32 $0x1, s1;
	s2 =	smov.u32 s0;
	s0 =	sadd.s32 $0x40, s0  }
.Ltmp10:
0x14c: {  	(pc) =	sbr.rel @p2 .LBB2_18-.Ltmp10, $2  }
0x14d: {  	_ =	sdelay $0x2  }
0x14e: {  	v3 =	vmov s1;
	s2 =	sshra.s32 s2, $0x2  }
0x14f: {  	s1 =	sld [smem:$0x7EF];
	_ =	sdelay $0x1  }
0x150: {  	[tilespmem:s2+$0x11100] =	vst v3;
	s0 =	simm.s32 $0x0;
	s31 =	simm.s32 $0x4  }
0x151: {  	[hbm4b:s1+s0] =	stream.linear.scatter [tilespmem:s6], [sflag:$0x4], $0x2000, $0x38;
	[tilespmem:$0x14F80] =	vst v63  }
0x152: {  	_ =	swait.ge [sflag:s31], $0x2000  }
0x153: {  	s1 =	sld [smem:$0x7F9];
	_ =	sdelay $0x1  }
0x154: {  	[sflag:s31] =	ssyncset.done $0x0  }
0x155: {  	s2 =	simm.s32 $0x0;
	s0 =	simm.s32 $0x40;
	[sflag:s31] =	ssyncadd.s32 $0xFFFFE000;
	v3 =	vmov s1  }
.LBB2_20:
0x156: {  	p2 =	sne.s32 s0, $0x7E40  }
0x157: {  	[tilespmem:s2+$0x11100] =	vst v3;
	s1 =	sadd.s32 $0x1, s1;
	s2 =	smov.u32 s0;
	s0 =	sadd.s32 $0x40, s0  }
.Ltmp11:
0x158: {  	(pc) =	sbr.rel @p2 .LBB2_20-.Ltmp11, $2  }
0x159: {  	_ =	sdelay $0x2  }
0x15a: {  	v3 =	vmov s1;
	s2 =	sshra.s32 s2, $0x2  }
0x15b: {  	s0 =	sld [smem:$0x7F1];
	_ =	sdelay $0x1  }
0x15c: {  	[tilespmem:s2+$0x11100] =	vst v3;
	s1 =	simm.s32 $0x4  }
0x15d: {  	[hbm4b:s0+s16] =	stream.linear.scatter [tilespmem:s6], [sflag:$0x4], $0x1FA0, $0x38;
	[tilespmem:$0x14F80] =	vst v63  }
0x15e: {  	_ =	swait.ge [sflag:s1], $0x1FA0  }
0x15f: {  	s29 =	sld [smem:$0x7E3]  }
0x160: {  	[sflag:s1] =	ssyncset.done $0x0  }
0x161: {  	[sflag:s1] =	ssyncadd.s32 $0xFFFFE060  }
0x162: {  	[tilespmem:s16], [sflag:$0x4] =	stream.linear.gather [hbm4b:s29+s16], $0x2000, $0x38;
	[tilespmem:$0x14F80] =	vst v63  }
0x163: {  	_ =	swait.ge [sflag:s1], $0x2000  }
0x164: {  	s30 =	sld [smem:$0x7E6]  }
0x165: {  	[sflag:s1] =	ssyncset.done $0x0  }
0x166: {  	[sflag:s1] =	ssyncadd.s32 $0xFFFFE000  }
0x167: {  	[tilespmem:s7], [sflag:$0x4] =	stream.linear.gather [hbm4b:s30+s16], $0x1FF8, $0x38;
	[tilespmem:$0x14F80] =	vst v63  }
0x168: {  	_ =	swait.ge [sflag:s1], $0x1FF8  }
0x169: {  	[sflag:s1] =	ssyncset.done $0x0  }
0x16a: {  	s31 =	simm.s32 $0x10;
	[sflag:s1] =	ssyncadd.s32 $0xFFFFE008  }
0x16b: {  	v7 =	vld [tilespmem:s31+$0x2000]  }
0x16c: {  	v3 =	vld [tilespmem:s31+$0xFFFFFFF0]  }
0x16d: {  	v4 =	vld [tilespmem:s31+$0x1FF0]  }
0x16e: {  	s2 =	simm.s32 $0x4020;
	s0 =	simm.s32 $0x4020;
	s1 =	simm.s32 $0x80;
	v6 =	vld [tilespmem:s31+$0x0]  }
.LBB2_22:
0x16f: {  	p2 =	sne.s32 s1, $0x3FC0  }
0x170: {  	s2 =	sadd.s32 $0x40, s2;
	s3 =	smov.u32 s1;
	s1 =	sadd.s32 $0x40, s1;
	[tilespmem:s0+$0x10] =	vst v7  }
0x171: {  	[tilespmem:s0+$0xFFFFFFE0] =	vst v3  }
0x172: {  	[tilespmem:s0+$0x0] =	vst v4  }
.Ltmp12:
0x173: {  	s3 =	sshra.s32 s3, $0x2;
	[tilespmem:s0+$0xFFFFFFF0] =	vst v6;
	s0 =	smov.u32 s2;
	(pc) =	sbr.rel @p2 .LBB2_22-.Ltmp12, $4  }
0x174: {  	v7 =	vld [tilespmem:s3+$0x2000]  }
0x175: {  	v3 =	vld [tilespmem:s3+$0xFFFFFFF0]  }
0x176: {  	v4 =	vld [tilespmem:s3+$0x1FF0]  }
0x177: {  	v6 =	vld [tilespmem:s3+$0x0]  }
0x178: {  	_ = 	snop  }
0x179: {  	[tilespmem:s0+$0x10] =	vst v7  }
0x17a: {  	[tilespmem:s0+$0xFFFFFFE0] =	vst v3  }
0x17b: {  	[tilespmem:s0+$0x0] =	vst v4  }
0x17c: {  	[tilespmem:s0+$0xFFFFFFF0] =	vst v6  }
0x17d: {  	v3 =	vld [tilespmem:$0xFF0]  }
0x17e: {  	v4 =	vld [tilespmem:$0x1000];
	_ =	sdelay $0x2  }
0x17f: {  	s1 =	sld [smem:$0x7F2]  }
0x180: {  	[tilespmem:$0x7FC0] =	vst v3  }
0x181: {  	s31 =	simm.s32 $0x0;
	s2 =	simm.s32 $0x0;
	[tilespmem:$0x7FD0] =	vst v4  }
0x182: {  	[hbm4b:s1+s31] =	stream.linear.scatter [tilespmem:s8], [sflag:$0x2], $0x3FE0, $0x38;
	[tilespmem:$0x14F80] =	vst v63  }
0x183: {  	v7 =	vld [tilespmem:s2+$0x1010]  }
0x184: {  	v3 =	vld [tilespmem:s2+$0x2FF0]  }
0x185: {  	v4 =	vld [tilespmem:s2+$0x1000]  }
0x186: {  	s0 =	simm.s32 $0x8020;
	s1 =	simm.s32 $0x40;
	v6 =	vld [tilespmem:s2+$0x3000];
	s2 =	simm.s32 $0x8020  }
.LBB2_24:
0x187: {  	p2 =	sne.s32 s1, $0x3F80  }
0x188: {  	s2 =	sadd.s32 $0x40, s2;
	s3 =	smov.u32 s1;
	s1 =	sadd.s32 $0x40, s1;
	[tilespmem:s0+$0x10] =	vst v7  }
0x189: {  	[tilespmem:s0+$0xFFFFFFE0] =	vst v3  }
0x18a: {  	[tilespmem:s0+$0x0] =	vst v4  }
.Ltmp13:
0x18b: {  	s3 =	sshra.s32 s3, $0x2;
	[tilespmem:s0+$0xFFFFFFF0] =	vst v6;
	s0 =	smov.u32 s2;
	(pc) =	sbr.rel @p2 .LBB2_24-.Ltmp13, $4  }
0x18c: {  	v7 =	vld [tilespmem:s3+$0x1010]  }
0x18d: {  	v3 =	vld [tilespmem:s3+$0x2FF0]  }
0x18e: {  	v4 =	vld [tilespmem:s3+$0x1000]  }
0x18f: {  	v6 =	vld [tilespmem:s3+$0x3000]  }
0x190: {  	_ = 	snop  }
0x191: {  	[tilespmem:s0+$0x10] =	vst v7  }
0x192: {  	s29 =	sld [smem:$0x7F3];
	[tilespmem:s0+$0xFFFFFFE0] =	vst v3  }
0x193: {  	[tilespmem:s0+$0x0] =	vst v4  }
0x194: {  	s30 =	sld [smem:$0x7E4];
	[tilespmem:s0+$0xFFFFFFF0] =	vst v6  }
0x195: {  	[hbm4b:s29+s16] =	stream.linear.scatter [tilespmem:s9], [sflag:$0x3], $0x3FC0, $0x38;
	[tilespmem:$0x14F80] =	vst v63  }
0x196: {  	s1 =	simm.s32 $0x4  }
0x197: {  	[tilespmem:s16], [sflag:$0x4] =	stream.linear.gather [hbm4b:s30+s16], $0x2000, $0x38;
	[tilespmem:$0x14F80] =	vst v63  }
0x198: {  	_ =	swait.ge [sflag:s1], $0x2000  }
0x199: {  	s31 =	sld [smem:$0x7E5]  }
0x19a: {  	[sflag:s1] =	ssyncset.done $0x0  }
0x19b: {  	[sflag:s1] =	ssyncadd.s32 $0xFFFFE000  }
0x19c: {  	[tilespmem:s7], [sflag:$0x4] =	stream.linear.gather [hbm4b:s31+s16], $0x1FF8, $0x38;
	[tilespmem:$0x14F80] =	vst v63  }
0x19d: {  	_ =	swait.ge [sflag:s1], $0x1FF8  }
0x19e: {  	[sflag:s1] =	ssyncset.done $0x0  }
0x19f: {  	[sflag:s1] =	ssyncadd.s32 $0xFFFFE008  }
0x1a0: {  	_ =	swait.ge [sflag:s10], $0x3FE0  }
0x1a1: {  	[sflag:s10] =	ssyncset.done $0x0  }
0x1a2: {  	s2 =	simm.s32 $0x10;
	[sflag:s10] =	ssyncadd.s32 $0xFFFFC020  }
0x1a3: {  	v7 =	vld [tilespmem:s2+$0x2000]  }
0x1a4: {  	v3 =	vld [tilespmem:s2+$0xFFFFFFF0]  }
0x1a5: {  	v4 =	vld [tilespmem:s2+$0x1FF0]  }
0x1a6: {  	s0 =	simm.s32 $0x4020;
	s1 =	simm.s32 $0x80;
	v6 =	vld [tilespmem:s2+$0x0];
	s2 =	simm.s32 $0x4020  }
.LBB2_26:
0x1a7: {  	p2 =	sne.s32 s1, $0x3FC0  }
0x1a8: {  	s2 =	sadd.s32 $0x40, s2;
	s3 =	smov.u32 s1;
	s1 =	sadd.s32 $0x40, s1;
	[tilespmem:s0+$0x10] =	vst v7  }
0x1a9: {  	[tilespmem:s0+$0xFFFFFFE0] =	vst v3  }
0x1aa: {  	[tilespmem:s0+$0x0] =	vst v4  }
.Ltmp14:
0x1ab: {  	s3 =	sshra.s32 s3, $0x2;
	[tilespmem:s0+$0xFFFFFFF0] =	vst v6;
	s0 =	smov.u32 s2;
	(pc) =	sbr.rel @p2 .LBB2_26-.Ltmp14, $4  }
0x1ac: {  	v7 =	vld [tilespmem:s3+$0x2000]  }
0x1ad: {  	v3 =	vld [tilespmem:s3+$0xFFFFFFF0]  }
0x1ae: {  	v4 =	vld [tilespmem:s3+$0x1FF0]  }
0x1af: {  	v6 =	vld [tilespmem:s3+$0x0]  }
0x1b0: {  	_ = 	snop  }
0x1b1: {  	[tilespmem:s0+$0x10] =	vst v7  }
0x1b2: {  	[tilespmem:s0+$0xFFFFFFE0] =	vst v3  }
0x1b3: {  	[tilespmem:s0+$0x0] =	vst v4  }
0x1b4: {  	[tilespmem:s0+$0xFFFFFFF0] =	vst v6  }
0x1b5: {  	v3 =	vld [tilespmem:$0xFF0]  }
0x1b6: {  	v4 =	vld [tilespmem:$0x1000];
	_ =	sdelay $0x2  }
0x1b7: {  	s1 =	sld [smem:$0x7F4]  }
0x1b8: {  	[tilespmem:$0x7FC0] =	vst v3  }
0x1b9: {  	s31 =	simm.s32 $0x0;
	[tilespmem:$0x7FD0] =	vst v4  }
0x1ba: {  	[hbm4b:s1+s31] =	stream.linear.scatter [tilespmem:s8], [sflag:$0x2], $0x3FE0, $0x38;
	[tilespmem:$0x14F80] =	vst v63  }
0x1bb: {  	_ =	swait.ge [sflag:s12], $0x3FC0  }
0x1bc: {  	[sflag:s12] =	ssyncset.done $0x0  }
0x1bd: {  	s2 =	simm.s32 $0x0;
	[sflag:s12] =	ssyncadd.s32 $0xFFFFC040  }
0x1be: {  	v7 =	vld [tilespmem:s2+$0x1010]  }
0x1bf: {  	v3 =	vld [tilespmem:s2+$0x2FF0]  }
0x1c0: {  	v4 =	vld [tilespmem:s2+$0x1000]  }
0x1c1: {  	s0 =	simm.s32 $0x8020;
	s1 =	simm.s32 $0x40;
	v6 =	vld [tilespmem:s2+$0x3000];
	s2 =	simm.s32 $0x8020  }
.LBB2_28:
0x1c2: {  	p2 =	sne.s32 s1, $0x3F80  }
0x1c3: {  	s2 =	sadd.s32 $0x40, s2;
	s3 =	smov.u32 s1;
	s1 =	sadd.s32 $0x40, s1;
	[tilespmem:s0+$0x10] =	vst v7  }
0x1c4: {  	[tilespmem:s0+$0xFFFFFFE0] =	vst v3  }
0x1c5: {  	[tilespmem:s0+$0x0] =	vst v4  }
.Ltmp15:
0x1c6: {  	s3 =	sshra.s32 s3, $0x2;
	[tilespmem:s0+$0xFFFFFFF0] =	vst v6;
	s0 =	smov.u32 s2;
	(pc) =	sbr.rel @p2 .LBB2_28-.Ltmp15, $4  }
0x1c7: {  	v7 =	vld [tilespmem:s3+$0x1010]  }
0x1c8: {  	v3 =	vld [tilespmem:s3+$0x2FF0]  }
0x1c9: {  	v4 =	vld [tilespmem:s3+$0x1000]  }
0x1ca: {  	v6 =	vld [tilespmem:s3+$0x3000]  }
0x1cb: {  	_ = 	snop  }
0x1cc: {  	[tilespmem:s0+$0x10] =	vst v7  }
0x1cd: {  	s31 =	sld [smem:$0x7F5];
	[tilespmem:s0+$0xFFFFFFE0] =	vst v3  }
0x1ce: {  	[tilespmem:s0+$0x0] =	vst v4  }
0x1cf: {  	s1 =	simm.s32 $0x0;
	[tilespmem:s0+$0xFFFFFFF0] =	vst v6  }
0x1d0: {  	[hbm4b:s31+s1] =	stream.linear.scatter [tilespmem:s9], [sflag:$0x3], $0x3FC0, $0x38;
	[tilespmem:$0x14F80] =	vst v63  }
0x1d1: {  	v0 =	vld [tilespmem:$0x149E0];
	_ =	sdelay $0x4  }
0x1d2: {  	[tilespmem:$0x1FE30] =	vst v0;
	v0 =	vld [tilespmem:$0x149F0];
	_ =	sdelay $0x4  }
0x1d3: {  	[tilespmem:$0x1FE40] =	vst v0;
	v0 =	vld [tilespmem:$0x14A80];
	_ =	sdelay $0x4  }
0x1d4: {  	[tilespmem:$0x1FE50] =	vst v0;
	v0 =	vld [tilespmem:$0x14A90];
	_ =	sdelay $0x4  }
0x1d5: {  	[tilespmem:$0x1FE60] =	vst v0;
	v0 =	vld [tilespmem:$0x14AA0];
	_ =	sdelay $0x4  }
0x1d6: {  	[tilespmem:$0x1FE70] =	vst v0;
	v0 =	vld [tilespmem:$0x14AB0];
	_ =	sdelay $0x4  }
0x1d7: {  	[tilespmem:$0x1FE80] =	vst v0;
	v0 =	vld [tilespmem:$0x14AC0];
	_ =	sdelay $0x4  }
0x1d8: {  	[tilespmem:$0x1FE90] =	vst v0;
	v0 =	vld [tilespmem:$0x14AD0];
	_ =	sdelay $0x4  }
0x1d9: {  	[tilespmem:$0x1FEA0] =	vst v0;
	v0 =	vld [tilespmem:$0x14AE0];
	_ =	sdelay $0x4  }
0x1da: {  	[tilespmem:$0x1FEB0] =	vst v0;
	v0 =	vld [tilespmem:$0x14AF0];
	_ =	sdelay $0x4  }
0x1db: {  	[tilespmem:$0x1FEC0] =	vst v0;
	v0 =	vld [tilespmem:$0x14B80];
	_ =	sdelay $0x4  }
0x1dc: {  	[tilespmem:$0x1FED0] =	vst v0;
	v0 =	vld [tilespmem:$0x14B90];
	_ =	sdelay $0x4  }
0x1dd: {  	[tilespmem:$0x1FEE0] =	vst v0;
	v0 =	vld [tilespmem:$0x14BA0];
	_ =	sdelay $0x4  }
0x1de: {  	[tilespmem:$0x1FEF0] =	vst v0;
	v0 =	vld [tilespmem:$0x14BB0]  }
0x1df: {  	v2 =	vld [tilespmem:$0x14980]  }
0x1e0: {  	v5 =	vld [tilespmem:$0x14990]  }
0x1e1: {  	v6 =	vld [tilespmem:$0x149A0]  }
0x1e2: {  	v7 =	vld [tilespmem:$0x149B0]  }
0x1e3: {  	[tilespmem:$0x1FF00] =	vst v0;
	v0 =	vld [tilespmem:$0x14BC0]  }
0x1e4: {  	v8 =	vld [tilespmem:$0x149C0]  }
0x1e5: {  	v9 =	vld [tilespmem:$0x149D0]  }
0x1e6: {  	v61 =	vld [tilespmem:$0x14CA0]  }
0x1e7: {  	v63 =	vld [tilespmem:$0x14A00]  }
0x1e8: {  	[tilespmem:$0x1FF10] =	vst v0;
	v0 =	vld [tilespmem:$0x14BD0]  }
0x1e9: {  	v1 =	vld [tilespmem:$0x14A10]  }
0x1ea: {  	v60 =	vld [tilespmem:$0x14A20]  }
0x1eb: {  	v62 =	vld [tilespmem:$0x14A30]  }
0x1ec: {  	v22 =	vld [tilespmem:$0x14A40]  }
0x1ed: {  	[tilespmem:$0x1FF20] =	vst v0;
	v0 =	vld [tilespmem:$0x14BE0]  }
0x1ee: {  	v58 =	vld [tilespmem:$0x14A50]  }
0x1ef: {  	v56 =	vld [tilespmem:$0x14A60]  }
0x1f0: {  	v54 =	vld [tilespmem:$0x14A70]  }
0x1f1: {  	v52 =	vld [tilespmem:$0x14B00]  }
0x1f2: {  	[tilespmem:$0x1FF30] =	vst v0;
	v0 =	vld [tilespmem:$0x14BF0]  }
0x1f3: {  	v50 =	vld [tilespmem:$0x14B10]  }
0x1f4: {  	v48 =	vld [tilespmem:$0x14B20]  }
0x1f5: {  	v46 =	vld [tilespmem:$0x14B30]  }
0x1f6: {  	v44 =	vld [tilespmem:$0x14B40]  }
0x1f7: {  	[tilespmem:$0x1FF40] =	vst v0;
	v0 =	vld [tilespmem:$0x14C80]  }
0x1f8: {  	v42 =	vld [tilespmem:$0x14B50]  }
0x1f9: {  	v39 =	vld [tilespmem:$0x14B60]  }
0x1fa: {  	v40 =	vld [tilespmem:$0x14B70]  }
0x1fb: {  	v3 =	vld [tilespmem:$0x14C70]  }
0x1fc: {  	[tilespmem:$0x1FF50] =	vst v0;
	v0 =	vld [tilespmem:$0x14C90]  }
0x1fd: {  	v4 =	vld [tilespmem:$0x14C60]  }
0x1fe: {  	v21 =	vld [tilespmem:$0x14C50]  }
0x1ff: {  	v49 =	vld [tilespmem:$0x14C40]  }
0x200: {  	v29 =	vld [tilespmem:$0x14C30];
	[tilespmem:$0x1FF80] =	vst v3  }
0x201: {  	[tilespmem:$0x1FF60] =	vst v0;
	v0 =	vld [tilespmem:$0x14C20]  }
0x202: {  	v35 =	vld [tilespmem:$0x14C00];
	[tilespmem:$0x1FF90] =	vst v4  }
0x203: {  	v38 =	vld [tilespmem:$0x14C10];
	[tilespmem:$0x1FFA0] =	vst v21  }
0x204: {  	v20 =	vld [tilespmem:$0x14D00];
	[tilespmem:$0x1FFB0] =	vst v49  }
0x205: {  	v10 =	vld [tilespmem:$0x14D10];
	[tilespmem:$0x1FFC0] =	vst v29  }
0x206: {  	s19 =	sld [smem:$0x7FA];
	s28 =	simm.s32 $0x0;
	v11 =	vld [tilespmem:$0x14D20];
	[tilespmem:$0x1FF70] =	vst v0  }
.LBB2_30:
0x207: {  	s0 =	simm.s32 $0x0;
	s4 =	simm.s32 $0x20;
	s3 =	simm.s32 $0x10  }
0x208: {  	s10 =	simm.s32 $0xF0;
	s9 =	simm.s32 $0x40;
	s8 =	simm.s32 $0x1C0  }
0x209: {  	s23 =	simm.s32 $0x30;
	s29 =	simm.s32 $0x60;
	s7 =	simm.s32 $0x1E0  }
0x20a: {  	s24 =	simm.s32 $0x50;
	s6 =	simm.s32 $0xB0;
	s25 =	simm.s32 $0x70  }
0x20b: {  	s13 =	simm.s32 $0xE0;
	s20 =	simm.s32 $0xA0;
	s11 =	simm.s32 $0x80  }
0x20c: {  	[smem:$0x7DB] =	sst s28;
	s1 =	sand.u32 $0x70, s0;
	s2 =	sand.u32 $0x3F00, s0  }
0x20d: {  	s5 =	sand.u32 $0x7F00, s4;
	s0 =	simm.s32 $0x220;
	s22 =	sand.u32 $0x70, s3  }
0x20e: {  	s12 =	sand.u32 $0x70, s23;
	s14 =	sand.u32 $0x70, s9;
	s15 =	sand.u32 $0x7F00, s29  }
0x20f: {  	s17 =	sand.u32 $0x70, s24;
	s18 =	sand.u32 $0x70, s6;
	s24 =	sand.u32 $0x70, s25  }
0x210: {  	s3 =	simm.s32 $0x160;
	s25 =	sand.u32 $0x70, s4;
	s16 =	sand.u32 $0x70, s20  }
0x211: {  	s6 =	simm.s32 $0x1A0;
	s9 =	sand.u32 $0x7F00, s9;
	s4 =	simm.s32 $0xD0  }
0x212: {  	s8 =	sand.u32 $0x7F00, s8;
	s10 =	sand.u32 $0x70, s10;
	s7 =	sand.u32 $0x7F00, s7  }
0x213: {  	s26 =	sor.u32 s1, s2;
	s22 =	sor.u32 s22, s5;
	s2 =	simm.s32 $0x240  }
0x214: {  	s5 =	simm.s32 $0x260;
	s1 =	simm.s32 $0x140;
	s31 =	sor.u32 s25, s9  }
0x215: {  	v3 =	vadd.s32 s19, v2;
	s9 =	sand.u32 $0x7F00, s6;
	s0 =	sand.u32 $0x7F00, s0;
	s21 =	sand.u32 $0x7F00, s1  }
0x216: {  	v21 =	vld [tilespmem:$0x1FE30];
	v4 =	vadd.s32 s19, v5;
	[tilespmem:s26+$0xC000] =	vst v3;
	[dreg:$0xa] =	wrdreg s22;
	s2 =	sand.u32 $0x7F00, s2;
	s5 =	sand.u32 $0x7F00, s5  }
0x217: {  	v23 =	vld [tilespmem:$0x1FE40];
	v3 =	vadd.s32 s19, v6;
	s1 =	sand.u32 $0x70, s1;
	s23 =	sor.u32 s16, s21;
	[tilespmem:s22+$0xC000] =	vst v4;
	s16 =	sor.u32 s12, s15  }
0x218: {  	v25 =	vld [tilespmem:$0x1FE50];
	v4 =	vadd.s32 s19, v7;
	s21 =	sand.u32 $0x7F00, s11;
	s15 =	simm.s32 $0xC0;
	s11 =	sand.u32 $0x7F00, s20;
	[tilespmem:s31+$0xC000] =	vst v3  }
0x219: {  	v27 =	vld [tilespmem:$0x1FE60];
	v3 =	vadd.s32 s19, v8;
	s25 =	sor.u32 s14, s21;
	s14 =	sand.u32 $0x70, s29;
	s20 =	sand.u32 $0x7F00, s15;
	[tilespmem:s16+$0xC000] =	vst v4  }
0x21a: {  	v29 =	vld [tilespmem:$0x1FE70];
	s22 =	sor.u32 s17, s11;
	s21 =	sand.u32 $0x70, s4;
	s11 =	sand.u32 $0x7F00, s13;
	v4 =	vadd.s32 s19, v9;
	[tilespmem:s25+$0xC000] =	vst v3  }
0x21b: {  	v31 =	vld [tilespmem:$0x1FE80];
	s15 =	sand.u32 $0x70, s15;
	s13 =	sand.u32 $0x70, s13;
	s20 =	sor.u32 s14, s20;
	v3 =	vadd.s32 s19, v21;
	[tilespmem:s22+$0xC000] =	vst v4  }
0x21c: {  	v33 =	vld [tilespmem:$0x1FE90];
	s17 =	sor.u32 s24, s11;
	s24 =	simm.s32 $0x90;
	s14 =	simm.s32 $0x120;
	v4 =	vadd.s32 s19, v23;
	[tilespmem:s20+$0xC000] =	vst v3  }
0x21d: {  	v34 =	vmov v35;
	v35 =	vld [tilespmem:$0x1FEA0];
	s21 =	sor.u32 s21, s9;
	s11 =	sand.u32 $0x70, s24;
	s12 =	sand.u32 $0x7F00, s14;
	v3 =	vadd.s32 s19, v25;
	[tilespmem:s17+$0xC000] =	vst v4  }
0x21e: {  	v37 =	vld [tilespmem:$0x1FEB0];
	s9 =	sand.u32 $0x7F00, s3;
	s3 =	sand.u32 $0x70, s3;
	s12 =	sor.u32 s11, s12;
	v4 =	vadd.s32 s19, v27;
	[tilespmem:s26+$0xC100] =	vst v3  }
0x21f: {  	v36 =	vmov v39;
	v39 =	vld [tilespmem:$0x1FEC0];
	[dreg:$0xb] =	wrdreg s17;
	s24 =	simm.s32 $0x180;
	s30 =	sor.u32 s18, s9;
	v3 =	vadd.s32 s19, v29;
	[tilespmem:s12+$0xC000] =	vst v4  }
0x220: {  	v41 =	vld [tilespmem:$0x1FED0];
	[dreg:$0xc] =	wrdreg s21;
	s9 =	sand.u32 $0x70, s14;
	s4 =	sand.u32 $0x7F00, s24;
	v4 =	vadd.s32 s19, v31;
	[tilespmem:s23+$0xC000] =	vst v3  }
0x221: {  	v43 =	vld [tilespmem:$0x1FEE0];
	s11 =	sor.u32 s13, s8;
	s8 =	smov.u32 s23;
	s4 =	sor.u32 s15, s4;
	v3 =	vadd.s32 s19, v33;
	[tilespmem:s30+$0xC000] =	vst v4  }
0x222: {  	v45 =	vld [tilespmem:$0x1FEF0];
	s24 =	simm.s32 $0x110;
	s2 =	sor.u32 s9, s2;
	s9 =	simm.s32 $0x170;
	v4 =	vadd.s32 s19, v35;
	[tilespmem:s4+$0xC000] =	vst v3  }
0x223: {  	v47 =	vld [tilespmem:$0x1FF00];
	s15 =	simm.s32 $0x2A0;
	s13 =	sand.u32 $0x70, s24;
	s24 =	sor.u32 s10, s7;
	v3 =	vadd.s32 s19, v37;
	[tilespmem:s21+$0xC000] =	vst v4  }
0x224: {  	v49 =	vld [tilespmem:$0x1FF10];
	s17 =	simm.s32 $0x280;
	s29 =	smov.u32 s4;
	s0 =	sor.u32 s13, s0;
	v4 =	vadd.s32 s19, v39;
	[tilespmem:s11+$0xC000] =	vst v3  }
0x225: {  	v51 =	vld [tilespmem:$0x1FF20];
	s13 =	simm.s32 $0x2E0;
	[dreg:$0x6] =	wrdreg s0;
	s4 =	simm.s32 $0x130;
	v3 =	vadd.s32 s19, v41;
	[tilespmem:s24+$0xC000] =	vst v4  }
0x226: {  	v53 =	vld [tilespmem:$0x1FF30];
	s17 =	sand.u32 $0x7F00, s17;
	s23 =	smov.u32 s11;
	s7 =	sand.u32 $0x70, s4;
	v4 =	vadd.s32 s19, v43;
	[tilespmem:s26+$0xC200] =	vst v3  }
0x227: {  	v55 =	vld [tilespmem:$0x1FF40];
	s4 =	simm.s32 $0x2C0;
	s11 =	simm.s32 $0x150;
	s14 =	sor.u32 s7, s5;
	v3 =	vadd.s32 s19, v45;
	[tilespmem:s0+$0xC000] =	vst v4  }
0x228: {  	v57 =	vld [tilespmem:$0x1FF50];
	s5 =	sor.u32 s1, s17;
	s7 =	sand.u32 $0x7F00, s4;
	s17 =	simm.s32 $0x340;
	v4 =	vadd.s32 s19, v47;
	[tilespmem:s2+$0xC000] =	vst v3  }
0x229: {  	v59 =	vld [tilespmem:$0x1FF60];
	s21 =	sand.u32 $0x70, s11;
	s10 =	smov.u32 s14;
	s0 =	sand.u32 $0x7F00, s15;
	v3 =	vadd.s32 s19, v49;
	[tilespmem:s14+$0xC000] =	vst v4  }
0x22a: {  	[dreg:$0x9] =	wrdreg s5;
	s11 =	sand.u32 $0x7F00, s13;
	s1 =	sor.u32 s21, s0;
	v4 =	vadd.s32 s19, v51;
	[tilespmem:s5+$0xC000] =	vst v3  }
0x22b: {  	s13 =	simm.s32 $0x190;
	s5 =	sor.u32 s3, s7;
	s7 =	sand.u32 $0x70, s9;
	v3 =	vadd.s32 s19, v53;
	[tilespmem:s1+$0xC000] =	vst v4  }
0x22c: {  	s21 =	sshll.u32 s28, $0x5;
	s14 =	simm.s32 $0x320;
	s15 =	sor.u32 s7, s11;
	[tilespmem:s5+$0xC000] =	vst v3;
	v3 =	vadd.s32 s19, v55  }
0x22d: {  	s28 =	sld [smem:$0x7EC];
	s3 =	sand.u32 $0x70, s13;
	s7 =	sand.u32 $0x7F00, s14;
	[tilespmem:s15+$0xC000] =	vst v3;
	v3 =	vadd.s32 s19, v57  }
0x22e: {  	s6 =	sand.u32 $0x70, s6;
	s18 =	sand.u32 $0x7F00, s17;
	s3 =	sor.u32 s3, s7;
	[tilespmem:s26+$0xC300] =	vst v3;
	v3 =	vadd.s32 s19, v59  }
0x22f: {  	s7 =	sor.u32 s6, s18;
	[tilespmem:s3+$0xC000] =	vst v3;
	v3 =	vadd.s32 s19, v61  }
0x230: {  	[smem:$0x7DD] =	sst s19;
	s17 =	sadd.s32 $0x40, s19;
	s0 =	sor.u32 s28, s21;
	[tilespmem:s7+$0xC000] =	vst v3;
	v3 =	vadd.s32 s19, v63  }
0x231: {  	v32 =	vmov v60;
	v60 =	vadd.s32 s19, v60;
	s13 =	simm.s32 $0x360;
	[smem:$0x7DC] =	sst s0;
	s18 =	simm.s32 $0x1B0;
	[tilespmem:s26+$0xC080] =	vst v3;
	v3 =	vadd.s32 s19, v1  }
.LBB2_31:
0x232: {  	s0 =	rddreg [dreg:$0xa]  }
0x233: {  	[tilespmem:s0+$0xC080] =	vst v3  }
0x234: {  	v3 =	vadd.s32 s19, v62;
	[tilespmem:s31+$0xC080] =	vst v60  }
0x235: {  	s9 =	smov.u32 s13;
	[tilespmem:s16+$0xC080] =	vst v3;
	v3 =	vadd.s32 s19, v22  }
0x236: {  	[dreg:$0xd] =	wrdreg s9;
	s9 =	sadd.s32 $0x1E0, s13;
	[tilespmem:s25+$0xC080] =	vst v3;
	v3 =	vadd.s32 s19, v58  }
0x237: {  	[dreg:$0xf] =	wrdreg s9;
	[tilespmem:s22+$0xC080] =	vst v3;
	v3 =	vadd.s32 s19, v56  }
0x238: {  	v4 =	vadd.s32 s17, v32;
	s9 =	rddreg [dreg:$0xb];
	[tilespmem:s20+$0xC080] =	vst v3;
	v3 =	vadd.s32 s19, v54  }
0x239: {  	s6 =	sand.u32 $0x70, s18;
	s14 =	sand.u32 $0x3F00, s13;
	v60 =	vmov v4;
	v4 =	vadd.s32 s19, v52;
	[tilespmem:s9+$0xC080] =	vst v3  }
0x23a: {  	s14 =	sor.u32 s6, s14;
	s6 =	sadd.s32 $0x1C0, s13;
	[tilespmem:s26+$0xC180] =	vst v4;
	v4 =	vadd.s32 s19, v50  }
0x23b: {  	[smem:$0x7D8] =	sst s6;
	s6 =	sadd.s32 $0x60, s13;
	[tilespmem:s12+$0xC080] =	vst v4;
	v4 =	vadd.s32 s19, v48  }
0x23c: {  	s20 =	sand.u32 $0x7F00, s6;
	s6 =	sadd.s32 $0x2A0, s13;
	[tilespmem:s8+$0xC080] =	vst v4;
	v4 =	vadd.s32 s19, v46  }
0x23d: {  	v0 =	vadd.s32 s19, v44;
	[dreg:$0x1c] =	wrdreg s6;
	[tilespmem:s30+$0xC080] =	vst v4  }
0x23e: {  	s6 =	rddreg [dreg:$0xc];
	[tilespmem:s29+$0xC080] =	vst v0;
	v0 =	vadd.s32 s19, v42  }
0x23f: {  	[tilespmem:s6+$0xC080] =	vst v0;
	v0 =	vadd.s32 s19, v36  }
0x240: {  	[tilespmem:s23+$0xC080] =	vst v0;
	v0 =	vadd.s32 s19, v40  }
0x241: {  	[tilespmem:s24+$0xC080] =	vst v0;
	v0 =	vadd.s32 s19, v34  }
0x242: {  	s24 =	rddreg [dreg:$0x6];
	[tilespmem:s26+$0xC280] =	vst v0;
	v0 =	vadd.s32 s19, v38  }
0x243: {  	[tilespmem:s24+$0xC080] =	vst v0;
	v0 =	vld [tilespmem:$0x1FF70];
	_ =	sdelay $0x4  }
0x244: {  	s16 =	smov.u32 s1;
	s1 =	smov.u32 s10;
	s10 =	smov.u32 s2;
	v0 =	vadd.s32 s19, v0  }
0x245: {  	[tilespmem:s10+$0xC080] =	vst v0;
	v0 =	vld [tilespmem:$0x1FFC0];
	_ =	sdelay $0x2  }
0x246: {  	s11 =	sadd.s32 $0x220, s13  }
0x247: {  	[dreg:$0x11] =	wrdreg s11;
	s11 =	sadd.s32 $0x40, s18  }
0x248: {  	s21 =	sadd.s32 $0x20, s13;
	s25 =	sand.u32 $0x70, s11;
	v0 =	vadd.s32 s19, v0  }
0x249: {  	s28 =	sadd.s32 $0x10, s18;
	s22 =	sadd.s32 $0x240, s13;
	[smem:$0x7D7] =	sst s25;
	[tilespmem:s1+$0xC080] =	vst v0;
	v0 =	vld [tilespmem:$0x1FFB0]  }
0x24a: {  	s11 =	sadd.s32 $0x50, s18;
	[dreg:$0x15] =	wrdreg s22;
	s22 =	sadd.s32 $0x140, s18  }
0x24b: {  	s25 =	sadd.s32 $0xB0, s18;
	[dreg:$0x19] =	wrdreg s22;
	s22 =	sand.u32 $0x70, s11  }
0x24c: {  	s11 =	sadd.s32 $0x70, s18;
	s12 =	sand.u32 $0x70, s25;
	s25 =	sadd.s32 $0xE0, s13  }
0x24d: {  	s4 =	sadd.s32 $0xF0, s18;
	s11 =	sand.u32 $0x70, s11;
	s25 =	sand.u32 $0x7F00, s25  }
0x24e: {  	s21 =	sand.u32 $0x7F00, s21;
	s11 =	sor.u32 s11, s25;
	s25 =	rddreg [dreg:$0x9];
	v0 =	vadd.s32 s19, v0  }
0x24f: {  	s28 =	sand.u32 $0x70, s28;
	[dreg:$0x13] =	wrdreg s4;
	s4 =	sadd.s32 $0x30, s18;
	[tilespmem:s25+$0xC080] =	vst v0;
	v0 =	vld [tilespmem:$0x1FFA0]  }
0x250: {  	s2 =	sor.u32 s28, s21;
	s21 =	sand.u32 $0x70, s4;
	s4 =	sadd.s32 $0x260, s13  }
0x251: {  	s0 =	sadd.s32 $0x60, s18;
	[dreg:$0x16] =	wrdreg s4  }
0x252: {  	s31 =	sadd.s32 $0x40, s13;
	s4 =	sadd.s32 $0x280, s13;
	[dreg:$0xa] =	wrdreg s2  }
0x253: {  	s0 =	sand.u32 $0x70, s0;
	[dreg:$0x1b] =	wrdreg s4;
	s4 =	sadd.s32 $0x2C0, s13  }
0x254: {  	s28 =	sadd.s32 $0x20, s18;
	[smem:$0x7D9] =	sst s4;
	s9 =	sadd.s32 $0x2E0, s13;
	v0 =	vadd.s32 s19, v0  }
0x255: {  	s28 =	sand.u32 $0x70, s28;
	[smem:$0x7DA] =	sst s9;
	s8 =	sadd.s32 $0x160, s18;
	[tilespmem:s16+$0xC080] =	vst v0;
	v0 =	vld [tilespmem:$0x1FF90]  }
0x256: {  	s9 =	sadd.s32 $0xA0, s18;
	[dreg:$0x1f] =	wrdreg s8;
	s8 =	sadd.s32 $0x140, s13  }
0x257: {  	s4 =	sadd.s32 $0xD0, s18;
	s9 =	sand.u32 $0x70, s9;
	s8 =	sand.u32 $0x7F00, s8  }
0x258: {  	s30 =	sadd.s32 $0xA0, s13;
	s29 =	sadd.s32 $0x1A0, s13;
	s6 =	sor.u32 s9, s8  }
0x259: {  	s9 =	sadd.s32 $0xC0, s13;
	s8 =	sand.u32 $0x70, s4;
	s23 =	sand.u32 $0x7F00, s29  }
0x25a: {  	s29 =	sadd.s32 $0x160, s13;
	s23 =	sor.u32 s8, s23;
	s8 =	sand.u32 $0x7F00, s30;
	v0 =	vadd.s32 s19, v0  }
0x25b: {  	s4 =	sand.u32 $0x7F00, s29;
	s29 =	sand.u32 $0x7F00, s9;
	s9 =	sadd.s32 $0x80, s13;
	[tilespmem:s5+$0xC080] =	vst v0;
	v0 =	vld [tilespmem:$0x1FF80]  }
0x25c: {  	s4 =	sor.u32 s12, s4;
	s12 =	sadd.s32 $0x120, s13;
	s10 =	sadd.s32 $0x90, s18  }
0x25d: {  	s22 =	sor.u32 s22, s8;
	s10 =	sand.u32 $0x70, s10;
	s25 =	sand.u32 $0x7F00, s12  }
0x25e: {  	s24 =	sadd.s32 $0x150, s18;
	s12 =	sor.u32 s10, s25;
	s10 =	sadd.s32 $0xC0, s18  }
0x25f: {  	s1 =	sadd.s32 $0x130, s18;
	s25 =	sadd.s32 $0x180, s13;
	s8 =	sand.u32 $0x70, s10  }
0x260: {  	s16 =	sor.u32 s21, s20;
	s20 =	sld [smem:$0x7D7];
	s5 =	sand.u32 $0x7F00, s31;
	v0 =	vadd.s32 s19, v0  }
0x261: {  	s10 =	sand.u32 $0x7F00, s25;
	s31 =	sor.u32 s28, s5;
	s5 =	rddreg [dreg:$0x15];
	[tilespmem:s15+$0xC080] =	vst v0;
	v0 =	vadd.s32 s19, v20  }
0x262: {  	s15 =	rddreg [dreg:$0x11];
	[tilespmem:s26+$0xC380] =	vst v0;
	v0 =	vadd.s32 s19, v10;
	s26 =	sand.u32 $0x7F00, s9;
	s9 =	sor.u32 s8, s10  }
0x263: {  	s10 =	sadd.s32 $0xE0, s18;
	[tilespmem:s3+$0xC080] =	vst v0;
	v0 =	vadd.s32 s19, v11;
	s25 =	sor.u32 s20, s26;
	s26 =	sld [smem:$0x7D8]  }
0x264: {  	v24 =	vmov v61;
	v61 =	vadd.s32 s17, v2;
	s21 =	sand.u32 $0x70, s10;
	s20 =	sor.u32 s0, s29;
	s10 =	sadd.s32 $0x110, s18;
	[tilespmem:s7+$0xC080] =	vst v0  }
0x265: {  	v26 =	vmov v62;
	v62 =	vadd.s32 s17, v5;
	s19 =	sadd.s32 $0x120, s18;
	s0 =	sand.u32 $0x70, s10;
	s10 =	rddreg [dreg:$0x16];
	[tilespmem:s14+$0xC000] =	vst v61  }
0x266: {  	v28 =	vmov v63;
	v63 =	vadd.s32 s17, v6;
	s8 =	sand.u32 $0x7F00, s26;
	[tilespmem:s2+$0xC000] =	vst v62;
	s2 =	sand.u32 $0x7F00, s15;
	s15 =	rddreg [dreg:$0x19]  }
0x267: {  	v3 =	vadd.s32 s17, v7;
	s26 =	sand.u32 $0x70, s19;
	s19 =	rddreg [dreg:$0x1b];
	s7 =	sor.u32 s21, s8;
	[tilespmem:s31+$0xC000] =	vst v63  }
0x268: {  	v30 =	vmov v1;
	v1 =	vadd.s32 s17, v8;
	s8 =	smov.u32 s6;
	s6 =	rddreg [dreg:$0x13];
	s28 =	sor.u32 s0, s2;
	[tilespmem:s16+$0xC000] =	vst v3  }
0x269: {  	v12 =	vmov v2;
	v2 =	vadd.s32 s17, v9;
	s2 =	sand.u32 $0x7F00, s5;
	s0 =	sand.u32 $0x70, s15;
	s5 =	rddreg [dreg:$0x1c];
	[tilespmem:s25+$0xC000] =	vst v1  }
0x26a: {  	v13 =	vmov v5;
	v5 =	vadd.s32 s17, v21;
	s3 =	sand.u32 $0x70, s6;
	s6 =	sand.u32 $0x70, s1;
	s1 =	sand.u32 $0x7F00, s10;
	[tilespmem:s22+$0xC000] =	vst v2  }
0x26b: {  	v4 =	vadd.s32 s17, v23;
	s2 =	sor.u32 s26, s2;
	s26 =	sand.u32 $0x70, s24;
	s10 =	sor.u32 s6, s1;
	[tilespmem:s20+$0xC000] =	vst v5  }
0x26c: {  	v14 =	vmov v6;
	v6 =	vadd.s32 s17, v25;
	s1 =	sand.u32 $0x7F00, s19;
	s6 =	sand.u32 $0x7F00, s5;
	s19 =	sld [smem:$0x7D9];
	[tilespmem:s11+$0xC000] =	vst v4  }
0x26d: {  	v15 =	vmov v7;
	v7 =	vadd.s32 s17, v27;
	s30 =	sor.u32 s0, s1;
	s1 =	sor.u32 s26, s6;
	s26 =	sld [smem:$0x7DA];
	[tilespmem:s14+$0xC100] =	vst v6  }
0x26e: {  	v17 =	vmov v8;
	v8 =	vadd.s32 s17, v29;
	s15 =	rddreg [dreg:$0x1f];
	[tilespmem:s12+$0xC000] =	vst v7  }
0x26f: {  	v19 =	vmov v9;
	v9 =	vadd.s32 s17, v31;
	s24 =	sadd.s32 $0x170, s18;
	s0 =	sand.u32 $0x70, s15;
	s5 =	sand.u32 $0x7F00, s19;
	[tilespmem:s8+$0xC000] =	vst v8  }
0x270: {  	v18 =	vmov v10;
	v10 =	vadd.s32 s17, v33;
	s5 =	sor.u32 s0, s5;
	s6 =	sand.u32 $0x7F00, s26;
	s0 =	sand.u32 $0x70, s24;
	[tilespmem:s4+$0xC000] =	vst v9  }
0x271: {  	v16 =	vmov v11;
	v11 =	vadd.s32 s17, v35;
	s15 =	sor.u32 s0, s6;
	s6 =	rddreg [dreg:$0xf];
	[tilespmem:s9+$0xC000] =	vst v10  }
0x272: {  	v0 =	vadd.s32 s17, v37;
	s0 =	sand.u32 $0x7F00, s6;
	[tilespmem:s23+$0xC000] =	vst v11  }
0x273: {  	v61 =	vadd.s32 s17, v39;
	s24 =	sor.u32 s3, s0;
	[tilespmem:s7+$0xC000] =	vst v0  }
0x274: {  	v62 =	vadd.s32 s17, v41;
	s26 =	smov.u32 s14;
	[tilespmem:s24+$0xC000] =	vst v61  }
0x275: {  	v3 =	vadd.s32 s17, v43;
	[tilespmem:s26+$0xC200] =	vst v62  }
0x276: {  	v1 =	vadd.s32 s17, v45;
	[tilespmem:s28+$0xC000] =	vst v3  }
0x277: {  	[dreg:$0xb] =	wrdreg s11;
	v2 =	vadd.s32 s17, v47;
	[tilespmem:s2+$0xC000] =	vst v1  }
0x278: {  	p2 =	sne.s32 s13, $0x32A0;
	[dreg:$0xc] =	wrdreg s23;
	v5 =	vadd.s32 s17, v49;
	[tilespmem:s10+$0xC000] =	vst v2  }
0x279: {  	s29 =	smov.u32 s9;
	s21 =	sadd.s32 $0x360, s13;
	[dreg:$0x6] =	wrdreg s28;
	v4 =	vadd.s32 s17, v51;
	[tilespmem:s30+$0xC000] =	vst v5  }
0x27a: {  	s11 =	sadd.s32 $0x190, s18;
	s23 =	smov.u32 s7;
	v0 =	vadd.s32 s17, v53;
	s7 =	rddreg [dreg:$0xd];
	[tilespmem:s1+$0xC000] =	vst v4  }
0x27b: {  	s14 =	sadd.s32 $0x1A0, s18;
	s3 =	sand.u32 $0x70, s11;
	s13 =	sadd.s32 $0x320, s7;
	[tilespmem:s5+$0xC000] =	vst v0;
	v0 =	vadd.s32 s17, v55  }
.Ltmp16:
0x27c: {  	s9 =	sadd.s32 $0x340, s7;
	s6 =	sand.u32 $0x7F00, s13;
	[tilespmem:s15+$0xC000] =	vst v0;
	v0 =	vadd.s32 s17, v57;
	(pc) =	sbr.rel @p2 .LBB2_31-.Ltmp16, $4  }
0x27d: {  	s0 =	sand.u32 $0x7F00, s9;
	s3 =	sor.u32 s3, s6;
	s28 =	sand.u32 $0x70, s14;
	[tilespmem:s26+$0xC300] =	vst v0;
	v0 =	vadd.s32 s17, v59  }
0x27e: {  	v63 =	vmovc v28;
	v6 =	vmovc v14;
	v7 =	vmov v15;
	v8 =	vmov v17;
	s7 =	sor.u32 s28, s0;
	[tilespmem:s3+$0xC000] =	vst v0;
	v0 =	vadd.s32 s17, v24  }
0x27f: {  	[dreg:$0x9] =	wrdreg s30;
	s19 =	smov.u32 s17;
	s18 =	sadd.s32 $0x1B0, s18;
	v9 =	vmovc v19;
	v10 =	vmovc v18;
	v11 =	vmov v16;
	v61 =	vmov v24;
	[tilespmem:s7+$0xC000] =	vst v0;
	v0 =	vadd.s32 s17, v28  }
0x280: {  	v62 =	vmovc v26;
	s13 =	smov.u32 s21;
	v3 =	vadd.s32 s19, v30;
	v1 =	vmovc v30;
	v2 =	vmov v12;
	s30 =	smov.u32 s4;
	v5 =	vmov v13;
	s17 =	sadd.s32 $0x40, s17;
	[tilespmem:s26+$0xC080] =	vst v0  }
0x281: {  	s0 =	rddreg [dreg:$0xa]  }
0x282: {  	[tilespmem:s0+$0xC080] =	vst v3  }
0x283: {  	v0 =	vadd.s32 s19, v62;
	[tilespmem:s31+$0xC080] =	vst v60  }
0x284: {  	[tilespmem:s16+$0xC080] =	vst v0;
	v0 =	vadd.s32 s19, v22  }
0x285: {  	[tilespmem:s25+$0xC080] =	vst v0;
	v0 =	vadd.s32 s19, v58  }
0x286: {  	[tilespmem:s22+$0xC080] =	vst v0;
	v0 =	vadd.s32 s19, v56  }
0x287: {  	s21 =	rddreg [dreg:$0xb];
	[tilespmem:s20+$0xC080] =	vst v0;
	v0 =	vadd.s32 s19, v54  }
0x288: {  	[tilespmem:s21+$0xC080] =	vst v0;
	v0 =	vadd.s32 s19, v52  }
0x289: {  	[tilespmem:s26+$0xC180] =	vst v0;
	v0 =	vadd.s32 s19, v50  }
0x28a: {  	[tilespmem:s12+$0xC080] =	vst v0;
	v0 =	vadd.s32 s19, v48  }
0x28b: {  	[tilespmem:s8+$0xC080] =	vst v0;
	v0 =	vadd.s32 s19, v46  }
0x28c: {  	[tilespmem:s30+$0xC080] =	vst v0;
	v0 =	vadd.s32 s19, v44  }
0x28d: {  	v60 =	vld [tilespmem:$0x1FF70];
	s22 =	rddreg [dreg:$0xc];
	[tilespmem:s29+$0xC080] =	vst v0;
	v0 =	vadd.s32 s19, v42  }
0x28e: {  	v29 =	vld [tilespmem:$0x1FFC0];
	[tilespmem:s22+$0xC080] =	vst v0;
	v0 =	vadd.s32 s19, v36  }
0x28f: {  	v49 =	vld [tilespmem:$0x1FFB0];
	[tilespmem:s23+$0xC080] =	vst v0;
	v0 =	vadd.s32 s19, v40  }
0x290: {  	v25 =	vld [tilespmem:$0x1FFA0];
	[tilespmem:s24+$0xC080] =	vst v0;
	v0 =	vadd.s32 s19, v34  }
0x291: {  	v4 =	vld [tilespmem:$0x1FF90];
	s23 =	rddreg [dreg:$0x6];
	[tilespmem:s26+$0xC280] =	vst v0;
	v0 =	vadd.s32 s19, v38  }
0x292: {  	v3 =	vld [tilespmem:$0x1FF80];
	[tilespmem:s23+$0xC080] =	vst v0;
	v0 =	vadd.s32 s19, v60  }
0x293: {  	[tilespmem:s2+$0xC080] =	vst v0;
	v0 =	vadd.s32 s19, v29  }
0x294: {  	s24 =	rddreg [dreg:$0x9];
	[tilespmem:s10+$0xC080] =	vst v0;
	v0 =	vadd.s32 s19, v49  }
0x295: {  	[tilespmem:s24+$0xC080] =	vst v0;
	v0 =	vadd.s32 s19, v25  }
0x296: {  	s25 =	sld [smem:$0x7DC];
	[tilespmem:s1+$0xC080] =	vst v0;
	v0 =	vadd.s32 s19, v4  }
0x297: {  	[tilespmem:s5+$0xC080] =	vst v0;
	v0 =	vadd.s32 s19, v3  }
0x298: {  	[tilespmem:s15+$0xC080] =	vst v0;
	v0 =	vadd.s32 s19, v20  }
0x299: {  	s0 =	smul.u32 $0x6C0, s25;
	[tilespmem:s26+$0xC380] =	vst v0;
	v0 =	vadd.s32 s19, v10  }
0x29a: {  	s16 =	simm.s32 $0x0;
	s26 =	rddreg [dreg:$0x2];
	[tilespmem:s3+$0xC080] =	vst v0;
	v0 =	vadd.s32 s19, v11  }
0x29b: {  	s30 =	simm.s32 $0x4;
	s29 =	simm.s32 $0xC000;
	s0 =	sadd.s32 s26, s0;
	[tilespmem:s7+$0xC080] =	vst v0  }
0x29c: {  	[hbm4b:s0+s16] =	stream.linear.scatter [tilespmem:s29], [sflag:$0x4], $0x3600, $0x38;
	[tilespmem:$0x14F80] =	vst v63  }
0x29d: {  	_ =	swait.ge [sflag:s30], $0x3600  }
0x29e: {  	s28 =	sld [smem:$0x7DB];
	_ =	sdelay $0x2  }
0x29f: {  	s28 =	sadd.s32 $0x1, s28  }
0x2a0: {  	p2 =	sne.s32 s28, $0x1F  }
.Ltmp17:
0x2a1: {  	_ = 	snop;
	(pc) =	sbr.rel @p2 .LBB2_30-.Ltmp17, $3  }
0x2a2: {  	s31 =	sld [smem:$0x7DD];
	_ =	sdelay $0x1  }
0x2a3: {  	[sflag:s30] =	ssyncset.done $0x0  }
0x2a4: {  	v39 =	vmov v36;
	v35 =	vmov v34;
	v60 =	vmov v32;
	[sflag:s30] =	ssyncadd.s32 $0xFFFFCA00;
	s19 =	sadd.s32 $0x8000, s31  }
.Ltmp18:
0x2a5: {  	(pc) =	sbr.rel @p0 .LBB2_37-.Ltmp18, $2  }
0x2a6: {  	_ =	sdelay $0x2  }
0x2a7: {  	s0 =	simm.s32 $0x0;
	s2 =	sld [smem:$0x7DE]  }
0x2a8: {  	s1 =	sand.u32 $0x70, s0;
	s4 =	simm.s32 $0x20  }
0x2a9: {  	s10 =	sand.u32 $0x3F00, s0;
	s3 =	simm.s32 $0x10;
	s2 =	simm.s32 $0x220  }
0x2aa: {  	s13 =	simm.s32 $0xF0;
	s12 =	simm.s32 $0x40;
	s0 =	simm.s32 $0x1C0  }
0x2ab: {  	s20 =	simm.s32 $0x30;
	s9 =	simm.s32 $0x60;
	s23 =	simm.s32 $0x1E0  }
0x2ac: {  	s7 =	simm.s32 $0x260;
	s22 =	simm.s32 $0x50;
	s24 =	simm.s32 $0x70  }
0x2ad: {  	s19 =	simm.s32 $0xA0;
	s18 =	sand.u32 $0x70, s24;
	s24 =	sld [smem:$0x7FB]  }
0x2ae: {  	s26 =	simm.s32 $0x80;
	s5 =	sand.u32 $0x7F00, s4;
	s21 =	sor.u32 s1, s10  }
0x2af: {  	s11 =	sand.u32 $0x70, s3;
	s8 =	sand.u32 $0x70, s12;
	s15 =	sand.u32 $0x7F00, s9  }
0x2b0: {  	s1 =	simm.s32 $0x140;
	s16 =	sand.u32 $0x70, s22;
	s4 =	sand.u32 $0x70, s4;
	v0 =	vadd.s32 s24, v2  }
0x2b1: {  	s25 =	sor.u32 s11, s5;
	s11 =	sand.u32 $0x70, s20;
	s5 =	sand.u32 $0x7F00, s12;
	v1 =	vadd.s32 s24, v5;
	[tilespmem:s21+$0xC000] =	vst v0  }
0x2b2: {  	s20 =	sand.u32 $0x70, s19;
	s22 =	sand.u32 $0x7F00, s1;
	s29 =	sor.u32 s4, s5;
	v0 =	vadd.s32 s24, v6;
	[tilespmem:s25+$0xC000] =	vst v1  }
0x2b3: {  	s28 =	sor.u32 s20, s22;
	s12 =	sor.u32 s11, s15;
	s20 =	sand.u32 $0x7F00, s26;
	v1 =	vadd.s32 s24, v7;
	[tilespmem:s29+$0xC000] =	vst v0  }
0x2b4: {  	s6 =	simm.s32 $0xB0;
	s14 =	simm.s32 $0xE0;
	s31 =	sor.u32 s8, s20;
	v0 =	vadd.s32 s24, v8;
	[tilespmem:s12+$0xC000] =	vst v1  }
0x2b5: {  	s10 =	simm.s32 $0x240;
	s17 =	sand.u32 $0x70, s6;
	s3 =	simm.s32 $0x160;
	[tilespmem:s31+$0xC000] =	vst v0;
	v0 =	vld [tilespmem:$0x1FE30]  }
0x2b6: {  	[tilespmem:$0x1FE20] =	vst v22;
	v22 =	vld [tilespmem:$0x1FE40];
	s6 =	simm.s32 $0x1A0;
	s0 =	sand.u32 $0x7F00, s0;
	s13 =	sand.u32 $0x70, s13  }
0x2b7: {  	v59 =	vld [tilespmem:$0x1FE50];
	s2 =	sand.u32 $0x7F00, s2;
	s7 =	sand.u32 $0x7F00, s7;
	s10 =	sand.u32 $0x7F00, s10  }
0x2b8: {  	v57 =	vld [tilespmem:$0x1FE60];
	s22 =	simm.s32 $0xD0;
	s15 =	simm.s32 $0xC0;
	s26 =	sand.u32 $0x7F00, s19  }
0x2b9: {  	[tilespmem:$0x1FE10] =	vst v20;
	v55 =	vld [tilespmem:$0x1FE70];
	s5 =	sand.u32 $0x70, s9;
	s8 =	sand.u32 $0x7F00, s15;
	s9 =	sor.u32 s16, s26;
	v1 =	vadd.s32 s24, v9  }
0x2ba: {  	v53 =	vld [tilespmem:$0x1FE80];
	s16 =	sand.u32 $0x70, s22;
	s20 =	sand.u32 $0x7F00, s14;
	s26 =	sor.u32 s5, s8;
	[tilespmem:s9+$0xC000] =	vst v1;
	v0 =	vadd.s32 s24, v0  }
0x2bb: {  	v32 =	vld [tilespmem:$0x1FE90];
	s22 =	simm.s32 $0x90;
	s11 =	sor.u32 s18, s20;
	s18 =	simm.s32 $0x120;
	v1 =	vadd.s32 s24, v22;
	[tilespmem:s26+$0xC000] =	vst v0  }
0x2bc: {  	v34 =	vld [tilespmem:$0x1FEA0];
	s5 =	sand.u32 $0x7F00, s6;
	s8 =	sand.u32 $0x70, s22;
	s20 =	sand.u32 $0x7F00, s18;
	v0 =	vadd.s32 s24, v59;
	[tilespmem:s11+$0xC000] =	vst v1  }
0x2bd: {  	v36 =	vld [tilespmem:$0x1FEB0];
	s1 =	sand.u32 $0x70, s1;
	s4 =	sor.u32 s16, s5;
	s5 =	sor.u32 s8, s20;
	v1 =	vadd.s32 s24, v57;
	[tilespmem:s21+$0xC100] =	vst v0  }
0x2be: {  	v23 =	vmov v38;
	v38 =	vld [tilespmem:$0x1FEC0];
	s15 =	sand.u32 $0x70, s15;
	s22 =	simm.s32 $0x180;
	s8 =	sand.u32 $0x7F00, s3;
	v0 =	vadd.s32 s24, v55;
	[tilespmem:s5+$0xC000] =	vst v1  }
0x2bf: {  	v27 =	vmov v40;
	v40 =	vld [tilespmem:$0x1FED0];
	s14 =	sand.u32 $0x70, s14;
	s16 =	sand.u32 $0x7F00, s22;
	s8 =	sor.u32 s17, s8;
	v1 =	vadd.s32 s24, v53;
	[tilespmem:s28+$0xC000] =	vst v0  }
0x2c0: {  	v31 =	vmov v42;
	v42 =	vld [tilespmem:$0x1FEE0];
	s0 =	sor.u32 s14, s0;
	s22 =	smov.u32 s28;
	s19 =	sor.u32 s15, s16;
	v0 =	vadd.s32 s24, v32;
	[tilespmem:s8+$0xC000] =	vst v1  }
0x2c1: {  	v33 =	vmov v44;
	v44 =	vld [tilespmem:$0x1FEF0];
	s18 =	sand.u32 $0x70, s18;
	s15 =	simm.s32 $0x2A0;
	s16 =	simm.s32 $0x110;
	v1 =	vadd.s32 s24, v34;
	[tilespmem:s19+$0xC000] =	vst v0  }
0x2c2: {  	v25 =	vmov v35;
	v35 =	vmov v46;
	v46 =	vld [tilespmem:$0x1FF00];
	s20 =	sand.u32 $0x7F00, s23;
	s23 =	smov.u32 s4;
	s3 =	sand.u32 $0x70, s3;
	v0 =	vadd.s32 s24, v36;
	[tilespmem:s4+$0xC000] =	vst v1  }
0x2c3: {  	v37 =	vmov v48;
	v48 =	vld [tilespmem:$0x1FF10];
	s14 =	sand.u32 $0x70, s16;
	s30 =	sor.u32 s13, s20;
	s16 =	simm.s32 $0x130;
	v1 =	vadd.s32 s24, v38;
	[tilespmem:s0+$0xC000] =	vst v0  }
0x2c4: {  	v21 =	vmovc v29;
	v29 =	vmov v39;
	v39 =	vmov v50;
	v50 =	vld [tilespmem:$0x1FF20];
	s17 =	simm.s32 $0x280;
	s15 =	sand.u32 $0x7F00, s15;
	s20 =	sand.u32 $0x70, s16;
	v0 =	vadd.s32 s24, v40;
	[tilespmem:s30+$0xC000] =	vst v1  }
0x2c5: {  	v41 =	vmov v52;
	v52 =	vld [tilespmem:$0x1FF30];
	s16 =	sor.u32 s20, s7;
	s20 =	simm.s32 $0x2C0;
	s28 =	sor.u32 s14, s2;
	v1 =	vadd.s32 s24, v42;
	[tilespmem:s21+$0xC200] =	vst v0  }
0x2c6: {  	v43 =	vmov v54;
	v54 =	vld [tilespmem:$0x1FF40];
	[dreg:$0x8] =	wrdreg s16;
	s4 =	smov.u32 s0;
	s0 =	sor.u32 s18, s10;
	v0 =	vadd.s32 s24, v44;
	[tilespmem:s28+$0xC000] =	vst v1  }
0x2c7: {  	v45 =	vmov v56;
	v56 =	vld [tilespmem:$0x1FF50];
	s14 =	simm.s32 $0x2E0;
	s2 =	simm.s32 $0x150;
	s18 =	sand.u32 $0x7F00, s17;
	v1 =	vadd.s32 s24, v46;
	[tilespmem:s0+$0xC000] =	vst v0  }
0x2c8: {  	v47 =	vmov v58;
	v58 =	vld [tilespmem:$0x1FF60];
	s13 =	sand.u32 $0x70, s2;
	s2 =	simm.s32 $0x170;
	s10 =	sor.u32 s1, s18;
	v0 =	vadd.s32 s24, v48;
	[tilespmem:s16+$0xC000] =	vst v1  }
0x2c9: {  	[dreg:$0x7] =	wrdreg s0;
	s1 =	sor.u32 s13, s15;
	s0 =	sand.u32 $0x7F00, s20;
	v1 =	vadd.s32 s24, v50;
	[tilespmem:s10+$0xC000] =	vst v0  }
0x2ca: {  	s7 =	sand.u32 $0x7F00, s14;
	s13 =	sand.u32 $0x70, s2;
	s16 =	sor.u32 s3, s0;
	v0 =	vadd.s32 s24, v52;
	[tilespmem:s1+$0xC000] =	vst v1  }
0x2cb: {  	s14 =	simm.s32 $0x190;
	s17 =	simm.s32 $0x320;
	s15 =	sor.u32 s13, s7;
	[tilespmem:s16+$0xC000] =	vst v0;
	v0 =	vadd.s32 s24, v54  }
0x2cc: {  	s18 =	simm.s32 $0x340;
	s7 =	sand.u32 $0x7F00, s17;
	s3 =	sand.u32 $0x70, s14;
	[tilespmem:s15+$0xC000] =	vst v0;
	v0 =	vadd.s32 s24, v56  }
0x2cd: {  	s6 =	sand.u32 $0x70, s6;
	s20 =	sand.u32 $0x7F00, s18;
	s3 =	sor.u32 s3, s7;
	[tilespmem:s21+$0xC300] =	vst v0;
	v0 =	vadd.s32 s24, v58  }
0x2ce: {  	s7 =	sor.u32 s6, s20;
	[tilespmem:s3+$0xC000] =	vst v0;
	v0 =	vadd.s32 s24, v61  }
0x2cf: {  	s13 =	simm.s32 $0x360;
	[tilespmem:s7+$0xC000] =	vst v0;
	v0 =	vadd.s32 s24, v63  }
0x2d0: {  	v20 =	vmovc v3;
	v51 =	vmov v60;
	v60 =	vadd.s32 s24, v60;
	v3 =	vadd.s32 s24, v30;
	s17 =	sadd.s32 $0x40, s24;
	s18 =	simm.s32 $0x1B0;
	s6 =	smov.u32 s24;
	[tilespmem:s21+$0xC080] =	vst v0  }
.LBB2_35:
0x2d1: {  	v0 =	vadd.s32 s17, v51;
	[tilespmem:s25+$0xC080] =	vst v3  }
0x2d2: {  	[tilespmem:s29+$0xC080] =	vst v60;
	v60 =	vmov v0;
	v0 =	vld [tilespmem:$0x1FE20];
	_ =	sdelay $0x2  }
0x2d3: {  	s14 =	sand.u32 $0x70, s18  }
0x2d4: {  	s0 =	smov.u32 s19;
	s19 =	sand.u32 $0x3F00, s13;
	s2 =	smov.u32 s13;
	v1 =	vadd.s32 s6, v62  }
0x2d5: {  	s24 =	sadd.s32 $0x20, s13;
	s20 =	sadd.s32 $0x220, s13;
	[dreg:$0xe] =	wrdreg s2;
	[tilespmem:s12+$0xC080] =	vst v1;
	v0 =	vadd.s32 s6, v0  }
0x2d6: {  	s25 =	sadd.s32 $0x10, s18;
	s24 =	sand.u32 $0x7F00, s24;
	[dreg:$0x12] =	wrdreg s20;
	[tilespmem:s31+$0xC080] =	vst v0;
	v0 =	vadd.s32 s6, v47  }
0x2d7: {  	s20 =	sor.u32 s14, s19;
	s14 =	sand.u32 $0x70, s25;
	s25 =	sadd.s32 $0xF0, s18;
	[tilespmem:s9+$0xC080] =	vst v0;
	v0 =	vadd.s32 s6, v45  }
0x2d8: {  	s2 =	smov.u32 s4;
	[dreg:$0x14] =	wrdreg s25;
	s14 =	sor.u32 s14, s24;
	[tilespmem:s26+$0xC080] =	vst v0;
	v0 =	vadd.s32 s6, v43  }
0x2d9: {  	s24 =	sadd.s32 $0x30, s18;
	s25 =	sadd.s32 $0x1E0, s13;
	[smem:$0x7D1] =	sst s14;
	[tilespmem:s11+$0xC080] =	vst v0;
	v0 =	vadd.s32 s6, v41  }
0x2da: {  	s12 =	sadd.s32 $0x240, s13;
	[dreg:$0x10] =	wrdreg s25;
	s14 =	sadd.s32 $0x40, s18;
	[tilespmem:s21+$0xC180] =	vst v0;
	v0 =	vadd.s32 s6, v39  }
0x2db: {  	s25 =	sand.u32 $0x70, s24;
	[dreg:$0x17] =	wrdreg s12;
	s4 =	sand.u32 $0x70, s14;
	[tilespmem:s5+$0xC080] =	vst v0;
	v0 =	vadd.s32 s6, v37  }
0x2dc: {  	s24 =	smov.u32 s16;
	s14 =	sadd.s32 $0x260, s13;
	[smem:$0x7D2] =	sst s4;
	[tilespmem:s22+$0xC080] =	vst v0;
	v0 =	vadd.s32 s6, v35  }
0x2dd: {  	s16 =	smov.u32 s1;
	[dreg:$0x18] =	wrdreg s14;
	s14 =	sadd.s32 $0x280, s13;
	[tilespmem:s8+$0xC080] =	vst v0;
	v0 =	vadd.s32 s6, v33  }
0x2de: {  	s1 =	smov.u32 s28;
	[dreg:$0x1d] =	wrdreg s14;
	s14 =	sadd.s32 $0x160, s18;
	[tilespmem:s0+$0xC080] =	vst v0;
	v0 =	vadd.s32 s6, v31  }
0x2df: {  	s12 =	sadd.s32 $0xB0, s18;
	[smem:$0x7D4] =	sst s14;
	s14 =	sadd.s32 $0x2C0, s13;
	[tilespmem:s23+$0xC080] =	vst v0;
	v0 =	vadd.s32 s6, v29  }
0x2e0: {  	[smem:$0x7D5] =	sst s14;
	s14 =	sadd.s32 $0x60, s18;
	s26 =	sadd.s32 $0x50, s18;
	[tilespmem:s2+$0xC080] =	vst v0;
	v0 =	vadd.s32 s6, v27  }
0x2e1: {  	s11 =	sadd.s32 $0x140, s18;
	s9 =	sand.u32 $0x70, s26;
	s26 =	sadd.s32 $0x70, s18;
	[tilespmem:s30+$0xC080] =	vst v0;
	v0 =	vadd.s32 s6, v25  }
0x2e2: {  	[dreg:$0x1a] =	wrdreg s11;
	s11 =	sand.u32 $0x70, s12;
	s5 =	sadd.s32 $0x2A0, s13;
	[tilespmem:s21+$0xC280] =	vst v0;
	v0 =	vadd.s32 s6, v23  }
0x2e3: {  	s12 =	sand.u32 $0x70, s26;
	[dreg:$0x1e] =	wrdreg s5;
	s22 =	sadd.s32 $0x2E0, s13;
	[tilespmem:s1+$0xC080] =	vst v0;
	v0 =	vld [tilespmem:$0x1FF70]  }
0x2e4: {  	s26 =	sadd.s32 $0xA0, s13;
	s5 =	sadd.s32 $0xA0, s18;
	[smem:$0x7D6] =	sst s22  }
0x2e5: {  	s8 =	sadd.s32 $0x140, s13;
	s22 =	sand.u32 $0x70, s5;
	s5 =	sadd.s32 $0x1A0, s13  }
0x2e6: {  	s0 =	sand.u32 $0x7F00, s8;
	s8 =	sand.u32 $0x7F00, s5;
	s23 =	sadd.s32 $0xD0, s18  }
0x2e7: {  	s4 =	sor.u32 s22, s0;
	s22 =	sadd.s32 $0xC0, s13;
	s0 =	sand.u32 $0x70, s23  }
0x2e8: {  	s2 =	sand.u32 $0x70, s14;
	s14 =	rddreg [dreg:$0x7];
	s23 =	sor.u32 s0, s8;
	v0 =	vadd.s32 s6, v0  }
0x2e9: {  	s0 =	sand.u32 $0x7F00, s26;
	s26 =	sand.u32 $0x7F00, s22;
	s22 =	rddreg [dreg:$0x8];
	[tilespmem:s14+$0xC080] =	vst v0;
	v0 =	vadd.s32 s6, v21  }
0x2ea: {  	[tilespmem:s22+$0xC080] =	vst v0;
	v0 =	vadd.s32 s6, v49  }
0x2eb: {  	[tilespmem:s10+$0xC080] =	vst v0;
	v0 =	vld [tilespmem:$0x1FFA0];
	_ =	sdelay $0x4  }
0x2ec: {  	v0 =	vadd.s32 s6, v0  }
0x2ed: {  	[tilespmem:s16+$0xC080] =	vst v0;
	v0 =	vld [tilespmem:$0x1FF90]  }
0x2ee: {  	s19 =	sadd.s32 $0x1C0, s13  }
0x2ef: {  	s29 =	sadd.s32 $0x40, s13;
	[smem:$0x7D3] =	sst s19;
	s19 =	sadd.s32 $0x60, s13  }
0x2f0: {  	s28 =	sadd.s32 $0x20, s18;
	s19 =	sand.u32 $0x7F00, s19;
	s31 =	sadd.s32 $0xE0, s13  }
0x2f1: {  	s28 =	sand.u32 $0x70, s28;
	s31 =	sand.u32 $0x7F00, s31;
	s30 =	sadd.s32 $0x160, s13  }
0x2f2: {  	s8 =	sadd.s32 $0x120, s13;
	s5 =	sand.u32 $0x7F00, s30;
	s30 =	sadd.s32 $0x150, s18;
	v0 =	vadd.s32 s6, v0  }
0x2f3: {  	s9 =	sor.u32 s9, s0;
	s0 =	sadd.s32 $0x130, s18;
	s1 =	sadd.s32 $0x80, s13;
	[tilespmem:s24+$0xC080] =	vst v0;
	v0 =	vadd.s32 s6, v20  }
0x2f4: {  	s26 =	sor.u32 s2, s26;
	s0 =	sand.u32 $0x70, s0;
	s1 =	sand.u32 $0x7F00, s1;
	[tilespmem:s15+$0xC080] =	vst v0;
	v0 =	vld [tilespmem:$0x1FE10]  }
0x2f5: {  	s14 =	sor.u32 s11, s5;
	s11 =	sor.u32 s12, s31;
	s5 =	sadd.s32 $0x90, s18  }
0x2f6: {  	s12 =	sand.u32 $0x70, s5;
	s22 =	sand.u32 $0x7F00, s8;
	s8 =	sadd.s32 $0x180, s13  }
0x2f7: {  	s5 =	sor.u32 s12, s22;
	s10 =	sand.u32 $0x7F00, s29;
	s22 =	sld [smem:$0x7D2]  }
0x2f8: {  	s12 =	sor.u32 s25, s19;
	s25 =	sld [smem:$0x7D1];
	s19 =	sand.u32 $0x7F00, s8  }
0x2f9: {  	s8 =	rddreg [dreg:$0x14];
	s29 =	sor.u32 s28, s10;
	s24 =	sadd.s32 $0xC0, s18;
	v0 =	vadd.s32 s6, v0  }
0x2fa: {  	s10 =	rddreg [dreg:$0x18];
	s31 =	sor.u32 s22, s1;
	s16 =	sand.u32 $0x70, s24;
	[tilespmem:s21+$0xC380] =	vst v0;
	v0 =	vadd.s32 s6, v10  }
0x2fb: {  	s22 =	sadd.s32 $0x120, s18;
	s15 =	smov.u32 s4;
	s19 =	sor.u32 s16, s19;
	[tilespmem:s3+$0xC080] =	vst v0;
	v0 =	vadd.s32 s6, v11  }
0x2fc: {  	v61 =	vadd.s32 s17, v2;
	s16 =	sadd.s32 $0x110, s18;
	s21 =	sadd.s32 $0xE0, s18;
	s6 =	sld [smem:$0x7D3];
	[tilespmem:s7+$0xC080] =	vst v0  }
0x2fd: {  	v62 =	vadd.s32 s17, v5;
	v5 =	vld [tilespmem:$0x1FE30];
	s1 =	sand.u32 $0x70, s16;
	s24 =	sand.u32 $0x70, s21;
	s21 =	rddreg [dreg:$0x12];
	[tilespmem:s20+$0xC000] =	vst v61  }
0x2fe: {  	v63 =	vadd.s32 s17, v6;
	s16 =	rddreg [dreg:$0x1a];
	s2 =	sand.u32 $0x7F00, s21;
	s7 =	sand.u32 $0x70, s22;
	[tilespmem:s25+$0xC000] =	vst v62  }
0x2ff: {  	v3 =	vadd.s32 s17, v7;
	s21 =	rddreg [dreg:$0x1d];
	s22 =	sand.u32 $0x70, s30;
	s28 =	sor.u32 s1, s2;
	[tilespmem:s29+$0xC000] =	vst v63  }
0x300: {  	v1 =	vadd.s32 s17, v8;
	s1 =	sand.u32 $0x7F00, s10;
	s3 =	sand.u32 $0x7F00, s6;
	s6 =	sld [smem:$0x7D4];
	[tilespmem:s12+$0xC000] =	vst v3  }
0x301: {  	v2 =	vadd.s32 s17, v9;
	s4 =	sor.u32 s24, s3;
	s3 =	sand.u32 $0x70, s8;
	s8 =	rddreg [dreg:$0x17];
	[tilespmem:s31+$0xC000] =	vst v1  }
0x302: {  	v5 =	vadd.s32 s17, v5;
	s2 =	sand.u32 $0x7F00, s8;
	s8 =	sor.u32 s0, s1;
	s0 =	sand.u32 $0x70, s16;
	[tilespmem:s9+$0xC000] =	vst v2  }
0x303: {  	v4 =	vadd.s32 s17, v22;
	s1 =	sand.u32 $0x7F00, s21;
	s7 =	sor.u32 s7, s2;
	s2 =	rddreg [dreg:$0x1e];
	[tilespmem:s26+$0xC000] =	vst v5  }
0x304: {  	v6 =	vadd.s32 s17, v59;
	s16 =	sld [smem:$0x7D5];
	s10 =	sor.u32 s0, s1;
	s1 =	sand.u32 $0x7F00, s2;
	[tilespmem:s11+$0xC000] =	vst v4  }
0x305: {  	v7 =	vadd.s32 s17, v57;
	s1 =	sor.u32 s22, s1;
	s22 =	sld [smem:$0x7D6];
	[tilespmem:s20+$0xC100] =	vst v6  }
0x306: {  	v8 =	vadd.s32 s17, v55;
	[tilespmem:s5+$0xC000] =	vst v7  }
0x307: {  	v9 =	vadd.s32 s17, v53;
	s21 =	sadd.s32 $0x170, s18;
	s0 =	sand.u32 $0x70, s6;
	s2 =	sand.u32 $0x7F00, s16;
	[tilespmem:s15+$0xC000] =	vst v8  }
0x308: {  	v10 =	vadd.s32 s17, v32;
	s16 =	sor.u32 s0, s2;
	s0 =	sand.u32 $0x70, s21;
	s2 =	sand.u32 $0x7F00, s22;
	[tilespmem:s14+$0xC000] =	vst v9  }
0x309: {  	v11 =	vadd.s32 s17, v34;
	s22 =	smov.u32 s15;
	s15 =	sor.u32 s0, s2;
	s2 =	rddreg [dreg:$0x10];
	[tilespmem:s19+$0xC000] =	vst v10  }
0x30a: {  	v0 =	vadd.s32 s17, v36;
	s0 =	sand.u32 $0x7F00, s2;
	[tilespmem:s23+$0xC000] =	vst v11  }
0x30b: {  	v61 =	vadd.s32 s17, v38;
	s30 =	sor.u32 s3, s0;
	[tilespmem:s4+$0xC000] =	vst v0  }
0x30c: {  	v62 =	vadd.s32 s17, v40;
	s21 =	smov.u32 s20;
	[tilespmem:s30+$0xC000] =	vst v61  }
0x30d: {  	v3 =	vadd.s32 s17, v42;
	[tilespmem:s21+$0xC200] =	vst v62  }
0x30e: {  	v1 =	vadd.s32 s17, v44;
	[tilespmem:s28+$0xC000] =	vst v3  }
0x30f: {  	v2 =	vadd.s32 s17, v46;
	[tilespmem:s7+$0xC000] =	vst v1  }
0x310: {  	p2 =	sne.s32 s13, $0x32A0;
	[dreg:$0x8] =	wrdreg s8;
	v5 =	vadd.s32 s17, v48;
	[tilespmem:s8+$0xC000] =	vst v2  }
0x311: {  	s24 =	sadd.s32 $0x360, s13;
	s13 =	sadd.s32 $0x190, s18;
	[dreg:$0x7] =	wrdreg s7;
	v4 =	vadd.s32 s17, v50;
	[tilespmem:s10+$0xC000] =	vst v5  }
0x312: {  	s2 =	sand.u32 $0x70, s13;
	v0 =	vadd.s32 s17, v52;
	s7 =	rddreg [dreg:$0xe];
	[tilespmem:s1+$0xC000] =	vst v4  }
0x313: {  	s8 =	smov.u32 s14;
	s0 =	sadd.s32 $0x340, s7;
	s3 =	sadd.s32 $0x320, s7;
	[tilespmem:s16+$0xC000] =	vst v0;
	v0 =	vadd.s32 s17, v54  }
.Ltmp19:
0x314: {  	s14 =	sadd.s32 $0x1A0, s18;
	s3 =	sand.u32 $0x7F00, s3;
	[tilespmem:s15+$0xC000] =	vst v0;
	v0 =	vadd.s32 s17, v56;
	(pc) =	sbr.rel @p2 .LBB2_35-.Ltmp19, $4  }
0x315: {  	s20 =	sand.u32 $0x70, s14;
	s0 =	sand.u32 $0x7F00, s0;
	s3 =	sor.u32 s2, s3;
	[tilespmem:s21+$0xC300] =	vst v0;
	v0 =	vadd.s32 s17, v58  }
0x316: {  	v6 =	vmov v14;
	s7 =	sor.u32 s20, s0;
	[tilespmem:s3+$0xC000] =	vst v0;
	v0 =	vadd.s32 s17, v24  }
0x317: {  	s6 =	smov.u32 s17;
	v7 =	vmovc v15;
	v8 =	vmovc v17;
	v9 =	vmov v19;
	v10 =	vmov v18;
	[tilespmem:s7+$0xC000] =	vst v0;
	v0 =	vadd.s32 s17, v28  }
0x318: {  	s13 =	smov.u32 s24;
	v11 =	vmovc v16;
	v62 =	vmovc v26;
	v3 =	vadd.s32 s6, v30;
	v2 =	vmov v12;
	s18 =	sadd.s32 $0x1B0, s18;
	v5 =	vmov v13;
	s17 =	sadd.s32 $0x40, s17;
	[tilespmem:s21+$0xC080] =	vst v0  }
0x319: {  	v38 =	vld [tilespmem:$0x1FE20];
	_ =	sdelay $0x2  }
0x31a: {  	[tilespmem:s25+$0xC080] =	vst v3  }
0x31b: {  	v0 =	vadd.s32 s6, v62;
	[tilespmem:s29+$0xC080] =	vst v60  }
0x31c: {  	[tilespmem:s12+$0xC080] =	vst v0;
	v0 =	vadd.s32 s6, v38  }
0x31d: {  	v40 =	vadd.s32 s6, v47;
	[tilespmem:s31+$0xC080] =	vst v0  }
0x31e: {  	v42 =	vadd.s32 s6, v45;
	[tilespmem:s9+$0xC080] =	vst v40  }
0x31f: {  	v43 =	vadd.s32 s6, v43;
	[tilespmem:s26+$0xC080] =	vst v42  }
0x320: {  	v44 =	vadd.s32 s6, v41;
	[tilespmem:s11+$0xC080] =	vst v43  }
0x321: {  	v45 =	vadd.s32 s6, v39;
	[tilespmem:s21+$0xC180] =	vst v44  }
0x322: {  	v46 =	vadd.s32 s6, v37;
	[tilespmem:s5+$0xC080] =	vst v45  }
0x323: {  	v47 =	vadd.s32 s6, v35;
	[tilespmem:s22+$0xC080] =	vst v46  }
0x324: {  	v48 =	vadd.s32 s6, v33;
	[tilespmem:s8+$0xC080] =	vst v47  }
0x325: {  	v50 =	vadd.s32 s6, v31;
	v55 =	vld [tilespmem:$0x1FF70];
	[tilespmem:s19+$0xC080] =	vst v48  }
0x326: {  	v51 =	vadd.s32 s6, v29;
	[tilespmem:s23+$0xC080] =	vst v50  }
0x327: {  	v52 =	vadd.s32 s6, v27;
	[tilespmem:s4+$0xC080] =	vst v51  }
0x328: {  	v53 =	vadd.s32 s6, v25;
	v58 =	vld [tilespmem:$0x1FFA0];
	[tilespmem:s30+$0xC080] =	vst v52  }
0x329: {  	v54 =	vadd.s32 s6, v23;
	v59 =	vld [tilespmem:$0x1FF90];
	[tilespmem:s21+$0xC280] =	vst v53  }
0x32a: {  	s0 =	rddreg [dreg:$0x7];
	v0 =	vadd.s32 s6, v55;
	[tilespmem:s28+$0xC080] =	vst v54  }
0x32b: {  	v56 =	vadd.s32 s6, v21;
	v61 =	vld [tilespmem:$0x1FE10];
	s28 =	rddreg [dreg:$0x8];
	[tilespmem:s0+$0xC080] =	vst v0  }
0x32c: {  	v57 =	vadd.s32 s6, v49;
	[tilespmem:s28+$0xC080] =	vst v56  }
0x32d: {  	v0 =	vadd.s32 s6, v58;
	[tilespmem:s10+$0xC080] =	vst v57  }
0x32e: {  	[tilespmem:s1+$0xC080] =	vst v0;
	v0 =	vadd.s32 s6, v59  }
0x32f: {  	v60 =	vadd.s32 s6, v20;
	[tilespmem:s16+$0xC080] =	vst v0  }
0x330: {  	v0 =	vadd.s32 s6, v61;
	[tilespmem:s15+$0xC080] =	vst v60  }
0x331: {  	v62 =	vadd.s32 s6, v10;
	s29 =	sld [smem:$0x7EA];
	[tilespmem:s21+$0xC380] =	vst v0  }
0x332: {  	v63 =	vadd.s32 s6, v11;
	s31 =	simm.s32 $0x4;
	[tilespmem:s3+$0xC080] =	vst v62  }
.Ltmp20:
0x333: {  	s30 =	simm.s32 $0xC000;
	s16 =	simm.s32 $0x0;
	[tilespmem:s7+$0xC080] =	vst v63;
	(pc) =	sbr.rel .LBB2_37-.Ltmp20, $4  }
0x334: {  	[hbm4b:s29+s16] =	stream.linear.scatter [tilespmem:s30], [sflag:$0x4], $0x3600, $0x38;
	[tilespmem:$0x14F80] =	vst v63  }
0x335: {  	_ =	swait.ge [sflag:s31], $0x3600  }
0x336: {  	[sflag:s31] =	ssyncset.done $0x0  }
0x337: {  	s2 =	sld [smem:$0x7DE];
	[sflag:s31] =	ssyncadd.s32 $0xFFFFCA00  }
.LBB2_38:
0x338: {  	_ =	sfence.sel $0x180000  }
0x339: {  	[bflag:$0x0] =	sbarrier.arrive $0xFFFF  }
0x33a: {  	_ =	strace $0x90000047  }
0x33b: {  	s0 =	stileid.u32;
	[bflag:$0x2] =	sbarrier.arrive $0xFFFF  }
0x33c: {  	p0 =	sne.s32 s0, $0x0;
	s0 =	rddreg [dreg:$0x5]  }
0x33d: {  	s0 =	sadd.s32 @!p0 $0x100000, s0  }
0x33e: {  	[sflag:s0] =	ssyncadd.tile.s32 @!p0 $0x1;
	_ =	shalt  }
.Lfunc_end2:
_tile_overlayer_lowered:
.L_overlay_start_2:
0x33f: {  	(tag) =	ssettag $0x2  }
0x340: {  	s0 =	rddreg [dreg:$0x0];
	s2 =	stileid.u32  }
0x341: {  	s1 =	rddreg [dreg:$0x1];
	p0 =	sne.s32 s2, $0x0  }
0x342: {  	s3 =	rddreg [dreg:$0x2];
	[bflag:$0x3] =	sbarrier.arrive $0xFFFF;
	s2 =	simm.s32 @!p0 $0x1C04  }
0x343: {  	[timem:s3], [sflag:s2] =	dma.local @!p0 [hbm:s0], s1  }
0x344: {  	s0 =	simm.s32 @!p0 $0x4  }
0x345: {  	_ =	swait.ge @!p0 [sflag:s0], s1  }
0x346: {  	s1 =	ssub.s32 @!p0 $0x0, s1;
	[sflag:s0] =	ssyncset.done @!p0 $0x0  }
0x347: {  	[sflag:s0] =	ssyncadd.s32 @!p0 s1  }
0x348: {  	[bflag:$0x3] =	sbarrier.arrive $0xFFFF  }
0x349: {  	_ =	shalt  }

</sc_bundles>
